<compile_context>
chip_gen: v7x
topology: tpu7x:2x2x1
jax: 0.10.2.dev20260603
libtpu: 0.0.44.dev20260713+nightly
codegen_flags: <defaults>
</compile_context>

<pallas_src>
import functools

import jax
import jax.numpy as jnp
from jax import lax
from jax.experimental import pallas as pl
from jax.experimental.pallas import tpu as pltpu, tpu_sc as plsc

RATE = 0.2
TOTAL_TOK = 32768
D = 2048
LANES = 16

NC, NS = 2, 16
NW = NC * NS
ROWS_PER_W = TOTAL_TOK // NW
CHUNK_ROWS = 8
NCHUNKS = ROWS_PER_W // CHUNK_ROWS
NBUF = 4
NSTEPS = NCHUNKS // NBUF

_mesh = plsc.VectorSubcoreMesh(core_axis_name="c", subcore_axis_name="s")


@functools.partial(
    pl.kernel,
    out_type=jax.ShapeDtypeStruct((TOTAL_TOK, D), jnp.float32),
    mesh=_mesh,
    scratch_types=[
        pltpu.VMEM((D,), jnp.float32),
        pltpu.VMEM((NBUF, CHUNK_ROWS, D), jnp.float32),
    ]
    + [pltpu.SemaphoreType.DMA] * (2 * NBUF),
    compiler_params=pltpu.CompilerParams(use_tc_tiling_on_sc=True),
)
def _sc_mask_mul(x_hbm, mask_hbm, out_hbm, mask_v, bufs, *sems):
    sin = sems[:NBUF]
    sout = sems[NBUF:]
    wid = lax.axis_index("s") * NC + lax.axis_index("c")
    base = wid * ROWS_PER_W
    pltpu.sync_copy(mask_hbm, mask_v)

    pltpu.async_copy(
        x_hbm.at[pl.ds(base, CHUNK_ROWS), :], bufs.at[0], sin[0]
    )

    def step(p, carry):
        for b in range(NBUF):
            k = p * NBUF + b
            row0 = base + k * CHUNK_ROWS
            bn = (b + 1) % NBUF

            @pl.when(jnp.logical_and(k + 1 >= NBUF, k + 1 < NCHUNKS))
            def _():
                pltpu.make_async_copy(
                    bufs.at[bn],
                    out_hbm.at[
                        pl.ds(row0 + (1 - NBUF) * CHUNK_ROWS, CHUNK_ROWS), :
                    ],
                    sout[bn],
                ).wait()

            @pl.when(k + 1 < NCHUNKS)
            def _():
                pltpu.async_copy(
                    x_hbm.at[pl.ds(row0 + CHUNK_ROWS, CHUNK_ROWS), :],
                    bufs.at[bn],
                    sin[bn],
                )

            pltpu.make_async_copy(
                x_hbm.at[pl.ds(row0, CHUNK_ROWS), :], bufs.at[b], sin[b]
            ).wait()

            def col_body(t, c2):
                c0 = t * 128
                ms = [
                    mask_v[pl.ds(c0 + v * LANES, LANES)] for v in range(8)
                ]
                for r in range(CHUNK_ROWS):
                    for v in range(8):
                        sl = pl.ds(c0 + v * LANES, LANES)
                        bufs[b, r, sl] = bufs[b, r, sl] * ms[v]
                return c2

            lax.fori_loop(0, D // 128, col_body, 0, unroll=False)
            pltpu.async_copy(
                bufs.at[b], out_hbm.at[pl.ds(row0, CHUNK_ROWS), :], sout[b]
            )
        return carry

    lax.fori_loop(0, NSTEPS, step, 0, unroll=False)

    for b in range(NBUF):
        row0 = base + (NCHUNKS - NBUF + b) * CHUNK_ROWS
        pltpu.make_async_copy(
            bufs.at[b], out_hbm.at[pl.ds(row0, CHUNK_ROWS), :], sout[b]
        ).wait()


def kernel(flat_values, row_starts):
    del row_starts
    keep = jax.random.bernoulli(jax.random.key(42), 1.0 - RATE, (D,))
    dp_mask = keep.astype(jnp.float32)
    return _sc_mask_mul(flat_values, dp_mask)

# --- scband reference (transcript-rebuilt; emitter-appended) ---
"""Pipeline reference for scband-ragged-spatial-dropout1-d-1898375544913 (READ-ONLY COPY).

The authoritative reference and input builder live on the scoring server;
editing this copy changes nothing except your own understanding.
"""

import jax, jax.numpy as jnp
import numpy as np

RATE = 0.2
TOTAL_TOK = 32768
D = 2048
B = 16


def setup_inputs(seed: int = 0) -> dict:
    key = jax.random.key(seed)
    k1, k2 = jax.random.split(key)
    flat_values = jax.random.normal(k1, (TOTAL_TOK, D), dtype=jnp.float32)
    row_starts = jnp.sort(jax.random.randint(k2, (B,), 0, TOTAL_TOK))
    row_starts = row_starts.at[0].set(0).astype(jnp.int32)
    return {"flat_values": flat_values, "row_starts": row_starts}


def reference(flat_values, row_starts):
    # Faithful translation of RaggedSpatialDropout1D.call with training=True.
    # TF code: ones -> tf.nn.dropout(ones, rate) -> cast(bool) -> cast(float)
    # The double cast removes the 1/(1-rate) scaling, leaving a binary 0/1
    # channel mask of shape (d,), shared across every token in the ragged batch.
    keep_prob = 1.0 - RATE
    mask_key = jax.random.key(42)
    keep = jax.random.bernoulli(mask_key, keep_prob, (flat_values.shape[1],))
    dp_mask = keep.astype(jnp.float32)
    # Multiply flat values by the broadcast channel mask; the ragged row
    # structure (row_starts) is unchanged, so the flat values fully define
    # the output ragged tensor.
    dropped_flat = flat_values * dp_mask[None, :]
    return dropped_flat

if __name__ == "__main__":
    import jax
    _d = setup_inputs()
    print(jax.jit(kernel)(*tuple(_d.values())))

</pallas_src>

<mosaic_0001>
#map = affine_map<(d0, d1) -> (0, 0)>
#map1 = affine_map<(d0, d1) -> (0)>
module attributes {stable_mosaic.version = 14 : i64} {
  func.func @_sc_mask_mul(%arg0: i32, %arg1: i32, %arg2: memref<32768x2048xf32, #tpu.memory_space<hbm>>, %arg3: memref<2048xf32, #tpu.memory_space<hbm>>, %arg4: memref<32768x2048xf32, #tpu.memory_space<hbm>>, %arg5: memref<2048xf32, #tpu.memory_space<vmem>>, %arg6: memref<4x8x2048xf32, #tpu.memory_space<vmem>>, %arg7: memref<!tpu.dma_semaphore, #tpu.memory_space<semaphore_mem>>, %arg8: memref<!tpu.dma_semaphore, #tpu.memory_space<semaphore_mem>>, %arg9: memref<!tpu.dma_semaphore, #tpu.memory_space<semaphore_mem>>, %arg10: memref<!tpu.dma_semaphore, #tpu.memory_space<semaphore_mem>>, %arg11: memref<!tpu.dma_semaphore, #tpu.memory_space<semaphore_mem>>, %arg12: memref<!tpu.dma_semaphore, #tpu.memory_space<semaphore_mem>>, %arg13: memref<!tpu.dma_semaphore, #tpu.memory_space<semaphore_mem>>, %arg14: memref<!tpu.dma_semaphore, #tpu.memory_space<semaphore_mem>>) attributes {dimension_semantics = [#tpu.dimension_semantics<core_parallel>, #tpu.dimension_semantics<subcore_parallel>], iteration_bounds = array<i64: 2, 16>, scalar_prefetch = 0 : i64, scratch_operands = 10 : i64, tpu.core_type = #tpu.core_type<sc_vector_subcore>, window_params = [{transform_indices = #map}, {transform_indices = #map1}, {transform_indices = #map}]} {
    %mul3A = arith.constant 2 : i32
    %mul3A_0 = arith.muli %arg1, %mul3A : i32
    %add3A = arith.addi %mul3A_0, %arg0 : i32
    %mul3A_1 = arith.constant 1024 : i32
    %mul3A_2 = arith.muli %add3A, %mul3A_1 : i32
    "tpu.region"() ({
      %run_scoped3A = tpu.sem_alloc : memref<!tpu.dma_semaphore, #tpu.memory_space<semaphore_mem>>
      tpu.enqueue_dma source(%arg3 : memref<2048xf32, #tpu.memory_space<hbm>>) target(%arg5 : memref<2048xf32, #tpu.memory_space<vmem>>) target_semaphore(%run_scoped3A : memref<!tpu.dma_semaphore, #tpu.memory_space<semaphore_mem>>)
      tpu.wait_dma2 semaphore(%run_scoped3A : memref<!tpu.dma_semaphore, #tpu.memory_space<semaphore_mem>>) src(%arg3 : memref<2048xf32, #tpu.memory_space<hbm>>) dst(%arg5 : memref<2048xf32, #tpu.memory_space<vmem>>)
      tpu.yield
    }) : () -> ()
    %dma_start3A = arith.constant 0 : i32
    %dma_start3A_3 = arith.constant 0 : i32
    %dma_start3A_4 = arith.constant 0 : i32
    %dma_start3A_5 = tpu.memref_slice %arg6[%dma_start3A, %dma_start3A_3, %dma_start3A_4] : memref<4x8x2048xf32, #tpu.memory_space<vmem>> -> memref<1x8x2048xf32, #tpu.memory_space<vmem>>
    %dma_start3A_6 = tpu.memref_squeeze %dma_start3A_5 : memref<1x8x2048xf32, #tpu.memory_space<vmem>> -> memref<8x2048xf32, #tpu.memory_space<vmem>>
    %dma_start3A_7 = arith.constant 0 : i32
    %dma_start3A_8 = tpu.memref_slice %arg2[%mul3A_2, %dma_start3A_7] : memref<32768x2048xf32, #tpu.memory_space<hbm>> -> memref<8x2048xf32, #tpu.memory_space<hbm>>
    %dma_start3A_9 = arith.constant 0 : i32
    %dma_start3A_10 = arith.constant 0 : i32
    %dma_start3A_11 = tpu.memref_slice %arg6[%dma_start3A, %dma_start3A_9, %dma_start3A_10] : memref<4x8x2048xf32, #tpu.memory_space<vmem>> -> memref<1x8x2048xf32, #tpu.memory_space<vmem>>
    %dma_start3A_12 = tpu.memref_squeeze %dma_start3A_11 : memref<1x8x2048xf32, #tpu.memory_space<vmem>> -> memref<8x2048xf32, #tpu.memory_space<vmem>>
    %dma_start3A_13 = arith.constant 0 : i32
    %dma_start3A_14 = tpu.memref_slice %arg2[%mul3A_2, %dma_start3A_13] : memref<32768x2048xf32, #tpu.memory_space<hbm>> -> memref<8x2048xf32, #tpu.memory_space<hbm>>
    tpu.enqueue_dma source(%dma_start3A_14 : memref<8x2048xf32, #tpu.memory_space<hbm>>) target(%dma_start3A_12 : memref<8x2048xf32, #tpu.memory_space<vmem>>) target_semaphore(%arg7 : memref<!tpu.dma_semaphore, #tpu.memory_space<semaphore_mem>>)
    %scan3A = arith.constant 0 : i32
    %scan3A_15 = arith.constant 0 : i32
    %scan3A_16 = arith.constant 32 : i32
    %scan3A_17 = arith.addi %scan3A_15, %scan3A_16 : i32
    %scan3A_18 = arith.constant 1 : i32
    scf.for %scan3A_79 = %scan3A_15 to %scan3A_17 step %scan3A_18  : i32 {
      %mul3A_80 = arith.constant 4 : i32
      %mul3A_81 = arith.muli %scan3A_79, %mul3A_80 : i32
      %add3A_82 = arith.constant 0 : i32
      %add3A_83 = arith.addi %mul3A_81, %add3A_82 : i32
      %mul3A_84 = arith.constant 8 : i32
      %mul3A_85 = arith.muli %add3A_83, %mul3A_84 : i32
      %add3A_86 = arith.addi %mul3A_2, %mul3A_85 : i32
      %add3A_87 = arith.constant 1 : i32
      %add3A_88 = arith.addi %add3A_83, %add3A_87 : i32
      %ge3A = arith.constant 4 : i32
      %ge3A_89 = arith.cmpi sge, %add3A_88, %ge3A : i32
      %add3A_90 = arith.constant 1 : i32
      %add3A_91 = arith.addi %add3A_83, %add3A_90 : i32
      %lt3A = arith.constant 128 : i32
      %lt3A_92 = arith.cmpi slt, %add3A_91, %lt3A : i32
      %and3A = arith.andi %ge3A_89, %lt3A_92 : i1
      %convert_element_type3A = arith.extui %and3A : i1 to i32
      %cond3A = arith.constant 0 : i32
      %cond3A_93 = arith.cmpi ne, %convert_element_type3A, %cond3A : i32
      scf.if %cond3A_93 {
        %add3A_307 = arith.constant -24 : i32
        %add3A_308 = arith.addi %add3A_86, %add3A_307 : i32
        %dma_wait3A_309 = arith.constant 1 : i32
        %dma_wait3A_310 = arith.constant 0 : i32
        %dma_wait3A_311 = arith.constant 0 : i32
        %dma_wait3A_312 = tpu.memref_slice %arg6[%dma_wait3A_309, %dma_wait3A_310, %dma_wait3A_311] : memref<4x8x2048xf32, #tpu.memory_space<vmem>> -> memref<1x8x2048xf32, #tpu.memory_space<vmem>>
        %dma_wait3A_313 = tpu.memref_squeeze %dma_wait3A_312 : memref<1x8x2048xf32, #tpu.memory_space<vmem>> -> memref<8x2048xf32, #tpu.memory_space<vmem>>
        %dma_wait3A_314 = arith.constant 0 : i32
        %dma_wait3A_315 = tpu.memref_slice %arg4[%add3A_308, %dma_wait3A_314] : memref<32768x2048xf32, #tpu.memory_space<hbm>> -> memref<8x2048xf32, #tpu.memory_space<hbm>>
        %dma_wait3A_316 = arith.constant 0 : i32
        %dma_wait3A_317 = tpu.memref_slice %arg4[%add3A_308, %dma_wait3A_316] : memref<32768x2048xf32, #tpu.memory_space<hbm>> -> memref<8x2048xf32, #tpu.memory_space<hbm>>
        %dma_wait3A_318 = arith.constant 0 : i32
        %dma_wait3A_319 = arith.constant 0 : i32
        %dma_wait3A_320 = tpu.memref_slice %arg6[%dma_wait3A_309, %dma_wait3A_318, %dma_wait3A_319] : memref<4x8x2048xf32, #tpu.memory_space<vmem>> -> memref<1x8x2048xf32, #tpu.memory_space<vmem>>
        %dma_wait3A_321 = tpu.memref_squeeze %dma_wait3A_320 : memref<1x8x2048xf32, #tpu.memory_space<vmem>> -> memref<8x2048xf32, #tpu.memory_space<vmem>>
        tpu.wait_dma2 semaphore(%arg12 : memref<!tpu.dma_semaphore, #tpu.memory_space<semaphore_mem>>) src(%dma_wait3A_321 : memref<8x2048xf32, #tpu.memory_space<vmem>>) dst(%dma_wait3A_317 : memref<8x2048xf32, #tpu.memory_space<hbm>>)
      } else {
      }
      %add3A_94 = arith.constant 1 : i32
      %add3A_95 = arith.addi %add3A_83, %add3A_94 : i32
      %lt3A_96 = arith.constant 128 : i32
      %lt3A_97 = arith.cmpi slt, %add3A_95, %lt3A_96 : i32
      %convert_element_type3A_98 = arith.extui %lt3A_97 : i1 to i32
      %cond3A_99 = arith.constant 0 : i32
      %cond3A_100 = arith.cmpi ne, %convert_element_type3A_98, %cond3A_99 : i32
      scf.if %cond3A_100 {
        %add3A_307 = arith.constant 8 : i32
        %add3A_308 = arith.addi %add3A_86, %add3A_307 : i32
        %dma_start3A_309 = arith.constant 1 : i32
        %dma_start3A_310 = arith.constant 0 : i32
        %dma_start3A_311 = arith.constant 0 : i32
        %dma_start3A_312 = tpu.memref_slice %arg6[%dma_start3A_309, %dma_start3A_310, %dma_start3A_311] : memref<4x8x2048xf32, #tpu.memory_space<vmem>> -> memref<1x8x2048xf32, #tpu.memory_space<vmem>>
        %dma_start3A_313 = tpu.memref_squeeze %dma_start3A_312 : memref<1x8x2048xf32, #tpu.memory_space<vmem>> -> memref<8x2048xf32, #tpu.memory_space<vmem>>
        %dma_start3A_314 = arith.constant 0 : i32
        %dma_start3A_315 = tpu.memref_slice %arg2[%add3A_308, %dma_start3A_314] : memref<32768x2048xf32, #tpu.memory_space<hbm>> -> memref<8x2048xf32, #tpu.memory_space<hbm>>
        %dma_start3A_316 = arith.constant 0 : i32
        %dma_start3A_317 = arith.constant 0 : i32
        %dma_start3A_318 = tpu.memref_slice %arg6[%dma_start3A_309, %dma_start3A_316, %dma_start3A_317] : memref<4x8x2048xf32, #tpu.memory_space<vmem>> -> memref<1x8x2048xf32, #tpu.memory_space<vmem>>
        %dma_start3A_319 = tpu.memref_squeeze %dma_start3A_318 : memref<1x8x2048xf32, #tpu.memory_space<vmem>> -> memref<8x2048xf32, #tpu.memory_space<vmem>>
        %dma_start3A_320 = arith.constant 0 : i32
        %dma_start3A_321 = tpu.memref_slice %arg2[%add3A_308, %dma_start3A_320] : memref<32768x2048xf32, #tpu.memory_space<hbm>> -> memref<8x2048xf32, #tpu.memory_space<hbm>>
        tpu.enqueue_dma source(%dma_start3A_321 : memref<8x2048xf32, #tpu.memory_space<hbm>>) target(%dma_start3A_319 : memref<8x2048xf32, #tpu.memory_space<vmem>>) target_semaphore(%arg8 : memref<!tpu.dma_semaphore, #tpu.memory_space<semaphore_mem>>)
      } else {
      }
      %dma_wait3A_101 = arith.constant 0 : i32
      %dma_wait3A_102 = arith.constant 0 : i32
      %dma_wait3A_103 = arith.constant 0 : i32
      %dma_wait3A_104 = tpu.memref_slice %arg6[%dma_wait3A_101, %dma_wait3A_102, %dma_wait3A_103] : memref<4x8x2048xf32, #tpu.memory_space<vmem>> -> memref<1x8x2048xf32, #tpu.memory_space<vmem>>
      %dma_wait3A_105 = tpu.memref_squeeze %dma_wait3A_104 : memref<1x8x2048xf32, #tpu.memory_space<vmem>> -> memref<8x2048xf32, #tpu.memory_space<vmem>>
      %dma_wait3A_106 = arith.constant 0 : i32
      %dma_wait3A_107 = tpu.memref_slice %arg2[%add3A_86, %dma_wait3A_106] : memref<32768x2048xf32, #tpu.memory_space<hbm>> -> memref<8x2048xf32, #tpu.memory_space<hbm>>
      %dma_wait3A_108 = arith.constant 0 : i32
      %dma_wait3A_109 = arith.constant 0 : i32
      %dma_wait3A_110 = tpu.memref_slice %arg6[%dma_wait3A_101, %dma_wait3A_108, %dma_wait3A_109] : memref<4x8x2048xf32, #tpu.memory_space<vmem>> -> memref<1x8x2048xf32, #tpu.memory_space<vmem>>
      %dma_wait3A_111 = tpu.memref_squeeze %dma_wait3A_110 : memref<1x8x2048xf32, #tpu.memory_space<vmem>> -> memref<8x2048xf32, #tpu.memory_space<vmem>>
      %dma_wait3A_112 = arith.constant 0 : i32
      %dma_wait3A_113 = tpu.memref_slice %arg2[%add3A_86, %dma_wait3A_112] : memref<32768x2048xf32, #tpu.memory_space<hbm>> -> memref<8x2048xf32, #tpu.memory_space<hbm>>
      tpu.wait_dma2 semaphore(%arg7 : memref<!tpu.dma_semaphore, #tpu.memory_space<semaphore_mem>>) src(%dma_wait3A_113 : memref<8x2048xf32, #tpu.memory_space<hbm>>) dst(%dma_wait3A_111 : memref<8x2048xf32, #tpu.memory_space<vmem>>)
      %scan3A_114 = arith.constant 0 : i32
      %scan3A_115 = arith.constant 0 : i32
      %scan3A_116 = arith.constant 16 : i32
      %scan3A_117 = arith.addi %scan3A_115, %scan3A_116 : i32
      %scan3A_118 = arith.constant 1 : i32
      scf.for %scan3A_307 = %scan3A_115 to %scan3A_117 step %scan3A_118  : i32 {
        %mul3A_308 = arith.constant 128 : i32
        %mul3A_309 = arith.muli %scan3A_307, %mul3A_308 : i32
        %add3A_310 = arith.constant 0 : i32
        %add3A_311 = arith.addi %mul3A_309, %add3A_310 : i32
        %get3A = arith.index_cast %add3A_311 : i32 to index
        %get3A_312 = tpu.vector_load %arg5[%get3A] {strides = array<i32>} : memref<2048xf32, #tpu.memory_space<vmem>>, vector<16xf32>,
        %get3A_313 = vector.shape_cast %get3A_312 : vector<16xf32> to vector<16xf32>
        %add3A_314 = arith.constant 16 : i32
        %add3A_315 = arith.addi %mul3A_309, %add3A_314 : i32
        %get3A_316 = arith.index_cast %add3A_315 : i32 to index
        %get3A_317 = tpu.vector_load %arg5[%get3A_316] {strides = array<i32>} : memref<2048xf32, #tpu.memory_space<vmem>>, vector<16xf32>,
        %get3A_318 = vector.shape_cast %get3A_317 : vector<16xf32> to vector<16xf32>
        %add3A_319 = arith.constant 32 : i32
        %add3A_320 = arith.addi %mul3A_309, %add3A_319 : i32
        %get3A_321 = arith.index_cast %add3A_320 : i32 to index
        %get3A_322 = tpu.vector_load %arg5[%get3A_321] {strides = array<i32>} : memref<2048xf32, #tpu.memory_space<vmem>>, vector<16xf32>,
        %get3A_323 = vector.shape_cast %get3A_322 : vector<16xf32> to vector<16xf32>
        %add3A_324 = arith.constant 48 : i32
        %add3A_325 = arith.addi %mul3A_309, %add3A_324 : i32
        %get3A_326 = arith.index_cast %add3A_325 : i32 to index
        %get3A_327 = tpu.vector_load %arg5[%get3A_326] {strides = array<i32>} : memref<2048xf32, #tpu.memory_space<vmem>>, vector<16xf32>,
        %get3A_328 = vector.shape_cast %get3A_327 : vector<16xf32> to vector<16xf32>
        %add3A_329 = arith.constant 64 : i32
        %add3A_330 = arith.addi %mul3A_309, %add3A_329 : i32
        %get3A_331 = arith.index_cast %add3A_330 : i32 to index
        %get3A_332 = tpu.vector_load %arg5[%get3A_331] {strides = array<i32>} : memref<2048xf32, #tpu.memory_space<vmem>>, vector<16xf32>,
        %get3A_333 = vector.shape_cast %get3A_332 : vector<16xf32> to vector<16xf32>
        %add3A_334 = arith.constant 80 : i32
        %add3A_335 = arith.addi %mul3A_309, %add3A_334 : i32
        %get3A_336 = arith.index_cast %add3A_335 : i32 to index
        %get3A_337 = tpu.vector_load %arg5[%get3A_336] {strides = array<i32>} : memref<2048xf32, #tpu.memory_space<vmem>>, vector<16xf32>,
        %get3A_338 = vector.shape_cast %get3A_337 : vector<16xf32> to vector<16xf32>
        %add3A_339 = arith.constant 96 : i32
        %add3A_340 = arith.addi %mul3A_309, %add3A_339 : i32
        %get3A_341 = arith.index_cast %add3A_340 : i32 to index
        %get3A_342 = tpu.vector_load %arg5[%get3A_341] {strides = array<i32>} : memref<2048xf32, #tpu.memory_space<vmem>>, vector<16xf32>,
        %get3A_343 = vector.shape_cast %get3A_342 : vector<16xf32> to vector<16xf32>
        %add3A_344 = arith.constant 112 : i32
        %add3A_345 = arith.addi %mul3A_309, %add3A_344 : i32
        %get3A_346 = arith.index_cast %add3A_345 : i32 to index
        %get3A_347 = tpu.vector_load %arg5[%get3A_346] {strides = array<i32>} : memref<2048xf32, #tpu.memory_space<vmem>>, vector<16xf32>,
        %get3A_348 = vector.shape_cast %get3A_347 : vector<16xf32> to vector<16xf32>
        %add3A_349 = arith.constant 0 : i32
        %add3A_350 = arith.addi %mul3A_309, %add3A_349 : i32
        %get3A_351 = arith.constant 0 : i32
        %get3A_352 = arith.constant 0 : i32
        %get3A_353 = arith.index_cast %get3A_351 : i32 to index
        %get3A_354 = arith.index_cast %get3A_352 : i32 to index
        %get3A_355 = arith.index_cast %add3A_350 : i32 to index
        %get3A_356 = tpu.vector_load %arg6[%get3A_353, %get3A_354, %get3A_355] {strides = array<i32>} : memref<4x8x2048xf32, #tpu.memory_space<vmem>>, vector<1x1x16xf32>,
        %get3A_357 = vector.shape_cast %get3A_356 : vector<1x1x16xf32> to vector<16xf32>
        %mul3A_358 = arith.mulf %get3A_357, %get3A_313 : vector<16xf32>
        %swap3A = arith.constant 0 : i32
        %swap3A_359 = arith.constant 0 : i32
        %swap3A_360 = arith.index_cast %swap3A : i32 to index
        %swap3A_361 = arith.index_cast %swap3A_359 : i32 to index
        %swap3A_362 = arith.index_cast %add3A_350 : i32 to index
        %swap3A_363 = tpu.vector_load %arg6[%swap3A_360, %swap3A_361, %swap3A_362] {strides = array<i32>} : memref<4x8x2048xf32, #tpu.memory_space<vmem>>, vector<1x1x16xf32>,
        %swap3A_364 = vector.shape_cast %swap3A_363 : vector<1x1x16xf32> to vector<16xf32>
        %swap3A_365 = vector.shape_cast %mul3A_358 : vector<16xf32> to vector<1x1x16xf32>
        tpu.vector_store %arg6[%swap3A_360, %swap3A_361, %swap3A_362], %swap3A_365 {strides = array<i32>} : memref<4x8x2048xf32, #tpu.memory_space<vmem>>, vector<1x1x16xf32>,
        %add3A_366 = arith.constant 16 : i32
        %add3A_367 = arith.addi %mul3A_309, %add3A_366 : i32
        %get3A_368 = arith.constant 0 : i32
        %get3A_369 = arith.constant 0 : i32
        %get3A_370 = arith.index_cast %get3A_368 : i32 to index
        %get3A_371 = arith.index_cast %get3A_369 : i32 to index
        %get3A_372 = arith.index_cast %add3A_367 : i32 to index
        %get3A_373 = tpu.vector_load %arg6[%get3A_370, %get3A_371, %get3A_372] {strides = array<i32>} : memref<4x8x2048xf32, #tpu.memory_space<vmem>>, vector<1x1x16xf32>,
        %get3A_374 = vector.shape_cast %get3A_373 : vector<1x1x16xf32> to vector<16xf32>
        %mul3A_375 = arith.mulf %get3A_374, %get3A_318 : vector<16xf32>
        %swap3A_376 = arith.constant 0 : i32
        %swap3A_377 = arith.constant 0 : i32
        %swap3A_378 = arith.index_cast %swap3A_376 : i32 to index
        %swap3A_379 = arith.index_cast %swap3A_377 : i32 to index
        %swap3A_380 = arith.index_cast %add3A_367 : i32 to index
        %swap3A_381 = tpu.vector_load %arg6[%swap3A_378, %swap3A_379, %swap3A_380] {strides = array<i32>} : memref<4x8x2048xf32, #tpu.memory_space<vmem>>, vector<1x1x16xf32>,
        %swap3A_382 = vector.shape_cast %swap3A_381 : vector<1x1x16xf32> to vector<16xf32>
        %swap3A_383 = vector.shape_cast %mul3A_375 : vector<16xf32> to vector<1x1x16xf32>
        tpu.vector_store %arg6[%swap3A_378, %swap3A_379, %swap3A_380], %swap3A_383 {strides = array<i32>} : memref<4x8x2048xf32, #tpu.memory_space<vmem>>, vector<1x1x16xf32>,
        %add3A_384 = arith.constant 32 : i32
        %add3A_385 = arith.addi %mul3A_309, %add3A_384 : i32
        %get3A_386 = arith.constant 0 : i32
        %get3A_387 = arith.constant 0 : i32
        %get3A_388 = arith.index_cast %get3A_386 : i32 to index
        %get3A_389 = arith.index_cast %get3A_387 : i32 to index
        %get3A_390 = arith.index_cast %add3A_385 : i32 to index
        %get3A_391 = tpu.vector_load %arg6[%get3A_388, %get3A_389, %get3A_390] {strides = array<i32>} : memref<4x8x2048xf32, #tpu.memory_space<vmem>>, vector<1x1x16xf32>,
        %get3A_392 = vector.shape_cast %get3A_391 : vector<1x1x16xf32> to vector<16xf32>
        %mul3A_393 = arith.mulf %get3A_392, %get3A_323 : vector<16xf32>
        %swap3A_394 = arith.constant 0 : i32
        %swap3A_395 = arith.constant 0 : i32
        %swap3A_396 = arith.index_cast %swap3A_394 : i32 to index
        %swap3A_397 = arith.index_cast %swap3A_395 : i32 to index
        %swap3A_398 = arith.index_cast %add3A_385 : i32 to index
        %swap3A_399 = tpu.vector_load %arg6[%swap3A_396, %swap3A_397, %swap3A_398] {strides = array<i32>} : memref<4x8x2048xf32, #tpu.memory_space<vmem>>, vector<1x1x16xf32>,
        %swap3A_400 = vector.shape_cast %swap3A_399 : vector<1x1x16xf32> to vector<16xf32>
        %swap3A_401 = vector.shape_cast %mul3A_393 : vector<16xf32> to vector<1x1x16xf32>
        tpu.vector_store %arg6[%swap3A_396, %swap3A_397, %swap3A_398], %swap3A_401 {strides = array<i32>} : memref<4x8x2048xf32, #tpu.memory_space<vmem>>, vector<1x1x16xf32>,
        %add3A_402 = arith.constant 48 : i32
        %add3A_403 = arith.addi %mul3A_309, %add3A_402 : i32
        %get3A_404 = arith.constant 0 : i32
        %get3A_405 = arith.constant 0 : i32
        %get3A_406 = arith.index_cast %get3A_404 : i32 to index
        %get3A_407 = arith.index_cast %get3A_405 : i32 to index
        %get3A_408 = arith.index_cast %add3A_403 : i32 to index
        %get3A_409 = tpu.vector_load %arg6[%get3A_406, %get3A_407, %get3A_408] {strides = array<i32>} : memref<4x8x2048xf32, #tpu.memory_space<vmem>>, vector<1x1x16xf32>,
        %get3A_410 = vector.shape_cast %get3A_409 : vector<1x1x16xf32> to vector<16xf32>
        %mul3A_411 = arith.mulf %get3A_410, %get3A_328 : vector<16xf32>
        %swap3A_412 = arith.constant 0 : i32
        %swap3A_413 = arith.constant 0 : i32
        %swap3A_414 = arith.index_cast %swap3A_412 : i32 to index
        %swap3A_415 = arith.index_cast %swap3A_413 : i32 to index
        %swap3A_416 = arith.index_cast %add3A_403 : i32 to index
        %swap3A_417 = tpu.vector_load %arg6[%swap3A_414, %swap3A_415, %swap3A_416] {strides = array<i32>} : memref<4x8x2048xf32, #tpu.memory_space<vmem>>, vector<1x1x16xf32>,
        %swap3A_418 = vector.shape_cast %swap3A_417 : vector<1x1x16xf32> to vector<16xf32>
        %swap3A_419 = vector.shape_cast %mul3A_411 : vector<16xf32> to vector<1x1x16xf32>
        tpu.vector_store %arg6[%swap3A_414, %swap3A_415, %swap3A_416], %swap3A_419 {strides = array<i32>} : memref<4x8x2048xf32, #tpu.memory_space<vmem>>, vector<1x1x16xf32>,
        %add3A_420 = arith.constant 64 : i32
        %add3A_421 = arith.addi %mul3A_309, %add3A_420 : i32
        %get3A_422 = arith.constant 0 : i32
        %get3A_423 = arith.constant 0 : i32
        %get3A_424 = arith.index_cast %get3A_422 : i32 to index
        %get3A_425 = arith.index_cast %get3A_423 : i32 to index
        %get3A_426 = arith.index_cast %add3A_421 : i32 to index
        %get3A_427 = tpu.vector_load %arg6[%get3A_424, %get3A_425, %get3A_426] {strides = array<i32>} : memref<4x8x2048xf32, #tpu.memory_space<vmem>>, vector<1x1x16xf32>,
        %get3A_428 = vector.shape_cast %get3A_427 : vector<1x1x16xf32> to vector<16xf32>
        %mul3A_429 = arith.mulf %get3A_428, %get3A_333 : vector<16xf32>
        %swap3A_430 = arith.constant 0 : i32
        %swap3A_431 = arith.constant 0 : i32
        %swap3A_432 = arith.index_cast %swap3A_430 : i32 to index
        %swap3A_433 = arith.index_cast %swap3A_431 : i32 to index
        %swap3A_434 = arith.index_cast %add3A_421 : i32 to index
        %swap3A_435 = tpu.vector_load %arg6[%swap3A_432, %swap3A_433, %swap3A_434] {strides = array<i32>} : memref<4x8x2048xf32, #tpu.memory_space<vmem>>, vector<1x1x16xf32>,
        %swap3A_436 = vector.shape_cast %swap3A_435 : vector<1x1x16xf32> to vector<16xf32>
        %swap3A_437 = vector.shape_cast %mul3A_429 : vector<16xf32> to vector<1x1x16xf32>
        tpu.vector_store %arg6[%swap3A_432, %swap3A_433, %swap3A_434], %swap3A_437 {strides = array<i32>} : memref<4x8x2048xf32, #tpu.memory_space<vmem>>, vector<1x1x16xf32>,
        %add3A_438 = arith.constant 80 : i32
        %add3A_439 = arith.addi %mul3A_309, %add3A_438 : i32
        %get3A_440 = arith.constant 0 : i32
        %get3A_441 = arith.constant 0 : i32
        %get3A_442 = arith.index_cast %get3A_440 : i32 to index
        %get3A_443 = arith.index_cast %get3A_441 : i32 to index
        %get3A_444 = arith.index_cast %add3A_439 : i32 to index
        %get3A_445 = tpu.vector_load %arg6[%get3A_442, %get3A_443, %get3A_444] {strides = array<i32>} : memref<4x8x2048xf32, #tpu.memory_space<vmem>>, vector<1x1x16xf32>,
        %get3A_446 = vector.shape_cast %get3A_445 : vector<1x1x16xf32> to vector<16xf32>
        %mul3A_447 = arith.mulf %get3A_446, %get3A_338 : vector<16xf32>
        %swap3A_448 = arith.constant 0 : i32
        %swap3A_449 = arith.constant 0 : i32
        %swap3A_450 = arith.index_cast %swap3A_448 : i32 to index
        %swap3A_451 = arith.index_cast %swap3A_449 : i32 to index
        %swap3A_452 = arith.index_cast %add3A_439 : i32 to index
        %swap3A_453 = tpu.vector_load %arg6[%swap3A_450, %swap3A_451, %swap3A_452] {strides = array<i32>} : memref<4x8x2048xf32, #tpu.memory_space<vmem>>, vector<1x1x16xf32>,
        %swap3A_454 = vector.shape_cast %swap3A_453 : vector<1x1x16xf32> to vector<16xf32>
        %swap3A_455 = vector.shape_cast %mul3A_447 : vector<16xf32> to vector<1x1x16xf32>
        tpu.vector_store %arg6[%swap3A_450, %swap3A_451, %swap3A_452], %swap3A_455 {strides = array<i32>} : memref<4x8x2048xf32, #tpu.memory_space<vmem>>, vector<1x1x16xf32>,
        %add3A_456 = arith.constant 96 : i32
        %add3A_457 = arith.addi %mul3A_309, %add3A_456 : i32
        %get3A_458 = arith.constant 0 : i32
        %get3A_459 = arith.constant 0 : i32
        %get3A_460 = arith.index_cast %get3A_458 : i32 to index
        %get3A_461 = arith.index_cast %get3A_459 : i32 to index
        %get3A_462 = arith.index_cast %add3A_457 : i32 to index
        %get3A_463 = tpu.vector_load %arg6[%get3A_460, %get3A_461, %get3A_462] {strides = array<i32>} : memref<4x8x2048xf32, #tpu.memory_space<vmem>>, vector<1x1x16xf32>,
        %get3A_464 = vector.shape_cast %get3A_463 : vector<1x1x16xf32> to vector<16xf32>
        %mul3A_465 = arith.mulf %get3A_464, %get3A_343 : vector<16xf32>
        %swap3A_466 = arith.constant 0 : i32
        %swap3A_467 = arith.constant 0 : i32
        %swap3A_468 = arith.index_cast %swap3A_466 : i32 to index
        %swap3A_469 = arith.index_cast %swap3A_467 : i32 to index
        %swap3A_470 = arith.index_cast %add3A_457 : i32 to index
        %swap3A_471 = tpu.vector_load %arg6[%swap3A_468, %swap3A_469, %swap3A_470] {strides = array<i32>} : memref<4x8x2048xf32, #tpu.memory_space<vmem>>, vector<1x1x16xf32>,
        %swap3A_472 = vector.shape_cast %swap3A_471 : vector<1x1x16xf32> to vector<16xf32>
        %swap3A_473 = vector.shape_cast %mul3A_465 : vector<16xf32> to vector<1x1x16xf32>
        tpu.vector_store %arg6[%swap3A_468, %swap3A_469, %swap3A_470], %swap3A_473 {strides = array<i32>} : memref<4x8x2048xf32, #tpu.memory_space<vmem>>, vector<1x1x16xf32>,
        %add3A_474 = arith.constant 112 : i32
        %add3A_475 = arith.addi %mul3A_309, %add3A_474 : i32
        %get3A_476 = arith.constant 0 : i32
        %get3A_477 = arith.constant 0 : i32
        %get3A_478 = arith.index_cast %get3A_476 : i32 to index
        %get3A_479 = arith.index_cast %get3A_477 : i32 to index
        %get3A_480 = arith.index_cast %add3A_475 : i32 to index
        %get3A_481 = tpu.vector_load %arg6[%get3A_478, %get3A_479, %get3A_480] {strides = array<i32>} : memref<4x8x2048xf32, #tpu.memory_space<vmem>>, vector<1x1x16xf32>,
        %get3A_482 = vector.shape_cast %get3A_481 : vector<1x1x16xf32> to vector<16xf32>
        %mul3A_483 = arith.mulf %get3A_482, %get3A_348 : vector<16xf32>
        %swap3A_484 = arith.constant 0 : i32
        %swap3A_485 = arith.constant 0 : i32
        %swap3A_486 = arith.index_cast %swap3A_484 : i32 to index
        %swap3A_487 = arith.index_cast %swap3A_485 : i32 to index
        %swap3A_488 = arith.index_cast %add3A_475 : i32 to index
        %swap3A_489 = tpu.vector_load %arg6[%swap3A_486, %swap3A_487, %swap3A_488] {strides = array<i32>} : memref<4x8x2048xf32, #tpu.memory_space<vmem>>, vector<1x1x16xf32>,
        %swap3A_490 = vector.shape_cast %swap3A_489 : vector<1x1x16xf32> to vector<16xf32>
        %swap3A_491 = vector.shape_cast %mul3A_483 : vector<16xf32> to vector<1x1x16xf32>
        tpu.vector_store %arg6[%swap3A_486, %swap3A_487, %swap3A_488], %swap3A_491 {strides = array<i32>} : memref<4x8x2048xf32, #tpu.memory_space<vmem>>, vector<1x1x16xf32>,
        %add3A_492 = arith.constant 0 : i32
        %add3A_493 = arith.addi %mul3A_309, %add3A_492 : i32
        %get3A_494 = arith.constant 0 : i32
        %get3A_495 = arith.constant 1 : i32
        %get3A_496 = arith.index_cast %get3A_494 : i32 to index
        %get3A_497 = arith.index_cast %get3A_495 : i32 to index
        %get3A_498 = arith.index_cast %add3A_493 : i32 to index
        %get3A_499 = tpu.vector_load %arg6[%get3A_496, %get3A_497, %get3A_498] {strides = array<i32>} : memref<4x8x2048xf32, #tpu.memory_space<vmem>>, vector<1x1x16xf32>,
        %get3A_500 = vector.shape_cast %get3A_499 : vector<1x1x16xf32> to vector<16xf32>
        %mul3A_501 = arith.mulf %get3A_500, %get3A_313 : vector<16xf32>
        %swap3A_502 = arith.constant 0 : i32
        %swap3A_503 = arith.constant 1 : i32
        %swap3A_504 = arith.index_cast %swap3A_502 : i32 to index
        %swap3A_505 = arith.index_cast %swap3A_503 : i32 to index
        %swap3A_506 = arith.index_cast %add3A_493 : i32 to index
        %swap3A_507 = tpu.vector_load %arg6[%swap3A_504, %swap3A_505, %swap3A_506] {strides = array<i32>} : memref<4x8x2048xf32, #tpu.memory_space<vmem>>, vector<1x1x16xf32>,
        %swap3A_508 = vector.shape_cast %swap3A_507 : vector<1x1x16xf32> to vector<16xf32>
        %swap3A_509 = vector.shape_cast %mul3A_501 : vector<16xf32> to vector<1x1x16xf32>
        tpu.vector_store %arg6[%swap3A_504, %swap3A_505, %swap3A_506], %swap3A_509 {strides = array<i32>} : memref<4x8x2048xf32, #tpu.memory_space<vmem>>, vector<1x1x16xf32>,
        %add3A_510 = arith.constant 16 : i32
        %add3A_511 = arith.addi %mul3A_309, %add3A_510 : i32
        %get3A_512 = arith.constant 0 : i32
        %get3A_513 = arith.constant 1 : i32
        %get3A_514 = arith.index_cast %get3A_512 : i32 to index
        %get3A_515 = arith.index_cast %get3A_513 : i32 to index
        %get3A_516 = arith.index_cast %add3A_511 : i32 to index
        %get3A_517 = tpu.vector_load %arg6[%get3A_514, %get3A_515, %get3A_516] {strides = array<i32>} : memref<4x8x2048xf32, #tpu.memory_space<vmem>>, vector<1x1x16xf32>,
        %get3A_518 = vector.shape_cast %get3A_517 : vector<1x1x16xf32> to vector<16xf32>
        %mul3A_519 = arith.mulf %get3A_518, %get3A_318 : vector<16xf32>
        %swap3A_520 = arith.constant 0 : i32
        %swap3A_521 = arith.constant 1 : i32
        %swap3A_522 = arith.index_cast %swap3A_520 : i32 to index
        %swap3A_523 = arith.index_cast %swap3A_521 : i32 to index
        %swap3A_524 = arith.index_cast %add3A_511 : i32 to index
        %swap3A_525 = tpu.vector_load %arg6[%swap3A_522, %swap3A_523, %swap3A_524] {strides = array<i32>} : memref<4x8x2048xf32, #tpu.memory_space<vmem>>, vector<1x1x16xf32>,
        %swap3A_526 = vector.shape_cast %swap3A_525 : vector<1x1x16xf32> to vector<16xf32>
        %swap3A_527 = vector.shape_cast %mul3A_519 : vector<16xf32> to vector<1x1x16xf32>
        tpu.vector_store %arg6[%swap3A_522, %swap3A_523, %swap3A_524], %swap3A_527 {strides = array<i32>} : memref<4x8x2048xf32, #tpu.memory_space<vmem>>, vector<1x1x16xf32>,
        %add3A_528 = arith.constant 32 : i32
        %add3A_529 = arith.addi %mul3A_309, %add3A_528 : i32
        %get3A_530 = arith.constant 0 : i32
        %get3A_531 = arith.constant 1 : i32
        %get3A_532 = arith.index_cast %get3A_530 : i32 to index
        %get3A_533 = arith.index_cast %get3A_531 : i32 to index
        %get3A_534 = arith.index_cast %add3A_529 : i32 to index
        %get3A_535 = tpu.vector_load %arg6[%get3A_532, %get3A_533, %get3A_534] {strides = array<i32>} : memref<4x8x2048xf32, #tpu.memory_space<vmem>>, vector<1x1x16xf32>,
        %get3A_536 = vector.shape_cast %get3A_535 : vector<1x1x16xf32> to vector<16xf32>
        %mul3A_537 = arith.mulf %get3A_536, %get3A_323 : vector<16xf32>
        %swap3A_538 = arith.constant 0 : i32
        %swap3A_539 = arith.constant 1 : i32
        %swap3A_540 = arith.index_cast %swap3A_538 : i32 to index
        %swap3A_541 = arith.index_cast %swap3A_539 : i32 to index
        %swap3A_542 = arith.index_cast %add3A_529 : i32 to index
        %swap3A_543 = tpu.vector_load %arg6[%swap3A_540, %swap3A_541, %swap3A_542] {strides = array<i32>} : memref<4x8x2048xf32, #tpu.memory_space<vmem>>, vector<1x1x16xf32>,
        %swap3A_544 = vector.shape_cast %swap3A_543 : vector<1x1x16xf32> to vector<16xf32>
        %swap3A_545 = vector.shape_cast %mul3A_537 : vector<16xf32> to vector<1x1x16xf32>
        tpu.vector_store %arg6[%swap3A_540, %swap3A_541, %swap3A_542], %swap3A_545 {strides = array<i32>} : memref<4x8x2048xf32, #tpu.memory_space<vmem>>, vector<1x1x16xf32>,
        %add3A_546 = arith.constant 48 : i32
        %add3A_547 = arith.addi %mul3A_309, %add3A_546 : i32
        %get3A_548 = arith.constant 0 : i32
        %get3A_549 = arith.constant 1 : i32
        %get3A_550 = arith.index_cast %get3A_548 : i32 to index
        %get3A_551 = arith.index_cast %get3A_549 : i32 to index
        %get3A_552 = arith.index_cast %add3A_547 : i32 to index
        %get3A_553 = tpu.vector_load %arg6[%get3A_550, %get3A_551, %get3A_552] {strides = array<i32>} : memref<4x8x2048xf32, #tpu.memory_space<vmem>>, vector<1x1x16xf32>,
        %get3A_554 = vector.shape_cast %get3A_553 : vector<1x1x16xf32> to vector<16xf32>
        %mul3A_555 = arith.mulf %get3A_554, %get3A_328 : vector<16xf32>
        %swap3A_556 = arith.constant 0 : i32
        %swap3A_557 = arith.constant 1 : i32
        %swap3A_558 = arith.index_cast %swap3A_556 : i32 to index
        %swap3A_559 = arith.index_cast %swap3A_557 : i32 to index
        %swap3A_560 = arith.index_cast %add3A_547 : i32 to index
        %swap3A_561 = tpu.vector_load %arg6[%swap3A_558, %swap3A_559, %swap3A_560] {strides = array<i32>} : memref<4x8x2048xf32, #tpu.memory_space<vmem>>, vector<1x1x16xf32>,
        %swap3A_562 = vector.shape_cast %swap3A_561 : vector<1x1x16xf32> to vector<16xf32>
        %swap3A_563 = vector.shape_cast %mul3A_555 : vector<16xf32> to vector<1x1x16xf32>
        tpu.vector_store %arg6[%swap3A_558, %swap3A_559, %swap3A_560], %swap3A_563 {strides = array<i32>} : memref<4x8x2048xf32, #tpu.memory_space<vmem>>, vector<1x1x16xf32>,
        %add3A_564 = arith.constant 64 : i32
        %add3A_565 = arith.addi %mul3A_309, %add3A_564 : i32
        %get3A_566 = arith.constant 0 : i32
        %get3A_567 = arith.constant 1 : i32
        %get3A_568 = arith.index_cast %get3A_566 : i32 to index
        %get3A_569 = arith.index_cast %get3A_567 : i32 to index
        %get3A_570 = arith.index_cast %add3A_565 : i32 to index
        %get3A_571 = tpu.vector_load %arg6[%get3A_568, %get3A_569, %get3A_570] {strides = array<i32>} : memref<4x8x2048xf32, #tpu.memory_space<vmem>>, vector<1x1x16xf32>,
        %get3A_572 = vector.shape_cast %get3A_571 : vector<1x1x16xf32> to vector<16xf32>
        %mul3A_573 = arith.mulf %get3A_572, %get3A_333 : vector<16xf32>
        %swap3A_574 = arith.constant 0 : i32
        %swap3A_575 = arith.constant 1 : i32
        %swap3A_576 = arith.index_cast %swap3A_574 : i32 to index
        %swap3A_577 = arith.index_cast %swap3A_575 : i32 to index
        %swap3A_578 = arith.index_cast %add3A_565 : i32 to index
        %swap3A_579 = tpu.vector_load %arg6[%swap3A_576, %swap3A_577, %swap3A_578] {strides = array<i32>} : memref<4x8x2048xf32, #tpu.memory_space<vmem>>, vector<1x1x16xf32>,
        %swap3A_580 = vector.shape_cast %swap3A_579 : vector<1x1x16xf32> to vector<16xf32>
        %swap3A_581 = vector.shape_cast %mul3A_573 : vector<16xf32> to vector<1x1x16xf32>
        tpu.vector_store %arg6[%swap3A_576, %swap3A_577, %swap3A_578], %swap3A_581 {strides = array<i32>} : memref<4x8x2048xf32, #tpu.memory_space<vmem>>, vector<1x1x16xf32>,
        %add3A_582 = arith.constant 80 : i32
        %add3A_583 = arith.addi %mul3A_309, %add3A_582 : i32
        %get3A_584 = arith.constant 0 : i32
        %get3A_585 = arith.constant 1 : i32
        %get3A_586 = arith.index_cast %get3A_584 : i32 to index
        %get3A_587 = arith.index_cast %get3A_585 : i32 to index
        %get3A_588 = arith.index_cast %add3A_583 : i32 to index
        %get3A_589 = tpu.vector_load %arg6[%get3A_586, %get3A_587, %get3A_588] {strides = array<i32>} : memref<4x8x2048xf32, #tpu.memory_space<vmem>>, vector<1x1x16xf32>,
        %get3A_590 = vector.shape_cast %get3A_589 : vector<1x1x16xf32> to vector<16xf32>
        %mul3A_591 = arith.mulf %get3A_590, %get3A_338 : vector<16xf32>
        %swap3A_592 = arith.constant 0 : i32
        %swap3A_593 = arith.constant 1 : i32
        %swap3A_594 = arith.index_cast %swap3A_592 : i32 to index
        %swap3A_595 = arith.index_cast %swap3A_593 : i32 to index
        %swap3A_596 = arith.index_cast %add3A_583 : i32 to index
        %swap3A_597 = tpu.vector_load %arg6[%swap3A_594, %swap3A_595, %swap3A_596] {strides = array<i32>} : memref<4x8x2048xf32, #tpu.memory_space<vmem>>, vector<1x1x16xf32>,
        %swap3A_598 = vector.shape_cast %swap3A_597 : vector<1x1x16xf32> to vector<16xf32>
        %swap3A_599 = vector.shape_cast %mul3A_591 : vector<16xf32> to vector<1x1x16xf32>
        tpu.vector_store %arg6[%swap3A_594, %swap3A_595, %swap3A_596], %swap3A_599 {strides = array<i32>} : memref<4x8x2048xf32, #tpu.memory_space<vmem>>, vector<1x1x16xf32>,
        %add3A_600 = arith.constant 96 : i32
        %add3A_601 = arith.addi %mul3A_309, %add3A_600 : i32
        %get3A_602 = arith.constant 0 : i32
        %get3A_603 = arith.constant 1 : i32
        %get3A_604 = arith.index_cast %get3A_602 : i32 to index
        %get3A_605 = arith.index_cast %get3A_603 : i32 to index
        %get3A_606 = arith.index_cast %add3A_601 : i32 to index
        %get3A_607 = tpu.vector_load %arg6[%get3A_604, %get3A_605, %get3A_606] {strides = array<i32>} : memref<4x8x2048xf32, #tpu.memory_space<vmem>>, vector<1x1x16xf32>,
        %get3A_608 = vector.shape_cast %get3A_607 : vector<1x1x16xf32> to vector<16xf32>
        %mul3A_609 = arith.mulf %get3A_608, %get3A_343 : vector<16xf32>
        %swap3A_610 = arith.constant 0 : i32
        %swap3A_611 = arith.constant 1 : i32
        %swap3A_612 = arith.index_cast %swap3A_610 : i32 to index
        %swap3A_613 = arith.index_cast %swap3A_611 : i32 to index
        %swap3A_614 = arith.index_cast %add3A_601 : i32 to index
        %swap3A_615 = tpu.vector_load %arg6[%swap3A_612, %swap3A_613, %swap3A_614] {strides = array<i32>} : memref<4x8x2048xf32, #tpu.memory_space<vmem>>, vector<1x1x16xf32>,
        %swap3A_616 = vector.shape_cast %swap3A_615 : vector<1x1x16xf32> to vector<16xf32>
        %swap3A_617 = vector.shape_cast %mul3A_609 : vector<16xf32> to vector<1x1x16xf32>
        tpu.vector_store %arg6[%swap3A_612, %swap3A_613, %swap3A_614], %swap3A_617 {strides = array<i32>} : memref<4x8x2048xf32, #tpu.memory_space<vmem>>, vector<1x1x16xf32>,
        %add3A_618 = arith.constant 112 : i32
        %add3A_619 = arith.addi %mul3A_309, %add3A_618 : i32
        %get3A_620 = arith.constant 0 : i32
        %get3A_621 = arith.constant 1 : i32
        %get3A_622 = arith.index_cast %get3A_620 : i32 to index
        %get3A_623 = arith.index_cast %get3A_621 : i32 to index
        %get3A_624 = arith.index_cast %add3A_619 : i32 to index
        %get3A_625 = tpu.vector_load %arg6[%get3A_622, %get3A_623, %get3A_624] {strides = array<i32>} : memref<4x8x2048xf32, #tpu.memory_space<vmem>>, vector<1x1x16xf32>,
        %get3A_626 = vector.shape_cast %get3A_625 : vector<1x1x16xf32> to vector<16xf32>
        %mul3A_627 = arith.mulf %get3A_626, %get3A_348 : vector<16xf32>
        %swap3A_628 = arith.constant 0 : i32
        %swap3A_629 = arith.constant 1 : i32
        %swap3A_630 = arith.index_cast %swap3A_628 : i32 to index
        %swap3A_631 = arith.index_cast %swap3A_629 : i32 to index
        %swap3A_632 = arith.index_cast %add3A_619 : i32 to index
        %swap3A_633 = tpu.vector_load %arg6[%swap3A_630, %swap3A_631, %swap3A_632] {strides = array<i32>} : memref<4x8x2048xf32, #tpu.memory_space<vmem>>, vector<1x1x16xf32>,
        %swap3A_634 = vector.shape_cast %swap3A_633 : vector<1x1x16xf32> to vector<16xf32>
        %swap3A_635 = vector.shape_cast %mul3A_627 : vector<16xf32> to vector<1x1x16xf32>
        tpu.vector_store %arg6[%swap3A_630, %swap3A_631, %swap3A_632], %swap3A_635 {strides = array<i32>} : memref<4x8x2048xf32, #tpu.memory_space<vmem>>, vector<1x1x16xf32>,
        %add3A_636 = arith.constant 0 : i32
        %add3A_637 = arith.addi %mul3A_309, %add3A_636 : i32
        %get3A_638 = arith.constant 0 : i32
        %get3A_639 = arith.constant 2 : i32
        %get3A_640 = arith.index_cast %get3A_638 : i32 to index
        %get3A_641 = arith.index_cast %get3A_639 : i32 to index
        %get3A_642 = arith.index_cast %add3A_637 : i32 to index
        %get3A_643 = tpu.vector_load %arg6[%get3A_640, %get3A_641, %get3A_642] {strides = array<i32>} : memref<4x8x2048xf32, #tpu.memory_space<vmem>>, vector<1x1x16xf32>,
        %get3A_644 = vector.shape_cast %get3A_643 : vector<1x1x16xf32> to vector<16xf32>
        %mul3A_645 = arith.mulf %get3A_644, %get3A_313 : vector<16xf32>
        %swap3A_646 = arith.constant 0 : i32
        %swap3A_647 = arith.constant 2 : i32
        %swap3A_648 = arith.index_cast %swap3A_646 : i32 to index
        %swap3A_649 = arith.index_cast %swap3A_647 : i32 to index
        %swap3A_650 = arith.index_cast %add3A_637 : i32 to index
        %swap3A_651 = tpu.vector_load %arg6[%swap3A_648, %swap3A_649, %swap3A_650] {strides = array<i32>} : memref<4x8x2048xf32, #tpu.memory_space<vmem>>, vector<1x1x16xf32>,
        %swap3A_652 = vector.shape_cast %swap3A_651 : vector<1x1x16xf32> to vector<16xf32>
        %swap3A_653 = vector.shape_cast %mul3A_645 : vector<16xf32> to vector<1x1x16xf32>
        tpu.vector_store %arg6[%swap3A_648, %swap3A_649, %swap3A_650], %swap3A_653 {strides = array<i32>} : memref<4x8x2048xf32, #tpu.memory_space<vmem>>, vector<1x1x16xf32>,
        %add3A_654 = arith.constant 16 : i32
        %add3A_655 = arith.addi %mul3A_309, %add3A_654 : i32
        %get3A_656 = arith.constant 0 : i32
        %get3A_657 = arith.constant 2 : i32
        %get3A_658 = arith.index_cast %get3A_656 : i32 to index
        %get3A_659 = arith.index_cast %get3A_657 : i32 to index
        %get3A_660 = arith.index_cast %add3A_655 : i32 to index
        %get3A_661 = tpu.vector_load %arg6[%get3A_658, %get3A_659, %get3A_660] {strides = array<i32>} : memref<4x8x2048xf32, #tpu.memory_space<vmem>>, vector<1x1x16xf32>,
        %get3A_662 = vector.shape_cast %get3A_661 : vector<1x1x16xf32> to vector<16xf32>
        %mul3A_663 = arith.mulf %get3A_662, %get3A_318 : vector<16xf32>
        %swap3A_664 = arith.constant 0 : i32
        %swap3A_665 = arith.constant 2 : i32
        %swap3A_666 = arith.index_cast %swap3A_664 : i32 to index
        %swap3A_667 = arith.index_cast %swap3A_665 : i32 to index
        %swap3A_668 = arith.index_cast %add3A_655 : i32 to index
        %swap3A_669 = tpu.vector_load %arg6[%swap3A_666, %swap3A_667, %swap3A_668] {strides = array<i32>} : memref<4x8x2048xf32, #tpu.memory_space<vmem>>, vector<1x1x16xf32>,
        %swap3A_670 = vector.shape_cast %swap3A_669 : vector<1x1x16xf32> to vector<16xf32>
        %swap3A_671 = vector.shape_cast %mul3A_663 : vector<16xf32> to vector<1x1x16xf32>
        tpu.vector_store %arg6[%swap3A_666, %swap3A_667, %swap3A_668], %swap3A_671 {strides = array<i32>} : memref<4x8x2048xf32, #tpu.memory_space<vmem>>, vector<1x1x16xf32>,
        %add3A_672 = arith.constant 32 : i32
        %add3A_673 = arith.addi %mul3A_309, %add3A_672 : i32
        %get3A_674 = arith.constant 0 : i32
        %get3A_675 = arith.constant 2 : i32
        %get3A_676 = arith.index_cast %get3A_674 : i32 to index
        %get3A_677 = arith.index_cast %get3A_675 : i32 to index
        %get3A_678 = arith.index_cast %add3A_673 : i32 to index
        %get3A_679 = tpu.vector_load %arg6[%get3A_676, %get3A_677, %get3A_678] {strides = array<i32>} : memref<4x8x2048xf32, #tpu.memory_space<vmem>>, vector<1x1x16xf32>,
        %get3A_680 = vector.shape_cast %get3A_679 : vector<1x1x16xf32> to vector<16xf32>
        %mul3A_681 = arith.mulf %get3A_680, %get3A_323 : vector<16xf32>
        %swap3A_682 = arith.constant 0 : i32
        %swap3A_683 = arith.constant 2 : i32
        %swap3A_684 = arith.index_cast %swap3A_682 : i32 to index
        %swap3A_685 = arith.index_cast %swap3A_683 : i32 to index
        %swap3A_686 = arith.index_cast %add3A_673 : i32 to index
        %swap3A_687 = tpu.vector_load %arg6[%swap3A_684, %swap3A_685, %swap3A_686] {strides = array<i32>} : memref<4x8x2048xf32, #tpu.memory_space<vmem>>, vector<1x1x16xf32>,
        %swap3A_688 = vector.shape_cast %swap3A_687 : vector<1x1x16xf32> to vector<16xf32>
        %swap3A_689 = vector.shape_cast %mul3A_681 : vector<16xf32> to vector<1x1x16xf32>
        tpu.vector_store %arg6[%swap3A_684, %swap3A_685, %swap3A_686], %swap3A_689 {strides = array<i32>} : memref<4x8x2048xf32, #tpu.memory_space<vmem>>, vector<1x1x16xf32>,
        %add3A_690 = arith.constant 48 : i32
        %add3A_691 = arith.addi %mul3A_309, %add3A_690 : i32
        %get3A_692 = arith.constant 0 : i32
        %get3A_693 = arith.constant 2 : i32
        %get3A_694 = arith.index_cast %get3A_692 : i32 to index
        %get3A_695 = arith.index_cast %get3A_693 : i32 to index
        %get3A_696 = arith.index_cast %add3A_691 : i32 to index
        %get3A_697 = tpu.vector_load %arg6[%get3A_694, %get3A_695, %get3A_696] {strides = array<i32>} : memref<4x8x2048xf32, #tpu.memory_space<vmem>>, vector<1x1x16xf32>,
        %get3A_698 = vector.shape_cast %get3A_697 : vector<1x1x16xf32> to vector<16xf32>
        %mul3A_699 = arith.mulf %get3A_698, %get3A_328 : vector<16xf32>
        %swap3A_700 = arith.constant 0 : i32
        %swap3A_701 = arith.constant 2 : i32
        %swap3A_702 = arith.index_cast %swap3A_700 : i32 to index
        %swap3A_703 = arith.index_cast %swap3A_701 : i32 to index
        %swap3A_704 = arith.index_cast %add3A_691 : i32 to index
        %swap3A_705 = tpu.vector_load %arg6[%swap3A_702, %swap3A_703, %swap3A_704] {strides = array<i32>} : memref<4x8x2048xf32, #tpu.memory_space<vmem>>, vector<1x1x16xf32>,
        %swap3A_706 = vector.shape_cast %swap3A_705 : vector<1x1x16xf32> to vector<16xf32>
        %swap3A_707 = vector.shape_cast %mul3A_699 : vector<16xf32> to vector<1x1x16xf32>
        tpu.vector_store %arg6[%swap3A_702, %swap3A_703, %swap3A_704], %swap3A_707 {strides = array<i32>} : memref<4x8x2048xf32, #tpu.memory_space<vmem>>, vector<1x1x16xf32>,
        %add3A_708 = arith.constant 64 : i32
        %add3A_709 = arith.addi %mul3A_309, %add3A_708 : i32
        %get3A_710 = arith.constant 0 : i32
        %get3A_711 = arith.constant 2 : i32
        %get3A_712 = arith.index_cast %get3A_710 : i32 to index
        %get3A_713 = arith.index_cast %get3A_711 : i32 to index
        %get3A_714 = arith.index_cast %add3A_709 : i32 to index
        %get3A_715 = tpu.vector_load %arg6[%get3A_712, %get3A_713, %get3A_714] {strides = array<i32>} : memref<4x8x2048xf32, #tpu.memory_space<vmem>>, vector<1x1x16xf32>,
        %get3A_716 = vector.shape_cast %get3A_715 : vector<1x1x16xf32> to vector<16xf32>
        %mul3A_717 = arith.mulf %get3A_716, %get3A_333 : vector<16xf32>
        %swap3A_718 = arith.constant 0 : i32
        %swap3A_719 = arith.constant 2 : i32
        %swap3A_720 = arith.index_cast %swap3A_718 : i32 to index
        %swap3A_721 = arith.index_cast %swap3A_719 : i32 to index
        %swap3A_722 = arith.index_cast %add3A_709 : i32 to index
        %swap3A_723 = tpu.vector_load %arg6[%swap3A_720, %swap3A_721, %swap3A_722] {strides = array<i32>} : memref<4x8x2048xf32, #tpu.memory_space<vmem>>, vector<1x1x16xf32>,
        %swap3A_724 = vector.shape_cast %swap3A_723 : vector<1x1x16xf32> to vector<16xf32>
        %swap3A_725 = vector.shape_cast %mul3A_717 : vector<16xf32> to vector<1x1x16xf32>
        tpu.vector_store %arg6[%swap3A_720, %swap3A_721, %swap3A_722], %swap3A_725 {strides = array<i32>} : memref<4x8x2048xf32, #tpu.memory_space<vmem>>, vector<1x1x16xf32>,
        %add3A_726 = arith.constant 80 : i32
        %add3A_727 = arith.addi %mul3A_309, %add3A_726 : i32
        %get3A_728 = arith.constant 0 : i32
        %get3A_729 = arith.constant 2 : i32
        %get3A_730 = arith.index_cast %get3A_728 : i32 to index
        %get3A_731 = arith.index_cast %get3A_729 : i32 to index
        %get3A_732 = arith.index_cast %add3A_727 : i32 to index
        %get3A_733 = tpu.vector_load %arg6[%get3A_730, %get3A_731, %get3A_732] {strides = array<i32>} : memref<4x8x2048xf32, #tpu.memory_space<vmem>>, vector<1x1x16xf32>,
        %get3A_734 = vector.shape_cast %get3A_733 : vector<1x1x16xf32> to vector<16xf32>
        %mul3A_735 = arith.mulf %get3A_734, %get3A_338 : vector<16xf32>
        %swap3A_736 = arith.constant 0 : i32
        %swap3A_737 = arith.constant 2 : i32
        %swap3A_738 = arith.index_cast %swap3A_736 : i32 to index
        %swap3A_739 = arith.index_cast %swap3A_737 : i32 to index
        %swap3A_740 = arith.index_cast %add3A_727 : i32 to index
        %swap3A_741 = tpu.vector_load %arg6[%swap3A_738, %swap3A_739, %swap3A_740] {strides = array<i32>} : memref<4x8x2048xf32, #tpu.memory_space<vmem>>, vector<1x1x16xf32>,
        %swap3A_742 = vector.shape_cast %swap3A_741 : vector<1x1x16xf32> to vector<16xf32>
        %swap3A_743 = vector.shape_cast %mul3A_735 : vector<16xf32> to vector<1x1x16xf32>
        tpu.vector_store %arg6[%swap3A_738, %swap3A_739, %swap3A_740], %swap3A_743 {strides = array<i32>} : memref<4x8x2048xf32, #tpu.memory_space<vmem>>, vector<1x1x16xf32>,
        %add3A_744 = arith.constant 96 : i32
        %add3A_745 = arith.addi %mul3A_309, %add3A_744 : i32
        %get3A_746 = arith.constant 0 : i32
        %get3A_747 = arith.constant 2 : i32
        %get3A_748 = arith.index_cast %get3A_746 : i32 to index
        %get3A_749 = arith.index_cast %get3A_747 : i32 to index
        %get3A_750 = arith.index_cast %add3A_745 : i32 to index
        %get3A_751 = tpu.vector_load %arg6[%get3A_748, %get3A_749, %get3A_750] {strides = array<i32>} : memref<4x8x2048xf32, #tpu.memory_space<vmem>>, vector<1x1x16xf32>,
        %get3A_752 = vector.shape_cast %get3A_751 : vector<1x1x16xf32> to vector<16xf32>
        %mul3A_753 = arith.mulf %get3A_752, %get3A_343 : vector<16xf32>
        %swap3A_754 = arith.constant 0 : i32
        %swap3A_755 = arith.constant 2 : i32
        %swap3A_756 = arith.index_cast %swap3A_754 : i32 to index
        %swap3A_757 = arith.index_cast %swap3A_755 : i32 to index
        %swap3A_758 = arith.index_cast %add3A_745 : i32 to index
        %swap3A_759 = tpu.vector_load %arg6[%swap3A_756, %swap3A_757, %swap3A_758] {strides = array<i32>} : memref<4x8x2048xf32, #tpu.memory_space<vmem>>, vector<1x1x16xf32>,
        %swap3A_760 = vector.shape_cast %swap3A_759 : vector<1x1x16xf32> to vector<16xf32>
        %swap3A_761 = vector.shape_cast %mul3A_753 : vector<16xf32> to vector<1x1x16xf32>
        tpu.vector_store %arg6[%swap3A_756, %swap3A_757, %swap3A_758], %swap3A_761 {strides = array<i32>} : memref<4x8x2048xf32, #tpu.memory_space<vmem>>, vector<1x1x16xf32>,
        %add3A_762 = arith.constant 112 : i32
        %add3A_763 = arith.addi %mul3A_309, %add3A_762 : i32
        %get3A_764 = arith.constant 0 : i32
        %get3A_765 = arith.constant 2 : i32
        %get3A_766 = arith.index_cast %get3A_764 : i32 to index
        %get3A_767 = arith.index_cast %get3A_765 : i32 to index
        %get3A_768 = arith.index_cast %add3A_763 : i32 to index
        %get3A_769 = tpu.vector_load %arg6[%get3A_766, %get3A_767, %get3A_768] {strides = array<i32>} : memref<4x8x2048xf32, #tpu.memory_space<vmem>>, vector<1x1x16xf32>,
        %get3A_770 = vector.shape_cast %get3A_769 : vector<1x1x16xf32> to vector<16xf32>
        %mul3A_771 = arith.mulf %get3A_770, %get3A_348 : vector<16xf32>
        %swap3A_772 = arith.constant 0 : i32
        %swap3A_773 = arith.constant 2 : i32
        %swap3A_774 = arith.index_cast %swap3A_772 : i32 to index
        %swap3A_775 = arith.index_cast %swap3A_773 : i32 to index
        %swap3A_776 = arith.index_cast %add3A_763 : i32 to index
        %swap3A_777 = tpu.vector_load %arg6[%swap3A_774, %swap3A_775, %swap3A_776] {strides = array<i32>} : memref<4x8x2048xf32, #tpu.memory_space<vmem>>, vector<1x1x16xf32>,
        %swap3A_778 = vector.shape_cast %swap3A_777 : vector<1x1x16xf32> to vector<16xf32>
        %swap3A_779 = vector.shape_cast %mul3A_771 : vector<16xf32> to vector<1x1x16xf32>
        tpu.vector_store %arg6[%swap3A_774, %swap3A_775, %swap3A_776], %swap3A_779 {strides = array<i32>} : memref<4x8x2048xf32, #tpu.memory_space<vmem>>, vector<1x1x16xf32>,
        %add3A_780 = arith.constant 0 : i32
        %add3A_781 = arith.addi %mul3A_309, %add3A_780 : i32
        %get3A_782 = arith.constant 0 : i32
        %get3A_783 = arith.constant 3 : i32
        %get3A_784 = arith.index_cast %get3A_782 : i32 to index
        %get3A_785 = arith.index_cast %get3A_783 : i32 to index
        %get3A_786 = arith.index_cast %add3A_781 : i32 to index
        %get3A_787 = tpu.vector_load %arg6[%get3A_784, %get3A_785, %get3A_786] {strides = array<i32>} : memref<4x8x2048xf32, #tpu.memory_space<vmem>>, vector<1x1x16xf32>,
        %get3A_788 = vector.shape_cast %get3A_787 : vector<1x1x16xf32> to vector<16xf32>
        %mul3A_789 = arith.mulf %get3A_788, %get3A_313 : vector<16xf32>
        %swap3A_790 = arith.constant 0 : i32
        %swap3A_791 = arith.constant 3 : i32
        %swap3A_792 = arith.index_cast %swap3A_790 : i32 to index
        %swap3A_793 = arith.index_cast %swap3A_791 : i32 to index
        %swap3A_794 = arith.index_cast %add3A_781 : i32 to index
        %swap3A_795 = tpu.vector_load %arg6[%swap3A_792, %swap3A_793, %swap3A_794] {strides = array<i32>} : memref<4x8x2048xf32, #tpu.memory_space<vmem>>, vector<1x1x16xf32>,
        %swap3A_796 = vector.shape_cast %swap3A_795 : vector<1x1x16xf32> to vector<16xf32>
        %swap3A_797 = vector.shape_cast %mul3A_789 : vector<16xf32> to vector<1x1x16xf32>
        tpu.vector_store %arg6[%swap3A_792, %swap3A_793, %swap3A_794], %swap3A_797 {strides = array<i32>} : memref<4x8x2048xf32, #tpu.memory_space<vmem>>, vector<1x1x16xf32>,
        %add3A_798 = arith.constant 16 : i32
        %add3A_799 = arith.addi %mul3A_309, %add3A_798 : i32
        %get3A_800 = arith.constant 0 : i32
        %get3A_801 = arith.constant 3 : i32
        %get3A_802 = arith.index_cast %get3A_800 : i32 to index
        %get3A_803 = arith.index_cast %get3A_801 : i32 to index
        %get3A_804 = arith.index_cast %add3A_799 : i32 to index
        %get3A_805 = tpu.vector_load %arg6[%get3A_802, %get3A_803, %get3A_804] {strides = array<i32>} : memref<4x8x2048xf32, #tpu.memory_space<vmem>>, vector<1x1x16xf32>,
        %get3A_806 = vector.shape_cast %get3A_805 : vector<1x1x16xf32> to vector<16xf32>
        %mul3A_807 = arith.mulf %get3A_806, %get3A_318 : vector<16xf32>
        %swap3A_808 = arith.constant 0 : i32
        %swap3A_809 = arith.constant 3 : i32
        %swap3A_810 = arith.index_cast %swap3A_808 : i32 to index
        %swap3A_811 = arith.index_cast %swap3A_809 : i32 to index
        %swap3A_812 = arith.index_cast %add3A_799 : i32 to index
        %swap3A_813 = tpu.vector_load %arg6[%swap3A_810, %swap3A_811, %swap3A_812] {strides = array<i32>} : memref<4x8x2048xf32, #tpu.memory_space<vmem>>, vector<1x1x16xf32>,
        %swap3A_814 = vector.shape_cast %swap3A_813 : vector<1x1x16xf32> to vector<16xf32>
        %swap3A_815 = vector.shape_cast %mul3A_807 : vector<16xf32> to vector<1x1x16xf32>
        tpu.vector_store %arg6[%swap3A_810, %swap3A_811, %swap3A_812], %swap3A_815 {strides = array<i32>} : memref<4x8x2048xf32, #tpu.memory_space<vmem>>, vector<1x1x16xf32>,
        %add3A_816 = arith.constant 32 : i32
        %add3A_817 = arith.addi %mul3A_309, %add3A_816 : i32
        %get3A_818 = arith.constant 0 : i32
        %get3A_819 = arith.constant 3 : i32
        %get3A_820 = arith.index_cast %get3A_818 : i32 to index
        %get3A_821 = arith.index_cast %get3A_819 : i32 to index
        %get3A_822 = arith.index_cast %add3A_817 : i32 to index
        %get3A_823 = tpu.vector_load %arg6[%get3A_820, %get3A_821, %get3A_822] {strides = array<i32>} : memref<4x8x2048xf32, #tpu.memory_space<vmem>>, vector<1x1x16xf32>,
        %get3A_824 = vector.shape_cast %get3A_823 : vector<1x1x16xf32> to vector<16xf32>
        %mul3A_825 = arith.mulf %get3A_824, %get3A_323 : vector<16xf32>
        %swap3A_826 = arith.constant 0 : i32
        %swap3A_827 = arith.constant 3 : i32
        %swap3A_828 = arith.index_cast %swap3A_826 : i32 to index
        %swap3A_829 = arith.index_cast %swap3A_827 : i32 to index
        %swap3A_830 = arith.index_cast %add3A_817 : i32 to index
        %swap3A_831 = tpu.vector_load %arg6[%swap3A_828, %swap3A_829, %swap3A_830] {strides = array<i32>} : memref<4x8x2048xf32, #tpu.memory_space<vmem>>, vector<1x1x16xf32>,
        %swap3A_832 = vector.shape_cast %swap3A_831 : vector<1x1x16xf32> to vector<16xf32>
        %swap3A_833 = vector.shape_cast %mul3A_825 : vector<16xf32> to vector<1x1x16xf32>
        tpu.vector_store %arg6[%swap3A_828, %swap3A_829, %swap3A_830], %swap3A_833 {strides = array<i32>} : memref<4x8x2048xf32, #tpu.memory_space<vmem>>, vector<1x1x16xf32>,
        %add3A_834 = arith.constant 48 : i32
        %add3A_835 = arith.addi %mul3A_309, %add3A_834 : i32
        %get3A_836 = arith.constant 0 : i32
        %get3A_837 = arith.constant 3 : i32
        %get3A_838 = arith.index_cast %get3A_836 : i32 to index
        %get3A_839 = arith.index_cast %get3A_837 : i32 to index
        %get3A_840 = arith.index_cast %add3A_835 : i32 to index
        %get3A_841 = tpu.vector_load %arg6[%get3A_838, %get3A_839, %get3A_840] {strides = array<i32>} : memref<4x8x2048xf32, #tpu.memory_space<vmem>>, vector<1x1x16xf32>,
        %get3A_842 = vector.shape_cast %get3A_841 : vector<1x1x16xf32> to vector<16xf32>
        %mul3A_843 = arith.mulf %get3A_842, %get3A_328 : vector<16xf32>
        %swap3A_844 = arith.constant 0 : i32
        %swap3A_845 = arith.constant 3 : i32
        %swap3A_846 = arith.index_cast %swap3A_844 : i32 to index
        %swap3A_847 = arith.index_cast %swap3A_845 : i32 to index
        %swap3A_848 = arith.index_cast %add3A_835 : i32 to index
        %swap3A_849 = tpu.vector_load %arg6[%swap3A_846, %swap3A_847, %swap3A_848] {strides = array<i32>} : memref<4x8x2048xf32, #tpu.memory_space<vmem>>, vector<1x1x16xf32>,
        %swap3A_850 = vector.shape_cast %swap3A_849 : vector<1x1x16xf32> to vector<16xf32>
        %swap3A_851 = vector.shape_cast %mul3A_843 : vector<16xf32> to vector<1x1x16xf32>
        tpu.vector_store %arg6[%swap3A_846, %swap3A_847, %swap3A_848], %swap3A_851 {strides = array<i32>} : memref<4x8x2048xf32, #tpu.memory_space<vmem>>, vector<1x1x16xf32>,
        %add3A_852 = arith.constant 64 : i32
        %add3A_853 = arith.addi %mul3A_309, %add3A_852 : i32
        %get3A_854 = arith.constant 0 : i32
        %get3A_855 = arith.constant 3 : i32
        %get3A_856 = arith.index_cast %get3A_854 : i32 to index
        %get3A_857 = arith.index_cast %get3A_855 : i32 to index
        %get3A_858 = arith.index_cast %add3A_853 : i32 to index
        %get3A_859 = tpu.vector_load %arg6[%get3A_856, %get3A_857, %get3A_858] {strides = array<i32>} : memref<4x8x2048xf32, #tpu.memory_space<vmem>>, vector<1x1x16xf32>,
        %get3A_860 = vector.shape_cast %get3A_859 : vector<1x1x16xf32> to vector<16xf32>
        %mul3A_861 = arith.mulf %get3A_860, %get3A_333 : vector<16xf32>
        %swap3A_862 = arith.constant 0 : i32
        %swap3A_863 = arith.constant 3 : i32
        %swap3A_864 = arith.index_cast %swap3A_862 : i32 to index
        %swap3A_865 = arith.index_cast %swap3A_863 : i32 to index
        %swap3A_866 = arith.index_cast %add3A_853 : i32 to index
        %swap3A_867 = tpu.vector_load %arg6[%swap3A_864, %swap3A_865, %swap3A_866] {strides = array<i32>} : memref<4x8x2048xf32, #tpu.memory_space<vmem>>, vector<1x1x16xf32>,
        %swap3A_868 = vector.shape_cast %swap3A_867 : vector<1x1x16xf32> to vector<16xf32>
        %swap3A_869 = vector.shape_cast %mul3A_861 : vector<16xf32> to vector<1x1x16xf32>
        tpu.vector_store %arg6[%swap3A_864, %swap3A_865, %swap3A_866], %swap3A_869 {strides = array<i32>} : memref<4x8x2048xf32, #tpu.memory_space<vmem>>, vector<1x1x16xf32>,
        %add3A_870 = arith.constant 80 : i32
        %add3A_871 = arith.addi %mul3A_309, %add3A_870 : i32
        %get3A_872 = arith.constant 0 : i32
        %get3A_873 = arith.constant 3 : i32
        %get3A_874 = arith.index_cast %get3A_872 : i32 to index
        %get3A_875 = arith.index_cast %get3A_873 : i32 to index
        %get3A_876 = arith.index_cast %add3A_871 : i32 to index
        %get3A_877 = tpu.vector_load %arg6[%get3A_874, %get3A_875, %get3A_876] {strides = array<i32>} : memref<4x8x2048xf32, #tpu.memory_space<vmem>>, vector<1x1x16xf32>,
        %get3A_878 = vector.shape_cast %get3A_877 : vector<1x1x16xf32> to vector<16xf32>
        %mul3A_879 = arith.mulf %get3A_878, %get3A_338 : vector<16xf32>
        %swap3A_880 = arith.constant 0 : i32
        %swap3A_881 = arith.constant 3 : i32
        %swap3A_882 = arith.index_cast %swap3A_880 : i32 to index
        %swap3A_883 = arith.index_cast %swap3A_881 : i32 to index
        %swap3A_884 = arith.index_cast %add3A_871 : i32 to index
        %swap3A_885 = tpu.vector_load %arg6[%swap3A_882, %swap3A_883, %swap3A_884] {strides = array<i32>} : memref<4x8x2048xf32, #tpu.memory_space<vmem>>, vector<1x1x16xf32>,
        %swap3A_886 = vector.shape_cast %swap3A_885 : vector<1x1x16xf32> to vector<16xf32>
        %swap3A_887 = vector.shape_cast %mul3A_879 : vector<16xf32> to vector<1x1x16xf32>
        tpu.vector_store %arg6[%swap3A_882, %swap3A_883, %swap3A_884], %swap3A_887 {strides = array<i32>} : memref<4x8x2048xf32, #tpu.memory_space<vmem>>, vector<1x1x16xf32>,
        %add3A_888 = arith.constant 96 : i32
        %add3A_889 = arith.addi %mul3A_309, %add3A_888 : i32
        %get3A_890 = arith.constant 0 : i32
        %get3A_891 = arith.constant 3 : i32
        %get3A_892 = arith.index_cast %get3A_890 : i32 to index
        %get3A_893 = arith.index_cast %get3A_891 : i32 to index
        %get3A_894 = arith.index_cast %add3A_889 : i32 to index
        %get3A_895 = tpu.vector_load %arg6[%get3A_892, %get3A_893, %get3A_894] {strides = array<i32>} : memref<4x8x2048xf32, #tpu.memory_space<vmem>>, vector<1x1x16xf32>,
        %get3A_896 = vector.shape_cast %get3A_895 : vector<1x1x16xf32> to vector<16xf32>
        %mul3A_897 = arith.mulf %get3A_896, %get3A_343 : vector<16xf32>
        %swap3A_898 = arith.constant 0 : i32
        %swap3A_899 = arith.constant 3 : i32
        %swap3A_900 = arith.index_cast %swap3A_898 : i32 to index
        %swap3A_901 = arith.index_cast %swap3A_899 : i32 to index
        %swap3A_902 = arith.index_cast %add3A_889 : i32 to index
        %swap3A_903 = tpu.vector_load %arg6[%swap3A_900, %swap3A_901, %swap3A_902] {strides = array<i32>} : memref<4x8x2048xf32, #tpu.memory_space<vmem>>, vector<1x1x16xf32>,
        %swap3A_904 = vector.shape_cast %swap3A_903 : vector<1x1x16xf32> to vector<16xf32>
        %swap3A_905 = vector.shape_cast %mul3A_897 : vector<16xf32> to vector<1x1x16xf32>
        tpu.vector_store %arg6[%swap3A_900, %swap3A_901, %swap3A_902], %swap3A_905 {strides = array<i32>} : memref<4x8x2048xf32, #tpu.memory_space<vmem>>, vector<1x1x16xf32>,
        %add3A_906 = arith.constant 112 : i32
        %add3A_907 = arith.addi %mul3A_309, %add3A_906 : i32
        %get3A_908 = arith.constant 0 : i32
        %get3A_909 = arith.constant 3 : i32
        %get3A_910 = arith.index_cast %get3A_908 : i32 to index
        %get3A_911 = arith.index_cast %get3A_909 : i32 to index
        %get3A_912 = arith.index_cast %add3A_907 : i32 to index
        %get3A_913 = tpu.vector_load %arg6[%get3A_910, %get3A_911, %get3A_912] {strides = array<i32>} : memref<4x8x2048xf32, #tpu.memory_space<vmem>>, vector<1x1x16xf32>,
        %get3A_914 = vector.shape_cast %get3A_913 : vector<1x1x16xf32> to vector<16xf32>
        %mul3A_915 = arith.mulf %get3A_914, %get3A_348 : vector<16xf32>
        %swap3A_916 = arith.constant 0 : i32
        %swap3A_917 = arith.constant 3 : i32
        %swap3A_918 = arith.index_cast %swap3A_916 : i32 to index
        %swap3A_919 = arith.index_cast %swap3A_917 : i32 to index
        %swap3A_920 = arith.index_cast %add3A_907 : i32 to index
        %swap3A_921 = tpu.vector_load %arg6[%swap3A_918, %swap3A_919, %swap3A_920] {strides = array<i32>} : memref<4x8x2048xf32, #tpu.memory_space<vmem>>, vector<1x1x16xf32>,
        %swap3A_922 = vector.shape_cast %swap3A_921 : vector<1x1x16xf32> to vector<16xf32>
        %swap3A_923 = vector.shape_cast %mul3A_915 : vector<16xf32> to vector<1x1x16xf32>
        tpu.vector_store %arg6[%swap3A_918, %swap3A_919, %swap3A_920], %swap3A_923 {strides = array<i32>} : memref<4x8x2048xf32, #tpu.memory_space<vmem>>, vector<1x1x16xf32>,
        %add3A_924 = arith.constant 0 : i32
        %add3A_925 = arith.addi %mul3A_309, %add3A_924 : i32
        %get3A_926 = arith.constant 0 : i32
        %get3A_927 = arith.constant 4 : i32
        %get3A_928 = arith.index_cast %get3A_926 : i32 to index
        %get3A_929 = arith.index_cast %get3A_927 : i32 to index
        %get3A_930 = arith.index_cast %add3A_925 : i32 to index
        %get3A_931 = tpu.vector_load %arg6[%get3A_928, %get3A_929, %get3A_930] {strides = array<i32>} : memref<4x8x2048xf32, #tpu.memory_space<vmem>>, vector<1x1x16xf32>,
        %get3A_932 = vector.shape_cast %get3A_931 : vector<1x1x16xf32> to vector<16xf32>
        %mul3A_933 = arith.mulf %get3A_932, %get3A_313 : vector<16xf32>
        %swap3A_934 = arith.constant 0 : i32
        %swap3A_935 = arith.constant 4 : i32
        %swap3A_936 = arith.index_cast %swap3A_934 : i32 to index
        %swap3A_937 = arith.index_cast %swap3A_935 : i32 to index
        %swap3A_938 = arith.index_cast %add3A_925 : i32 to index
        %swap3A_939 = tpu.vector_load %arg6[%swap3A_936, %swap3A_937, %swap3A_938] {strides = array<i32>} : memref<4x8x2048xf32, #tpu.memory_space<vmem>>, vector<1x1x16xf32>,
        %swap3A_940 = vector.shape_cast %swap3A_939 : vector<1x1x16xf32> to vector<16xf32>
        %swap3A_941 = vector.shape_cast %mul3A_933 : vector<16xf32> to vector<1x1x16xf32>
        tpu.vector_store %arg6[%swap3A_936, %swap3A_937, %swap3A_938], %swap3A_941 {strides = array<i32>} : memref<4x8x2048xf32, #tpu.memory_space<vmem>>, vector<1x1x16xf32>,
        %add3A_942 = arith.constant 16 : i32
        %add3A_943 = arith.addi %mul3A_309, %add3A_942 : i32
        %get3A_944 = arith.constant 0 : i32
        %get3A_945 = arith.constant 4 : i32
        %get3A_946 = arith.index_cast %get3A_944 : i32 to index
        %get3A_947 = arith.index_cast %get3A_945 : i32 to index
        %get3A_948 = arith.index_cast %add3A_943 : i32 to index
        %get3A_949 = tpu.vector_load %arg6[%get3A_946, %get3A_947, %get3A_948] {strides = array<i32>} : memref<4x8x2048xf32, #tpu.memory_space<vmem>>, vector<1x1x16xf32>,
        %get3A_950 = vector.shape_cast %get3A_949 : vector<1x1x16xf32> to vector<16xf32>
        %mul3A_951 = arith.mulf %get3A_950, %get3A_318 : vector<16xf32>
        %swap3A_952 = arith.constant 0 : i32
        %swap3A_953 = arith.constant 4 : i32
        %swap3A_954 = arith.index_cast %swap3A_952 : i32 to index
        %swap3A_955 = arith.index_cast %swap3A_953 : i32 to index
        %swap3A_956 = arith.index_cast %add3A_943 : i32 to index
        %swap3A_957 = tpu.vector_load %arg6[%swap3A_954, %swap3A_955, %swap3A_956] {strides = array<i32>} : memref<4x8x2048xf32, #tpu.memory_space<vmem>>, vector<1x1x16xf32>,
        %swap3A_958 = vector.shape_cast %swap3A_957 : vector<1x1x16xf32> to vector<16xf32>
        %swap3A_959 = vector.shape_cast %mul3A_951 : vector<16xf32> to vector<1x1x16xf32>
        tpu.vector_store %arg6[%swap3A_954, %swap3A_955, %swap3A_956], %swap3A_959 {strides = array<i32>} : memref<4x8x2048xf32, #tpu.memory_space<vmem>>, vector<1x1x16xf32>,
        %add3A_960 = arith.constant 32 : i32
        %add3A_961 = arith.addi %mul3A_309, %add3A_960 : i32
        %get3A_962 = arith.constant 0 : i32
        %get3A_963 = arith.constant 4 : i32
        %get3A_964 = arith.index_cast %get3A_962 : i32 to index
        %get3A_965 = arith.index_cast %get3A_963 : i32 to index
        %get3A_966 = arith.index_cast %add3A_961 : i32 to index
        %get3A_967 = tpu.vector_load %arg6[%get3A_964, %get3A_965, %get3A_966] {strides = array<i32>} : memref<4x8x2048xf32, #tpu.memory_space<vmem>>, vector<1x1x16xf32>,
        %get3A_968 = vector.shape_cast %get3A_967 : vector<1x1x16xf32> to vector<16xf32>
        %mul3A_969 = arith.mulf %get3A_968, %get3A_323 : vector<16xf32>
        %swap3A_970 = arith.constant 0 : i32
        %swap3A_971 = arith.constant 4 : i32
        %swap3A_972 = arith.index_cast %swap3A_970 : i32 to index
        %swap3A_973 = arith.index_cast %swap3A_971 : i32 to index
        %swap3A_974 = arith.index_cast %add3A_961 : i32 to index
        %swap3A_975 = tpu.vector_load %arg6[%swap3A_972, %swap3A_973, %swap3A_974] {strides = array<i32>} : memref<4x8x2048xf32, #tpu.memory_space<vmem>>, vector<1x1x16xf32>,
        %swap3A_976 = vector.shape_cast %swap3A_975 : vector<1x1x16xf32> to vector<16xf32>
        %swap3A_977 = vector.shape_cast %mul3A_969 : vector<16xf32> to vector<1x1x16xf32>
        tpu.vector_store %arg6[%swap3A_972, %swap3A_973, %swap3A_974], %swap3A_977 {strides = array<i32>} : memref<4x8x2048xf32, #tpu.memory_space<vmem>>, vector<1x1x16xf32>,
        %add3A_978 = arith.constant 48 : i32
        %add3A_979 = arith.addi %mul3A_309, %add3A_978 : i32
        %get3A_980 = arith.constant 0 : i32
        %get3A_981 = arith.constant 4 : i32
        %get3A_982 = arith.index_cast %get3A_980 : i32 to index
        %get3A_983 = arith.index_cast %get3A_981 : i32 to index
        %get3A_984 = arith.index_cast %add3A_979 : i32 to index
        %get3A_985 = tpu.vector_load %arg6[%get3A_982, %get3A_983, %get3A_984] {strides = array<i32>} : memref<4x8x2048xf32, #tpu.memory_space<vmem>>, vector<1x1x16xf32>,
        %get3A_986 = vector.shape_cast %get3A_985 : vector<1x1x16xf32> to vector<16xf32>
        %mul3A_987 = arith.mulf %get3A_986, %get3A_328 : vector<16xf32>
        %swap3A_988 = arith.constant 0 : i32
        %swap3A_989 = arith.constant 4 : i32
        %swap3A_990 = arith.index_cast %swap3A_988 : i32 to index
        %swap3A_991 = arith.index_cast %swap3A_989 : i32 to index
        %swap3A_992 = arith.index_cast %add3A_979 : i32 to index
        %swap3A_993 = tpu.vector_load %arg6[%swap3A_990, %swap3A_991, %swap3A_992] {strides = array<i32>} : memref<4x8x2048xf32, #tpu.memory_space<vmem>>, vector<1x1x16xf32>,
        %swap3A_994 = vector.shape_cast %swap3A_993 : vector<1x1x16xf32> to vector<16xf32>
        %swap3A_995 = vector.shape_cast %mul3A_987 : vector<16xf32> to vector<1x1x16xf32>
        tpu.vector_store %arg6[%swap3A_990, %swap3A_991, %swap3A_992], %swap3A_995 {strides = array<i32>} : memref<4x8x2048xf32, #tpu.memory_space<vmem>>, vector<1x1x16xf32>,
        %add3A_996 = arith.constant 64 : i32
        %add3A_997 = arith.addi %mul3A_309, %add3A_996 : i32
        %get3A_998 = arith.constant 0 : i32
        %get3A_999 = arith.constant 4 : i32
        %get3A_1000 = arith.index_cast %get3A_998 : i32 to index
        %get3A_1001 = arith.index_cast %get3A_999 : i32 to index
        %get3A_1002 = arith.index_cast %add3A_997 : i32 to index
        %get3A_1003 = tpu.vector_load %arg6[%get3A_1000, %get3A_1001, %get3A_1002] {strides = array<i32>} : memref<4x8x2048xf32, #tpu.memory_space<vmem>>, vector<1x1x16xf32>,
        %get3A_1004 = vector.shape_cast %get3A_1003 : vector<1x1x16xf32> to vector<16xf32>
        %mul3A_1005 = arith.mulf %get3A_1004, %get3A_333 : vector<16xf32>
        %swap3A_1006 = arith.constant 0 : i32
        %swap3A_1007 = arith.constant 4 : i32
        %swap3A_1008 = arith.index_cast %swap3A_1006 : i32 to index
        %swap3A_1009 = arith.index_cast %swap3A_1007 : i32 to index
        %swap3A_1010 = arith.index_cast %add3A_997 : i32 to index
        %swap3A_1011 = tpu.vector_load %arg6[%swap3A_1008, %swap3A_1009, %swap3A_1010] {strides = array<i32>} : memref<4x8x2048xf32, #tpu.memory_space<vmem>>, vector<1x1x16xf32>,
        %swap3A_1012 = vector.shape_cast %swap3A_1011 : vector<1x1x16xf32> to vector<16xf32>
        %swap3A_1013 = vector.shape_cast %mul3A_1005 : vector<16xf32> to vector<1x1x16xf32>
        tpu.vector_store %arg6[%swap3A_1008, %swap3A_1009, %swap3A_1010], %swap3A_1013 {strides = array<i32>} : memref<4x8x2048xf32, #tpu.memory_space<vmem>>, vector<1x1x16xf32>,
        %add3A_1014 = arith.constant 80 : i32
        %add3A_1015 = arith.addi %mul3A_309, %add3A_1014 : i32
        %get3A_1016 = arith.constant 0 : i32
        %get3A_1017 = arith.constant 4 : i32
        %get3A_1018 = arith.index_cast %get3A_1016 : i32 to index
        %get3A_1019 = arith.index_cast %get3A_1017 : i32 to index
        %get3A_1020 = arith.index_cast %add3A_1015 : i32 to index
        %get3A_1021 = tpu.vector_load %arg6[%get3A_1018, %get3A_1019, %get3A_1020] {strides = array<i32>} : memref<4x8x2048xf32, #tpu.memory_space<vmem>>, vector<1x1x16xf32>,
        %get3A_1022 = vector.shape_cast %get3A_1021 : vector<1x1x16xf32> to vector<16xf32>
        %mul3A_1023 = arith.mulf %get3A_1022, %get3A_338 : vector<16xf32>
        %swap3A_1024 = arith.constant 0 : i32
        %swap3A_1025 = arith.constant 4 : i32
        %swap3A_1026 = arith.index_cast %swap3A_1024 : i32 to index
        %swap3A_1027 = arith.index_cast %swap3A_1025 : i32 to index
        %swap3A_1028 = arith.index_cast %add3A_1015 : i32 to index
        %swap3A_1029 = tpu.vector_load %arg6[%swap3A_1026, %swap3A_1027, %swap3A_1028] {strides = array<i32>} : memref<4x8x2048xf32, #tpu.memory_space<vmem>>, vector<1x1x16xf32>,
        %swap3A_1030 = vector.shape_cast %swap3A_1029 : vector<1x1x16xf32> to vector<16xf32>
        %swap3A_1031 = vector.shape_cast %mul3A_1023 : vector<16xf32> to vector<1x1x16xf32>
        tpu.vector_store %arg6[%swap3A_1026, %swap3A_1027, %swap3A_1028], %swap3A_1031 {strides = array<i32>} : memref<4x8x2048xf32, #tpu.memory_space<vmem>>, vector<1x1x16xf32>,
        %add3A_1032 = arith.constant 96 : i32
        %add3A_1033 = arith.addi %mul3A_309, %add3A_1032 : i32
        %get3A_1034 = arith.constant 0 : i32
        %get3A_1035 = arith.constant 4 : i32
        %get3A_1036 = arith.index_cast %get3A_1034 : i32 to index
        %get3A_1037 = arith.index_cast %get3A_1035 : i32 to index
        %get3A_1038 = arith.index_cast %add3A_1033 : i32 to index
        %get3A_1039 = tpu.vector_load %arg6[%get3A_1036, %get3A_1037, %get3A_1038] {strides = array<i32>} : memref<4x8x2048xf32, #tpu.memory_space<vmem>>, vector<1x1x16xf32>,
        %get3A_1040 = vector.shape_cast %get3A_1039 : vector<1x1x16xf32> to vector<16xf32>
        %mul3A_1041 = arith.mulf %get3A_1040, %get3A_343 : vector<16xf32>
        %swap3A_1042 = arith.constant 0 : i32
        %swap3A_1043 = arith.constant 4 : i32
        %swap3A_1044 = arith.index_cast %swap3A_1042 : i32 to index
        %swap3A_1045 = arith.index_cast %swap3A_1043 : i32 to index
        %swap3A_1046 = arith.index_cast %add3A_1033 : i32 to index
        %swap3A_1047 = tpu.vector_load %arg6[%swap3A_1044, %swap3A_1045, %swap3A_1046] {strides = array<i32>} : memref<4x8x2048xf32, #tpu.memory_space<vmem>>, vector<1x1x16xf32>,
        %swap3A_1048 = vector.shape_cast %swap3A_1047 : vector<1x1x16xf32> to vector<16xf32>
        %swap3A_1049 = vector.shape_cast %mul3A_1041 : vector<16xf32> to vector<1x1x16xf32>
        tpu.vector_store %arg6[%swap3A_1044, %swap3A_1045, %swap3A_1046], %swap3A_1049 {strides = array<i32>} : memref<4x8x2048xf32, #tpu.memory_space<vmem>>, vector<1x1x16xf32>,
        %add3A_1050 = arith.constant 112 : i32
        %add3A_1051 = arith.addi %mul3A_309, %add3A_1050 : i32
        %get3A_1052 = arith.constant 0 : i32
        %get3A_1053 = arith.constant 4 : i32
        %get3A_1054 = arith.index_cast %get3A_1052 : i32 to index
        %get3A_1055 = arith.index_cast %get3A_1053 : i32 to index
        %get3A_1056 = arith.index_cast %add3A_1051 : i32 to index
        %get3A_1057 = tpu.vector_load %arg6[%get3A_1054, %get3A_1055, %get3A_1056] {strides = array<i32>} : memref<4x8x2048xf32, #tpu.memory_space<vmem>>, vector<1x1x16xf32>,
        %get3A_1058 = vector.shape_cast %get3A_1057 : vector<1x1x16xf32> to vector<16xf32>
        %mul3A_1059 = arith.mulf %get3A_1058, %get3A_348 : vector<16xf32>
        %swap3A_1060 = arith.constant 0 : i32
        %swap3A_1061 = arith.constant 4 : i32
        %swap3A_1062 = arith.index_cast %swap3A_1060 : i32 to index
        %swap3A_1063 = arith.index_cast %swap3A_1061 : i32 to index
        %swap3A_1064 = arith.index_cast %add3A_1051 : i32 to index
        %swap3A_1065 = tpu.vector_load %arg6[%swap3A_1062, %swap3A_1063, %swap3A_1064] {strides = array<i32>} : memref<4x8x2048xf32, #tpu.memory_space<vmem>>, vector<1x1x16xf32>,
        %swap3A_1066 = vector.shape_cast %swap3A_1065 : vector<1x1x16xf32> to vector<16xf32>
        %swap3A_1067 = vector.shape_cast %mul3A_1059 : vector<16xf32> to vector<1x1x16xf32>
        tpu.vector_store %arg6[%swap3A_1062, %swap3A_1063, %swap3A_1064], %swap3A_1067 {strides = array<i32>} : memref<4x8x2048xf32, #tpu.memory_space<vmem>>, vector<1x1x16xf32>,
        %add3A_1068 = arith.constant 0 : i32
        %add3A_1069 = arith.addi %mul3A_309, %add3A_1068 : i32
        %get3A_1070 = arith.constant 0 : i32
        %get3A_1071 = arith.constant 5 : i32
        %get3A_1072 = arith.index_cast %get3A_1070 : i32 to index
        %get3A_1073 = arith.index_cast %get3A_1071 : i32 to index
        %get3A_1074 = arith.index_cast %add3A_1069 : i32 to index
        %get3A_1075 = tpu.vector_load %arg6[%get3A_1072, %get3A_1073, %get3A_1074] {strides = array<i32>} : memref<4x8x2048xf32, #tpu.memory_space<vmem>>, vector<1x1x16xf32>,
        %get3A_1076 = vector.shape_cast %get3A_1075 : vector<1x1x16xf32> to vector<16xf32>
        %mul3A_1077 = arith.mulf %get3A_1076, %get3A_313 : vector<16xf32>
        %swap3A_1078 = arith.constant 0 : i32
        %swap3A_1079 = arith.constant 5 : i32
        %swap3A_1080 = arith.index_cast %swap3A_1078 : i32 to index
        %swap3A_1081 = arith.index_cast %swap3A_1079 : i32 to index
        %swap3A_1082 = arith.index_cast %add3A_1069 : i32 to index
        %swap3A_1083 = tpu.vector_load %arg6[%swap3A_1080, %swap3A_1081, %swap3A_1082] {strides = array<i32>} : memref<4x8x2048xf32, #tpu.memory_space<vmem>>, vector<1x1x16xf32>,
        %swap3A_1084 = vector.shape_cast %swap3A_1083 : vector<1x1x16xf32> to vector<16xf32>
        %swap3A_1085 = vector.shape_cast %mul3A_1077 : vector<16xf32> to vector<1x1x16xf32>
        tpu.vector_store %arg6[%swap3A_1080, %swap3A_1081, %swap3A_1082], %swap3A_1085 {strides = array<i32>} : memref<4x8x2048xf32, #tpu.memory_space<vmem>>, vector<1x1x16xf32>,
        %add3A_1086 = arith.constant 16 : i32
        %add3A_1087 = arith.addi %mul3A_309, %add3A_1086 : i32
        %get3A_1088 = arith.constant 0 : i32
        %get3A_1089 = arith.constant 5 : i32
        %get3A_1090 = arith.index_cast %get3A_1088 : i32 to index
        %get3A_1091 = arith.index_cast %get3A_1089 : i32 to index
        %get3A_1092 = arith.index_cast %add3A_1087 : i32 to index
        %get3A_1093 = tpu.vector_load %arg6[%get3A_1090, %get3A_1091, %get3A_1092] {strides = array<i32>} : memref<4x8x2048xf32, #tpu.memory_space<vmem>>, vector<1x1x16xf32>,
        %get3A_1094 = vector.shape_cast %get3A_1093 : vector<1x1x16xf32> to vector<16xf32>
        %mul3A_1095 = arith.mulf %get3A_1094, %get3A_318 : vector<16xf32>
        %swap3A_1096 = arith.constant 0 : i32
        %swap3A_1097 = arith.constant 5 : i32
        %swap3A_1098 = arith.index_cast %swap3A_1096 : i32 to index
        %swap3A_1099 = arith.index_cast %swap3A_1097 : i32 to index
        %swap3A_1100 = arith.index_cast %add3A_1087 : i32 to index
        %swap3A_1101 = tpu.vector_load %arg6[%swap3A_1098, %swap3A_1099, %swap3A_1100] {strides = array<i32>} : memref<4x8x2048xf32, #tpu.memory_space<vmem>>, vector<1x1x16xf32>,
        %swap3A_1102 = vector.shape_cast %swap3A_1101 : vector<1x1x16xf32> to vector<16xf32>
        %swap3A_1103 = vector.shape_cast %mul3A_1095 : vector<16xf32> to vector<1x1x16xf32>
        tpu.vector_store %arg6[%swap3A_1098, %swap3A_1099, %swap3A_1100], %swap3A_1103 {strides = array<i32>} : memref<4x8x2048xf32, #tpu.memory_space<vmem>>, vector<1x1x16xf32>,
        %add3A_1104 = arith.constant 32 : i32
        %add3A_1105 = arith.addi %mul3A_309, %add3A_1104 : i32
        %get3A_1106 = arith.constant 0 : i32
        %get3A_1107 = arith.constant 5 : i32
        %get3A_1108 = arith.index_cast %get3A_1106 : i32 to index
        %get3A_1109 = arith.index_cast %get3A_1107 : i32 to index
        %get3A_1110 = arith.index_cast %add3A_1105 : i32 to index
        %get3A_1111 = tpu.vector_load %arg6[%get3A_1108, %get3A_1109, %get3A_1110] {strides = array<i32>} : memref<4x8x2048xf32, #tpu.memory_space<vmem>>, vector<1x1x16xf32>,
        %get3A_1112 = vector.shape_cast %get3A_1111 : vector<1x1x16xf32> to vector<16xf32>
        %mul3A_1113 = arith.mulf %get3A_1112, %get3A_323 : vector<16xf32>
        %swap3A_1114 = arith.constant 0 : i32
        %swap3A_1115 = arith.constant 5 : i32
        %swap3A_1116 = arith.index_cast %swap3A_1114 : i32 to index
        %swap3A_1117 = arith.index_cast %swap3A_1115 : i32 to index
        %swap3A_1118 = arith.index_cast %add3A_1105 : i32 to index
        %swap3A_1119 = tpu.vector_load %arg6[%swap3A_1116, %swap3A_1117, %swap3A_1118] {strides = array<i32>} : memref<4x8x2048xf32, #tpu.memory_space<vmem>>, vector<1x1x16xf32>,
        %swap3A_1120 = vector.shape_cast %swap3A_1119 : vector<1x1x16xf32> to vector<16xf32>
        %swap3A_1121 = vector.shape_cast %mul3A_1113 : vector<16xf32> to vector<1x1x16xf32>
        tpu.vector_store %arg6[%swap3A_1116, %swap3A_1117, %swap3A_1118], %swap3A_1121 {strides = array<i32>} : memref<4x8x2048xf32, #tpu.memory_space<vmem>>, vector<1x1x16xf32>,
        %add3A_1122 = arith.constant 48 : i32
        %add3A_1123 = arith.addi %mul3A_309, %add3A_1122 : i32
        %get3A_1124 = arith.constant 0 : i32
        %get3A_1125 = arith.constant 5 : i32
        %get3A_1126 = arith.index_cast %get3A_1124 : i32 to index
        %get3A_1127 = arith.index_cast %get3A_1125 : i32 to index
        %get3A_1128 = arith.index_cast %add3A_1123 : i32 to index
        %get3A_1129 = tpu.vector_load %arg6[%get3A_1126, %get3A_1127, %get3A_1128] {strides = array<i32>} : memref<4x8x2048xf32, #tpu.memory_space<vmem>>, vector<1x1x16xf32>,
        %get3A_1130 = vector.shape_cast %get3A_1129 : vector<1x1x16xf32> to vector<16xf32>
        %mul3A_1131 = arith.mulf %get3A_1130, %get3A_328 : vector<16xf32>
        %swap3A_1132 = arith.constant 0 : i32
        %swap3A_1133 = arith.constant 5 : i32
        %swap3A_1134 = arith.index_cast %swap3A_1132 : i32 to index
        %swap3A_1135 = arith.index_cast %swap3A_1133 : i32 to index
        %swap3A_1136 = arith.index_cast %add3A_1123 : i32 to index
        %swap3A_1137 = tpu.vector_load %arg6[%swap3A_1134, %swap3A_1135, %swap3A_1136] {strides = array<i32>} : memref<4x8x2048xf32, #tpu.memory_space<vmem>>, vector<1x1x16xf32>,
        %swap3A_1138 = vector.shape_cast %swap3A_1137 : vector<1x1x16xf32> to vector<16xf32>
        %swap3A_1139 = vector.shape_cast %mul3A_1131 : vector<16xf32> to vector<1x1x16xf32>
        tpu.vector_store %arg6[%swap3A_1134, %swap3A_1135, %swap3A_1136], %swap3A_1139 {strides = array<i32>} : memref<4x8x2048xf32, #tpu.memory_space<vmem>>, vector<1x1x16xf32>,
        %add3A_1140 = arith.constant 64 : i32
        %add3A_1141 = arith.addi %mul3A_309, %add3A_1140 : i32
        %get3A_1142 = arith.constant 0 : i32
        %get3A_1143 = arith.constant 5 : i32
        %get3A_1144 = arith.index_cast %get3A_1142 : i32 to index
        %get3A_1145 = arith.index_cast %get3A_1143 : i32 to index
        %get3A_1146 = arith.index_cast %add3A_1141 : i32 to index
        %get3A_1147 = tpu.vector_load %arg6[%get3A_1144, %get3A_1145, %get3A_1146] {strides = array<i32>} : memref<4x8x2048xf32, #tpu.memory_space<vmem>>, vector<1x1x16xf32>,
        %get3A_1148 = vector.shape_cast %get3A_1147 : vector<1x1x16xf32> to vector<16xf32>
        %mul3A_1149 = arith.mulf %get3A_1148, %get3A_333 : vector<16xf32>
        %swap3A_1150 = arith.constant 0 : i32
        %swap3A_1151 = arith.constant 5 : i32
        %swap3A_1152 = arith.index_cast %swap3A_1150 : i32 to index
        %swap3A_1153 = arith.index_cast %swap3A_1151 : i32 to index
        %swap3A_1154 = arith.index_cast %add3A_1141 : i32 to index
        %swap3A_1155 = tpu.vector_load %arg6[%swap3A_1152, %swap3A_1153, %swap3A_1154] {strides = array<i32>} : memref<4x8x2048xf32, #tpu.memory_space<vmem>>, vector<1x1x16xf32>,
        %swap3A_1156 = vector.shape_cast %swap3A_1155 : vector<1x1x16xf32> to vector<16xf32>
        %swap3A_1157 = vector.shape_cast %mul3A_1149 : vector<16xf32> to vector<1x1x16xf32>
        tpu.vector_store %arg6[%swap3A_1152, %swap3A_1153, %swap3A_1154], %swap3A_1157 {strides = array<i32>} : memref<4x8x2048xf32, #tpu.memory_space<vmem>>, vector<1x1x16xf32>,
        %add3A_1158 = arith.constant 80 : i32
        %add3A_1159 = arith.addi %mul3A_309, %add3A_1158 : i32
        %get3A_1160 = arith.constant 0 : i32
        %get3A_1161 = arith.constant 5 : i32
        %get3A_1162 = arith.index_cast %get3A_1160 : i32 to index
        %get3A_1163 = arith.index_cast %get3A_1161 : i32 to index
        %get3A_1164 = arith.index_cast %add3A_1159 : i32 to index
        %get3A_1165 = tpu.vector_load %arg6[%get3A_1162, %get3A_1163, %get3A_1164] {strides = array<i32>} : memref<4x8x2048xf32, #tpu.memory_space<vmem>>, vector<1x1x16xf32>,
        %get3A_1166 = vector.shape_cast %get3A_1165 : vector<1x1x16xf32> to vector<16xf32>
        %mul3A_1167 = arith.mulf %get3A_1166, %get3A_338 : vector<16xf32>
        %swap3A_1168 = arith.constant 0 : i32
        %swap3A_1169 = arith.constant 5 : i32
        %swap3A_1170 = arith.index_cast %swap3A_1168 : i32 to index
        %swap3A_1171 = arith.index_cast %swap3A_1169 : i32 to index
        %swap3A_1172 = arith.index_cast %add3A_1159 : i32 to index
        %swap3A_1173 = tpu.vector_load %arg6[%swap3A_1170, %swap3A_1171, %swap3A_1172] {strides = array<i32>} : memref<4x8x2048xf32, #tpu.memory_space<vmem>>, vector<1x1x16xf32>,
        %swap3A_1174 = vector.shape_cast %swap3A_1173 : vector<1x1x16xf32> to vector<16xf32>
        %swap3A_1175 = vector.shape_cast %mul3A_1167 : vector<16xf32> to vector<1x1x16xf32>
        tpu.vector_store %arg6[%swap3A_1170, %swap3A_1171, %swap3A_1172], %swap3A_1175 {strides = array<i32>} : memref<4x8x2048xf32, #tpu.memory_space<vmem>>, vector<1x1x16xf32>,
        %add3A_1176 = arith.constant 96 : i32
        %add3A_1177 = arith.addi %mul3A_309, %add3A_1176 : i32
        %get3A_1178 = arith.constant 0 : i32
        %get3A_1179 = arith.constant 5 : i32
        %get3A_1180 = arith.index_cast %get3A_1178 : i32 to index
        %get3A_1181 = arith.index_cast %get3A_1179 : i32 to index
        %get3A_1182 = arith.index_cast %add3A_1177 : i32 to index
        %get3A_1183 = tpu.vector_load %arg6[%get3A_1180, %get3A_1181, %get3A_1182] {strides = array<i32>} : memref<4x8x2048xf32, #tpu.memory_space<vmem>>, vector<1x1x16xf32>,
        %get3A_1184 = vector.shape_cast %get3A_1183 : vector<1x1x16xf32> to vector<16xf32>
        %mul3A_1185 = arith.mulf %get3A_1184, %get3A_343 : vector<16xf32>
        %swap3A_1186 = arith.constant 0 : i32
        %swap3A_1187 = arith.constant 5 : i32
        %swap3A_1188 = arith.index_cast %swap3A_1186 : i32 to index
        %swap3A_1189 = arith.index_cast %swap3A_1187 : i32 to index
        %swap3A_1190 = arith.index_cast %add3A_1177 : i32 to index
        %swap3A_1191 = tpu.vector_load %arg6[%swap3A_1188, %swap3A_1189, %swap3A_1190] {strides = array<i32>} : memref<4x8x2048xf32, #tpu.memory_space<vmem>>, vector<1x1x16xf32>,
        %swap3A_1192 = vector.shape_cast %swap3A_1191 : vector<1x1x16xf32> to vector<16xf32>
        %swap3A_1193 = vector.shape_cast %mul3A_1185 : vector<16xf32> to vector<1x1x16xf32>
        tpu.vector_store %arg6[%swap3A_1188, %swap3A_1189, %swap3A_1190], %swap3A_1193 {strides = array<i32>} : memref<4x8x2048xf32, #tpu.memory_space<vmem>>, vector<1x1x16xf32>,
        %add3A_1194 = arith.constant 112 : i32
        %add3A_1195 = arith.addi %mul3A_309, %add3A_1194 : i32
        %get3A_1196 = arith.constant 0 : i32
        %get3A_1197 = arith.constant 5 : i32
        %get3A_1198 = arith.index_cast %get3A_1196 : i32 to index
        %get3A_1199 = arith.index_cast %get3A_1197 : i32 to index
        %get3A_1200 = arith.index_cast %add3A_1195 : i32 to index
        %get3A_1201 = tpu.vector_load %arg6[%get3A_1198, %get3A_1199, %get3A_1200] {strides = array<i32>} : memref<4x8x2048xf32, #tpu.memory_space<vmem>>, vector<1x1x16xf32>,
        %get3A_1202 = vector.shape_cast %get3A_1201 : vector<1x1x16xf32> to vector<16xf32>
        %mul3A_1203 = arith.mulf %get3A_1202, %get3A_348 : vector<16xf32>
        %swap3A_1204 = arith.constant 0 : i32
        %swap3A_1205 = arith.constant 5 : i32
        %swap3A_1206 = arith.index_cast %swap3A_1204 : i32 to index
        %swap3A_1207 = arith.index_cast %swap3A_1205 : i32 to index
        %swap3A_1208 = arith.index_cast %add3A_1195 : i32 to index
        %swap3A_1209 = tpu.vector_load %arg6[%swap3A_1206, %swap3A_1207, %swap3A_1208] {strides = array<i32>} : memref<4x8x2048xf32, #tpu.memory_space<vmem>>, vector<1x1x16xf32>,
        %swap3A_1210 = vector.shape_cast %swap3A_1209 : vector<1x1x16xf32> to vector<16xf32>
        %swap3A_1211 = vector.shape_cast %mul3A_1203 : vector<16xf32> to vector<1x1x16xf32>
        tpu.vector_store %arg6[%swap3A_1206, %swap3A_1207, %swap3A_1208], %swap3A_1211 {strides = array<i32>} : memref<4x8x2048xf32, #tpu.memory_space<vmem>>, vector<1x1x16xf32>,
        %add3A_1212 = arith.constant 0 : i32
        %add3A_1213 = arith.addi %mul3A_309, %add3A_1212 : i32
        %get3A_1214 = arith.constant 0 : i32
        %get3A_1215 = arith.constant 6 : i32
        %get3A_1216 = arith.index_cast %get3A_1214 : i32 to index
        %get3A_1217 = arith.index_cast %get3A_1215 : i32 to index
        %get3A_1218 = arith.index_cast %add3A_1213 : i32 to index
        %get3A_1219 = tpu.vector_load %arg6[%get3A_1216, %get3A_1217, %get3A_1218] {strides = array<i32>} : memref<4x8x2048xf32, #tpu.memory_space<vmem>>, vector<1x1x16xf32>,
        %get3A_1220 = vector.shape_cast %get3A_1219 : vector<1x1x16xf32> to vector<16xf32>
        %mul3A_1221 = arith.mulf %get3A_1220, %get3A_313 : vector<16xf32>
        %swap3A_1222 = arith.constant 0 : i32
        %swap3A_1223 = arith.constant 6 : i32
        %swap3A_1224 = arith.index_cast %swap3A_1222 : i32 to index
        %swap3A_1225 = arith.index_cast %swap3A_1223 : i32 to index
        %swap3A_1226 = arith.index_cast %add3A_1213 : i32 to index
        %swap3A_1227 = tpu.vector_load %arg6[%swap3A_1224, %swap3A_1225, %swap3A_1226] {strides = array<i32>} : memref<4x8x2048xf32, #tpu.memory_space<vmem>>, vector<1x1x16xf32>,
        %swap3A_1228 = vector.shape_cast %swap3A_1227 : vector<1x1x16xf32> to vector<16xf32>
        %swap3A_1229 = vector.shape_cast %mul3A_1221 : vector<16xf32> to vector<1x1x16xf32>
        tpu.vector_store %arg6[%swap3A_1224, %swap3A_1225, %swap3A_1226], %swap3A_1229 {strides = array<i32>} : memref<4x8x2048xf32, #tpu.memory_space<vmem>>, vector<1x1x16xf32>,
        %add3A_1230 = arith.constant 16 : i32
        %add3A_1231 = arith.addi %mul3A_309, %add3A_1230 : i32
        %get3A_1232 = arith.constant 0 : i32
        %get3A_1233 = arith.constant 6 : i32
        %get3A_1234 = arith.index_cast %get3A_1232 : i32 to index
        %get3A_1235 = arith.index_cast %get3A_1233 : i32 to index
        %get3A_1236 = arith.index_cast %add3A_1231 : i32 to index
        %get3A_1237 = tpu.vector_load %arg6[%get3A_1234, %get3A_1235, %get3A_1236] {strides = array<i32>} : memref<4x8x2048xf32, #tpu.memory_space<vmem>>, vector<1x1x16xf32>,
        %get3A_1238 = vector.shape_cast %get3A_1237 : vector<1x1x16xf32> to vector<16xf32>
        %mul3A_1239 = arith.mulf %get3A_1238, %get3A_318 : vector<16xf32>
        %swap3A_1240 = arith.constant 0 : i32
        %swap3A_1241 = arith.constant 6 : i32
        %swap3A_1242 = arith.index_cast %swap3A_1240 : i32 to index
        %swap3A_1243 = arith.index_cast %swap3A_1241 : i32 to index
        %swap3A_1244 = arith.index_cast %add3A_1231 : i32 to index
        %swap3A_1245 = tpu.vector_load %arg6[%swap3A_1242, %swap3A_1243, %swap3A_1244] {strides = array<i32>} : memref<4x8x2048xf32, #tpu.memory_space<vmem>>, vector<1x1x16xf32>,
        %swap3A_1246 = vector.shape_cast %swap3A_1245 : vector<1x1x16xf32> to vector<16xf32>
        %swap3A_1247 = vector.shape_cast %mul3A_1239 : vector<16xf32> to vector<1x1x16xf32>
        tpu.vector_store %arg6[%swap3A_1242, %swap3A_1243, %swap3A_1244], %swap3A_1247 {strides = array<i32>} : memref<4x8x2048xf32, #tpu.memory_space<vmem>>, vector<1x1x16xf32>,
        %add3A_1248 = arith.constant 32 : i32
        %add3A_1249 = arith.addi %mul3A_309, %add3A_1248 : i32
        %get3A_1250 = arith.constant 0 : i32
        %get3A_1251 = arith.constant 6 : i32
        %get3A_1252 = arith.index_cast %get3A_1250 : i32 to index
        %get3A_1253 = arith.index_cast %get3A_1251 : i32 to index
        %get3A_1254 = arith.index_cast %add3A_1249 : i32 to index
        %get3A_1255 = tpu.vector_load %arg6[%get3A_1252, %get3A_1253, %get3A_1254] {strides = array<i32>} : memref<4x8x2048xf32, #tpu.memory_space<vmem>>, vector<1x1x16xf32>,
        %get3A_1256 = vector.shape_cast %get3A_1255 : vector<1x1x16xf32> to vector<16xf32>
        %mul3A_1257 = arith.mulf %get3A_1256, %get3A_323 : vector<16xf32>
        %swap3A_1258 = arith.constant 0 : i32
        %swap3A_1259 = arith.constant 6 : i32
        %swap3A_1260 = arith.index_cast %swap3A_1258 : i32 to index
        %swap3A_1261 = arith.index_cast %swap3A_1259 : i32 to index
        %swap3A_1262 = arith.index_cast %add3A_1249 : i32 to index
        %swap3A_1263 = tpu.vector_load %arg6[%swap3A_1260, %swap3A_1261, %swap3A_1262] {strides = array<i32>} : memref<4x8x2048xf32, #tpu.memory_space<vmem>>, vector<1x1x16xf32>,
        %swap3A_1264 = vector.shape_cast %swap3A_1263 : vector<1x1x16xf32> to vector<16xf32>
        %swap3A_1265 = vector.shape_cast %mul3A_1257 : vector<16xf32> to vector<1x1x16xf32>
        tpu.vector_store %arg6[%swap3A_1260, %swap3A_1261, %swap3A_1262], %swap3A_1265 {strides = array<i32>} : memref<4x8x2048xf32, #tpu.memory_space<vmem>>, vector<1x1x16xf32>,
        %add3A_1266 = arith.constant 48 : i32
        %add3A_1267 = arith.addi %mul3A_309, %add3A_1266 : i32
        %get3A_1268 = arith.constant 0 : i32
        %get3A_1269 = arith.constant 6 : i32
        %get3A_1270 = arith.index_cast %get3A_1268 : i32 to index
        %get3A_1271 = arith.index_cast %get3A_1269 : i32 to index
        %get3A_1272 = arith.index_cast %add3A_1267 : i32 to index
        %get3A_1273 = tpu.vector_load %arg6[%get3A_1270, %get3A_1271, %get3A_1272] {strides = array<i32>} : memref<4x8x2048xf32, #tpu.memory_space<vmem>>, vector<1x1x16xf32>,
        %get3A_1274 = vector.shape_cast %get3A_1273 : vector<1x1x16xf32> to vector<16xf32>
        %mul3A_1275 = arith.mulf %get3A_1274, %get3A_328 : vector<16xf32>
        %swap3A_1276 = arith.constant 0 : i32
        %swap3A_1277 = arith.constant 6 : i32
        %swap3A_1278 = arith.index_cast %swap3A_1276 : i32 to index
        %swap3A_1279 = arith.index_cast %swap3A_1277 : i32 to index
        %swap3A_1280 = arith.index_cast %add3A_1267 : i32 to index
        %swap3A_1281 = tpu.vector_load %arg6[%swap3A_1278, %swap3A_1279, %swap3A_1280] {strides = array<i32>} : memref<4x8x2048xf32, #tpu.memory_space<vmem>>, vector<1x1x16xf32>,
        %swap3A_1282 = vector.shape_cast %swap3A_1281 : vector<1x1x16xf32> to vector<16xf32>
        %swap3A_1283 = vector.shape_cast %mul3A_1275 : vector<16xf32> to vector<1x1x16xf32>
        tpu.vector_store %arg6[%swap3A_1278, %swap3A_1279, %swap3A_1280], %swap3A_1283 {strides = array<i32>} : memref<4x8x2048xf32, #tpu.memory_space<vmem>>, vector<1x1x16xf32>,
        %add3A_1284 = arith.constant 64 : i32
        %add3A_1285 = arith.addi %mul3A_309, %add3A_1284 : i32
        %get3A_1286 = arith.constant 0 : i32
        %get3A_1287 = arith.constant 6 : i32
        %get3A_1288 = arith.index_cast %get3A_1286 : i32 to index
        %get3A_1289 = arith.index_cast %get3A_1287 : i32 to index
        %get3A_1290 = arith.index_cast %add3A_1285 : i32 to index
        %get3A_1291 = tpu.vector_load %arg6[%get3A_1288, %get3A_1289, %get3A_1290] {strides = array<i32>} : memref<4x8x2048xf32, #tpu.memory_space<vmem>>, vector<1x1x16xf32>,
        %get3A_1292 = vector.shape_cast %get3A_1291 : vector<1x1x16xf32> to vector<16xf32>
        %mul3A_1293 = arith.mulf %get3A_1292, %get3A_333 : vector<16xf32>
        %swap3A_1294 = arith.constant 0 : i32
        %swap3A_1295 = arith.constant 6 : i32
        %swap3A_1296 = arith.index_cast %swap3A_1294 : i32 to index
        %swap3A_1297 = arith.index_cast %swap3A_1295 : i32 to index
        %swap3A_1298 = arith.index_cast %add3A_1285 : i32 to index
        %swap3A_1299 = tpu.vector_load %arg6[%swap3A_1296, %swap3A_1297, %swap3A_1298] {strides = array<i32>} : memref<4x8x2048xf32, #tpu.memory_space<vmem>>, vector<1x1x16xf32>,
        %swap3A_1300 = vector.shape_cast %swap3A_1299 : vector<1x1x16xf32> to vector<16xf32>
        %swap3A_1301 = vector.shape_cast %mul3A_1293 : vector<16xf32> to vector<1x1x16xf32>
        tpu.vector_store %arg6[%swap3A_1296, %swap3A_1297, %swap3A_1298], %swap3A_1301 {strides = array<i32>} : memref<4x8x2048xf32, #tpu.memory_space<vmem>>, vector<1x1x16xf32>,
        %add3A_1302 = arith.constant 80 : i32
        %add3A_1303 = arith.addi %mul3A_309, %add3A_1302 : i32
        %get3A_1304 = arith.constant 0 : i32
        %get3A_1305 = arith.constant 6 : i32
        %get3A_1306 = arith.index_cast %get3A_1304 : i32 to index
        %get3A_1307 = arith.index_cast %get3A_1305 : i32 to index
        %get3A_1308 = arith.index_cast %add3A_1303 : i32 to index
        %get3A_1309 = tpu.vector_load %arg6[%get3A_1306, %get3A_1307, %get3A_1308] {strides = array<i32>} : memref<4x8x2048xf32, #tpu.memory_space<vmem>>, vector<1x1x16xf32>,
        %get3A_1310 = vector.shape_cast %get3A_1309 : vector<1x1x16xf32> to vector<16xf32>
        %mul3A_1311 = arith.mulf %get3A_1310, %get3A_338 : vector<16xf32>
        %swap3A_1312 = arith.constant 0 : i32
        %swap3A_1313 = arith.constant 6 : i32
        %swap3A_1314 = arith.index_cast %swap3A_1312 : i32 to index
        %swap3A_1315 = arith.index_cast %swap3A_1313 : i32 to index
        %swap3A_1316 = arith.index_cast %add3A_1303 : i32 to index
        %swap3A_1317 = tpu.vector_load %arg6[%swap3A_1314, %swap3A_1315, %swap3A_1316] {strides = array<i32>} : memref<4x8x2048xf32, #tpu.memory_space<vmem>>, vector<1x1x16xf32>,
        %swap3A_1318 = vector.shape_cast %swap3A_1317 : vector<1x1x16xf32> to vector<16xf32>
        %swap3A_1319 = vector.shape_cast %mul3A_1311 : vector<16xf32> to vector<1x1x16xf32>
        tpu.vector_store %arg6[%swap3A_1314, %swap3A_1315, %swap3A_1316], %swap3A_1319 {strides = array<i32>} : memref<4x8x2048xf32, #tpu.memory_space<vmem>>, vector<1x1x16xf32>,
        %add3A_1320 = arith.constant 96 : i32
        %add3A_1321 = arith.addi %mul3A_309, %add3A_1320 : i32
        %get3A_1322 = arith.constant 0 : i32
        %get3A_1323 = arith.constant 6 : i32
        %get3A_1324 = arith.index_cast %get3A_1322 : i32 to index
        %get3A_1325 = arith.index_cast %get3A_1323 : i32 to index
        %get3A_1326 = arith.index_cast %add3A_1321 : i32 to index
        %get3A_1327 = tpu.vector_load %arg6[%get3A_1324, %get3A_1325, %get3A_1326] {strides = array<i32>} : memref<4x8x2048xf32, #tpu.memory_space<vmem>>, vector<1x1x16xf32>,
        %get3A_1328 = vector.shape_cast %get3A_1327 : vector<1x1x16xf32> to vector<16xf32>
        %mul3A_1329 = arith.mulf %get3A_1328, %get3A_343 : vector<16xf32>
        %swap3A_1330 = arith.constant 0 : i32
        %swap3A_1331 = arith.constant 6 : i32
        %swap3A_1332 = arith.index_cast %swap3A_1330 : i32 to index
        %swap3A_1333 = arith.index_cast %swap3A_1331 : i32 to index
        %swap3A_1334 = arith.index_cast %add3A_1321 : i32 to index
        %swap3A_1335 = tpu.vector_load %arg6[%swap3A_1332, %swap3A_1333, %swap3A_1334] {strides = array<i32>} : memref<4x8x2048xf32, #tpu.memory_space<vmem>>, vector<1x1x16xf32>,
        %swap3A_1336 = vector.shape_cast %swap3A_1335 : vector<1x1x16xf32> to vector<16xf32>
        %swap3A_1337 = vector.shape_cast %mul3A_1329 : vector<16xf32> to vector<1x1x16xf32>
        tpu.vector_store %arg6[%swap3A_1332, %swap3A_1333, %swap3A_1334], %swap3A_1337 {strides = array<i32>} : memref<4x8x2048xf32, #tpu.memory_space<vmem>>, vector<1x1x16xf32>,
        %add3A_1338 = arith.constant 112 : i32
        %add3A_1339 = arith.addi %mul3A_309, %add3A_1338 : i32
        %get3A_1340 = arith.constant 0 : i32
        %get3A_1341 = arith.constant 6 : i32
        %get3A_1342 = arith.index_cast %get3A_1340 : i32 to index
        %get3A_1343 = arith.index_cast %get3A_1341 : i32 to index
        %get3A_1344 = arith.index_cast %add3A_1339 : i32 to index
        %get3A_1345 = tpu.vector_load %arg6[%get3A_1342, %get3A_1343, %get3A_1344] {strides = array<i32>} : memref<4x8x2048xf32, #tpu.memory_space<vmem>>, vector<1x1x16xf32>,
        %get3A_1346 = vector.shape_cast %get3A_1345 : vector<1x1x16xf32> to vector<16xf32>
        %mul3A_1347 = arith.mulf %get3A_1346, %get3A_348 : vector<16xf32>
        %swap3A_1348 = arith.constant 0 : i32
        %swap3A_1349 = arith.constant 6 : i32
        %swap3A_1350 = arith.index_cast %swap3A_1348 : i32 to index
        %swap3A_1351 = arith.index_cast %swap3A_1349 : i32 to index
        %swap3A_1352 = arith.index_cast %add3A_1339 : i32 to index
        %swap3A_1353 = tpu.vector_load %arg6[%swap3A_1350, %swap3A_1351, %swap3A_1352] {strides = array<i32>} : memref<4x8x2048xf32, #tpu.memory_space<vmem>>, vector<1x1x16xf32>,
        %swap3A_1354 = vector.shape_cast %swap3A_1353 : vector<1x1x16xf32> to vector<16xf32>
        %swap3A_1355 = vector.shape_cast %mul3A_1347 : vector<16xf32> to vector<1x1x16xf32>
        tpu.vector_store %arg6[%swap3A_1350, %swap3A_1351, %swap3A_1352], %swap3A_1355 {strides = array<i32>} : memref<4x8x2048xf32, #tpu.memory_space<vmem>>, vector<1x1x16xf32>,
        %add3A_1356 = arith.constant 0 : i32
        %add3A_1357 = arith.addi %mul3A_309, %add3A_1356 : i32
        %get3A_1358 = arith.constant 0 : i32
        %get3A_1359 = arith.constant 7 : i32
        %get3A_1360 = arith.index_cast %get3A_1358 : i32 to index
        %get3A_1361 = arith.index_cast %get3A_1359 : i32 to index
        %get3A_1362 = arith.index_cast %add3A_1357 : i32 to index
        %get3A_1363 = tpu.vector_load %arg6[%get3A_1360, %get3A_1361, %get3A_1362] {strides = array<i32>} : memref<4x8x2048xf32, #tpu.memory_space<vmem>>, vector<1x1x16xf32>,
        %get3A_1364 = vector.shape_cast %get3A_1363 : vector<1x1x16xf32> to vector<16xf32>
        %mul3A_1365 = arith.mulf %get3A_1364, %get3A_313 : vector<16xf32>
        %swap3A_1366 = arith.constant 0 : i32
        %swap3A_1367 = arith.constant 7 : i32
        %swap3A_1368 = arith.index_cast %swap3A_1366 : i32 to index
        %swap3A_1369 = arith.index_cast %swap3A_1367 : i32 to index
        %swap3A_1370 = arith.index_cast %add3A_1357 : i32 to index
        %swap3A_1371 = tpu.vector_load %arg6[%swap3A_1368, %swap3A_1369, %swap3A_1370] {strides = array<i32>} : memref<4x8x2048xf32, #tpu.memory_space<vmem>>, vector<1x1x16xf32>,
        %swap3A_1372 = vector.shape_cast %swap3A_1371 : vector<1x1x16xf32> to vector<16xf32>
        %swap3A_1373 = vector.shape_cast %mul3A_1365 : vector<16xf32> to vector<1x1x16xf32>
        tpu.vector_store %arg6[%swap3A_1368, %swap3A_1369, %swap3A_1370], %swap3A_1373 {strides = array<i32>} : memref<4x8x2048xf32, #tpu.memory_space<vmem>>, vector<1x1x16xf32>,
        %add3A_1374 = arith.constant 16 : i32
        %add3A_1375 = arith.addi %mul3A_309, %add3A_1374 : i32
        %get3A_1376 = arith.constant 0 : i32
        %get3A_1377 = arith.constant 7 : i32
        %get3A_1378 = arith.index_cast %get3A_1376 : i32 to index
        %get3A_1379 = arith.index_cast %get3A_1377 : i32 to index
        %get3A_1380 = arith.index_cast %add3A_1375 : i32 to index
        %get3A_1381 = tpu.vector_load %arg6[%get3A_1378, %get3A_1379, %get3A_1380] {strides = array<i32>} : memref<4x8x2048xf32, #tpu.memory_space<vmem>>, vector<1x1x16xf32>,
        %get3A_1382 = vector.shape_cast %get3A_1381 : vector<1x1x16xf32> to vector<16xf32>
        %mul3A_1383 = arith.mulf %get3A_1382, %get3A_318 : vector<16xf32>
        %swap3A_1384 = arith.constant 0 : i32
        %swap3A_1385 = arith.constant 7 : i32
        %swap3A_1386 = arith.index_cast %swap3A_1384 : i32 to index
        %swap3A_1387 = arith.index_cast %swap3A_1385 : i32 to index
        %swap3A_1388 = arith.index_cast %add3A_1375 : i32 to index
        %swap3A_1389 = tpu.vector_load %arg6[%swap3A_1386, %swap3A_1387, %swap3A_1388] {strides = array<i32>} : memref<4x8x2048xf32, #tpu.memory_space<vmem>>, vector<1x1x16xf32>,
        %swap3A_1390 = vector.shape_cast %swap3A_1389 : vector<1x1x16xf32> to vector<16xf32>
        %swap3A_1391 = vector.shape_cast %mul3A_1383 : vector<16xf32> to vector<1x1x16xf32>
        tpu.vector_store %arg6[%swap3A_1386, %swap3A_1387, %swap3A_1388], %swap3A_1391 {strides = array<i32>} : memref<4x8x2048xf32, #tpu.memory_space<vmem>>, vector<1x1x16xf32>,
        %add3A_1392 = arith.constant 32 : i32
        %add3A_1393 = arith.addi %mul3A_309, %add3A_1392 : i32
        %get3A_1394 = arith.constant 0 : i32
        %get3A_1395 = arith.constant 7 : i32
        %get3A_1396 = arith.index_cast %get3A_1394 : i32 to index
        %get3A_1397 = arith.index_cast %get3A_1395 : i32 to index
        %get3A_1398 = arith.index_cast %add3A_1393 : i32 to index
        %get3A_1399 = tpu.vector_load %arg6[%get3A_1396, %get3A_1397, %get3A_1398] {strides = array<i32>} : memref<4x8x2048xf32, #tpu.memory_space<vmem>>, vector<1x1x16xf32>,
        %get3A_1400 = vector.shape_cast %get3A_1399 : vector<1x1x16xf32> to vector<16xf32>
        %mul3A_1401 = arith.mulf %get3A_1400, %get3A_323 : vector<16xf32>
        %swap3A_1402 = arith.constant 0 : i32
        %swap3A_1403 = arith.constant 7 : i32
        %swap3A_1404 = arith.index_cast %swap3A_1402 : i32 to index
        %swap3A_1405 = arith.index_cast %swap3A_1403 : i32 to index
        %swap3A_1406 = arith.index_cast %add3A_1393 : i32 to index
        %swap3A_1407 = tpu.vector_load %arg6[%swap3A_1404, %swap3A_1405, %swap3A_1406] {strides = array<i32>} : memref<4x8x2048xf32, #tpu.memory_space<vmem>>, vector<1x1x16xf32>,
        %swap3A_1408 = vector.shape_cast %swap3A_1407 : vector<1x1x16xf32> to vector<16xf32>
        %swap3A_1409 = vector.shape_cast %mul3A_1401 : vector<16xf32> to vector<1x1x16xf32>
        tpu.vector_store %arg6[%swap3A_1404, %swap3A_1405, %swap3A_1406], %swap3A_1409 {strides = array<i32>} : memref<4x8x2048xf32, #tpu.memory_space<vmem>>, vector<1x1x16xf32>,
        %add3A_1410 = arith.constant 48 : i32
        %add3A_1411 = arith.addi %mul3A_309, %add3A_1410 : i32
        %get3A_1412 = arith.constant 0 : i32
        %get3A_1413 = arith.constant 7 : i32
        %get3A_1414 = arith.index_cast %get3A_1412 : i32 to index
        %get3A_1415 = arith.index_cast %get3A_1413 : i32 to index
        %get3A_1416 = arith.index_cast %add3A_1411 : i32 to index
        %get3A_1417 = tpu.vector_load %arg6[%get3A_1414, %get3A_1415, %get3A_1416] {strides = array<i32>} : memref<4x8x2048xf32, #tpu.memory_space<vmem>>, vector<1x1x16xf32>,
        %get3A_1418 = vector.shape_cast %get3A_1417 : vector<1x1x16xf32> to vector<16xf32>
        %mul3A_1419 = arith.mulf %get3A_1418, %get3A_328 : vector<16xf32>
        %swap3A_1420 = arith.constant 0 : i32
        %swap3A_1421 = arith.constant 7 : i32
        %swap3A_1422 = arith.index_cast %swap3A_1420 : i32 to index
        %swap3A_1423 = arith.index_cast %swap3A_1421 : i32 to index
        %swap3A_1424 = arith.index_cast %add3A_1411 : i32 to index
        %swap3A_1425 = tpu.vector_load %arg6[%swap3A_1422, %swap3A_1423, %swap3A_1424] {strides = array<i32>} : memref<4x8x2048xf32, #tpu.memory_space<vmem>>, vector<1x1x16xf32>,
        %swap3A_1426 = vector.shape_cast %swap3A_1425 : vector<1x1x16xf32> to vector<16xf32>
        %swap3A_1427 = vector.shape_cast %mul3A_1419 : vector<16xf32> to vector<1x1x16xf32>
        tpu.vector_store %arg6[%swap3A_1422, %swap3A_1423, %swap3A_1424], %swap3A_1427 {strides = array<i32>} : memref<4x8x2048xf32, #tpu.memory_space<vmem>>, vector<1x1x16xf32>,
        %add3A_1428 = arith.constant 64 : i32
        %add3A_1429 = arith.addi %mul3A_309, %add3A_1428 : i32
        %get3A_1430 = arith.constant 0 : i32
        %get3A_1431 = arith.constant 7 : i32
        %get3A_1432 = arith.index_cast %get3A_1430 : i32 to index
        %get3A_1433 = arith.index_cast %get3A_1431 : i32 to index
        %get3A_1434 = arith.index_cast %add3A_1429 : i32 to index
        %get3A_1435 = tpu.vector_load %arg6[%get3A_1432, %get3A_1433, %get3A_1434] {strides = array<i32>} : memref<4x8x2048xf32, #tpu.memory_space<vmem>>, vector<1x1x16xf32>,
        %get3A_1436 = vector.shape_cast %get3A_1435 : vector<1x1x16xf32> to vector<16xf32>
        %mul3A_1437 = arith.mulf %get3A_1436, %get3A_333 : vector<16xf32>
        %swap3A_1438 = arith.constant 0 : i32
        %swap3A_1439 = arith.constant 7 : i32
        %swap3A_1440 = arith.index_cast %swap3A_1438 : i32 to index
        %swap3A_1441 = arith.index_cast %swap3A_1439 : i32 to index
        %swap3A_1442 = arith.index_cast %add3A_1429 : i32 to index
        %swap3A_1443 = tpu.vector_load %arg6[%swap3A_1440, %swap3A_1441, %swap3A_1442] {strides = array<i32>} : memref<4x8x2048xf32, #tpu.memory_space<vmem>>, vector<1x1x16xf32>,
        %swap3A_1444 = vector.shape_cast %swap3A_1443 : vector<1x1x16xf32> to vector<16xf32>
        %swap3A_1445 = vector.shape_cast %mul3A_1437 : vector<16xf32> to vector<1x1x16xf32>
        tpu.vector_store %arg6[%swap3A_1440, %swap3A_1441, %swap3A_1442], %swap3A_1445 {strides = array<i32>} : memref<4x8x2048xf32, #tpu.memory_space<vmem>>, vector<1x1x16xf32>,
        %add3A_1446 = arith.constant 80 : i32
        %add3A_1447 = arith.addi %mul3A_309, %add3A_1446 : i32
        %get3A_1448 = arith.constant 0 : i32
        %get3A_1449 = arith.constant 7 : i32
        %get3A_1450 = arith.index_cast %get3A_1448 : i32 to index
        %get3A_1451 = arith.index_cast %get3A_1449 : i32 to index
        %get3A_1452 = arith.index_cast %add3A_1447 : i32 to index
        %get3A_1453 = tpu.vector_load %arg6[%get3A_1450, %get3A_1451, %get3A_1452] {strides = array<i32>} : memref<4x8x2048xf32, #tpu.memory_space<vmem>>, vector<1x1x16xf32>,
        %get3A_1454 = vector.shape_cast %get3A_1453 : vector<1x1x16xf32> to vector<16xf32>
        %mul3A_1455 = arith.mulf %get3A_1454, %get3A_338 : vector<16xf32>
        %swap3A_1456 = arith.constant 0 : i32
        %swap3A_1457 = arith.constant 7 : i32
        %swap3A_1458 = arith.index_cast %swap3A_1456 : i32 to index
        %swap3A_1459 = arith.index_cast %swap3A_1457 : i32 to index
        %swap3A_1460 = arith.index_cast %add3A_1447 : i32 to index
        %swap3A_1461 = tpu.vector_load %arg6[%swap3A_1458, %swap3A_1459, %swap3A_1460] {strides = array<i32>} : memref<4x8x2048xf32, #tpu.memory_space<vmem>>, vector<1x1x16xf32>,
        %swap3A_1462 = vector.shape_cast %swap3A_1461 : vector<1x1x16xf32> to vector<16xf32>
        %swap3A_1463 = vector.shape_cast %mul3A_1455 : vector<16xf32> to vector<1x1x16xf32>
        tpu.vector_store %arg6[%swap3A_1458, %swap3A_1459, %swap3A_1460], %swap3A_1463 {strides = array<i32>} : memref<4x8x2048xf32, #tpu.memory_space<vmem>>, vector<1x1x16xf32>,
        %add3A_1464 = arith.constant 96 : i32
        %add3A_1465 = arith.addi %mul3A_309, %add3A_1464 : i32
        %get3A_1466 = arith.constant 0 : i32
        %get3A_1467 = arith.constant 7 : i32
        %get3A_1468 = arith.index_cast %get3A_1466 : i32 to index
        %get3A_1469 = arith.index_cast %get3A_1467 : i32 to index
        %get3A_1470 = arith.index_cast %add3A_1465 : i32 to index
        %get3A_1471 = tpu.vector_load %arg6[%get3A_1468, %get3A_1469, %get3A_1470] {strides = array<i32>} : memref<4x8x2048xf32, #tpu.memory_space<vmem>>, vector<1x1x16xf32>,
        %get3A_1472 = vector.shape_cast %get3A_1471 : vector<1x1x16xf32> to vector<16xf32>
        %mul3A_1473 = arith.mulf %get3A_1472, %get3A_343 : vector<16xf32>
        %swap3A_1474 = arith.constant 0 : i32
        %swap3A_1475 = arith.constant 7 : i32
        %swap3A_1476 = arith.index_cast %swap3A_1474 : i32 to index
        %swap3A_1477 = arith.index_cast %swap3A_1475 : i32 to index
        %swap3A_1478 = arith.index_cast %add3A_1465 : i32 to index
        %swap3A_1479 = tpu.vector_load %arg6[%swap3A_1476, %swap3A_1477, %swap3A_1478] {strides = array<i32>} : memref<4x8x2048xf32, #tpu.memory_space<vmem>>, vector<1x1x16xf32>,
        %swap3A_1480 = vector.shape_cast %swap3A_1479 : vector<1x1x16xf32> to vector<16xf32>
        %swap3A_1481 = vector.shape_cast %mul3A_1473 : vector<16xf32> to vector<1x1x16xf32>
        tpu.vector_store %arg6[%swap3A_1476, %swap3A_1477, %swap3A_1478], %swap3A_1481 {strides = array<i32>} : memref<4x8x2048xf32, #tpu.memory_space<vmem>>, vector<1x1x16xf32>,
        %add3A_1482 = arith.constant 112 : i32
        %add3A_1483 = arith.addi %mul3A_309, %add3A_1482 : i32
        %get3A_1484 = arith.constant 0 : i32
        %get3A_1485 = arith.constant 7 : i32
        %get3A_1486 = arith.index_cast %get3A_1484 : i32 to index
        %get3A_1487 = arith.index_cast %get3A_1485 : i32 to index
        %get3A_1488 = arith.index_cast %add3A_1483 : i32 to index
        %get3A_1489 = tpu.vector_load %arg6[%get3A_1486, %get3A_1487, %get3A_1488] {strides = array<i32>} : memref<4x8x2048xf32, #tpu.memory_space<vmem>>, vector<1x1x16xf32>,
        %get3A_1490 = vector.shape_cast %get3A_1489 : vector<1x1x16xf32> to vector<16xf32>
        %mul3A_1491 = arith.mulf %get3A_1490, %get3A_348 : vector<16xf32>
        %swap3A_1492 = arith.constant 0 : i32
        %swap3A_1493 = arith.constant 7 : i32
        %swap3A_1494 = arith.index_cast %swap3A_1492 : i32 to index
        %swap3A_1495 = arith.index_cast %swap3A_1493 : i32 to index
        %swap3A_1496 = arith.index_cast %add3A_1483 : i32 to index
        %swap3A_1497 = tpu.vector_load %arg6[%swap3A_1494, %swap3A_1495, %swap3A_1496] {strides = array<i32>} : memref<4x8x2048xf32, #tpu.memory_space<vmem>>, vector<1x1x16xf32>,
        %swap3A_1498 = vector.shape_cast %swap3A_1497 : vector<1x1x16xf32> to vector<16xf32>
        %swap3A_1499 = vector.shape_cast %mul3A_1491 : vector<16xf32> to vector<1x1x16xf32>
        tpu.vector_store %arg6[%swap3A_1494, %swap3A_1495, %swap3A_1496], %swap3A_1499 {strides = array<i32>} : memref<4x8x2048xf32, #tpu.memory_space<vmem>>, vector<1x1x16xf32>,
      }
      %scan3A_119 = arith.constant 16 : i32
      %dma_start3A_120 = arith.constant 0 : i32
      %dma_start3A_121 = arith.constant 0 : i32
      %dma_start3A_122 = arith.constant 0 : i32
      %dma_start3A_123 = tpu.memref_slice %arg6[%dma_start3A_120, %dma_start3A_121, %dma_start3A_122] : memref<4x8x2048xf32, #tpu.memory_space<vmem>> -> memref<1x8x2048xf32, #tpu.memory_space<vmem>>
      %dma_start3A_124 = tpu.memref_squeeze %dma_start3A_123 : memref<1x8x2048xf32, #tpu.memory_space<vmem>> -> memref<8x2048xf32, #tpu.memory_space<vmem>>
      %dma_start3A_125 = arith.constant 0 : i32
      %dma_start3A_126 = tpu.memref_slice %arg4[%add3A_86, %dma_start3A_125] : memref<32768x2048xf32, #tpu.memory_space<hbm>> -> memref<8x2048xf32, #tpu.memory_space<hbm>>
      %dma_start3A_127 = arith.constant 0 : i32
      %dma_start3A_128 = tpu.memref_slice %arg4[%add3A_86, %dma_start3A_127] : memref<32768x2048xf32, #tpu.memory_space<hbm>> -> memref<8x2048xf32, #tpu.memory_space<hbm>>
      %dma_start3A_129 = arith.constant 0 : i32
      %dma_start3A_130 = arith.constant 0 : i32
      %dma_start3A_131 = tpu.memref_slice %arg6[%dma_start3A_120, %dma_start3A_129, %dma_start3A_130] : memref<4x8x2048xf32, #tpu.memory_space<vmem>> -> memref<1x8x2048xf32, #tpu.memory_space<vmem>>
      %dma_start3A_132 = tpu.memref_squeeze %dma_start3A_131 : memref<1x8x2048xf32, #tpu.memory_space<vmem>> -> memref<8x2048xf32, #tpu.memory_space<vmem>>
      tpu.enqueue_dma source(%dma_start3A_132 : memref<8x2048xf32, #tpu.memory_space<vmem>>) target(%dma_start3A_128 : memref<8x2048xf32, #tpu.memory_space<hbm>>) target_semaphore(%arg11 : memref<!tpu.dma_semaphore, #tpu.memory_space<semaphore_mem>>)
      %mul3A_133 = arith.constant 4 : i32
      %mul3A_134 = arith.muli %scan3A_79, %mul3A_133 : i32
      %add3A_135 = arith.constant 1 : i32
      %add3A_136 = arith.addi %mul3A_134, %add3A_135 : i32
      %mul3A_137 = arith.constant 8 : i32
      %mul3A_138 = arith.muli %add3A_136, %mul3A_137 : i32
      %add3A_139 = arith.addi %mul3A_2, %mul3A_138 : i32
      %add3A_140 = arith.constant 1 : i32
      %add3A_141 = arith.addi %add3A_136, %add3A_140 : i32
      %ge3A_142 = arith.constant 4 : i32
      %ge3A_143 = arith.cmpi sge, %add3A_141, %ge3A_142 : i32
      %add3A_144 = arith.constant 1 : i32
      %add3A_145 = arith.addi %add3A_136, %add3A_144 : i32
      %lt3A_146 = arith.constant 128 : i32
      %lt3A_147 = arith.cmpi slt, %add3A_145, %lt3A_146 : i32
      %and3A_148 = arith.andi %ge3A_143, %lt3A_147 : i1
      %convert_element_type3A_149 = arith.extui %and3A_148 : i1 to i32
      %cond3A_150 = arith.constant 0 : i32
      %cond3A_151 = arith.cmpi ne, %convert_element_type3A_149, %cond3A_150 : i32
      scf.if %cond3A_151 {
        %add3A_307 = arith.constant -24 : i32
        %add3A_308 = arith.addi %add3A_139, %add3A_307 : i32
        %dma_wait3A_309 = arith.constant 2 : i32
        %dma_wait3A_310 = arith.constant 0 : i32
        %dma_wait3A_311 = arith.constant 0 : i32
        %dma_wait3A_312 = tpu.memref_slice %arg6[%dma_wait3A_309, %dma_wait3A_310, %dma_wait3A_311] : memref<4x8x2048xf32, #tpu.memory_space<vmem>> -> memref<1x8x2048xf32, #tpu.memory_space<vmem>>
        %dma_wait3A_313 = tpu.memref_squeeze %dma_wait3A_312 : memref<1x8x2048xf32, #tpu.memory_space<vmem>> -> memref<8x2048xf32, #tpu.memory_space<vmem>>
        %dma_wait3A_314 = arith.constant 0 : i32
        %dma_wait3A_315 = tpu.memref_slice %arg4[%add3A_308, %dma_wait3A_314] : memref<32768x2048xf32, #tpu.memory_space<hbm>> -> memref<8x2048xf32, #tpu.memory_space<hbm>>
        %dma_wait3A_316 = arith.constant 0 : i32
        %dma_wait3A_317 = tpu.memref_slice %arg4[%add3A_308, %dma_wait3A_316] : memref<32768x2048xf32, #tpu.memory_space<hbm>> -> memref<8x2048xf32, #tpu.memory_space<hbm>>
        %dma_wait3A_318 = arith.constant 0 : i32
        %dma_wait3A_319 = arith.constant 0 : i32
        %dma_wait3A_320 = tpu.memref_slice %arg6[%dma_wait3A_309, %dma_wait3A_318, %dma_wait3A_319] : memref<4x8x2048xf32, #tpu.memory_space<vmem>> -> memref<1x8x2048xf32, #tpu.memory_space<vmem>>
        %dma_wait3A_321 = tpu.memref_squeeze %dma_wait3A_320 : memref<1x8x2048xf32, #tpu.memory_space<vmem>> -> memref<8x2048xf32, #tpu.memory_space<vmem>>
        tpu.wait_dma2 semaphore(%arg13 : memref<!tpu.dma_semaphore, #tpu.memory_space<semaphore_mem>>) src(%dma_wait3A_321 : memref<8x2048xf32, #tpu.memory_space<vmem>>) dst(%dma_wait3A_317 : memref<8x2048xf32, #tpu.memory_space<hbm>>)
      } else {
      }
      %add3A_152 = arith.constant 1 : i32
      %add3A_153 = arith.addi %add3A_136, %add3A_152 : i32
      %lt3A_154 = arith.constant 128 : i32
      %lt3A_155 = arith.cmpi slt, %add3A_153, %lt3A_154 : i32
      %convert_element_type3A_156 = arith.extui %lt3A_155 : i1 to i32
      %cond3A_157 = arith.constant 0 : i32
      %cond3A_158 = arith.cmpi ne, %convert_element_type3A_156, %cond3A_157 : i32
      scf.if %cond3A_158 {
        %add3A_307 = arith.constant 8 : i32
        %add3A_308 = arith.addi %add3A_139, %add3A_307 : i32
        %dma_start3A_309 = arith.constant 2 : i32
        %dma_start3A_310 = arith.constant 0 : i32
        %dma_start3A_311 = arith.constant 0 : i32
        %dma_start3A_312 = tpu.memref_slice %arg6[%dma_start3A_309, %dma_start3A_310, %dma_start3A_311] : memref<4x8x2048xf32, #tpu.memory_space<vmem>> -> memref<1x8x2048xf32, #tpu.memory_space<vmem>>
        %dma_start3A_313 = tpu.memref_squeeze %dma_start3A_312 : memref<1x8x2048xf32, #tpu.memory_space<vmem>> -> memref<8x2048xf32, #tpu.memory_space<vmem>>
        %dma_start3A_314 = arith.constant 0 : i32
        %dma_start3A_315 = tpu.memref_slice %arg2[%add3A_308, %dma_start3A_314] : memref<32768x2048xf32, #tpu.memory_space<hbm>> -> memref<8x2048xf32, #tpu.memory_space<hbm>>
        %dma_start3A_316 = arith.constant 0 : i32
        %dma_start3A_317 = arith.constant 0 : i32
        %dma_start3A_318 = tpu.memref_slice %arg6[%dma_start3A_309, %dma_start3A_316, %dma_start3A_317] : memref<4x8x2048xf32, #tpu.memory_space<vmem>> -> memref<1x8x2048xf32, #tpu.memory_space<vmem>>
        %dma_start3A_319 = tpu.memref_squeeze %dma_start3A_318 : memref<1x8x2048xf32, #tpu.memory_space<vmem>> -> memref<8x2048xf32, #tpu.memory_space<vmem>>
        %dma_start3A_320 = arith.constant 0 : i32
        %dma_start3A_321 = tpu.memref_slice %arg2[%add3A_308, %dma_start3A_320] : memref<32768x2048xf32, #tpu.memory_space<hbm>> -> memref<8x2048xf32, #tpu.memory_space<hbm>>
        tpu.enqueue_dma source(%dma_start3A_321 : memref<8x2048xf32, #tpu.memory_space<hbm>>) target(%dma_start3A_319 : memref<8x2048xf32, #tpu.memory_space<vmem>>) target_semaphore(%arg9 : memref<!tpu.dma_semaphore, #tpu.memory_space<semaphore_mem>>)
      } else {
      }
      %dma_wait3A_159 = arith.constant 1 : i32
      %dma_wait3A_160 = arith.constant 0 : i32
      %dma_wait3A_161 = arith.constant 0 : i32
      %dma_wait3A_162 = tpu.memref_slice %arg6[%dma_wait3A_159, %dma_wait3A_160, %dma_wait3A_161] : memref<4x8x2048xf32, #tpu.memory_space<vmem>> -> memref<1x8x2048xf32, #tpu.memory_space<vmem>>
      %dma_wait3A_163 = tpu.memref_squeeze %dma_wait3A_162 : memref<1x8x2048xf32, #tpu.memory_space<vmem>> -> memref<8x2048xf32, #tpu.memory_space<vmem>>
      %dma_wait3A_164 = arith.constant 0 : i32
      %dma_wait3A_165 = tpu.memref_slice %arg2[%add3A_139, %dma_wait3A_164] : memref<32768x2048xf32, #tpu.memory_space<hbm>> -> memref<8x2048xf32, #tpu.memory_space<hbm>>
      %dma_wait3A_166 = arith.constant 0 : i32
      %dma_wait3A_167 = arith.constant 0 : i32
      %dma_wait3A_168 = tpu.memref_slice %arg6[%dma_wait3A_159, %dma_wait3A_166, %dma_wait3A_167] : memref<4x8x2048xf32, #tpu.memory_space<vmem>> -> memref<1x8x2048xf32, #tpu.memory_space<vmem>>
      %dma_wait3A_169 = tpu.memref_squeeze %dma_wait3A_168 : memref<1x8x2048xf32, #tpu.memory_space<vmem>> -> memref<8x2048xf32, #tpu.memory_space<vmem>>
      %dma_wait3A_170 = arith.constant 0 : i32
      %dma_wait3A_171 = tpu.memref_slice %arg2[%add3A_139, %dma_wait3A_170] : memref<32768x2048xf32, #tpu.memory_space<hbm>> -> memref<8x2048xf32, #tpu.memory_space<hbm>>
      tpu.wait_dma2 semaphore(%arg8 : memref<!tpu.dma_semaphore, #tpu.memory_space<semaphore_mem>>) src(%dma_wait3A_171 : memref<8x2048xf32, #tpu.memory_space<hbm>>) dst(%dma_wait3A_169 : memref<8x2048xf32, #tpu.memory_space<vmem>>)
      %scan3A_172 = arith.constant 0 : i32
      %scan3A_173 = arith.constant 0 : i32
      %scan3A_174 = arith.constant 16 : i32
      %scan3A_175 = arith.addi %scan3A_173, %scan3A_174 : i32
      %scan3A_176 = arith.constant 1 : i32
      scf.for %scan3A_307 = %scan3A_173 to %scan3A_175 step %scan3A_176  : i32 {
        %mul3A_308 = arith.constant 128 : i32
        %mul3A_309 = arith.muli %scan3A_307, %mul3A_308 : i32
        %add3A_310 = arith.constant 0 : i32
        %add3A_311 = arith.addi %mul3A_309, %add3A_310 : i32
        %get3A = arith.index_cast %add3A_311 : i32 to index
        %get3A_312 = tpu.vector_load %arg5[%get3A] {strides = array<i32>} : memref<2048xf32, #tpu.memory_space<vmem>>, vector<16xf32>,
        %get3A_313 = vector.shape_cast %get3A_312 : vector<16xf32> to vector<16xf32>
        %add3A_314 = arith.constant 16 : i32
        %add3A_315 = arith.addi %mul3A_309, %add3A_314 : i32
        %get3A_316 = arith.index_cast %add3A_315 : i32 to index
        %get3A_317 = tpu.vector_load %arg5[%get3A_316] {strides = array<i32>} : memref<2048xf32, #tpu.memory_space<vmem>>, vector<16xf32>,
        %get3A_318 = vector.shape_cast %get3A_317 : vector<16xf32> to vector<16xf32>
        %add3A_319 = arith.constant 32 : i32
        %add3A_320 = arith.addi %mul3A_309, %add3A_319 : i32
        %get3A_321 = arith.index_cast %add3A_320 : i32 to index
        %get3A_322 = tpu.vector_load %arg5[%get3A_321] {strides = array<i32>} : memref<2048xf32, #tpu.memory_space<vmem>>, vector<16xf32>,
        %get3A_323 = vector.shape_cast %get3A_322 : vector<16xf32> to vector<16xf32>
        %add3A_324 = arith.constant 48 : i32
        %add3A_325 = arith.addi %mul3A_309, %add3A_324 : i32
        %get3A_326 = arith.index_cast %add3A_325 : i32 to index
        %get3A_327 = tpu.vector_load %arg5[%get3A_326] {strides = array<i32>} : memref<2048xf32, #tpu.memory_space<vmem>>, vector<16xf32>,
        %get3A_328 = vector.shape_cast %get3A_327 : vector<16xf32> to vector<16xf32>
        %add3A_329 = arith.constant 64 : i32
        %add3A_330 = arith.addi %mul3A_309, %add3A_329 : i32
        %get3A_331 = arith.index_cast %add3A_330 : i32 to index
        %get3A_332 = tpu.vector_load %arg5[%get3A_331] {strides = array<i32>} : memref<2048xf32, #tpu.memory_space<vmem>>, vector<16xf32>,
        %get3A_333 = vector.shape_cast %get3A_332 : vector<16xf32> to vector<16xf32>
        %add3A_334 = arith.constant 80 : i32
        %add3A_335 = arith.addi %mul3A_309, %add3A_334 : i32
        %get3A_336 = arith.index_cast %add3A_335 : i32 to index
        %get3A_337 = tpu.vector_load %arg5[%get3A_336] {strides = array<i32>} : memref<2048xf32, #tpu.memory_space<vmem>>, vector<16xf32>,
        %get3A_338 = vector.shape_cast %get3A_337 : vector<16xf32> to vector<16xf32>
        %add3A_339 = arith.constant 96 : i32
        %add3A_340 = arith.addi %mul3A_309, %add3A_339 : i32
        %get3A_341 = arith.index_cast %add3A_340 : i32 to index
        %get3A_342 = tpu.vector_load %arg5[%get3A_341] {strides = array<i32>} : memref<2048xf32, #tpu.memory_space<vmem>>, vector<16xf32>,
        %get3A_343 = vector.shape_cast %get3A_342 : vector<16xf32> to vector<16xf32>
        %add3A_344 = arith.constant 112 : i32
        %add3A_345 = arith.addi %mul3A_309, %add3A_344 : i32
        %get3A_346 = arith.index_cast %add3A_345 : i32 to index
        %get3A_347 = tpu.vector_load %arg5[%get3A_346] {strides = array<i32>} : memref<2048xf32, #tpu.memory_space<vmem>>, vector<16xf32>,
        %get3A_348 = vector.shape_cast %get3A_347 : vector<16xf32> to vector<16xf32>
        %add3A_349 = arith.constant 0 : i32
        %add3A_350 = arith.addi %mul3A_309, %add3A_349 : i32
        %get3A_351 = arith.constant 1 : i32
        %get3A_352 = arith.constant 0 : i32
        %get3A_353 = arith.index_cast %get3A_351 : i32 to index
        %get3A_354 = arith.index_cast %get3A_352 : i32 to index
        %get3A_355 = arith.index_cast %add3A_350 : i32 to index
        %get3A_356 = tpu.vector_load %arg6[%get3A_353, %get3A_354, %get3A_355] {strides = array<i32>} : memref<4x8x2048xf32, #tpu.memory_space<vmem>>, vector<1x1x16xf32>,
        %get3A_357 = vector.shape_cast %get3A_356 : vector<1x1x16xf32> to vector<16xf32>
        %mul3A_358 = arith.mulf %get3A_357, %get3A_313 : vector<16xf32>
        %swap3A = arith.constant 1 : i32
        %swap3A_359 = arith.constant 0 : i32
        %swap3A_360 = arith.index_cast %swap3A : i32 to index
        %swap3A_361 = arith.index_cast %swap3A_359 : i32 to index
        %swap3A_362 = arith.index_cast %add3A_350 : i32 to index
        %swap3A_363 = tpu.vector_load %arg6[%swap3A_360, %swap3A_361, %swap3A_362] {strides = array<i32>} : memref<4x8x2048xf32, #tpu.memory_space<vmem>>, vector<1x1x16xf32>,
        %swap3A_364 = vector.shape_cast %swap3A_363 : vector<1x1x16xf32> to vector<16xf32>
        %swap3A_365 = vector.shape_cast %mul3A_358 : vector<16xf32> to vector<1x1x16xf32>
        tpu.vector_store %arg6[%swap3A_360, %swap3A_361, %swap3A_362], %swap3A_365 {strides = array<i32>} : memref<4x8x2048xf32, #tpu.memory_space<vmem>>, vector<1x1x16xf32>,
        %add3A_366 = arith.constant 16 : i32
        %add3A_367 = arith.addi %mul3A_309, %add3A_366 : i32
        %get3A_368 = arith.constant 1 : i32
        %get3A_369 = arith.constant 0 : i32
        %get3A_370 = arith.index_cast %get3A_368 : i32 to index
        %get3A_371 = arith.index_cast %get3A_369 : i32 to index
        %get3A_372 = arith.index_cast %add3A_367 : i32 to index
        %get3A_373 = tpu.vector_load %arg6[%get3A_370, %get3A_371, %get3A_372] {strides = array<i32>} : memref<4x8x2048xf32, #tpu.memory_space<vmem>>, vector<1x1x16xf32>,
        %get3A_374 = vector.shape_cast %get3A_373 : vector<1x1x16xf32> to vector<16xf32>
        %mul3A_375 = arith.mulf %get3A_374, %get3A_318 : vector<16xf32>
        %swap3A_376 = arith.constant 1 : i32
        %swap3A_377 = arith.constant 0 : i32
        %swap3A_378 = arith.index_cast %swap3A_376 : i32 to index
        %swap3A_379 = arith.index_cast %swap3A_377 : i32 to index
        %swap3A_380 = arith.index_cast %add3A_367 : i32 to index
        %swap3A_381 = tpu.vector_load %arg6[%swap3A_378, %swap3A_379, %swap3A_380] {strides = array<i32>} : memref<4x8x2048xf32, #tpu.memory_space<vmem>>, vector<1x1x16xf32>,
        %swap3A_382 = vector.shape_cast %swap3A_381 : vector<1x1x16xf32> to vector<16xf32>
        %swap3A_383 = vector.shape_cast %mul3A_375 : vector<16xf32> to vector<1x1x16xf32>
        tpu.vector_store %arg6[%swap3A_378, %swap3A_379, %swap3A_380], %swap3A_383 {strides = array<i32>} : memref<4x8x2048xf32, #tpu.memory_space<vmem>>, vector<1x1x16xf32>,
        %add3A_384 = arith.constant 32 : i32
        %add3A_385 = arith.addi %mul3A_309, %add3A_384 : i32
        %get3A_386 = arith.constant 1 : i32
        %get3A_387 = arith.constant 0 : i32
        %get3A_388 = arith.index_cast %get3A_386 : i32 to index
        %get3A_389 = arith.index_cast %get3A_387 : i32 to index
        %get3A_390 = arith.index_cast %add3A_385 : i32 to index
        %get3A_391 = tpu.vector_load %arg6[%get3A_388, %get3A_389, %get3A_390] {strides = array<i32>} : memref<4x8x2048xf32, #tpu.memory_space<vmem>>, vector<1x1x16xf32>,
        %get3A_392 = vector.shape_cast %get3A_391 : vector<1x1x16xf32> to vector<16xf32>
        %mul3A_393 = arith.mulf %get3A_392, %get3A_323 : vector<16xf32>
        %swap3A_394 = arith.constant 1 : i32
        %swap3A_395 = arith.constant 0 : i32
        %swap3A_396 = arith.index_cast %swap3A_394 : i32 to index
        %swap3A_397 = arith.index_cast %swap3A_395 : i32 to index
        %swap3A_398 = arith.index_cast %add3A_385 : i32 to index
        %swap3A_399 = tpu.vector_load %arg6[%swap3A_396, %swap3A_397, %swap3A_398] {strides = array<i32>} : memref<4x8x2048xf32, #tpu.memory_space<vmem>>, vector<1x1x16xf32>,
        %swap3A_400 = vector.shape_cast %swap3A_399 : vector<1x1x16xf32> to vector<16xf32>
        %swap3A_401 = vector.shape_cast %mul3A_393 : vector<16xf32> to vector<1x1x16xf32>
        tpu.vector_store %arg6[%swap3A_396, %swap3A_397, %swap3A_398], %swap3A_401 {strides = array<i32>} : memref<4x8x2048xf32, #tpu.memory_space<vmem>>, vector<1x1x16xf32>,
        %add3A_402 = arith.constant 48 : i32
        %add3A_403 = arith.addi %mul3A_309, %add3A_402 : i32
        %get3A_404 = arith.constant 1 : i32
        %get3A_405 = arith.constant 0 : i32
        %get3A_406 = arith.index_cast %get3A_404 : i32 to index
        %get3A_407 = arith.index_cast %get3A_405 : i32 to index
        %get3A_408 = arith.index_cast %add3A_403 : i32 to index
        %get3A_409 = tpu.vector_load %arg6[%get3A_406, %get3A_407, %get3A_408] {strides = array<i32>} : memref<4x8x2048xf32, #tpu.memory_space<vmem>>, vector<1x1x16xf32>,
        %get3A_410 = vector.shape_cast %get3A_409 : vector<1x1x16xf32> to vector<16xf32>
        %mul3A_411 = arith.mulf %get3A_410, %get3A_328 : vector<16xf32>
        %swap3A_412 = arith.constant 1 : i32
        %swap3A_413 = arith.constant 0 : i32
        %swap3A_414 = arith.index_cast %swap3A_412 : i32 to index
        %swap3A_415 = arith.index_cast %swap3A_413 : i32 to index
        %swap3A_416 = arith.index_cast %add3A_403 : i32 to index
        %swap3A_417 = tpu.vector_load %arg6[%swap3A_414, %swap3A_415, %swap3A_416] {strides = array<i32>} : memref<4x8x2048xf32, #tpu.memory_space<vmem>>, vector<1x1x16xf32>,
        %swap3A_418 = vector.shape_cast %swap3A_417 : vector<1x1x16xf32> to vector<16xf32>
        %swap3A_419 = vector.shape_cast %mul3A_411 : vector<16xf32> to vector<1x1x16xf32>
        tpu.vector_store %arg6[%swap3A_414, %swap3A_415, %swap3A_416], %swap3A_419 {strides = array<i32>} : memref<4x8x2048xf32, #tpu.memory_space<vmem>>, vector<1x1x16xf32>,
        %add3A_420 = arith.constant 64 : i32
        %add3A_421 = arith.addi %mul3A_309, %add3A_420 : i32
        %get3A_422 = arith.constant 1 : i32
        %get3A_423 = arith.constant 0 : i32
        %get3A_424 = arith.index_cast %get3A_422 : i32 to index
        %get3A_425 = arith.index_cast %get3A_423 : i32 to index
        %get3A_426 = arith.index_cast %add3A_421 : i32 to index
        %get3A_427 = tpu.vector_load %arg6[%get3A_424, %get3A_425, %get3A_426] {strides = array<i32>} : memref<4x8x2048xf32, #tpu.memory_space<vmem>>, vector<1x1x16xf32>,
        %get3A_428 = vector.shape_cast %get3A_427 : vector<1x1x16xf32> to vector<16xf32>
        %mul3A_429 = arith.mulf %get3A_428, %get3A_333 : vector<16xf32>
        %swap3A_430 = arith.constant 1 : i32
        %swap3A_431 = arith.constant 0 : i32
        %swap3A_432 = arith.index_cast %swap3A_430 : i32 to index
        %swap3A_433 = arith.index_cast %swap3A_431 : i32 to index
        %swap3A_434 = arith.index_cast %add3A_421 : i32 to index
        %swap3A_435 = tpu.vector_load %arg6[%swap3A_432, %swap3A_433, %swap3A_434] {strides = array<i32>} : memref<4x8x2048xf32, #tpu.memory_space<vmem>>, vector<1x1x16xf32>,
        %swap3A_436 = vector.shape_cast %swap3A_435 : vector<1x1x16xf32> to vector<16xf32>
        %swap3A_437 = vector.shape_cast %mul3A_429 : vector<16xf32> to vector<1x1x16xf32>
        tpu.vector_store %arg6[%swap3A_432, %swap3A_433, %swap3A_434], %swap3A_437 {strides = array<i32>} : memref<4x8x2048xf32, #tpu.memory_space<vmem>>, vector<1x1x16xf32>,
        %add3A_438 = arith.constant 80 : i32
        %add3A_439 = arith.addi %mul3A_309, %add3A_438 : i32
        %get3A_440 = arith.constant 1 : i32
        %get3A_441 = arith.constant 0 : i32
        %get3A_442 = arith.index_cast %get3A_440 : i32 to index
        %get3A_443 = arith.index_cast %get3A_441 : i32 to index
        %get3A_444 = arith.index_cast %add3A_439 : i32 to index
        %get3A_445 = tpu.vector_load %arg6[%get3A_442, %get3A_443, %get3A_444] {strides = array<i32>} : memref<4x8x2048xf32, #tpu.memory_space<vmem>>, vector<1x1x16xf32>,
        %get3A_446 = vector.shape_cast %get3A_445 : vector<1x1x16xf32> to vector<16xf32>
        %mul3A_447 = arith.mulf %get3A_446, %get3A_338 : vector<16xf32>
        %swap3A_448 = arith.constant 1 : i32
        %swap3A_449 = arith.constant 0 : i32
        %swap3A_450 = arith.index_cast %swap3A_448 : i32 to index
        %swap3A_451 = arith.index_cast %swap3A_449 : i32 to index
        %swap3A_452 = arith.index_cast %add3A_439 : i32 to index
        %swap3A_453 = tpu.vector_load %arg6[%swap3A_450, %swap3A_451, %swap3A_452] {strides = array<i32>} : memref<4x8x2048xf32, #tpu.memory_space<vmem>>, vector<1x1x16xf32>,
        %swap3A_454 = vector.shape_cast %swap3A_453 : vector<1x1x16xf32> to vector<16xf32>
        %swap3A_455 = vector.shape_cast %mul3A_447 : vector<16xf32> to vector<1x1x16xf32>
        tpu.vector_store %arg6[%swap3A_450, %swap3A_451, %swap3A_452], %swap3A_455 {strides = array<i32>} : memref<4x8x2048xf32, #tpu.memory_space<vmem>>, vector<1x1x16xf32>,
        %add3A_456 = arith.constant 96 : i32
        %add3A_457 = arith.addi %mul3A_309, %add3A_456 : i32
        %get3A_458 = arith.constant 1 : i32
        %get3A_459 = arith.constant 0 : i32
        %get3A_460 = arith.index_cast %get3A_458 : i32 to index
        %get3A_461 = arith.index_cast %get3A_459 : i32 to index
        %get3A_462 = arith.index_cast %add3A_457 : i32 to index
        %get3A_463 = tpu.vector_load %arg6[%get3A_460, %get3A_461, %get3A_462] {strides = array<i32>} : memref<4x8x2048xf32, #tpu.memory_space<vmem>>, vector<1x1x16xf32>,
        %get3A_464 = vector.shape_cast %get3A_463 : vector<1x1x16xf32> to vector<16xf32>
        %mul3A_465 = arith.mulf %get3A_464, %get3A_343 : vector<16xf32>
        %swap3A_466 = arith.constant 1 : i32
        %swap3A_467 = arith.constant 0 : i32
        %swap3A_468 = arith.index_cast %swap3A_466 : i32 to index
        %swap3A_469 = arith.index_cast %swap3A_467 : i32 to index
        %swap3A_470 = arith.index_cast %add3A_457 : i32 to index
        %swap3A_471 = tpu.vector_load %arg6[%swap3A_468, %swap3A_469, %swap3A_470] {strides = array<i32>} : memref<4x8x2048xf32, #tpu.memory_space<vmem>>, vector<1x1x16xf32>,
        %swap3A_472 = vector.shape_cast %swap3A_471 : vector<1x1x16xf32> to vector<16xf32>
        %swap3A_473 = vector.shape_cast %mul3A_465 : vector<16xf32> to vector<1x1x16xf32>
        tpu.vector_store %arg6[%swap3A_468, %swap3A_469, %swap3A_470], %swap3A_473 {strides = array<i32>} : memref<4x8x2048xf32, #tpu.memory_space<vmem>>, vector<1x1x16xf32>,
        %add3A_474 = arith.constant 112 : i32
        %add3A_475 = arith.addi %mul3A_309, %add3A_474 : i32
        %get3A_476 = arith.constant 1 : i32
        %get3A_477 = arith.constant 0 : i32
        %get3A_478 = arith.index_cast %get3A_476 : i32 to index
        %get3A_479 = arith.index_cast %get3A_477 : i32 to index
        %get3A_480 = arith.index_cast %add3A_475 : i32 to index
        %get3A_481 = tpu.vector_load %arg6[%get3A_478, %get3A_479, %get3A_480] {strides = array<i32>} : memref<4x8x2048xf32, #tpu.memory_space<vmem>>, vector<1x1x16xf32>,
        %get3A_482 = vector.shape_cast %get3A_481 : vector<1x1x16xf32> to vector<16xf32>
        %mul3A_483 = arith.mulf %get3A_482, %get3A_348 : vector<16xf32>
        %swap3A_484 = arith.constant 1 : i32
        %swap3A_485 = arith.constant 0 : i32
        %swap3A_486 = arith.index_cast %swap3A_484 : i32 to index
        %swap3A_487 = arith.index_cast %swap3A_485 : i32 to index
        %swap3A_488 = arith.index_cast %add3A_475 : i32 to index
        %swap3A_489 = tpu.vector_load %arg6[%swap3A_486, %swap3A_487, %swap3A_488] {strides = array<i32>} : memref<4x8x2048xf32, #tpu.memory_space<vmem>>, vector<1x1x16xf32>,
        %swap3A_490 = vector.shape_cast %swap3A_489 : vector<1x1x16xf32> to vector<16xf32>
        %swap3A_491 = vector.shape_cast %mul3A_483 : vector<16xf32> to vector<1x1x16xf32>
        tpu.vector_store %arg6[%swap3A_486, %swap3A_487, %swap3A_488], %swap3A_491 {strides = array<i32>} : memref<4x8x2048xf32, #tpu.memory_space<vmem>>, vector<1x1x16xf32>,
        %add3A_492 = arith.constant 0 : i32
        %add3A_493 = arith.addi %mul3A_309, %add3A_492 : i32
        %get3A_494 = arith.constant 1 : i32
        %get3A_495 = arith.constant 1 : i32
        %get3A_496 = arith.index_cast %get3A_494 : i32 to index
        %get3A_497 = arith.index_cast %get3A_495 : i32 to index
        %get3A_498 = arith.index_cast %add3A_493 : i32 to index
        %get3A_499 = tpu.vector_load %arg6[%get3A_496, %get3A_497, %get3A_498] {strides = array<i32>} : memref<4x8x2048xf32, #tpu.memory_space<vmem>>, vector<1x1x16xf32>,
        %get3A_500 = vector.shape_cast %get3A_499 : vector<1x1x16xf32> to vector<16xf32>
        %mul3A_501 = arith.mulf %get3A_500, %get3A_313 : vector<16xf32>
        %swap3A_502 = arith.constant 1 : i32
        %swap3A_503 = arith.constant 1 : i32
        %swap3A_504 = arith.index_cast %swap3A_502 : i32 to index
        %swap3A_505 = arith.index_cast %swap3A_503 : i32 to index
        %swap3A_506 = arith.index_cast %add3A_493 : i32 to index
        %swap3A_507 = tpu.vector_load %arg6[%swap3A_504, %swap3A_505, %swap3A_506] {strides = array<i32>} : memref<4x8x2048xf32, #tpu.memory_space<vmem>>, vector<1x1x16xf32>,
        %swap3A_508 = vector.shape_cast %swap3A_507 : vector<1x1x16xf32> to vector<16xf32>
        %swap3A_509 = vector.shape_cast %mul3A_501 : vector<16xf32> to vector<1x1x16xf32>
        tpu.vector_store %arg6[%swap3A_504, %swap3A_505, %swap3A_506], %swap3A_509 {strides = array<i32>} : memref<4x8x2048xf32, #tpu.memory_space<vmem>>, vector<1x1x16xf32>,
        %add3A_510 = arith.constant 16 : i32
        %add3A_511 = arith.addi %mul3A_309, %add3A_510 : i32
        %get3A_512 = arith.constant 1 : i32
        %get3A_513 = arith.constant 1 : i32
        %get3A_514 = arith.index_cast %get3A_512 : i32 to index
        %get3A_515 = arith.index_cast %get3A_513 : i32 to index
        %get3A_516 = arith.index_cast %add3A_511 : i32 to index
        %get3A_517 = tpu.vector_load %arg6[%get3A_514, %get3A_515, %get3A_516] {strides = array<i32>} : memref<4x8x2048xf32, #tpu.memory_space<vmem>>, vector<1x1x16xf32>,
        %get3A_518 = vector.shape_cast %get3A_517 : vector<1x1x16xf32> to vector<16xf32>
        %mul3A_519 = arith.mulf %get3A_518, %get3A_318 : vector<16xf32>
        %swap3A_520 = arith.constant 1 : i32
        %swap3A_521 = arith.constant 1 : i32
        %swap3A_522 = arith.index_cast %swap3A_520 : i32 to index
        %swap3A_523 = arith.index_cast %swap3A_521 : i32 to index
        %swap3A_524 = arith.index_cast %add3A_511 : i32 to index
        %swap3A_525 = tpu.vector_load %arg6[%swap3A_522, %swap3A_523, %swap3A_524] {strides = array<i32>} : memref<4x8x2048xf32, #tpu.memory_space<vmem>>, vector<1x1x16xf32>,
        %swap3A_526 = vector.shape_cast %swap3A_525 : vector<1x1x16xf32> to vector<16xf32>
        %swap3A_527 = vector.shape_cast %mul3A_519 : vector<16xf32> to vector<1x1x16xf32>
        tpu.vector_store %arg6[%swap3A_522, %swap3A_523, %swap3A_524], %swap3A_527 {strides = array<i32>} : memref<4x8x2048xf32, #tpu.memory_space<vmem>>, vector<1x1x16xf32>,
        %add3A_528 = arith.constant 32 : i32
        %add3A_529 = arith.addi %mul3A_309, %add3A_528 : i32
        %get3A_530 = arith.constant 1 : i32
        %get3A_531 = arith.constant 1 : i32
        %get3A_532 = arith.index_cast %get3A_530 : i32 to index
        %get3A_533 = arith.index_cast %get3A_531 : i32 to index
        %get3A_534 = arith.index_cast %add3A_529 : i32 to index
        %get3A_535 = tpu.vector_load %arg6[%get3A_532, %get3A_533, %get3A_534] {strides = array<i32>} : memref<4x8x2048xf32, #tpu.memory_space<vmem>>, vector<1x1x16xf32>,
        %get3A_536 = vector.shape_cast %get3A_535 : vector<1x1x16xf32> to vector<16xf32>
        %mul3A_537 = arith.mulf %get3A_536, %get3A_323 : vector<16xf32>
        %swap3A_538 = arith.constant 1 : i32
        %swap3A_539 = arith.constant 1 : i32
        %swap3A_540 = arith.index_cast %swap3A_538 : i32 to index
        %swap3A_541 = arith.index_cast %swap3A_539 : i32 to index
        %swap3A_542 = arith.index_cast %add3A_529 : i32 to index
        %swap3A_543 = tpu.vector_load %arg6[%swap3A_540, %swap3A_541, %swap3A_542] {strides = array<i32>} : memref<4x8x2048xf32, #tpu.memory_space<vmem>>, vector<1x1x16xf32>,
        %swap3A_544 = vector.shape_cast %swap3A_543 : vector<1x1x16xf32> to vector<16xf32>
        %swap3A_545 = vector.shape_cast %mul3A_537 : vector<16xf32> to vector<1x1x16xf32>
        tpu.vector_store %arg6[%swap3A_540, %swap3A_541, %swap3A_542], %swap3A_545 {strides = array<i32>} : memref<4x8x2048xf32, #tpu.memory_space<vmem>>, vector<1x1x16xf32>,
        %add3A_546 = arith.constant 48 : i32
        %add3A_547 = arith.addi %mul3A_309, %add3A_546 : i32
        %get3A_548 = arith.constant 1 : i32
        %get3A_549 = arith.constant 1 : i32
        %get3A_550 = arith.index_cast %get3A_548 : i32 to index
        %get3A_551 = arith.index_cast %get3A_549 : i32 to index
        %get3A_552 = arith.index_cast %add3A_547 : i32 to index
        %get3A_553 = tpu.vector_load %arg6[%get3A_550, %get3A_551, %get3A_552] {strides = array<i32>} : memref<4x8x2048xf32, #tpu.memory_space<vmem>>, vector<1x1x16xf32>,
        %get3A_554 = vector.shape_cast %get3A_553 : vector<1x1x16xf32> to vector<16xf32>
        %mul3A_555 = arith.mulf %get3A_554, %get3A_328 : vector<16xf32>
        %swap3A_556 = arith.constant 1 : i32
        %swap3A_557 = arith.constant 1 : i32
        %swap3A_558 = arith.index_cast %swap3A_556 : i32 to index
        %swap3A_559 = arith.index_cast %swap3A_557 : i32 to index
        %swap3A_560 = arith.index_cast %add3A_547 : i32 to index
        %swap3A_561 = tpu.vector_load %arg6[%swap3A_558, %swap3A_559, %swap3A_560] {strides = array<i32>} : memref<4x8x2048xf32, #tpu.memory_space<vmem>>, vector<1x1x16xf32>,
        %swap3A_562 = vector.shape_cast %swap3A_561 : vector<1x1x16xf32> to vector<16xf32>
        %swap3A_563 = vector.shape_cast %mul3A_555 : vector<16xf32> to vector<1x1x16xf32>
        tpu.vector_store %arg6[%swap3A_558, %swap3A_559, %swap3A_560], %swap3A_563 {strides = array<i32>} : memref<4x8x2048xf32, #tpu.memory_space<vmem>>, vector<1x1x16xf32>,
        %add3A_564 = arith.constant 64 : i32
        %add3A_565 = arith.addi %mul3A_309, %add3A_564 : i32
        %get3A_566 = arith.constant 1 : i32
        %get3A_567 = arith.constant 1 : i32
        %get3A_568 = arith.index_cast %get3A_566 : i32 to index
        %get3A_569 = arith.index_cast %get3A_567 : i32 to index
        %get3A_570 = arith.index_cast %add3A_565 : i32 to index
        %get3A_571 = tpu.vector_load %arg6[%get3A_568, %get3A_569, %get3A_570] {strides = array<i32>} : memref<4x8x2048xf32, #tpu.memory_space<vmem>>, vector<1x1x16xf32>,
        %get3A_572 = vector.shape_cast %get3A_571 : vector<1x1x16xf32> to vector<16xf32>
        %mul3A_573 = arith.mulf %get3A_572, %get3A_333 : vector<16xf32>
        %swap3A_574 = arith.constant 1 : i32
        %swap3A_575 = arith.constant 1 : i32
        %swap3A_576 = arith.index_cast %swap3A_574 : i32 to index
        %swap3A_577 = arith.index_cast %swap3A_575 : i32 to index
        %swap3A_578 = arith.index_cast %add3A_565 : i32 to index
        %swap3A_579 = tpu.vector_load %arg6[%swap3A_576, %swap3A_577, %swap3A_578] {strides = array<i32>} : memref<4x8x2048xf32, #tpu.memory_space<vmem>>, vector<1x1x16xf32>,
        %swap3A_580 = vector.shape_cast %swap3A_579 : vector<1x1x16xf32> to vector<16xf32>
        %swap3A_581 = vector.shape_cast %mul3A_573 : vector<16xf32> to vector<1x1x16xf32>
        tpu.vector_store %arg6[%swap3A_576, %swap3A_577, %swap3A_578], %swap3A_581 {strides = array<i32>} : memref<4x8x2048xf32, #tpu.memory_space<vmem>>, vector<1x1x16xf32>,
        %add3A_582 = arith.constant 80 : i32
        %add3A_583 = arith.addi %mul3A_309, %add3A_582 : i32
        %get3A_584 = arith.constant 1 : i32
        %get3A_585 = arith.constant 1 : i32
        %get3A_586 = arith.index_cast %get3A_584 : i32 to index
        %get3A_587 = arith.index_cast %get3A_585 : i32 to index
        %get3A_588 = arith.index_cast %add3A_583 : i32 to index
        %get3A_589 = tpu.vector_load %arg6[%get3A_586, %get3A_587, %get3A_588] {strides = array<i32>} : memref<4x8x2048xf32, #tpu.memory_space<vmem>>, vector<1x1x16xf32>,
        %get3A_590 = vector.shape_cast %get3A_589 : vector<1x1x16xf32> to vector<16xf32>
        %mul3A_591 = arith.mulf %get3A_590, %get3A_338 : vector<16xf32>
        %swap3A_592 = arith.constant 1 : i32
        %swap3A_593 = arith.constant 1 : i32
        %swap3A_594 = arith.index_cast %swap3A_592 : i32 to index
        %swap3A_595 = arith.index_cast %swap3A_593 : i32 to index
        %swap3A_596 = arith.index_cast %add3A_583 : i32 to index
        %swap3A_597 = tpu.vector_load %arg6[%swap3A_594, %swap3A_595, %swap3A_596] {strides = array<i32>} : memref<4x8x2048xf32, #tpu.memory_space<vmem>>, vector<1x1x16xf32>,
        %swap3A_598 = vector.shape_cast %swap3A_597 : vector<1x1x16xf32> to vector<16xf32>
        %swap3A_599 = vector.shape_cast %mul3A_591 : vector<16xf32> to vector<1x1x16xf32>
        tpu.vector_store %arg6[%swap3A_594, %swap3A_595, %swap3A_596], %swap3A_599 {strides = array<i32>} : memref<4x8x2048xf32, #tpu.memory_space<vmem>>, vector<1x1x16xf32>,
        %add3A_600 = arith.constant 96 : i32
        %add3A_601 = arith.addi %mul3A_309, %add3A_600 : i32
        %get3A_602 = arith.constant 1 : i32
        %get3A_603 = arith.constant 1 : i32
        %get3A_604 = arith.index_cast %get3A_602 : i32 to index
        %get3A_605 = arith.index_cast %get3A_603 : i32 to index
        %get3A_606 = arith.index_cast %add3A_601 : i32 to index
        %get3A_607 = tpu.vector_load %arg6[%get3A_604, %get3A_605, %get3A_606] {strides = array<i32>} : memref<4x8x2048xf32, #tpu.memory_space<vmem>>, vector<1x1x16xf32>,
        %get3A_608 = vector.shape_cast %get3A_607 : vector<1x1x16xf32> to vector<16xf32>
        %mul3A_609 = arith.mulf %get3A_608, %get3A_343 : vector<16xf32>
        %swap3A_610 = arith.constant 1 : i32
        %swap3A_611 = arith.constant 1 : i32
        %swap3A_612 = arith.index_cast %swap3A_610 : i32 to index
        %swap3A_613 = arith.index_cast %swap3A_611 : i32 to index
        %swap3A_614 = arith.index_cast %add3A_601 : i32 to index
        %swap3A_615 = tpu.vector_load %arg6[%swap3A_612, %swap3A_613, %swap3A_614] {strides = array<i32>} : memref<4x8x2048xf32, #tpu.memory_space<vmem>>, vector<1x1x16xf32>,
        %swap3A_616 = vector.shape_cast %swap3A_615 : vector<1x1x16xf32> to vector<16xf32>
        %swap3A_617 = vector.shape_cast %mul3A_609 : vector<16xf32> to vector<1x1x16xf32>
        tpu.vector_store %arg6[%swap3A_612, %swap3A_613, %swap3A_614], %swap3A_617 {strides = array<i32>} : memref<4x8x2048xf32, #tpu.memory_space<vmem>>, vector<1x1x16xf32>,
        %add3A_618 = arith.constant 112 : i32
        %add3A_619 = arith.addi %mul3A_309, %add3A_618 : i32
        %get3A_620 = arith.constant 1 : i32
        %get3A_621 = arith.constant 1 : i32
        %get3A_622 = arith.index_cast %get3A_620 : i32 to index
        %get3A_623 = arith.index_cast %get3A_621 : i32 to index
        %get3A_624 = arith.index_cast %add3A_619 : i32 to index
        %get3A_625 = tpu.vector_load %arg6[%get3A_622, %get3A_623, %get3A_624] {strides = array<i32>} : memref<4x8x2048xf32, #tpu.memory_space<vmem>>, vector<1x1x16xf32>,
        %get3A_626 = vector.shape_cast %get3A_625 : vector<1x1x16xf32> to vector<16xf32>
        %mul3A_627 = arith.mulf %get3A_626, %get3A_348 : vector<16xf32>
        %swap3A_628 = arith.constant 1 : i32
        %swap3A_629 = arith.constant 1 : i32
        %swap3A_630 = arith.index_cast %swap3A_628 : i32 to index
        %swap3A_631 = arith.index_cast %swap3A_629 : i32 to index
        %swap3A_632 = arith.index_cast %add3A_619 : i32 to index
        %swap3A_633 = tpu.vector_load %arg6[%swap3A_630, %swap3A_631, %swap3A_632] {strides = array<i32>} : memref<4x8x2048xf32, #tpu.memory_space<vmem>>, vector<1x1x16xf32>,
        %swap3A_634 = vector.shape_cast %swap3A_633 : vector<1x1x16xf32> to vector<16xf32>
        %swap3A_635 = vector.shape_cast %mul3A_627 : vector<16xf32> to vector<1x1x16xf32>
        tpu.vector_store %arg6[%swap3A_630, %swap3A_631, %swap3A_632], %swap3A_635 {strides = array<i32>} : memref<4x8x2048xf32, #tpu.memory_space<vmem>>, vector<1x1x16xf32>,
        %add3A_636 = arith.constant 0 : i32
        %add3A_637 = arith.addi %mul3A_309, %add3A_636 : i32
        %get3A_638 = arith.constant 1 : i32
        %get3A_639 = arith.constant 2 : i32
        %get3A_640 = arith.index_cast %get3A_638 : i32 to index
        %get3A_641 = arith.index_cast %get3A_639 : i32 to index
        %get3A_642 = arith.index_cast %add3A_637 : i32 to index
        %get3A_643 = tpu.vector_load %arg6[%get3A_640, %get3A_641, %get3A_642] {strides = array<i32>} : memref<4x8x2048xf32, #tpu.memory_space<vmem>>, vector<1x1x16xf32>,
        %get3A_644 = vector.shape_cast %get3A_643 : vector<1x1x16xf32> to vector<16xf32>
        %mul3A_645 = arith.mulf %get3A_644, %get3A_313 : vector<16xf32>
        %swap3A_646 = arith.constant 1 : i32
        %swap3A_647 = arith.constant 2 : i32
        %swap3A_648 = arith.index_cast %swap3A_646 : i32 to index
        %swap3A_649 = arith.index_cast %swap3A_647 : i32 to index
        %swap3A_650 = arith.index_cast %add3A_637 : i32 to index
        %swap3A_651 = tpu.vector_load %arg6[%swap3A_648, %swap3A_649, %swap3A_650] {strides = array<i32>} : memref<4x8x2048xf32, #tpu.memory_space<vmem>>, vector<1x1x16xf32>,
        %swap3A_652 = vector.shape_cast %swap3A_651 : vector<1x1x16xf32> to vector<16xf32>
        %swap3A_653 = vector.shape_cast %mul3A_645 : vector<16xf32> to vector<1x1x16xf32>
        tpu.vector_store %arg6[%swap3A_648, %swap3A_649, %swap3A_650], %swap3A_653 {strides = array<i32>} : memref<4x8x2048xf32, #tpu.memory_space<vmem>>, vector<1x1x16xf32>,
        %add3A_654 = arith.constant 16 : i32
        %add3A_655 = arith.addi %mul3A_309, %add3A_654 : i32
        %get3A_656 = arith.constant 1 : i32
        %get3A_657 = arith.constant 2 : i32
        %get3A_658 = arith.index_cast %get3A_656 : i32 to index
        %get3A_659 = arith.index_cast %get3A_657 : i32 to index
        %get3A_660 = arith.index_cast %add3A_655 : i32 to index
        %get3A_661 = tpu.vector_load %arg6[%get3A_658, %get3A_659, %get3A_660] {strides = array<i32>} : memref<4x8x2048xf32, #tpu.memory_space<vmem>>, vector<1x1x16xf32>,
        %get3A_662 = vector.shape_cast %get3A_661 : vector<1x1x16xf32> to vector<16xf32>
        %mul3A_663 = arith.mulf %get3A_662, %get3A_318 : vector<16xf32>
        %swap3A_664 = arith.constant 1 : i32
        %swap3A_665 = arith.constant 2 : i32
        %swap3A_666 = arith.index_cast %swap3A_664 : i32 to index
        %swap3A_667 = arith.index_cast %swap3A_665 : i32 to index
        %swap3A_668 = arith.index_cast %add3A_655 : i32 to index
        %swap3A_669 = tpu.vector_load %arg6[%swap3A_666, %swap3A_667, %swap3A_668] {strides = array<i32>} : memref<4x8x2048xf32, #tpu.memory_space<vmem>>, vector<1x1x16xf32>,
        %swap3A_670 = vector.shape_cast %swap3A_669 : vector<1x1x16xf32> to vector<16xf32>
        %swap3A_671 = vector.shape_cast %mul3A_663 : vector<16xf32> to vector<1x1x16xf32>
        tpu.vector_store %arg6[%swap3A_666, %swap3A_667, %swap3A_668], %swap3A_671 {strides = array<i32>} : memref<4x8x2048xf32, #tpu.memory_space<vmem>>, vector<1x1x16xf32>,
        %add3A_672 = arith.constant 32 : i32
        %add3A_673 = arith.addi %mul3A_309, %add3A_672 : i32
        %get3A_674 = arith.constant 1 : i32
        %get3A_675 = arith.constant 2 : i32
        %get3A_676 = arith.index_cast %get3A_674 : i32 to index
        %get3A_677 = arith.index_cast %get3A_675 : i32 to index
        %get3A_678 = arith.index_cast %add3A_673 : i32 to index
        %get3A_679 = tpu.vector_load %arg6[%get3A_676, %get3A_677, %get3A_678] {strides = array<i32>} : memref<4x8x2048xf32, #tpu.memory_space<vmem>>, vector<1x1x16xf32>,
        %get3A_680 = vector.shape_cast %get3A_679 : vector<1x1x16xf32> to vector<16xf32>
        %mul3A_681 = arith.mulf %get3A_680, %get3A_323 : vector<16xf32>
        %swap3A_682 = arith.constant 1 : i32
        %swap3A_683 = arith.constant 2 : i32
        %swap3A_684 = arith.index_cast %swap3A_682 : i32 to index
        %swap3A_685 = arith.index_cast %swap3A_683 : i32 to index
        %swap3A_686 = arith.index_cast %add3A_673 : i32 to index
        %swap3A_687 = tpu.vector_load %arg6[%swap3A_684, %swap3A_685, %swap3A_686] {strides = array<i32>} : memref<4x8x2048xf32, #tpu.memory_space<vmem>>, vector<1x1x16xf32>,
        %swap3A_688 = vector.shape_cast %swap3A_687 : vector<1x1x16xf32> to vector<16xf32>
        %swap3A_689 = vector.shape_cast %mul3A_681 : vector<16xf32> to vector<1x1x16xf32>
        tpu.vector_store %arg6[%swap3A_684, %swap3A_685, %swap3A_686], %swap3A_689 {strides = array<i32>} : memref<4x8x2048xf32, #tpu.memory_space<vmem>>, vector<1x1x16xf32>,
        %add3A_690 = arith.constant 48 : i32
        %add3A_691 = arith.addi %mul3A_309, %add3A_690 : i32
        %get3A_692 = arith.constant 1 : i32
        %get3A_693 = arith.constant 2 : i32
        %get3A_694 = arith.index_cast %get3A_692 : i32 to index
        %get3A_695 = arith.index_cast %get3A_693 : i32 to index
        %get3A_696 = arith.index_cast %add3A_691 : i32 to index
        %get3A_697 = tpu.vector_load %arg6[%get3A_694, %get3A_695, %get3A_696] {strides = array<i32>} : memref<4x8x2048xf32, #tpu.memory_space<vmem>>, vector<1x1x16xf32>,
        %get3A_698 = vector.shape_cast %get3A_697 : vector<1x1x16xf32> to vector<16xf32>
        %mul3A_699 = arith.mulf %get3A_698, %get3A_328 : vector<16xf32>
        %swap3A_700 = arith.constant 1 : i32
        %swap3A_701 = arith.constant 2 : i32
        %swap3A_702 = arith.index_cast %swap3A_700 : i32 to index
        %swap3A_703 = arith.index_cast %swap3A_701 : i32 to index
        %swap3A_704 = arith.index_cast %add3A_691 : i32 to index
        %swap3A_705 = tpu.vector_load %arg6[%swap3A_702, %swap3A_703, %swap3A_704] {strides = array<i32>} : memref<4x8x2048xf32, #tpu.memory_space<vmem>>, vector<1x1x16xf32>,
        %swap3A_706 = vector.shape_cast %swap3A_705 : vector<1x1x16xf32> to vector<16xf32>
        %swap3A_707 = vector.shape_cast %mul3A_699 : vector<16xf32> to vector<1x1x16xf32>
        tpu.vector_store %arg6[%swap3A_702, %swap3A_703, %swap3A_704], %swap3A_707 {strides = array<i32>} : memref<4x8x2048xf32, #tpu.memory_space<vmem>>, vector<1x1x16xf32>,
        %add3A_708 = arith.constant 64 : i32
        %add3A_709 = arith.addi %mul3A_309, %add3A_708 : i32
        %get3A_710 = arith.constant 1 : i32
        %get3A_711 = arith.constant 2 : i32
        %get3A_712 = arith.index_cast %get3A_710 : i32 to index
        %get3A_713 = arith.index_cast %get3A_711 : i32 to index
        %get3A_714 = arith.index_cast %add3A_709 : i32 to index
        %get3A_715 = tpu.vector_load %arg6[%get3A_712, %get3A_713, %get3A_714] {strides = array<i32>} : memref<4x8x2048xf32, #tpu.memory_space<vmem>>, vector<1x1x16xf32>,
        %get3A_716 = vector.shape_cast %get3A_715 : vector<1x1x16xf32> to vector<16xf32>
        %mul3A_717 = arith.mulf %get3A_716, %get3A_333 : vector<16xf32>
        %swap3A_718 = arith.constant 1 : i32
        %swap3A_719 = arith.constant 2 : i32
        %swap3A_720 = arith.index_cast %swap3A_718 : i32 to index
        %swap3A_721 = arith.index_cast %swap3A_719 : i32 to index
        %swap3A_722 = arith.index_cast %add3A_709 : i32 to index
        %swap3A_723 = tpu.vector_load %arg6[%swap3A_720, %swap3A_721, %swap3A_722] {strides = array<i32>} : memref<4x8x2048xf32, #tpu.memory_space<vmem>>, vector<1x1x16xf32>,
        %swap3A_724 = vector.shape_cast %swap3A_723 : vector<1x1x16xf32> to vector<16xf32>
        %swap3A_725 = vector.shape_cast %mul3A_717 : vector<16xf32> to vector<1x1x16xf32>
        tpu.vector_store %arg6[%swap3A_720, %swap3A_721, %swap3A_722], %swap3A_725 {strides = array<i32>} : memref<4x8x2048xf32, #tpu.memory_space<vmem>>, vector<1x1x16xf32>,
        %add3A_726 = arith.constant 80 : i32
        %add3A_727 = arith.addi %mul3A_309, %add3A_726 : i32
        %get3A_728 = arith.constant 1 : i32
        %get3A_729 = arith.constant 2 : i32
        %get3A_730 = arith.index_cast %get3A_728 : i32 to index
        %get3A_731 = arith.index_cast %get3A_729 : i32 to index
        %get3A_732 = arith.index_cast %add3A_727 : i32 to index
        %get3A_733 = tpu.vector_load %arg6[%get3A_730, %get3A_731, %get3A_732] {strides = array<i32>} : memref<4x8x2048xf32, #tpu.memory_space<vmem>>, vector<1x1x16xf32>,
        %get3A_734 = vector.shape_cast %get3A_733 : vector<1x1x16xf32> to vector<16xf32>
        %mul3A_735 = arith.mulf %get3A_734, %get3A_338 : vector<16xf32>
        %swap3A_736 = arith.constant 1 : i32
        %swap3A_737 = arith.constant 2 : i32
        %swap3A_738 = arith.index_cast %swap3A_736 : i32 to index
        %swap3A_739 = arith.index_cast %swap3A_737 : i32 to index
        %swap3A_740 = arith.index_cast %add3A_727 : i32 to index
        %swap3A_741 = tpu.vector_load %arg6[%swap3A_738, %swap3A_739, %swap3A_740] {strides = array<i32>} : memref<4x8x2048xf32, #tpu.memory_space<vmem>>, vector<1x1x16xf32>,
        %swap3A_742 = vector.shape_cast %swap3A_741 : vector<1x1x16xf32> to vector<16xf32>
        %swap3A_743 = vector.shape_cast %mul3A_735 : vector<16xf32> to vector<1x1x16xf32>
        tpu.vector_store %arg6[%swap3A_738, %swap3A_739, %swap3A_740], %swap3A_743 {strides = array<i32>} : memref<4x8x2048xf32, #tpu.memory_space<vmem>>, vector<1x1x16xf32>,
        %add3A_744 = arith.constant 96 : i32
        %add3A_745 = arith.addi %mul3A_309, %add3A_744 : i32
        %get3A_746 = arith.constant 1 : i32
        %get3A_747 = arith.constant 2 : i32
        %get3A_748 = arith.index_cast %get3A_746 : i32 to index
        %get3A_749 = arith.index_cast %get3A_747 : i32 to index
        %get3A_750 = arith.index_cast %add3A_745 : i32 to index
        %get3A_751 = tpu.vector_load %arg6[%get3A_748, %get3A_749, %get3A_750] {strides = array<i32>} : memref<4x8x2048xf32, #tpu.memory_space<vmem>>, vector<1x1x16xf32>,
        %get3A_752 = vector.shape_cast %get3A_751 : vector<1x1x16xf32> to vector<16xf32>
        %mul3A_753 = arith.mulf %get3A_752, %get3A_343 : vector<16xf32>
        %swap3A_754 = arith.constant 1 : i32
        %swap3A_755 = arith.constant 2 : i32
        %swap3A_756 = arith.index_cast %swap3A_754 : i32 to index
        %swap3A_757 = arith.index_cast %swap3A_755 : i32 to index
        %swap3A_758 = arith.index_cast %add3A_745 : i32 to index
        %swap3A_759 = tpu.vector_load %arg6[%swap3A_756, %swap3A_757, %swap3A_758] {strides = array<i32>} : memref<4x8x2048xf32, #tpu.memory_space<vmem>>, vector<1x1x16xf32>,
        %swap3A_760 = vector.shape_cast %swap3A_759 : vector<1x1x16xf32> to vector<16xf32>
        %swap3A_761 = vector.shape_cast %mul3A_753 : vector<16xf32> to vector<1x1x16xf32>
        tpu.vector_store %arg6[%swap3A_756, %swap3A_757, %swap3A_758], %swap3A_761 {strides = array<i32>} : memref<4x8x2048xf32, #tpu.memory_space<vmem>>, vector<1x1x16xf32>,
        %add3A_762 = arith.constant 112 : i32
        %add3A_763 = arith.addi %mul3A_309, %add3A_762 : i32
        %get3A_764 = arith.constant 1 : i32
        %get3A_765 = arith.constant 2 : i32
        %get3A_766 = arith.index_cast %get3A_764 : i32 to index
        %get3A_767 = arith.index_cast %get3A_765 : i32 to index
        %get3A_768 = arith.index_cast %add3A_763 : i32 to index
        %get3A_769 = tpu.vector_load %arg6[%get3A_766, %get3A_767, %get3A_768] {strides = array<i32>} : memref<4x8x2048xf32, #tpu.memory_space<vmem>>, vector<1x1x16xf32>,
        %get3A_770 = vector.shape_cast %get3A_769 : vector<1x1x16xf32> to vector<16xf32>
        %mul3A_771 = arith.mulf %get3A_770, %get3A_348 : vector<16xf32>
        %swap3A_772 = arith.constant 1 : i32
        %swap3A_773 = arith.constant 2 : i32
        %swap3A_774 = arith.index_cast %swap3A_772 : i32 to index
        %swap3A_775 = arith.index_cast %swap3A_773 : i32 to index
        %swap3A_776 = arith.index_cast %add3A_763 : i32 to index
        %swap3A_777 = tpu.vector_load %arg6[%swap3A_774, %swap3A_775, %swap3A_776] {strides = array<i32>} : memref<4x8x2048xf32, #tpu.memory_space<vmem>>, vector<1x1x16xf32>,
        %swap3A_778 = vector.shape_cast %swap3A_777 : vector<1x1x16xf32> to vector<16xf32>
        %swap3A_779 = vector.shape_cast %mul3A_771 : vector<16xf32> to vector<1x1x16xf32>
        tpu.vector_store %arg6[%swap3A_774, %swap3A_775, %swap3A_776], %swap3A_779 {strides = array<i32>} : memref<4x8x2048xf32, #tpu.memory_space<vmem>>, vector<1x1x16xf32>,
        %add3A_780 = arith.constant 0 : i32
        %add3A_781 = arith.addi %mul3A_309, %add3A_780 : i32
        %get3A_782 = arith.constant 1 : i32
        %get3A_783 = arith.constant 3 : i32
        %get3A_784 = arith.index_cast %get3A_782 : i32 to index
        %get3A_785 = arith.index_cast %get3A_783 : i32 to index
        %get3A_786 = arith.index_cast %add3A_781 : i32 to index
        %get3A_787 = tpu.vector_load %arg6[%get3A_784, %get3A_785, %get3A_786] {strides = array<i32>} : memref<4x8x2048xf32, #tpu.memory_space<vmem>>, vector<1x1x16xf32>,
        %get3A_788 = vector.shape_cast %get3A_787 : vector<1x1x16xf32> to vector<16xf32>
        %mul3A_789 = arith.mulf %get3A_788, %get3A_313 : vector<16xf32>
        %swap3A_790 = arith.constant 1 : i32
        %swap3A_791 = arith.constant 3 : i32
        %swap3A_792 = arith.index_cast %swap3A_790 : i32 to index
        %swap3A_793 = arith.index_cast %swap3A_791 : i32 to index
        %swap3A_794 = arith.index_cast %add3A_781 : i32 to index
        %swap3A_795 = tpu.vector_load %arg6[%swap3A_792, %swap3A_793, %swap3A_794] {strides = array<i32>} : memref<4x8x2048xf32, #tpu.memory_space<vmem>>, vector<1x1x16xf32>,
        %swap3A_796 = vector.shape_cast %swap3A_795 : vector<1x1x16xf32> to vector<16xf32>
        %swap3A_797 = vector.shape_cast %mul3A_789 : vector<16xf32> to vector<1x1x16xf32>
        tpu.vector_store %arg6[%swap3A_792, %swap3A_793, %swap3A_794], %swap3A_797 {strides = array<i32>} : memref<4x8x2048xf32, #tpu.memory_space<vmem>>, vector<1x1x16xf32>,
        %add3A_798 = arith.constant 16 : i32
        %add3A_799 = arith.addi %mul3A_309, %add3A_798 : i32
        %get3A_800 = arith.constant 1 : i32
        %get3A_801 = arith.constant 3 : i32
        %get3A_802 = arith.index_cast %get3A_800 : i32 to index
        %get3A_803 = arith.index_cast %get3A_801 : i32 to index
        %get3A_804 = arith.index_cast %add3A_799 : i32 to index
        %get3A_805 = tpu.vector_load %arg6[%get3A_802, %get3A_803, %get3A_804] {strides = array<i32>} : memref<4x8x2048xf32, #tpu.memory_space<vmem>>, vector<1x1x16xf32>,
        %get3A_806 = vector.shape_cast %get3A_805 : vector<1x1x16xf32> to vector<16xf32>
        %mul3A_807 = arith.mulf %get3A_806, %get3A_318 : vector<16xf32>
        %swap3A_808 = arith.constant 1 : i32
        %swap3A_809 = arith.constant 3 : i32
        %swap3A_810 = arith.index_cast %swap3A_808 : i32 to index
        %swap3A_811 = arith.index_cast %swap3A_809 : i32 to index
        %swap3A_812 = arith.index_cast %add3A_799 : i32 to index
        %swap3A_813 = tpu.vector_load %arg6[%swap3A_810, %swap3A_811, %swap3A_812] {strides = array<i32>} : memref<4x8x2048xf32, #tpu.memory_space<vmem>>, vector<1x1x16xf32>,
        %swap3A_814 = vector.shape_cast %swap3A_813 : vector<1x1x16xf32> to vector<16xf32>
        %swap3A_815 = vector.shape_cast %mul3A_807 : vector<16xf32> to vector<1x1x16xf32>
        tpu.vector_store %arg6[%swap3A_810, %swap3A_811, %swap3A_812], %swap3A_815 {strides = array<i32>} : memref<4x8x2048xf32, #tpu.memory_space<vmem>>, vector<1x1x16xf32>,
        %add3A_816 = arith.constant 32 : i32
        %add3A_817 = arith.addi %mul3A_309, %add3A_816 : i32
        %get3A_818 = arith.constant 1 : i32
        %get3A_819 = arith.constant 3 : i32
        %get3A_820 = arith.index_cast %get3A_818 : i32 to index
        %get3A_821 = arith.index_cast %get3A_819 : i32 to index
        %get3A_822 = arith.index_cast %add3A_817 : i32 to index
        %get3A_823 = tpu.vector_load %arg6[%get3A_820, %get3A_821, %get3A_822] {strides = array<i32>} : memref<4x8x2048xf32, #tpu.memory_space<vmem>>, vector<1x1x16xf32>,
        %get3A_824 = vector.shape_cast %get3A_823 : vector<1x1x16xf32> to vector<16xf32>
        %mul3A_825 = arith.mulf %get3A_824, %get3A_323 : vector<16xf32>
        %swap3A_826 = arith.constant 1 : i32
        %swap3A_827 = arith.constant 3 : i32
        %swap3A_828 = arith.index_cast %swap3A_826 : i32 to index
        %swap3A_829 = arith.index_cast %swap3A_827 : i32 to index
        %swap3A_830 = arith.index_cast %add3A_817 : i32 to index
        %swap3A_831 = tpu.vector_load %arg6[%swap3A_828, %swap3A_829, %swap3A_830] {strides = array<i32>} : memref<4x8x2048xf32, #tpu.memory_space<vmem>>, vector<1x1x16xf32>,
        %swap3A_832 = vector.shape_cast %swap3A_831 : vector<1x1x16xf32> to vector<16xf32>
        %swap3A_833 = vector.shape_cast %mul3A_825 : vector<16xf32> to vector<1x1x16xf32>
        tpu.vector_store %arg6[%swap3A_828, %swap3A_829, %swap3A_830], %swap3A_833 {strides = array<i32>} : memref<4x8x2048xf32, #tpu.memory_space<vmem>>, vector<1x1x16xf32>,
        %add3A_834 = arith.constant 48 : i32
        %add3A_835 = arith.addi %mul3A_309, %add3A_834 : i32
        %get3A_836 = arith.constant 1 : i32
        %get3A_837 = arith.constant 3 : i32
        %get3A_838 = arith.index_cast %get3A_836 : i32 to index
        %get3A_839 = arith.index_cast %get3A_837 : i32 to index
        %get3A_840 = arith.index_cast %add3A_835 : i32 to index
        %get3A_841 = tpu.vector_load %arg6[%get3A_838, %get3A_839, %get3A_840] {strides = array<i32>} : memref<4x8x2048xf32, #tpu.memory_space<vmem>>, vector<1x1x16xf32>,
        %get3A_842 = vector.shape_cast %get3A_841 : vector<1x1x16xf32> to vector<16xf32>
        %mul3A_843 = arith.mulf %get3A_842, %get3A_328 : vector<16xf32>
        %swap3A_844 = arith.constant 1 : i32
        %swap3A_845 = arith.constant 3 : i32
        %swap3A_846 = arith.index_cast %swap3A_844 : i32 to index
        %swap3A_847 = arith.index_cast %swap3A_845 : i32 to index
        %swap3A_848 = arith.index_cast %add3A_835 : i32 to index
        %swap3A_849 = tpu.vector_load %arg6[%swap3A_846, %swap3A_847, %swap3A_848] {strides = array<i32>} : memref<4x8x2048xf32, #tpu.memory_space<vmem>>, vector<1x1x16xf32>,
        %swap3A_850 = vector.shape_cast %swap3A_849 : vector<1x1x16xf32> to vector<16xf32>
        %swap3A_851 = vector.shape_cast %mul3A_843 : vector<16xf32> to vector<1x1x16xf32>
        tpu.vector_store %arg6[%swap3A_846, %swap3A_847, %swap3A_848], %swap3A_851 {strides = array<i32>} : memref<4x8x2048xf32, #tpu.memory_space<vmem>>, vector<1x1x16xf32>,
        %add3A_852 = arith.constant 64 : i32
        %add3A_853 = arith.addi %mul3A_309, %add3A_852 : i32
        %get3A_854 = arith.constant 1 : i32
        %get3A_855 = arith.constant 3 : i32
        %get3A_856 = arith.index_cast %get3A_854 : i32 to index
        %get3A_857 = arith.index_cast %get3A_855 : i32 to index
        %get3A_858 = arith.index_cast %add3A_853 : i32 to index
        %get3A_859 = tpu.vector_load %arg6[%get3A_856, %get3A_857, %get3A_858] {strides = array<i32>} : memref<4x8x2048xf32, #tpu.memory_space<vmem>>, vector<1x1x16xf32>,
        %get3A_860 = vector.shape_cast %get3A_859 : vector<1x1x16xf32> to vector<16xf32>
        %mul3A_861 = arith.mulf %get3A_860, %get3A_333 : vector<16xf32>
        %swap3A_862 = arith.constant 1 : i32
        %swap3A_863 = arith.constant 3 : i32
        %swap3A_864 = arith.index_cast %swap3A_862 : i32 to index
        %swap3A_865 = arith.index_cast %swap3A_863 : i32 to index
        %swap3A_866 = arith.index_cast %add3A_853 : i32 to index
        %swap3A_867 = tpu.vector_load %arg6[%swap3A_864, %swap3A_865, %swap3A_866] {strides = array<i32>} : memref<4x8x2048xf32, #tpu.memory_space<vmem>>, vector<1x1x16xf32>,
        %swap3A_868 = vector.shape_cast %swap3A_867 : vector<1x1x16xf32> to vector<16xf32>
        %swap3A_869 = vector.shape_cast %mul3A_861 : vector<16xf32> to vector<1x1x16xf32>
        tpu.vector_store %arg6[%swap3A_864, %swap3A_865, %swap3A_866], %swap3A_869 {strides = array<i32>} : memref<4x8x2048xf32, #tpu.memory_space<vmem>>, vector<1x1x16xf32>,
        %add3A_870 = arith.constant 80 : i32
        %add3A_871 = arith.addi %mul3A_309, %add3A_870 : i32
        %get3A_872 = arith.constant 1 : i32
        %get3A_873 = arith.constant 3 : i32
        %get3A_874 = arith.index_cast %get3A_872 : i32 to index
        %get3A_875 = arith.index_cast %get3A_873 : i32 to index
        %get3A_876 = arith.index_cast %add3A_871 : i32 to index
        %get3A_877 = tpu.vector_load %arg6[%get3A_874, %get3A_875, %get3A_876] {strides = array<i32>} : memref<4x8x2048xf32, #tpu.memory_space<vmem>>, vector<1x1x16xf32>,
        %get3A_878 = vector.shape_cast %get3A_877 : vector<1x1x16xf32> to vector<16xf32>
        %mul3A_879 = arith.mulf %get3A_878, %get3A_338 : vector<16xf32>
        %swap3A_880 = arith.constant 1 : i32
        %swap3A_881 = arith.constant 3 : i32
        %swap3A_882 = arith.index_cast %swap3A_880 : i32 to index
        %swap3A_883 = arith.index_cast %swap3A_881 : i32 to index
        %swap3A_884 = arith.index_cast %add3A_871 : i32 to index
        %swap3A_885 = tpu.vector_load %arg6[%swap3A_882, %swap3A_883, %swap3A_884] {strides = array<i32>} : memref<4x8x2048xf32, #tpu.memory_space<vmem>>, vector<1x1x16xf32>,
        %swap3A_886 = vector.shape_cast %swap3A_885 : vector<1x1x16xf32> to vector<16xf32>
        %swap3A_887 = vector.shape_cast %mul3A_879 : vector<16xf32> to vector<1x1x16xf32>
        tpu.vector_store %arg6[%swap3A_882, %swap3A_883, %swap3A_884], %swap3A_887 {strides = array<i32>} : memref<4x8x2048xf32, #tpu.memory_space<vmem>>, vector<1x1x16xf32>,
        %add3A_888 = arith.constant 96 : i32
        %add3A_889 = arith.addi %mul3A_309, %add3A_888 : i32
        %get3A_890 = arith.constant 1 : i32
        %get3A_891 = arith.constant 3 : i32
        %get3A_892 = arith.index_cast %get3A_890 : i32 to index
        %get3A_893 = arith.index_cast %get3A_891 : i32 to index
        %get3A_894 = arith.index_cast %add3A_889 : i32 to index
        %get3A_895 = tpu.vector_load %arg6[%get3A_892, %get3A_893, %get3A_894] {strides = array<i32>} : memref<4x8x2048xf32, #tpu.memory_space<vmem>>, vector<1x1x16xf32>,
        %get3A_896 = vector.shape_cast %get3A_895 : vector<1x1x16xf32> to vector<16xf32>
        %mul3A_897 = arith.mulf %get3A_896, %get3A_343 : vector<16xf32>
        %swap3A_898 = arith.constant 1 : i32
        %swap3A_899 = arith.constant 3 : i32
        %swap3A_900 = arith.index_cast %swap3A_898 : i32 to index
        %swap3A_901 = arith.index_cast %swap3A_899 : i32 to index
        %swap3A_902 = arith.index_cast %add3A_889 : i32 to index
        %swap3A_903 = tpu.vector_load %arg6[%swap3A_900, %swap3A_901, %swap3A_902] {strides = array<i32>} : memref<4x8x2048xf32, #tpu.memory_space<vmem>>, vector<1x1x16xf32>,
        %swap3A_904 = vector.shape_cast %swap3A_903 : vector<1x1x16xf32> to vector<16xf32>
        %swap3A_905 = vector.shape_cast %mul3A_897 : vector<16xf32> to vector<1x1x16xf32>
        tpu.vector_store %arg6[%swap3A_900, %swap3A_901, %swap3A_902], %swap3A_905 {strides = array<i32>} : memref<4x8x2048xf32, #tpu.memory_space<vmem>>, vector<1x1x16xf32>,
        %add3A_906 = arith.constant 112 : i32
        %add3A_907 = arith.addi %mul3A_309, %add3A_906 : i32
        %get3A_908 = arith.constant 1 : i32
        %get3A_909 = arith.constant 3 : i32
        %get3A_910 = arith.index_cast %get3A_908 : i32 to index
        %get3A_911 = arith.index_cast %get3A_909 : i32 to index
        %get3A_912 = arith.index_cast %add3A_907 : i32 to index
        %get3A_913 = tpu.vector_load %arg6[%get3A_910, %get3A_911, %get3A_912] {strides = array<i32>} : memref<4x8x2048xf32, #tpu.memory_space<vmem>>, vector<1x1x16xf32>,
        %get3A_914 = vector.shape_cast %get3A_913 : vector<1x1x16xf32> to vector<16xf32>
        %mul3A_915 = arith.mulf %get3A_914, %get3A_348 : vector<16xf32>
        %swap3A_916 = arith.constant 1 : i32
        %swap3A_917 = arith.constant 3 : i32
        %swap3A_918 = arith.index_cast %swap3A_916 : i32 to index
        %swap3A_919 = arith.index_cast %swap3A_917 : i32 to index
        %swap3A_920 = arith.index_cast %add3A_907 : i32 to index
        %swap3A_921 = tpu.vector_load %arg6[%swap3A_918, %swap3A_919, %swap3A_920] {strides = array<i32>} : memref<4x8x2048xf32, #tpu.memory_space<vmem>>, vector<1x1x16xf32>,
        %swap3A_922 = vector.shape_cast %swap3A_921 : vector<1x1x16xf32> to vector<16xf32>
        %swap3A_923 = vector.shape_cast %mul3A_915 : vector<16xf32> to vector<1x1x16xf32>
        tpu.vector_store %arg6[%swap3A_918, %swap3A_919, %swap3A_920], %swap3A_923 {strides = array<i32>} : memref<4x8x2048xf32, #tpu.memory_space<vmem>>, vector<1x1x16xf32>,
        %add3A_924 = arith.constant 0 : i32
        %add3A_925 = arith.addi %mul3A_309, %add3A_924 : i32
        %get3A_926 = arith.constant 1 : i32
        %get3A_927 = arith.constant 4 : i32
        %get3A_928 = arith.index_cast %get3A_926 : i32 to index
        %get3A_929 = arith.index_cast %get3A_927 : i32 to index
        %get3A_930 = arith.index_cast %add3A_925 : i32 to index
        %get3A_931 = tpu.vector_load %arg6[%get3A_928, %get3A_929, %get3A_930] {strides = array<i32>} : memref<4x8x2048xf32, #tpu.memory_space<vmem>>, vector<1x1x16xf32>,
        %get3A_932 = vector.shape_cast %get3A_931 : vector<1x1x16xf32> to vector<16xf32>
        %mul3A_933 = arith.mulf %get3A_932, %get3A_313 : vector<16xf32>
        %swap3A_934 = arith.constant 1 : i32
        %swap3A_935 = arith.constant 4 : i32
        %swap3A_936 = arith.index_cast %swap3A_934 : i32 to index
        %swap3A_937 = arith.index_cast %swap3A_935 : i32 to index
        %swap3A_938 = arith.index_cast %add3A_925 : i32 to index
        %swap3A_939 = tpu.vector_load %arg6[%swap3A_936, %swap3A_937, %swap3A_938] {strides = array<i32>} : memref<4x8x2048xf32, #tpu.memory_space<vmem>>, vector<1x1x16xf32>,
        %swap3A_940 = vector.shape_cast %swap3A_939 : vector<1x1x16xf32> to vector<16xf32>
        %swap3A_941 = vector.shape_cast %mul3A_933 : vector<16xf32> to vector<1x1x16xf32>
        tpu.vector_store %arg6[%swap3A_936, %swap3A_937, %swap3A_938], %swap3A_941 {strides = array<i32>} : memref<4x8x2048xf32, #tpu.memory_space<vmem>>, vector<1x1x16xf32>,
        %add3A_942 = arith.constant 16 : i32
        %add3A_943 = arith.addi %mul3A_309, %add3A_942 : i32
        %get3A_944 = arith.constant 1 : i32
        %get3A_945 = arith.constant 4 : i32
        %get3A_946 = arith.index_cast %get3A_944 : i32 to index
        %get3A_947 = arith.index_cast %get3A_945 : i32 to index
        %get3A_948 = arith.index_cast %add3A_943 : i32 to index
        %get3A_949 = tpu.vector_load %arg6[%get3A_946, %get3A_947, %get3A_948] {strides = array<i32>} : memref<4x8x2048xf32, #tpu.memory_space<vmem>>, vector<1x1x16xf32>,
        %get3A_950 = vector.shape_cast %get3A_949 : vector<1x1x16xf32> to vector<16xf32>
        %mul3A_951 = arith.mulf %get3A_950, %get3A_318 : vector<16xf32>
        %swap3A_952 = arith.constant 1 : i32
        %swap3A_953 = arith.constant 4 : i32
        %swap3A_954 = arith.index_cast %swap3A_952 : i32 to index
        %swap3A_955 = arith.index_cast %swap3A_953 : i32 to index
        %swap3A_956 = arith.index_cast %add3A_943 : i32 to index
        %swap3A_957 = tpu.vector_load %arg6[%swap3A_954, %swap3A_955, %swap3A_956] {strides = array<i32>} : memref<4x8x2048xf32, #tpu.memory_space<vmem>>, vector<1x1x16xf32>,
        %swap3A_958 = vector.shape_cast %swap3A_957 : vector<1x1x16xf32> to vector<16xf32>
        %swap3A_959 = vector.shape_cast %mul3A_951 : vector<16xf32> to vector<1x1x16xf32>
        tpu.vector_store %arg6[%swap3A_954, %swap3A_955, %swap3A_956], %swap3A_959 {strides = array<i32>} : memref<4x8x2048xf32, #tpu.memory_space<vmem>>, vector<1x1x16xf32>,
        %add3A_960 = arith.constant 32 : i32
        %add3A_961 = arith.addi %mul3A_309, %add3A_960 : i32
        %get3A_962 = arith.constant 1 : i32
        %get3A_963 = arith.constant 4 : i32
        %get3A_964 = arith.index_cast %get3A_962 : i32 to index
        %get3A_965 = arith.index_cast %get3A_963 : i32 to index
        %get3A_966 = arith.index_cast %add3A_961 : i32 to index
        %get3A_967 = tpu.vector_load %arg6[%get3A_964, %get3A_965, %get3A_966] {strides = array<i32>} : memref<4x8x2048xf32, #tpu.memory_space<vmem>>, vector<1x1x16xf32>,
        %get3A_968 = vector.shape_cast %get3A_967 : vector<1x1x16xf32> to vector<16xf32>
        %mul3A_969 = arith.mulf %get3A_968, %get3A_323 : vector<16xf32>
        %swap3A_970 = arith.constant 1 : i32
        %swap3A_971 = arith.constant 4 : i32
        %swap3A_972 = arith.index_cast %swap3A_970 : i32 to index
        %swap3A_973 = arith.index_cast %swap3A_971 : i32 to index
        %swap3A_974 = arith.index_cast %add3A_961 : i32 to index
        %swap3A_975 = tpu.vector_load %arg6[%swap3A_972, %swap3A_973, %swap3A_974] {strides = array<i32>} : memref<4x8x2048xf32, #tpu.memory_space<vmem>>, vector<1x1x16xf32>,
        %swap3A_976 = vector.shape_cast %swap3A_975 : vector<1x1x16xf32> to vector<16xf32>
        %swap3A_977 = vector.shape_cast %mul3A_969 : vector<16xf32> to vector<1x1x16xf32>
        tpu.vector_store %arg6[%swap3A_972, %swap3A_973, %swap3A_974], %swap3A_977 {strides = array<i32>} : memref<4x8x2048xf32, #tpu.memory_space<vmem>>, vector<1x1x16xf32>,
        %add3A_978 = arith.constant 48 : i32
        %add3A_979 = arith.addi %mul3A_309, %add3A_978 : i32
        %get3A_980 = arith.constant 1 : i32
        %get3A_981 = arith.constant 4 : i32
        %get3A_982 = arith.index_cast %get3A_980 : i32 to index
        %get3A_983 = arith.index_cast %get3A_981 : i32 to index
        %get3A_984 = arith.index_cast %add3A_979 : i32 to index
        %get3A_985 = tpu.vector_load %arg6[%get3A_982, %get3A_983, %get3A_984] {strides = array<i32>} : memref<4x8x2048xf32, #tpu.memory_space<vmem>>, vector<1x1x16xf32>,
        %get3A_986 = vector.shape_cast %get3A_985 : vector<1x1x16xf32> to vector<16xf32>
        %mul3A_987 = arith.mulf %get3A_986, %get3A_328 : vector<16xf32>
        %swap3A_988 = arith.constant 1 : i32
        %swap3A_989 = arith.constant 4 : i32
        %swap3A_990 = arith.index_cast %swap3A_988 : i32 to index
        %swap3A_991 = arith.index_cast %swap3A_989 : i32 to index
        %swap3A_992 = arith.index_cast %add3A_979 : i32 to index
        %swap3A_993 = tpu.vector_load %arg6[%swap3A_990, %swap3A_991, %swap3A_992] {strides = array<i32>} : memref<4x8x2048xf32, #tpu.memory_space<vmem>>, vector<1x1x16xf32>,
        %swap3A_994 = vector.shape_cast %swap3A_993 : vector<1x1x16xf32> to vector<16xf32>
        %swap3A_995 = vector.shape_cast %mul3A_987 : vector<16xf32> to vector<1x1x16xf32>
        tpu.vector_store %arg6[%swap3A_990, %swap3A_991, %swap3A_992], %swap3A_995 {strides = array<i32>} : memref<4x8x2048xf32, #tpu.memory_space<vmem>>, vector<1x1x16xf32>,
        %add3A_996 = arith.constant 64 : i32
        %add3A_997 = arith.addi %mul3A_309, %add3A_996 : i32
        %get3A_998 = arith.constant 1 : i32
        %get3A_999 = arith.constant 4 : i32
        %get3A_1000 = arith.index_cast %get3A_998 : i32 to index
        %get3A_1001 = arith.index_cast %get3A_999 : i32 to index
        %get3A_1002 = arith.index_cast %add3A_997 : i32 to index
        %get3A_1003 = tpu.vector_load %arg6[%get3A_1000, %get3A_1001, %get3A_1002] {strides = array<i32>} : memref<4x8x2048xf32, #tpu.memory_space<vmem>>, vector<1x1x16xf32>,
        %get3A_1004 = vector.shape_cast %get3A_1003 : vector<1x1x16xf32> to vector<16xf32>
        %mul3A_1005 = arith.mulf %get3A_1004, %get3A_333 : vector<16xf32>
        %swap3A_1006 = arith.constant 1 : i32
        %swap3A_1007 = arith.constant 4 : i32
        %swap3A_1008 = arith.index_cast %swap3A_1006 : i32 to index
        %swap3A_1009 = arith.index_cast %swap3A_1007 : i32 to index
        %swap3A_1010 = arith.index_cast %add3A_997 : i32 to index
        %swap3A_1011 = tpu.vector_load %arg6[%swap3A_1008, %swap3A_1009, %swap3A_1010] {strides = array<i32>} : memref<4x8x2048xf32, #tpu.memory_space<vmem>>, vector<1x1x16xf32>,
        %swap3A_1012 = vector.shape_cast %swap3A_1011 : vector<1x1x16xf32> to vector<16xf32>
        %swap3A_1013 = vector.shape_cast %mul3A_1005 : vector<16xf32> to vector<1x1x16xf32>
        tpu.vector_store %arg6[%swap3A_1008, %swap3A_1009, %swap3A_1010], %swap3A_1013 {strides = array<i32>} : memref<4x8x2048xf32, #tpu.memory_space<vmem>>, vector<1x1x16xf32>,
        %add3A_1014 = arith.constant 80 : i32
        %add3A_1015 = arith.addi %mul3A_309, %add3A_1014 : i32
        %get3A_1016 = arith.constant 1 : i32
        %get3A_1017 = arith.constant 4 : i32
        %get3A_1018 = arith.index_cast %get3A_1016 : i32 to index
        %get3A_1019 = arith.index_cast %get3A_1017 : i32 to index
        %get3A_1020 = arith.index_cast %add3A_1015 : i32 to index
        %get3A_1021 = tpu.vector_load %arg6[%get3A_1018, %get3A_1019, %get3A_1020] {strides = array<i32>} : memref<4x8x2048xf32, #tpu.memory_space<vmem>>, vector<1x1x16xf32>,
        %get3A_1022 = vector.shape_cast %get3A_1021 : vector<1x1x16xf32> to vector<16xf32>
        %mul3A_1023 = arith.mulf %get3A_1022, %get3A_338 : vector<16xf32>
        %swap3A_1024 = arith.constant 1 : i32
        %swap3A_1025 = arith.constant 4 : i32
        %swap3A_1026 = arith.index_cast %swap3A_1024 : i32 to index
        %swap3A_1027 = arith.index_cast %swap3A_1025 : i32 to index
        %swap3A_1028 = arith.index_cast %add3A_1015 : i32 to index
        %swap3A_1029 = tpu.vector_load %arg6[%swap3A_1026, %swap3A_1027, %swap3A_1028] {strides = array<i32>} : memref<4x8x2048xf32, #tpu.memory_space<vmem>>, vector<1x1x16xf32>,
        %swap3A_1030 = vector.shape_cast %swap3A_1029 : vector<1x1x16xf32> to vector<16xf32>
        %swap3A_1031 = vector.shape_cast %mul3A_1023 : vector<16xf32> to vector<1x1x16xf32>
        tpu.vector_store %arg6[%swap3A_1026, %swap3A_1027, %swap3A_1028], %swap3A_1031 {strides = array<i32>} : memref<4x8x2048xf32, #tpu.memory_space<vmem>>, vector<1x1x16xf32>,
        %add3A_1032 = arith.constant 96 : i32
        %add3A_1033 = arith.addi %mul3A_309, %add3A_1032 : i32
        %get3A_1034 = arith.constant 1 : i32
        %get3A_1035 = arith.constant 4 : i32
        %get3A_1036 = arith.index_cast %get3A_1034 : i32 to index
        %get3A_1037 = arith.index_cast %get3A_1035 : i32 to index
        %get3A_1038 = arith.index_cast %add3A_1033 : i32 to index
        %get3A_1039 = tpu.vector_load %arg6[%get3A_1036, %get3A_1037, %get3A_1038] {strides = array<i32>} : memref<4x8x2048xf32, #tpu.memory_space<vmem>>, vector<1x1x16xf32>,
        %get3A_1040 = vector.shape_cast %get3A_1039 : vector<1x1x16xf32> to vector<16xf32>
        %mul3A_1041 = arith.mulf %get3A_1040, %get3A_343 : vector<16xf32>
        %swap3A_1042 = arith.constant 1 : i32
        %swap3A_1043 = arith.constant 4 : i32
        %swap3A_1044 = arith.index_cast %swap3A_1042 : i32 to index
        %swap3A_1045 = arith.index_cast %swap3A_1043 : i32 to index
        %swap3A_1046 = arith.index_cast %add3A_1033 : i32 to index
        %swap3A_1047 = tpu.vector_load %arg6[%swap3A_1044, %swap3A_1045, %swap3A_1046] {strides = array<i32>} : memref<4x8x2048xf32, #tpu.memory_space<vmem>>, vector<1x1x16xf32>,
        %swap3A_1048 = vector.shape_cast %swap3A_1047 : vector<1x1x16xf32> to vector<16xf32>
        %swap3A_1049 = vector.shape_cast %mul3A_1041 : vector<16xf32> to vector<1x1x16xf32>
        tpu.vector_store %arg6[%swap3A_1044, %swap3A_1045, %swap3A_1046], %swap3A_1049 {strides = array<i32>} : memref<4x8x2048xf32, #tpu.memory_space<vmem>>, vector<1x1x16xf32>,
        %add3A_1050 = arith.constant 112 : i32
        %add3A_1051 = arith.addi %mul3A_309, %add3A_1050 : i32
        %get3A_1052 = arith.constant 1 : i32
        %get3A_1053 = arith.constant 4 : i32
        %get3A_1054 = arith.index_cast %get3A_1052 : i32 to index
        %get3A_1055 = arith.index_cast %get3A_1053 : i32 to index
        %get3A_1056 = arith.index_cast %add3A_1051 : i32 to index
        %get3A_1057 = tpu.vector_load %arg6[%get3A_1054, %get3A_1055, %get3A_1056] {strides = array<i32>} : memref<4x8x2048xf32, #tpu.memory_space<vmem>>, vector<1x1x16xf32>,
        %get3A_1058 = vector.shape_cast %get3A_1057 : vector<1x1x16xf32> to vector<16xf32>
        %mul3A_1059 = arith.mulf %get3A_1058, %get3A_348 : vector<16xf32>
        %swap3A_1060 = arith.constant 1 : i32
        %swap3A_1061 = arith.constant 4 : i32
        %swap3A_1062 = arith.index_cast %swap3A_1060 : i32 to index
        %swap3A_1063 = arith.index_cast %swap3A_1061 : i32 to index
        %swap3A_1064 = arith.index_cast %add3A_1051 : i32 to index
        %swap3A_1065 = tpu.vector_load %arg6[%swap3A_1062, %swap3A_1063, %swap3A_1064] {strides = array<i32>} : memref<4x8x2048xf32, #tpu.memory_space<vmem>>, vector<1x1x16xf32>,
        %swap3A_1066 = vector.shape_cast %swap3A_1065 : vector<1x1x16xf32> to vector<16xf32>
        %swap3A_1067 = vector.shape_cast %mul3A_1059 : vector<16xf32> to vector<1x1x16xf32>
        tpu.vector_store %arg6[%swap3A_1062, %swap3A_1063, %swap3A_1064], %swap3A_1067 {strides = array<i32>} : memref<4x8x2048xf32, #tpu.memory_space<vmem>>, vector<1x1x16xf32>,
        %add3A_1068 = arith.constant 0 : i32
        %add3A_1069 = arith.addi %mul3A_309, %add3A_1068 : i32
        %get3A_1070 = arith.constant 1 : i32
        %get3A_1071 = arith.constant 5 : i32
        %get3A_1072 = arith.index_cast %get3A_1070 : i32 to index
        %get3A_1073 = arith.index_cast %get3A_1071 : i32 to index
        %get3A_1074 = arith.index_cast %add3A_1069 : i32 to index
        %get3A_1075 = tpu.vector_load %arg6[%get3A_1072, %get3A_1073, %get3A_1074] {strides = array<i32>} : memref<4x8x2048xf32, #tpu.memory_space<vmem>>, vector<1x1x16xf32>,
        %get3A_1076 = vector.shape_cast %get3A_1075 : vector<1x1x16xf32> to vector<16xf32>
        %mul3A_1077 = arith.mulf %get3A_1076, %get3A_313 : vector<16xf32>
        %swap3A_1078 = arith.constant 1 : i32
        %swap3A_1079 = arith.constant 5 : i32
        %swap3A_1080 = arith.index_cast %swap3A_1078 : i32 to index
        %swap3A_1081 = arith.index_cast %swap3A_1079 : i32 to index
        %swap3A_1082 = arith.index_cast %add3A_1069 : i32 to index
        %swap3A_1083 = tpu.vector_load %arg6[%swap3A_1080, %swap3A_1081, %swap3A_1082] {strides = array<i32>} : memref<4x8x2048xf32, #tpu.memory_space<vmem>>, vector<1x1x16xf32>,
        %swap3A_1084 = vector.shape_cast %swap3A_1083 : vector<1x1x16xf32> to vector<16xf32>
        %swap3A_1085 = vector.shape_cast %mul3A_1077 : vector<16xf32> to vector<1x1x16xf32>
        tpu.vector_store %arg6[%swap3A_1080, %swap3A_1081, %swap3A_1082], %swap3A_1085 {strides = array<i32>} : memref<4x8x2048xf32, #tpu.memory_space<vmem>>, vector<1x1x16xf32>,
        %add3A_1086 = arith.constant 16 : i32
        %add3A_1087 = arith.addi %mul3A_309, %add3A_1086 : i32
        %get3A_1088 = arith.constant 1 : i32
        %get3A_1089 = arith.constant 5 : i32
        %get3A_1090 = arith.index_cast %get3A_1088 : i32 to index
        %get3A_1091 = arith.index_cast %get3A_1089 : i32 to index
        %get3A_1092 = arith.index_cast %add3A_1087 : i32 to index
        %get3A_1093 = tpu.vector_load %arg6[%get3A_1090, %get3A_1091, %get3A_1092] {strides = array<i32>} : memref<4x8x2048xf32, #tpu.memory_space<vmem>>, vector<1x1x16xf32>,
        %get3A_1094 = vector.shape_cast %get3A_1093 : vector<1x1x16xf32> to vector<16xf32>
        %mul3A_1095 = arith.mulf %get3A_1094, %get3A_318 : vector<16xf32>
        %swap3A_1096 = arith.constant 1 : i32
        %swap3A_1097 = arith.constant 5 : i32
        %swap3A_1098 = arith.index_cast %swap3A_1096 : i32 to index
        %swap3A_1099 = arith.index_cast %swap3A_1097 : i32 to index
        %swap3A_1100 = arith.index_cast %add3A_1087 : i32 to index
        %swap3A_1101 = tpu.vector_load %arg6[%swap3A_1098, %swap3A_1099, %swap3A_1100] {strides = array<i32>} : memref<4x8x2048xf32, #tpu.memory_space<vmem>>, vector<1x1x16xf32>,
        %swap3A_1102 = vector.shape_cast %swap3A_1101 : vector<1x1x16xf32> to vector<16xf32>
        %swap3A_1103 = vector.shape_cast %mul3A_1095 : vector<16xf32> to vector<1x1x16xf32>
        tpu.vector_store %arg6[%swap3A_1098, %swap3A_1099, %swap3A_1100], %swap3A_1103 {strides = array<i32>} : memref<4x8x2048xf32, #tpu.memory_space<vmem>>, vector<1x1x16xf32>,
        %add3A_1104 = arith.constant 32 : i32
        %add3A_1105 = arith.addi %mul3A_309, %add3A_1104 : i32
        %get3A_1106 = arith.constant 1 : i32
        %get3A_1107 = arith.constant 5 : i32
        %get3A_1108 = arith.index_cast %get3A_1106 : i32 to index
        %get3A_1109 = arith.index_cast %get3A_1107 : i32 to index
        %get3A_1110 = arith.index_cast %add3A_1105 : i32 to index
        %get3A_1111 = tpu.vector_load %arg6[%get3A_1108, %get3A_1109, %get3A_1110] {strides = array<i32>} : memref<4x8x2048xf32, #tpu.memory_space<vmem>>, vector<1x1x16xf32>,
        %get3A_1112 = vector.shape_cast %get3A_1111 : vector<1x1x16xf32> to vector<16xf32>
        %mul3A_1113 = arith.mulf %get3A_1112, %get3A_323 : vector<16xf32>
        %swap3A_1114 = arith.constant 1 : i32
        %swap3A_1115 = arith.constant 5 : i32
        %swap3A_1116 = arith.index_cast %swap3A_1114 : i32 to index
        %swap3A_1117 = arith.index_cast %swap3A_1115 : i32 to index
        %swap3A_1118 = arith.index_cast %add3A_1105 : i32 to index
        %swap3A_1119 = tpu.vector_load %arg6[%swap3A_1116, %swap3A_1117, %swap3A_1118] {strides = array<i32>} : memref<4x8x2048xf32, #tpu.memory_space<vmem>>, vector<1x1x16xf32>,
        %swap3A_1120 = vector.shape_cast %swap3A_1119 : vector<1x1x16xf32> to vector<16xf32>
        %swap3A_1121 = vector.shape_cast %mul3A_1113 : vector<16xf32> to vector<1x1x16xf32>
        tpu.vector_store %arg6[%swap3A_1116, %swap3A_1117, %swap3A_1118], %swap3A_1121 {strides = array<i32>} : memref<4x8x2048xf32, #tpu.memory_space<vmem>>, vector<1x1x16xf32>,
        %add3A_1122 = arith.constant 48 : i32
        %add3A_1123 = arith.addi %mul3A_309, %add3A_1122 : i32
        %get3A_1124 = arith.constant 1 : i32
        %get3A_1125 = arith.constant 5 : i32
        %get3A_1126 = arith.index_cast %get3A_1124 : i32 to index
        %get3A_1127 = arith.index_cast %get3A_1125 : i32 to index
        %get3A_1128 = arith.index_cast %add3A_1123 : i32 to index
        %get3A_1129 = tpu.vector_load %arg6[%get3A_1126, %get3A_1127, %get3A_1128] {strides = array<i32>} : memref<4x8x2048xf32, #tpu.memory_space<vmem>>, vector<1x1x16xf32>,
        %get3A_1130 = vector.shape_cast %get3A_1129 : vector<1x1x16xf32> to vector<16xf32>
        %mul3A_1131 = arith.mulf %get3A_1130, %get3A_328 : vector<16xf32>
        %swap3A_1132 = arith.constant 1 : i32
        %swap3A_1133 = arith.constant 5 : i32
        %swap3A_1134 = arith.index_cast %swap3A_1132 : i32 to index
        %swap3A_1135 = arith.index_cast %swap3A_1133 : i32 to index
        %swap3A_1136 = arith.index_cast %add3A_1123 : i32 to index
        %swap3A_1137 = tpu.vector_load %arg6[%swap3A_1134, %swap3A_1135, %swap3A_1136] {strides = array<i32>} : memref<4x8x2048xf32, #tpu.memory_space<vmem>>, vector<1x1x16xf32>,
        %swap3A_1138 = vector.shape_cast %swap3A_1137 : vector<1x1x16xf32> to vector<16xf32>
        %swap3A_1139 = vector.shape_cast %mul3A_1131 : vector<16xf32> to vector<1x1x16xf32>
        tpu.vector_store %arg6[%swap3A_1134, %swap3A_1135, %swap3A_1136], %swap3A_1139 {strides = array<i32>} : memref<4x8x2048xf32, #tpu.memory_space<vmem>>, vector<1x1x16xf32>,
        %add3A_1140 = arith.constant 64 : i32
        %add3A_1141 = arith.addi %mul3A_309, %add3A_1140 : i32
        %get3A_1142 = arith.constant 1 : i32
        %get3A_1143 = arith.constant 5 : i32
        %get3A_1144 = arith.index_cast %get3A_1142 : i32 to index
        %get3A_1145 = arith.index_cast %get3A_1143 : i32 to index
        %get3A_1146 = arith.index_cast %add3A_1141 : i32 to index
        %get3A_1147 = tpu.vector_load %arg6[%get3A_1144, %get3A_1145, %get3A_1146] {strides = array<i32>} : memref<4x8x2048xf32, #tpu.memory_space<vmem>>, vector<1x1x16xf32>,
        %get3A_1148 = vector.shape_cast %get3A_1147 : vector<1x1x16xf32> to vector<16xf32>
        %mul3A_1149 = arith.mulf %get3A_1148, %get3A_333 : vector<16xf32>
        %swap3A_1150 = arith.constant 1 : i32
        %swap3A_1151 = arith.constant 5 : i32
        %swap3A_1152 = arith.index_cast %swap3A_1150 : i32 to index
        %swap3A_1153 = arith.index_cast %swap3A_1151 : i32 to index
        %swap3A_1154 = arith.index_cast %add3A_1141 : i32 to index
        %swap3A_1155 = tpu.vector_load %arg6[%swap3A_1152, %swap3A_1153, %swap3A_1154] {strides = array<i32>} : memref<4x8x2048xf32, #tpu.memory_space<vmem>>, vector<1x1x16xf32>,
        %swap3A_1156 = vector.shape_cast %swap3A_1155 : vector<1x1x16xf32> to vector<16xf32>
        %swap3A_1157 = vector.shape_cast %mul3A_1149 : vector<16xf32> to vector<1x1x16xf32>
        tpu.vector_store %arg6[%swap3A_1152, %swap3A_1153, %swap3A_1154], %swap3A_1157 {strides = array<i32>} : memref<4x8x2048xf32, #tpu.memory_space<vmem>>, vector<1x1x16xf32>,
        %add3A_1158 = arith.constant 80 : i32
        %add3A_1159 = arith.addi %mul3A_309, %add3A_1158 : i32
        %get3A_1160 = arith.constant 1 : i32
        %get3A_1161 = arith.constant 5 : i32
        %get3A_1162 = arith.index_cast %get3A_1160 : i32 to index
        %get3A_1163 = arith.index_cast %get3A_1161 : i32 to index
        %get3A_1164 = arith.index_cast %add3A_1159 : i32 to index
        %get3A_1165 = tpu.vector_load %arg6[%get3A_1162, %get3A_1163, %get3A_1164] {strides = array<i32>} : memref<4x8x2048xf32, #tpu.memory_space<vmem>>, vector<1x1x16xf32>,
        %get3A_1166 = vector.shape_cast %get3A_1165 : vector<1x1x16xf32> to vector<16xf32>
        %mul3A_1167 = arith.mulf %get3A_1166, %get3A_338 : vector<16xf32>
        %swap3A_1168 = arith.constant 1 : i32
        %swap3A_1169 = arith.constant 5 : i32
        %swap3A_1170 = arith.index_cast %swap3A_1168 : i32 to index
        %swap3A_1171 = arith.index_cast %swap3A_1169 : i32 to index
        %swap3A_1172 = arith.index_cast %add3A_1159 : i32 to index
        %swap3A_1173 = tpu.vector_load %arg6[%swap3A_1170, %swap3A_1171, %swap3A_1172] {strides = array<i32>} : memref<4x8x2048xf32, #tpu.memory_space<vmem>>, vector<1x1x16xf32>,
        %swap3A_1174 = vector.shape_cast %swap3A_1173 : vector<1x1x16xf32> to vector<16xf32>
        %swap3A_1175 = vector.shape_cast %mul3A_1167 : vector<16xf32> to vector<1x1x16xf32>
        tpu.vector_store %arg6[%swap3A_1170, %swap3A_1171, %swap3A_1172], %swap3A_1175 {strides = array<i32>} : memref<4x8x2048xf32, #tpu.memory_space<vmem>>, vector<1x1x16xf32>,
        %add3A_1176 = arith.constant 96 : i32
        %add3A_1177 = arith.addi %mul3A_309, %add3A_1176 : i32
        %get3A_1178 = arith.constant 1 : i32
        %get3A_1179 = arith.constant 5 : i32
        %get3A_1180 = arith.index_cast %get3A_1178 : i32 to index
        %get3A_1181 = arith.index_cast %get3A_1179 : i32 to index
        %get3A_1182 = arith.index_cast %add3A_1177 : i32 to index
        %get3A_1183 = tpu.vector_load %arg6[%get3A_1180, %get3A_1181, %get3A_1182] {strides = array<i32>} : memref<4x8x2048xf32, #tpu.memory_space<vmem>>, vector<1x1x16xf32>,
        %get3A_1184 = vector.shape_cast %get3A_1183 : vector<1x1x16xf32> to vector<16xf32>
        %mul3A_1185 = arith.mulf %get3A_1184, %get3A_343 : vector<16xf32>
        %swap3A_1186 = arith.constant 1 : i32
        %swap3A_1187 = arith.constant 5 : i32
        %swap3A_1188 = arith.index_cast %swap3A_1186 : i32 to index
        %swap3A_1189 = arith.index_cast %swap3A_1187 : i32 to index
        %swap3A_1190 = arith.index_cast %add3A_1177 : i32 to index
        %swap3A_1191 = tpu.vector_load %arg6[%swap3A_1188, %swap3A_1189, %swap3A_1190] {strides = array<i32>} : memref<4x8x2048xf32, #tpu.memory_space<vmem>>, vector<1x1x16xf32>,
        %swap3A_1192 = vector.shape_cast %swap3A_1191 : vector<1x1x16xf32> to vector<16xf32>
        %swap3A_1193 = vector.shape_cast %mul3A_1185 : vector<16xf32> to vector<1x1x16xf32>
        tpu.vector_store %arg6[%swap3A_1188, %swap3A_1189, %swap3A_1190], %swap3A_1193 {strides = array<i32>} : memref<4x8x2048xf32, #tpu.memory_space<vmem>>, vector<1x1x16xf32>,
        %add3A_1194 = arith.constant 112 : i32
        %add3A_1195 = arith.addi %mul3A_309, %add3A_1194 : i32
        %get3A_1196 = arith.constant 1 : i32
        %get3A_1197 = arith.constant 5 : i32
        %get3A_1198 = arith.index_cast %get3A_1196 : i32 to index
        %get3A_1199 = arith.index_cast %get3A_1197 : i32 to index
        %get3A_1200 = arith.index_cast %add3A_1195 : i32 to index
        %get3A_1201 = tpu.vector_load %arg6[%get3A_1198, %get3A_1199, %get3A_1200] {strides = array<i32>} : memref<4x8x2048xf32, #tpu.memory_space<vmem>>, vector<1x1x16xf32>,
        %get3A_1202 = vector.shape_cast %get3A_1201 : vector<1x1x16xf32> to vector<16xf32>
        %mul3A_1203 = arith.mulf %get3A_1202, %get3A_348 : vector<16xf32>
        %swap3A_1204 = arith.constant 1 : i32
        %swap3A_1205 = arith.constant 5 : i32
        %swap3A_1206 = arith.index_cast %swap3A_1204 : i32 to index
        %swap3A_1207 = arith.index_cast %swap3A_1205 : i32 to index
        %swap3A_1208 = arith.index_cast %add3A_1195 : i32 to index
        %swap3A_1209 = tpu.vector_load %arg6[%swap3A_1206, %swap3A_1207, %swap3A_1208] {strides = array<i32>} : memref<4x8x2048xf32, #tpu.memory_space<vmem>>, vector<1x1x16xf32>,
        %swap3A_1210 = vector.shape_cast %swap3A_1209 : vector<1x1x16xf32> to vector<16xf32>
        %swap3A_1211 = vector.shape_cast %mul3A_1203 : vector<16xf32> to vector<1x1x16xf32>
        tpu.vector_store %arg6[%swap3A_1206, %swap3A_1207, %swap3A_1208], %swap3A_1211 {strides = array<i32>} : memref<4x8x2048xf32, #tpu.memory_space<vmem>>, vector<1x1x16xf32>,
        %add3A_1212 = arith.constant 0 : i32
        %add3A_1213 = arith.addi %mul3A_309, %add3A_1212 : i32
        %get3A_1214 = arith.constant 1 : i32
        %get3A_1215 = arith.constant 6 : i32
        %get3A_1216 = arith.index_cast %get3A_1214 : i32 to index
        %get3A_1217 = arith.index_cast %get3A_1215 : i32 to index
        %get3A_1218 = arith.index_cast %add3A_1213 : i32 to index
        %get3A_1219 = tpu.vector_load %arg6[%get3A_1216, %get3A_1217, %get3A_1218] {strides = array<i32>} : memref<4x8x2048xf32, #tpu.memory_space<vmem>>, vector<1x1x16xf32>,
        %get3A_1220 = vector.shape_cast %get3A_1219 : vector<1x1x16xf32> to vector<16xf32>
        %mul3A_1221 = arith.mulf %get3A_1220, %get3A_313 : vector<16xf32>
        %swap3A_1222 = arith.constant 1 : i32
        %swap3A_1223 = arith.constant 6 : i32
        %swap3A_1224 = arith.index_cast %swap3A_1222 : i32 to index
        %swap3A_1225 = arith.index_cast %swap3A_1223 : i32 to index
        %swap3A_1226 = arith.index_cast %add3A_1213 : i32 to index
        %swap3A_1227 = tpu.vector_load %arg6[%swap3A_1224, %swap3A_1225, %swap3A_1226] {strides = array<i32>} : memref<4x8x2048xf32, #tpu.memory_space<vmem>>, vector<1x1x16xf32>,
        %swap3A_1228 = vector.shape_cast %swap3A_1227 : vector<1x1x16xf32> to vector<16xf32>
        %swap3A_1229 = vector.shape_cast %mul3A_1221 : vector<16xf32> to vector<1x1x16xf32>
        tpu.vector_store %arg6[%swap3A_1224, %swap3A_1225, %swap3A_1226], %swap3A_1229 {strides = array<i32>} : memref<4x8x2048xf32, #tpu.memory_space<vmem>>, vector<1x1x16xf32>,
        %add3A_1230 = arith.constant 16 : i32
        %add3A_1231 = arith.addi %mul3A_309, %add3A_1230 : i32
        %get3A_1232 = arith.constant 1 : i32
        %get3A_1233 = arith.constant 6 : i32
        %get3A_1234 = arith.index_cast %get3A_1232 : i32 to index
        %get3A_1235 = arith.index_cast %get3A_1233 : i32 to index
        %get3A_1236 = arith.index_cast %add3A_1231 : i32 to index
        %get3A_1237 = tpu.vector_load %arg6[%get3A_1234, %get3A_1235, %get3A_1236] {strides = array<i32>} : memref<4x8x2048xf32, #tpu.memory_space<vmem>>, vector<1x1x16xf32>,
        %get3A_1238 = vector.shape_cast %get3A_1237 : vector<1x1x16xf32> to vector<16xf32>
        %mul3A_1239 = arith.mulf %get3A_1238, %get3A_318 : vector<16xf32>
        %swap3A_1240 = arith.constant 1 : i32
        %swap3A_1241 = arith.constant 6 : i32
        %swap3A_1242 = arith.index_cast %swap3A_1240 : i32 to index
        %swap3A_1243 = arith.index_cast %swap3A_1241 : i32 to index
        %swap3A_1244 = arith.index_cast %add3A_1231 : i32 to index
        %swap3A_1245 = tpu.vector_load %arg6[%swap3A_1242, %swap3A_1243, %swap3A_1244] {strides = array<i32>} : memref<4x8x2048xf32, #tpu.memory_space<vmem>>, vector<1x1x16xf32>,
        %swap3A_1246 = vector.shape_cast %swap3A_1245 : vector<1x1x16xf32> to vector<16xf32>
        %swap3A_1247 = vector.shape_cast %mul3A_1239 : vector<16xf32> to vector<1x1x16xf32>
        tpu.vector_store %arg6[%swap3A_1242, %swap3A_1243, %swap3A_1244], %swap3A_1247 {strides = array<i32>} : memref<4x8x2048xf32, #tpu.memory_space<vmem>>, vector<1x1x16xf32>,
        %add3A_1248 = arith.constant 32 : i32
        %add3A_1249 = arith.addi %mul3A_309, %add3A_1248 : i32
        %get3A_1250 = arith.constant 1 : i32
        %get3A_1251 = arith.constant 6 : i32
        %get3A_1252 = arith.index_cast %get3A_1250 : i32 to index
        %get3A_1253 = arith.index_cast %get3A_1251 : i32 to index
        %get3A_1254 = arith.index_cast %add3A_1249 : i32 to index
        %get3A_1255 = tpu.vector_load %arg6[%get3A_1252, %get3A_1253, %get3A_1254] {strides = array<i32>} : memref<4x8x2048xf32, #tpu.memory_space<vmem>>, vector<1x1x16xf32>,
        %get3A_1256 = vector.shape_cast %get3A_1255 : vector<1x1x16xf32> to vector<16xf32>
        %mul3A_1257 = arith.mulf %get3A_1256, %get3A_323 : vector<16xf32>
        %swap3A_1258 = arith.constant 1 : i32
        %swap3A_1259 = arith.constant 6 : i32
        %swap3A_1260 = arith.index_cast %swap3A_1258 : i32 to index
        %swap3A_1261 = arith.index_cast %swap3A_1259 : i32 to index
        %swap3A_1262 = arith.index_cast %add3A_1249 : i32 to index
        %swap3A_1263 = tpu.vector_load %arg6[%swap3A_1260, %swap3A_1261, %swap3A_1262] {strides = array<i32>} : memref<4x8x2048xf32, #tpu.memory_space<vmem>>, vector<1x1x16xf32>,
        %swap3A_1264 = vector.shape_cast %swap3A_1263 : vector<1x1x16xf32> to vector<16xf32>
        %swap3A_1265 = vector.shape_cast %mul3A_1257 : vector<16xf32> to vector<1x1x16xf32>
        tpu.vector_store %arg6[%swap3A_1260, %swap3A_1261, %swap3A_1262], %swap3A_1265 {strides = array<i32>} : memref<4x8x2048xf32, #tpu.memory_space<vmem>>, vector<1x1x16xf32>,
        %add3A_1266 = arith.constant 48 : i32
        %add3A_1267 = arith.addi %mul3A_309, %add3A_1266 : i32
        %get3A_1268 = arith.constant 1 : i32
        %get3A_1269 = arith.constant 6 : i32
        %get3A_1270 = arith.index_cast %get3A_1268 : i32 to index
        %get3A_1271 = arith.index_cast %get3A_1269 : i32 to index
        %get3A_1272 = arith.index_cast %add3A_1267 : i32 to index
        %get3A_1273 = tpu.vector_load %arg6[%get3A_1270, %get3A_1271, %get3A_1272] {strides = array<i32>} : memref<4x8x2048xf32, #tpu.memory_space<vmem>>, vector<1x1x16xf32>,
        %get3A_1274 = vector.shape_cast %get3A_1273 : vector<1x1x16xf32> to vector<16xf32>
        %mul3A_1275 = arith.mulf %get3A_1274, %get3A_328 : vector<16xf32>
        %swap3A_1276 = arith.constant 1 : i32
        %swap3A_1277 = arith.constant 6 : i32
        %swap3A_1278 = arith.index_cast %swap3A_1276 : i32 to index
        %swap3A_1279 = arith.index_cast %swap3A_1277 : i32 to index
        %swap3A_1280 = arith.index_cast %add3A_1267 : i32 to index
        %swap3A_1281 = tpu.vector_load %arg6[%swap3A_1278, %swap3A_1279, %swap3A_1280] {strides = array<i32>} : memref<4x8x2048xf32, #tpu.memory_space<vmem>>, vector<1x1x16xf32>,
        %swap3A_1282 = vector.shape_cast %swap3A_1281 : vector<1x1x16xf32> to vector<16xf32>
        %swap3A_1283 = vector.shape_cast %mul3A_1275 : vector<16xf32> to vector<1x1x16xf32>
        tpu.vector_store %arg6[%swap3A_1278, %swap3A_1279, %swap3A_1280], %swap3A_1283 {strides = array<i32>} : memref<4x8x2048xf32, #tpu.memory_space<vmem>>, vector<1x1x16xf32>,
        %add3A_1284 = arith.constant 64 : i32
        %add3A_1285 = arith.addi %mul3A_309, %add3A_1284 : i32
        %get3A_1286 = arith.constant 1 : i32
        %get3A_1287 = arith.constant 6 : i32
        %get3A_1288 = arith.index_cast %get3A_1286 : i32 to index
        %get3A_1289 = arith.index_cast %get3A_1287 : i32 to index
        %get3A_1290 = arith.index_cast %add3A_1285 : i32 to index
        %get3A_1291 = tpu.vector_load %arg6[%get3A_1288, %get3A_1289, %get3A_1290] {strides = array<i32>} : memref<4x8x2048xf32, #tpu.memory_space<vmem>>, vector<1x1x16xf32>,
        %get3A_1292 = vector.shape_cast %get3A_1291 : vector<1x1x16xf32> to vector<16xf32>
        %mul3A_1293 = arith.mulf %get3A_1292, %get3A_333 : vector<16xf32>
        %swap3A_1294 = arith.constant 1 : i32
        %swap3A_1295 = arith.constant 6 : i32
        %swap3A_1296 = arith.index_cast %swap3A_1294 : i32 to index
        %swap3A_1297 = arith.index_cast %swap3A_1295 : i32 to index
        %swap3A_1298 = arith.index_cast %add3A_1285 : i32 to index
        %swap3A_1299 = tpu.vector_load %arg6[%swap3A_1296, %swap3A_1297, %swap3A_1298] {strides = array<i32>} : memref<4x8x2048xf32, #tpu.memory_space<vmem>>, vector<1x1x16xf32>,
        %swap3A_1300 = vector.shape_cast %swap3A_1299 : vector<1x1x16xf32> to vector<16xf32>
        %swap3A_1301 = vector.shape_cast %mul3A_1293 : vector<16xf32> to vector<1x1x16xf32>
        tpu.vector_store %arg6[%swap3A_1296, %swap3A_1297, %swap3A_1298], %swap3A_1301 {strides = array<i32>} : memref<4x8x2048xf32, #tpu.memory_space<vmem>>, vector<1x1x16xf32>,
        %add3A_1302 = arith.constant 80 : i32
        %add3A_1303 = arith.addi %mul3A_309, %add3A_1302 : i32
        %get3A_1304 = arith.constant 1 : i32
        %get3A_1305 = arith.constant 6 : i32
        %get3A_1306 = arith.index_cast %get3A_1304 : i32 to index
        %get3A_1307 = arith.index_cast %get3A_1305 : i32 to index
        %get3A_1308 = arith.index_cast %add3A_1303 : i32 to index
        %get3A_1309 = tpu.vector_load %arg6[%get3A_1306, %get3A_1307, %get3A_1308] {strides = array<i32>} : memref<4x8x2048xf32, #tpu.memory_space<vmem>>, vector<1x1x16xf32>,
        %get3A_1310 = vector.shape_cast %get3A_1309 : vector<1x1x16xf32> to vector<16xf32>
        %mul3A_1311 = arith.mulf %get3A_1310, %get3A_338 : vector<16xf32>
        %swap3A_1312 = arith.constant 1 : i32
        %swap3A_1313 = arith.constant 6 : i32
        %swap3A_1314 = arith.index_cast %swap3A_1312 : i32 to index
        %swap3A_1315 = arith.index_cast %swap3A_1313 : i32 to index
        %swap3A_1316 = arith.index_cast %add3A_1303 : i32 to index
        %swap3A_1317 = tpu.vector_load %arg6[%swap3A_1314, %swap3A_1315, %swap3A_1316] {strides = array<i32>} : memref<4x8x2048xf32, #tpu.memory_space<vmem>>, vector<1x1x16xf32>,
        %swap3A_1318 = vector.shape_cast %swap3A_1317 : vector<1x1x16xf32> to vector<16xf32>
        %swap3A_1319 = vector.shape_cast %mul3A_1311 : vector<16xf32> to vector<1x1x16xf32>
        tpu.vector_store %arg6[%swap3A_1314, %swap3A_1315, %swap3A_1316], %swap3A_1319 {strides = array<i32>} : memref<4x8x2048xf32, #tpu.memory_space<vmem>>, vector<1x1x16xf32>,
        %add3A_1320 = arith.constant 96 : i32
        %add3A_1321 = arith.addi %mul3A_309, %add3A_1320 : i32
        %get3A_1322 = arith.constant 1 : i32
        %get3A_1323 = arith.constant 6 : i32
        %get3A_1324 = arith.index_cast %get3A_1322 : i32 to index
        %get3A_1325 = arith.index_cast %get3A_1323 : i32 to index
        %get3A_1326 = arith.index_cast %add3A_1321 : i32 to index
        %get3A_1327 = tpu.vector_load %arg6[%get3A_1324, %get3A_1325, %get3A_1326] {strides = array<i32>} : memref<4x8x2048xf32, #tpu.memory_space<vmem>>, vector<1x1x16xf32>,
        %get3A_1328 = vector.shape_cast %get3A_1327 : vector<1x1x16xf32> to vector<16xf32>
        %mul3A_1329 = arith.mulf %get3A_1328, %get3A_343 : vector<16xf32>
        %swap3A_1330 = arith.constant 1 : i32
        %swap3A_1331 = arith.constant 6 : i32
        %swap3A_1332 = arith.index_cast %swap3A_1330 : i32 to index
        %swap3A_1333 = arith.index_cast %swap3A_1331 : i32 to index
        %swap3A_1334 = arith.index_cast %add3A_1321 : i32 to index
        %swap3A_1335 = tpu.vector_load %arg6[%swap3A_1332, %swap3A_1333, %swap3A_1334] {strides = array<i32>} : memref<4x8x2048xf32, #tpu.memory_space<vmem>>, vector<1x1x16xf32>,
        %swap3A_1336 = vector.shape_cast %swap3A_1335 : vector<1x1x16xf32> to vector<16xf32>
        %swap3A_1337 = vector.shape_cast %mul3A_1329 : vector<16xf32> to vector<1x1x16xf32>
        tpu.vector_store %arg6[%swap3A_1332, %swap3A_1333, %swap3A_1334], %swap3A_1337 {strides = array<i32>} : memref<4x8x2048xf32, #tpu.memory_space<vmem>>, vector<1x1x16xf32>,
        %add3A_1338 = arith.constant 112 : i32
        %add3A_1339 = arith.addi %mul3A_309, %add3A_1338 : i32
        %get3A_1340 = arith.constant 1 : i32
        %get3A_1341 = arith.constant 6 : i32
        %get3A_1342 = arith.index_cast %get3A_1340 : i32 to index
        %get3A_1343 = arith.index_cast %get3A_1341 : i32 to index
        %get3A_1344 = arith.index_cast %add3A_1339 : i32 to index
        %get3A_1345 = tpu.vector_load %arg6[%get3A_1342, %get3A_1343, %get3A_1344] {strides = array<i32>} : memref<4x8x2048xf32, #tpu.memory_space<vmem>>, vector<1x1x16xf32>,
        %get3A_1346 = vector.shape_cast %get3A_1345 : vector<1x1x16xf32> to vector<16xf32>
        %mul3A_1347 = arith.mulf %get3A_1346, %get3A_348 : vector<16xf32>
        %swap3A_1348 = arith.constant 1 : i32
        %swap3A_1349 = arith.constant 6 : i32
        %swap3A_1350 = arith.index_cast %swap3A_1348 : i32 to index
        %swap3A_1351 = arith.index_cast %swap3A_1349 : i32 to index
        %swap3A_1352 = arith.index_cast %add3A_1339 : i32 to index
        %swap3A_1353 = tpu.vector_load %arg6[%swap3A_1350, %swap3A_1351, %swap3A_1352] {strides = array<i32>} : memref<4x8x2048xf32, #tpu.memory_space<vmem>>, vector<1x1x16xf32>,
        %swap3A_1354 = vector.shape_cast %swap3A_1353 : vector<1x1x16xf32> to vector<16xf32>
        %swap3A_1355 = vector.shape_cast %mul3A_1347 : vector<16xf32> to vector<1x1x16xf32>
        tpu.vector_store %arg6[%swap3A_1350, %swap3A_1351, %swap3A_1352], %swap3A_1355 {strides = array<i32>} : memref<4x8x2048xf32, #tpu.memory_space<vmem>>, vector<1x1x16xf32>,
        %add3A_1356 = arith.constant 0 : i32
        %add3A_1357 = arith.addi %mul3A_309, %add3A_1356 : i32
        %get3A_1358 = arith.constant 1 : i32
        %get3A_1359 = arith.constant 7 : i32
        %get3A_1360 = arith.index_cast %get3A_1358 : i32 to index
        %get3A_1361 = arith.index_cast %get3A_1359 : i32 to index
        %get3A_1362 = arith.index_cast %add3A_1357 : i32 to index
        %get3A_1363 = tpu.vector_load %arg6[%get3A_1360, %get3A_1361, %get3A_1362] {strides = array<i32>} : memref<4x8x2048xf32, #tpu.memory_space<vmem>>, vector<1x1x16xf32>,
        %get3A_1364 = vector.shape_cast %get3A_1363 : vector<1x1x16xf32> to vector<16xf32>
        %mul3A_1365 = arith.mulf %get3A_1364, %get3A_313 : vector<16xf32>
        %swap3A_1366 = arith.constant 1 : i32
        %swap3A_1367 = arith.constant 7 : i32
        %swap3A_1368 = arith.index_cast %swap3A_1366 : i32 to index
        %swap3A_1369 = arith.index_cast %swap3A_1367 : i32 to index
        %swap3A_1370 = arith.index_cast %add3A_1357 : i32 to index
        %swap3A_1371 = tpu.vector_load %arg6[%swap3A_1368, %swap3A_1369, %swap3A_1370] {strides = array<i32>} : memref<4x8x2048xf32, #tpu.memory_space<vmem>>, vector<1x1x16xf32>,
        %swap3A_1372 = vector.shape_cast %swap3A_1371 : vector<1x1x16xf32> to vector<16xf32>
        %swap3A_1373 = vector.shape_cast %mul3A_1365 : vector<16xf32> to vector<1x1x16xf32>
        tpu.vector_store %arg6[%swap3A_1368, %swap3A_1369, %swap3A_1370], %swap3A_1373 {strides = array<i32>} : memref<4x8x2048xf32, #tpu.memory_space<vmem>>, vector<1x1x16xf32>,
        %add3A_1374 = arith.constant 16 : i32
        %add3A_1375 = arith.addi %mul3A_309, %add3A_1374 : i32
        %get3A_1376 = arith.constant 1 : i32
        %get3A_1377 = arith.constant 7 : i32
        %get3A_1378 = arith.index_cast %get3A_1376 : i32 to index
        %get3A_1379 = arith.index_cast %get3A_1377 : i32 to index
        %get3A_1380 = arith.index_cast %add3A_1375 : i32 to index
        %get3A_1381 = tpu.vector_load %arg6[%get3A_1378, %get3A_1379, %get3A_1380] {strides = array<i32>} : memref<4x8x2048xf32, #tpu.memory_space<vmem>>, vector<1x1x16xf32>,
        %get3A_1382 = vector.shape_cast %get3A_1381 : vector<1x1x16xf32> to vector<16xf32>
        %mul3A_1383 = arith.mulf %get3A_1382, %get3A_318 : vector<16xf32>
        %swap3A_1384 = arith.constant 1 : i32
        %swap3A_1385 = arith.constant 7 : i32
        %swap3A_1386 = arith.index_cast %swap3A_1384 : i32 to index
        %swap3A_1387 = arith.index_cast %swap3A_1385 : i32 to index
        %swap3A_1388 = arith.index_cast %add3A_1375 : i32 to index
        %swap3A_1389 = tpu.vector_load %arg6[%swap3A_1386, %swap3A_1387, %swap3A_1388] {strides = array<i32>} : memref<4x8x2048xf32, #tpu.memory_space<vmem>>, vector<1x1x16xf32>,
        %swap3A_1390 = vector.shape_cast %swap3A_1389 : vector<1x1x16xf32> to vector<16xf32>
        %swap3A_1391 = vector.shape_cast %mul3A_1383 : vector<16xf32> to vector<1x1x16xf32>
        tpu.vector_store %arg6[%swap3A_1386, %swap3A_1387, %swap3A_1388], %swap3A_1391 {strides = array<i32>} : memref<4x8x2048xf32, #tpu.memory_space<vmem>>, vector<1x1x16xf32>,
        %add3A_1392 = arith.constant 32 : i32
        %add3A_1393 = arith.addi %mul3A_309, %add3A_1392 : i32
        %get3A_1394 = arith.constant 1 : i32
        %get3A_1395 = arith.constant 7 : i32
        %get3A_1396 = arith.index_cast %get3A_1394 : i32 to index
        %get3A_1397 = arith.index_cast %get3A_1395 : i32 to index
        %get3A_1398 = arith.index_cast %add3A_1393 : i32 to index
        %get3A_1399 = tpu.vector_load %arg6[%get3A_1396, %get3A_1397, %get3A_1398] {strides = array<i32>} : memref<4x8x2048xf32, #tpu.memory_space<vmem>>, vector<1x1x16xf32>,
        %get3A_1400 = vector.shape_cast %get3A_1399 : vector<1x1x16xf32> to vector<16xf32>
        %mul3A_1401 = arith.mulf %get3A_1400, %get3A_323 : vector<16xf32>
        %swap3A_1402 = arith.constant 1 : i32
        %swap3A_1403 = arith.constant 7 : i32
        %swap3A_1404 = arith.index_cast %swap3A_1402 : i32 to index
        %swap3A_1405 = arith.index_cast %swap3A_1403 : i32 to index
        %swap3A_1406 = arith.index_cast %add3A_1393 : i32 to index
        %swap3A_1407 = tpu.vector_load %arg6[%swap3A_1404, %swap3A_1405, %swap3A_1406] {strides = array<i32>} : memref<4x8x2048xf32, #tpu.memory_space<vmem>>, vector<1x1x16xf32>,
        %swap3A_1408 = vector.shape_cast %swap3A_1407 : vector<1x1x16xf32> to vector<16xf32>
        %swap3A_1409 = vector.shape_cast %mul3A_1401 : vector<16xf32> to vector<1x1x16xf32>
        tpu.vector_store %arg6[%swap3A_1404, %swap3A_1405, %swap3A_1406], %swap3A_1409 {strides = array<i32>} : memref<4x8x2048xf32, #tpu.memory_space<vmem>>, vector<1x1x16xf32>,
        %add3A_1410 = arith.constant 48 : i32
        %add3A_1411 = arith.addi %mul3A_309, %add3A_1410 : i32
        %get3A_1412 = arith.constant 1 : i32
        %get3A_1413 = arith.constant 7 : i32
        %get3A_1414 = arith.index_cast %get3A_1412 : i32 to index
        %get3A_1415 = arith.index_cast %get3A_1413 : i32 to index
        %get3A_1416 = arith.index_cast %add3A_1411 : i32 to index
        %get3A_1417 = tpu.vector_load %arg6[%get3A_1414, %get3A_1415, %get3A_1416] {strides = array<i32>} : memref<4x8x2048xf32, #tpu.memory_space<vmem>>, vector<1x1x16xf32>,
        %get3A_1418 = vector.shape_cast %get3A_1417 : vector<1x1x16xf32> to vector<16xf32>
        %mul3A_1419 = arith.mulf %get3A_1418, %get3A_328 : vector<16xf32>
        %swap3A_1420 = arith.constant 1 : i32
        %swap3A_1421 = arith.constant 7 : i32
        %swap3A_1422 = arith.index_cast %swap3A_1420 : i32 to index
        %swap3A_1423 = arith.index_cast %swap3A_1421 : i32 to index
        %swap3A_1424 = arith.index_cast %add3A_1411 : i32 to index
        %swap3A_1425 = tpu.vector_load %arg6[%swap3A_1422, %swap3A_1423, %swap3A_1424] {strides = array<i32>} : memref<4x8x2048xf32, #tpu.memory_space<vmem>>, vector<1x1x16xf32>,
        %swap3A_1426 = vector.shape_cast %swap3A_1425 : vector<1x1x16xf32> to vector<16xf32>
        %swap3A_1427 = vector.shape_cast %mul3A_1419 : vector<16xf32> to vector<1x1x16xf32>
        tpu.vector_store %arg6[%swap3A_1422, %swap3A_1423, %swap3A_1424], %swap3A_1427 {strides = array<i32>} : memref<4x8x2048xf32, #tpu.memory_space<vmem>>, vector<1x1x16xf32>,
        %add3A_1428 = arith.constant 64 : i32
        %add3A_1429 = arith.addi %mul3A_309, %add3A_1428 : i32
        %get3A_1430 = arith.constant 1 : i32
        %get3A_1431 = arith.constant 7 : i32
        %get3A_1432 = arith.index_cast %get3A_1430 : i32 to index
        %get3A_1433 = arith.index_cast %get3A_1431 : i32 to index
        %get3A_1434 = arith.index_cast %add3A_1429 : i32 to index
        %get3A_1435 = tpu.vector_load %arg6[%get3A_1432, %get3A_1433, %get3A_1434] {strides = array<i32>} : memref<4x8x2048xf32, #tpu.memory_space<vmem>>, vector<1x1x16xf32>,
        %get3A_1436 = vector.shape_cast %get3A_1435 : vector<1x1x16xf32> to vector<16xf32>
        %mul3A_1437 = arith.mulf %get3A_1436, %get3A_333 : vector<16xf32>
        %swap3A_1438 = arith.constant 1 : i32
        %swap3A_1439 = arith.constant 7 : i32
        %swap3A_1440 = arith.index_cast %swap3A_1438 : i32 to index
        %swap3A_1441 = arith.index_cast %swap3A_1439 : i32 to index
        %swap3A_1442 = arith.index_cast %add3A_1429 : i32 to index
        %swap3A_1443 = tpu.vector_load %arg6[%swap3A_1440, %swap3A_1441, %swap3A_1442] {strides = array<i32>} : memref<4x8x2048xf32, #tpu.memory_space<vmem>>, vector<1x1x16xf32>,
        %swap3A_1444 = vector.shape_cast %swap3A_1443 : vector<1x1x16xf32> to vector<16xf32>
        %swap3A_1445 = vector.shape_cast %mul3A_1437 : vector<16xf32> to vector<1x1x16xf32>
        tpu.vector_store %arg6[%swap3A_1440, %swap3A_1441, %swap3A_1442], %swap3A_1445 {strides = array<i32>} : memref<4x8x2048xf32, #tpu.memory_space<vmem>>, vector<1x1x16xf32>,
        %add3A_1446 = arith.constant 80 : i32
        %add3A_1447 = arith.addi %mul3A_309, %add3A_1446 : i32
        %get3A_1448 = arith.constant 1 : i32
        %get3A_1449 = arith.constant 7 : i32
        %get3A_1450 = arith.index_cast %get3A_1448 : i32 to index
        %get3A_1451 = arith.index_cast %get3A_1449 : i32 to index
        %get3A_1452 = arith.index_cast %add3A_1447 : i32 to index
        %get3A_1453 = tpu.vector_load %arg6[%get3A_1450, %get3A_1451, %get3A_1452] {strides = array<i32>} : memref<4x8x2048xf32, #tpu.memory_space<vmem>>, vector<1x1x16xf32>,
        %get3A_1454 = vector.shape_cast %get3A_1453 : vector<1x1x16xf32> to vector<16xf32>
        %mul3A_1455 = arith.mulf %get3A_1454, %get3A_338 : vector<16xf32>
        %swap3A_1456 = arith.constant 1 : i32
        %swap3A_1457 = arith.constant 7 : i32
        %swap3A_1458 = arith.index_cast %swap3A_1456 : i32 to index
        %swap3A_1459 = arith.index_cast %swap3A_1457 : i32 to index
        %swap3A_1460 = arith.index_cast %add3A_1447 : i32 to index
        %swap3A_1461 = tpu.vector_load %arg6[%swap3A_1458, %swap3A_1459, %swap3A_1460] {strides = array<i32>} : memref<4x8x2048xf32, #tpu.memory_space<vmem>>, vector<1x1x16xf32>,
        %swap3A_1462 = vector.shape_cast %swap3A_1461 : vector<1x1x16xf32> to vector<16xf32>
        %swap3A_1463 = vector.shape_cast %mul3A_1455 : vector<16xf32> to vector<1x1x16xf32>
        tpu.vector_store %arg6[%swap3A_1458, %swap3A_1459, %swap3A_1460], %swap3A_1463 {strides = array<i32>} : memref<4x8x2048xf32, #tpu.memory_space<vmem>>, vector<1x1x16xf32>,
        %add3A_1464 = arith.constant 96 : i32
        %add3A_1465 = arith.addi %mul3A_309, %add3A_1464 : i32
        %get3A_1466 = arith.constant 1 : i32
        %get3A_1467 = arith.constant 7 : i32
        %get3A_1468 = arith.index_cast %get3A_1466 : i32 to index
        %get3A_1469 = arith.index_cast %get3A_1467 : i32 to index
        %get3A_1470 = arith.index_cast %add3A_1465 : i32 to index
        %get3A_1471 = tpu.vector_load %arg6[%get3A_1468, %get3A_1469, %get3A_1470] {strides = array<i32>} : memref<4x8x2048xf32, #tpu.memory_space<vmem>>, vector<1x1x16xf32>,
        %get3A_1472 = vector.shape_cast %get3A_1471 : vector<1x1x16xf32> to vector<16xf32>
        %mul3A_1473 = arith.mulf %get3A_1472, %get3A_343 : vector<16xf32>
        %swap3A_1474 = arith.constant 1 : i32
        %swap3A_1475 = arith.constant 7 : i32
        %swap3A_1476 = arith.index_cast %swap3A_1474 : i32 to index
        %swap3A_1477 = arith.index_cast %swap3A_1475 : i32 to index
        %swap3A_1478 = arith.index_cast %add3A_1465 : i32 to index
        %swap3A_1479 = tpu.vector_load %arg6[%swap3A_1476, %swap3A_1477, %swap3A_1478] {strides = array<i32>} : memref<4x8x2048xf32, #tpu.memory_space<vmem>>, vector<1x1x16xf32>,
        %swap3A_1480 = vector.shape_cast %swap3A_1479 : vector<1x1x16xf32> to vector<16xf32>
        %swap3A_1481 = vector.shape_cast %mul3A_1473 : vector<16xf32> to vector<1x1x16xf32>
        tpu.vector_store %arg6[%swap3A_1476, %swap3A_1477, %swap3A_1478], %swap3A_1481 {strides = array<i32>} : memref<4x8x2048xf32, #tpu.memory_space<vmem>>, vector<1x1x16xf32>,
        %add3A_1482 = arith.constant 112 : i32
        %add3A_1483 = arith.addi %mul3A_309, %add3A_1482 : i32
        %get3A_1484 = arith.constant 1 : i32
        %get3A_1485 = arith.constant 7 : i32
        %get3A_1486 = arith.index_cast %get3A_1484 : i32 to index
        %get3A_1487 = arith.index_cast %get3A_1485 : i32 to index
        %get3A_1488 = arith.index_cast %add3A_1483 : i32 to index
        %get3A_1489 = tpu.vector_load %arg6[%get3A_1486, %get3A_1487, %get3A_1488] {strides = array<i32>} : memref<4x8x2048xf32, #tpu.memory_space<vmem>>, vector<1x1x16xf32>,
        %get3A_1490 = vector.shape_cast %get3A_1489 : vector<1x1x16xf32> to vector<16xf32>
        %mul3A_1491 = arith.mulf %get3A_1490, %get3A_348 : vector<16xf32>
        %swap3A_1492 = arith.constant 1 : i32
        %swap3A_1493 = arith.constant 7 : i32
        %swap3A_1494 = arith.index_cast %swap3A_1492 : i32 to index
        %swap3A_1495 = arith.index_cast %swap3A_1493 : i32 to index
        %swap3A_1496 = arith.index_cast %add3A_1483 : i32 to index
        %swap3A_1497 = tpu.vector_load %arg6[%swap3A_1494, %swap3A_1495, %swap3A_1496] {strides = array<i32>} : memref<4x8x2048xf32, #tpu.memory_space<vmem>>, vector<1x1x16xf32>,
        %swap3A_1498 = vector.shape_cast %swap3A_1497 : vector<1x1x16xf32> to vector<16xf32>
        %swap3A_1499 = vector.shape_cast %mul3A_1491 : vector<16xf32> to vector<1x1x16xf32>
        tpu.vector_store %arg6[%swap3A_1494, %swap3A_1495, %swap3A_1496], %swap3A_1499 {strides = array<i32>} : memref<4x8x2048xf32, #tpu.memory_space<vmem>>, vector<1x1x16xf32>,
      }
      %scan3A_177 = arith.constant 16 : i32
      %dma_start3A_178 = arith.constant 1 : i32
      %dma_start3A_179 = arith.constant 0 : i32
      %dma_start3A_180 = arith.constant 0 : i32
      %dma_start3A_181 = tpu.memref_slice %arg6[%dma_start3A_178, %dma_start3A_179, %dma_start3A_180] : memref<4x8x2048xf32, #tpu.memory_space<vmem>> -> memref<1x8x2048xf32, #tpu.memory_space<vmem>>
      %dma_start3A_182 = tpu.memref_squeeze %dma_start3A_181 : memref<1x8x2048xf32, #tpu.memory_space<vmem>> -> memref<8x2048xf32, #tpu.memory_space<vmem>>
      %dma_start3A_183 = arith.constant 0 : i32
      %dma_start3A_184 = tpu.memref_slice %arg4[%add3A_139, %dma_start3A_183] : memref<32768x2048xf32, #tpu.memory_space<hbm>> -> memref<8x2048xf32, #tpu.memory_space<hbm>>
      %dma_start3A_185 = arith.constant 0 : i32
      %dma_start3A_186 = tpu.memref_slice %arg4[%add3A_139, %dma_start3A_185] : memref<32768x2048xf32, #tpu.memory_space<hbm>> -> memref<8x2048xf32, #tpu.memory_space<hbm>>
      %dma_start3A_187 = arith.constant 0 : i32
      %dma_start3A_188 = arith.constant 0 : i32
      %dma_start3A_189 = tpu.memref_slice %arg6[%dma_start3A_178, %dma_start3A_187, %dma_start3A_188] : memref<4x8x2048xf32, #tpu.memory_space<vmem>> -> memref<1x8x2048xf32, #tpu.memory_space<vmem>>
      %dma_start3A_190 = tpu.memref_squeeze %dma_start3A_189 : memref<1x8x2048xf32, #tpu.memory_space<vmem>> -> memref<8x2048xf32, #tpu.memory_space<vmem>>
      tpu.enqueue_dma source(%dma_start3A_190 : memref<8x2048xf32, #tpu.memory_space<vmem>>) target(%dma_start3A_186 : memref<8x2048xf32, #tpu.memory_space<hbm>>) target_semaphore(%arg12 : memref<!tpu.dma_semaphore, #tpu.memory_space<semaphore_mem>>)
      %mul3A_191 = arith.constant 4 : i32
      %mul3A_192 = arith.muli %scan3A_79, %mul3A_191 : i32
      %add3A_193 = arith.constant 2 : i32
      %add3A_194 = arith.addi %mul3A_192, %add3A_193 : i32
      %mul3A_195 = arith.constant 8 : i32
      %mul3A_196 = arith.muli %add3A_194, %mul3A_195 : i32
      %add3A_197 = arith.addi %mul3A_2, %mul3A_196 : i32
      %add3A_198 = arith.constant 1 : i32
      %add3A_199 = arith.addi %add3A_194, %add3A_198 : i32
      %ge3A_200 = arith.constant 4 : i32
      %ge3A_201 = arith.cmpi sge, %add3A_199, %ge3A_200 : i32
      %add3A_202 = arith.constant 1 : i32
      %add3A_203 = arith.addi %add3A_194, %add3A_202 : i32
      %lt3A_204 = arith.constant 128 : i32
      %lt3A_205 = arith.cmpi slt, %add3A_203, %lt3A_204 : i32
      %and3A_206 = arith.andi %ge3A_201, %lt3A_205 : i1
      %convert_element_type3A_207 = arith.extui %and3A_206 : i1 to i32
      %cond3A_208 = arith.constant 0 : i32
      %cond3A_209 = arith.cmpi ne, %convert_element_type3A_207, %cond3A_208 : i32
      scf.if %cond3A_209 {
        %add3A_307 = arith.constant -24 : i32
        %add3A_308 = arith.addi %add3A_197, %add3A_307 : i32
        %dma_wait3A_309 = arith.constant 3 : i32
        %dma_wait3A_310 = arith.constant 0 : i32
        %dma_wait3A_311 = arith.constant 0 : i32
        %dma_wait3A_312 = tpu.memref_slice %arg6[%dma_wait3A_309, %dma_wait3A_310, %dma_wait3A_311] : memref<4x8x2048xf32, #tpu.memory_space<vmem>> -> memref<1x8x2048xf32, #tpu.memory_space<vmem>>
        %dma_wait3A_313 = tpu.memref_squeeze %dma_wait3A_312 : memref<1x8x2048xf32, #tpu.memory_space<vmem>> -> memref<8x2048xf32, #tpu.memory_space<vmem>>
        %dma_wait3A_314 = arith.constant 0 : i32
        %dma_wait3A_315 = tpu.memref_slice %arg4[%add3A_308, %dma_wait3A_314] : memref<32768x2048xf32, #tpu.memory_space<hbm>> -> memref<8x2048xf32, #tpu.memory_space<hbm>>
        %dma_wait3A_316 = arith.constant 0 : i32
        %dma_wait3A_317 = tpu.memref_slice %arg4[%add3A_308, %dma_wait3A_316] : memref<32768x2048xf32, #tpu.memory_space<hbm>> -> memref<8x2048xf32, #tpu.memory_space<hbm>>
        %dma_wait3A_318 = arith.constant 0 : i32
        %dma_wait3A_319 = arith.constant 0 : i32
        %dma_wait3A_320 = tpu.memref_slice %arg6[%dma_wait3A_309, %dma_wait3A_318, %dma_wait3A_319] : memref<4x8x2048xf32, #tpu.memory_space<vmem>> -> memref<1x8x2048xf32, #tpu.memory_space<vmem>>
        %dma_wait3A_321 = tpu.memref_squeeze %dma_wait3A_320 : memref<1x8x2048xf32, #tpu.memory_space<vmem>> -> memref<8x2048xf32, #tpu.memory_space<vmem>>
        tpu.wait_dma2 semaphore(%arg14 : memref<!tpu.dma_semaphore, #tpu.memory_space<semaphore_mem>>) src(%dma_wait3A_321 : memref<8x2048xf32, #tpu.memory_space<vmem>>) dst(%dma_wait3A_317 : memref<8x2048xf32, #tpu.memory_space<hbm>>)
      } else {
      }
      %add3A_210 = arith.constant 1 : i32
      %add3A_211 = arith.addi %add3A_194, %add3A_210 : i32
      %lt3A_212 = arith.constant 128 : i32
      %lt3A_213 = arith.cmpi slt, %add3A_211, %lt3A_212 : i32
      %convert_element_type3A_214 = arith.extui %lt3A_213 : i1 to i32
      %cond3A_215 = arith.constant 0 : i32
      %cond3A_216 = arith.cmpi ne, %convert_element_type3A_214, %cond3A_215 : i32
      scf.if %cond3A_216 {
        %add3A_307 = arith.constant 8 : i32
        %add3A_308 = arith.addi %add3A_197, %add3A_307 : i32
        %dma_start3A_309 = arith.constant 3 : i32
        %dma_start3A_310 = arith.constant 0 : i32
        %dma_start3A_311 = arith.constant 0 : i32
        %dma_start3A_312 = tpu.memref_slice %arg6[%dma_start3A_309, %dma_start3A_310, %dma_start3A_311] : memref<4x8x2048xf32, #tpu.memory_space<vmem>> -> memref<1x8x2048xf32, #tpu.memory_space<vmem>>
        %dma_start3A_313 = tpu.memref_squeeze %dma_start3A_312 : memref<1x8x2048xf32, #tpu.memory_space<vmem>> -> memref<8x2048xf32, #tpu.memory_space<vmem>>
        %dma_start3A_314 = arith.constant 0 : i32
        %dma_start3A_315 = tpu.memref_slice %arg2[%add3A_308, %dma_start3A_314] : memref<32768x2048xf32, #tpu.memory_space<hbm>> -> memref<8x2048xf32, #tpu.memory_space<hbm>>
        %dma_start3A_316 = arith.constant 0 : i32
        %dma_start3A_317 = arith.constant 0 : i32
        %dma_start3A_318 = tpu.memref_slice %arg6[%dma_start3A_309, %dma_start3A_316, %dma_start3A_317] : memref<4x8x2048xf32, #tpu.memory_space<vmem>> -> memref<1x8x2048xf32, #tpu.memory_space<vmem>>
        %dma_start3A_319 = tpu.memref_squeeze %dma_start3A_318 : memref<1x8x2048xf32, #tpu.memory_space<vmem>> -> memref<8x2048xf32, #tpu.memory_space<vmem>>
        %dma_start3A_320 = arith.constant 0 : i32
        %dma_start3A_321 = tpu.memref_slice %arg2[%add3A_308, %dma_start3A_320] : memref<32768x2048xf32, #tpu.memory_space<hbm>> -> memref<8x2048xf32, #tpu.memory_space<hbm>>
        tpu.enqueue_dma source(%dma_start3A_321 : memref<8x2048xf32, #tpu.memory_space<hbm>>) target(%dma_start3A_319 : memref<8x2048xf32, #tpu.memory_space<vmem>>) target_semaphore(%arg10 : memref<!tpu.dma_semaphore, #tpu.memory_space<semaphore_mem>>)
      } else {
      }
      %dma_wait3A_217 = arith.constant 2 : i32
      %dma_wait3A_218 = arith.constant 0 : i32
      %dma_wait3A_219 = arith.constant 0 : i32
      %dma_wait3A_220 = tpu.memref_slice %arg6[%dma_wait3A_217, %dma_wait3A_218, %dma_wait3A_219] : memref<4x8x2048xf32, #tpu.memory_space<vmem>> -> memref<1x8x2048xf32, #tpu.memory_space<vmem>>
      %dma_wait3A_221 = tpu.memref_squeeze %dma_wait3A_220 : memref<1x8x2048xf32, #tpu.memory_space<vmem>> -> memref<8x2048xf32, #tpu.memory_space<vmem>>
      %dma_wait3A_222 = arith.constant 0 : i32
      %dma_wait3A_223 = tpu.memref_slice %arg2[%add3A_197, %dma_wait3A_222] : memref<32768x2048xf32, #tpu.memory_space<hbm>> -> memref<8x2048xf32, #tpu.memory_space<hbm>>
      %dma_wait3A_224 = arith.constant 0 : i32
      %dma_wait3A_225 = arith.constant 0 : i32
      %dma_wait3A_226 = tpu.memref_slice %arg6[%dma_wait3A_217, %dma_wait3A_224, %dma_wait3A_225] : memref<4x8x2048xf32, #tpu.memory_space<vmem>> -> memref<1x8x2048xf32, #tpu.memory_space<vmem>>
      %dma_wait3A_227 = tpu.memref_squeeze %dma_wait3A_226 : memref<1x8x2048xf32, #tpu.memory_space<vmem>> -> memref<8x2048xf32, #tpu.memory_space<vmem>>
      %dma_wait3A_228 = arith.constant 0 : i32
      %dma_wait3A_229 = tpu.memref_slice %arg2[%add3A_197, %dma_wait3A_228] : memref<32768x2048xf32, #tpu.memory_space<hbm>> -> memref<8x2048xf32, #tpu.memory_space<hbm>>
      tpu.wait_dma2 semaphore(%arg9 : memref<!tpu.dma_semaphore, #tpu.memory_space<semaphore_mem>>) src(%dma_wait3A_229 : memref<8x2048xf32, #tpu.memory_space<hbm>>) dst(%dma_wait3A_227 : memref<8x2048xf32, #tpu.memory_space<vmem>>)
      %scan3A_230 = arith.constant 0 : i32
      %scan3A_231 = arith.constant 0 : i32
      %scan3A_232 = arith.constant 16 : i32
      %scan3A_233 = arith.addi %scan3A_231, %scan3A_232 : i32
      %scan3A_234 = arith.constant 1 : i32
      scf.for %scan3A_307 = %scan3A_231 to %scan3A_233 step %scan3A_234  : i32 {
        %mul3A_308 = arith.constant 128 : i32
        %mul3A_309 = arith.muli %scan3A_307, %mul3A_308 : i32
        %add3A_310 = arith.constant 0 : i32
        %add3A_311 = arith.addi %mul3A_309, %add3A_310 : i32
        %get3A = arith.index_cast %add3A_311 : i32 to index
        %get3A_312 = tpu.vector_load %arg5[%get3A] {strides = array<i32>} : memref<2048xf32, #tpu.memory_space<vmem>>, vector<16xf32>,
        %get3A_313 = vector.shape_cast %get3A_312 : vector<16xf32> to vector<16xf32>
        %add3A_314 = arith.constant 16 : i32
        %add3A_315 = arith.addi %mul3A_309, %add3A_314 : i32
        %get3A_316 = arith.index_cast %add3A_315 : i32 to index
        %get3A_317 = tpu.vector_load %arg5[%get3A_316] {strides = array<i32>} : memref<2048xf32, #tpu.memory_space<vmem>>, vector<16xf32>,
        %get3A_318 = vector.shape_cast %get3A_317 : vector<16xf32> to vector<16xf32>
        %add3A_319 = arith.constant 32 : i32
        %add3A_320 = arith.addi %mul3A_309, %add3A_319 : i32
        %get3A_321 = arith.index_cast %add3A_320 : i32 to index
        %get3A_322 = tpu.vector_load %arg5[%get3A_321] {strides = array<i32>} : memref<2048xf32, #tpu.memory_space<vmem>>, vector<16xf32>,
        %get3A_323 = vector.shape_cast %get3A_322 : vector<16xf32> to vector<16xf32>
        %add3A_324 = arith.constant 48 : i32
        %add3A_325 = arith.addi %mul3A_309, %add3A_324 : i32
        %get3A_326 = arith.index_cast %add3A_325 : i32 to index
        %get3A_327 = tpu.vector_load %arg5[%get3A_326] {strides = array<i32>} : memref<2048xf32, #tpu.memory_space<vmem>>, vector<16xf32>,
        %get3A_328 = vector.shape_cast %get3A_327 : vector<16xf32> to vector<16xf32>
        %add3A_329 = arith.constant 64 : i32
        %add3A_330 = arith.addi %mul3A_309, %add3A_329 : i32
        %get3A_331 = arith.index_cast %add3A_330 : i32 to index
        %get3A_332 = tpu.vector_load %arg5[%get3A_331] {strides = array<i32>} : memref<2048xf32, #tpu.memory_space<vmem>>, vector<16xf32>,
        %get3A_333 = vector.shape_cast %get3A_332 : vector<16xf32> to vector<16xf32>
        %add3A_334 = arith.constant 80 : i32
        %add3A_335 = arith.addi %mul3A_309, %add3A_334 : i32
        %get3A_336 = arith.index_cast %add3A_335 : i32 to index
        %get3A_337 = tpu.vector_load %arg5[%get3A_336] {strides = array<i32>} : memref<2048xf32, #tpu.memory_space<vmem>>, vector<16xf32>,
        %get3A_338 = vector.shape_cast %get3A_337 : vector<16xf32> to vector<16xf32>
        %add3A_339 = arith.constant 96 : i32
        %add3A_340 = arith.addi %mul3A_309, %add3A_339 : i32
        %get3A_341 = arith.index_cast %add3A_340 : i32 to index
        %get3A_342 = tpu.vector_load %arg5[%get3A_341] {strides = array<i32>} : memref<2048xf32, #tpu.memory_space<vmem>>, vector<16xf32>,
        %get3A_343 = vector.shape_cast %get3A_342 : vector<16xf32> to vector<16xf32>
        %add3A_344 = arith.constant 112 : i32
        %add3A_345 = arith.addi %mul3A_309, %add3A_344 : i32
        %get3A_346 = arith.index_cast %add3A_345 : i32 to index
        %get3A_347 = tpu.vector_load %arg5[%get3A_346] {strides = array<i32>} : memref<2048xf32, #tpu.memory_space<vmem>>, vector<16xf32>,
        %get3A_348 = vector.shape_cast %get3A_347 : vector<16xf32> to vector<16xf32>
        %add3A_349 = arith.constant 0 : i32
        %add3A_350 = arith.addi %mul3A_309, %add3A_349 : i32
        %get3A_351 = arith.constant 2 : i32
        %get3A_352 = arith.constant 0 : i32
        %get3A_353 = arith.index_cast %get3A_351 : i32 to index
        %get3A_354 = arith.index_cast %get3A_352 : i32 to index
        %get3A_355 = arith.index_cast %add3A_350 : i32 to index
        %get3A_356 = tpu.vector_load %arg6[%get3A_353, %get3A_354, %get3A_355] {strides = array<i32>} : memref<4x8x2048xf32, #tpu.memory_space<vmem>>, vector<1x1x16xf32>,
        %get3A_357 = vector.shape_cast %get3A_356 : vector<1x1x16xf32> to vector<16xf32>
        %mul3A_358 = arith.mulf %get3A_357, %get3A_313 : vector<16xf32>
        %swap3A = arith.constant 2 : i32
        %swap3A_359 = arith.constant 0 : i32
        %swap3A_360 = arith.index_cast %swap3A : i32 to index
        %swap3A_361 = arith.index_cast %swap3A_359 : i32 to index
        %swap3A_362 = arith.index_cast %add3A_350 : i32 to index
        %swap3A_363 = tpu.vector_load %arg6[%swap3A_360, %swap3A_361, %swap3A_362] {strides = array<i32>} : memref<4x8x2048xf32, #tpu.memory_space<vmem>>, vector<1x1x16xf32>,
        %swap3A_364 = vector.shape_cast %swap3A_363 : vector<1x1x16xf32> to vector<16xf32>
        %swap3A_365 = vector.shape_cast %mul3A_358 : vector<16xf32> to vector<1x1x16xf32>
        tpu.vector_store %arg6[%swap3A_360, %swap3A_361, %swap3A_362], %swap3A_365 {strides = array<i32>} : memref<4x8x2048xf32, #tpu.memory_space<vmem>>, vector<1x1x16xf32>,
        %add3A_366 = arith.constant 16 : i32
        %add3A_367 = arith.addi %mul3A_309, %add3A_366 : i32
        %get3A_368 = arith.constant 2 : i32
        %get3A_369 = arith.constant 0 : i32
        %get3A_370 = arith.index_cast %get3A_368 : i32 to index
        %get3A_371 = arith.index_cast %get3A_369 : i32 to index
        %get3A_372 = arith.index_cast %add3A_367 : i32 to index
        %get3A_373 = tpu.vector_load %arg6[%get3A_370, %get3A_371, %get3A_372] {strides = array<i32>} : memref<4x8x2048xf32, #tpu.memory_space<vmem>>, vector<1x1x16xf32>,
        %get3A_374 = vector.shape_cast %get3A_373 : vector<1x1x16xf32> to vector<16xf32>
        %mul3A_375 = arith.mulf %get3A_374, %get3A_318 : vector<16xf32>
        %swap3A_376 = arith.constant 2 : i32
        %swap3A_377 = arith.constant 0 : i32
        %swap3A_378 = arith.index_cast %swap3A_376 : i32 to index
        %swap3A_379 = arith.index_cast %swap3A_377 : i32 to index
        %swap3A_380 = arith.index_cast %add3A_367 : i32 to index
        %swap3A_381 = tpu.vector_load %arg6[%swap3A_378, %swap3A_379, %swap3A_380] {strides = array<i32>} : memref<4x8x2048xf32, #tpu.memory_space<vmem>>, vector<1x1x16xf32>,
        %swap3A_382 = vector.shape_cast %swap3A_381 : vector<1x1x16xf32> to vector<16xf32>
        %swap3A_383 = vector.shape_cast %mul3A_375 : vector<16xf32> to vector<1x1x16xf32>
        tpu.vector_store %arg6[%swap3A_378, %swap3A_379, %swap3A_380], %swap3A_383 {strides = array<i32>} : memref<4x8x2048xf32, #tpu.memory_space<vmem>>, vector<1x1x16xf32>,
        %add3A_384 = arith.constant 32 : i32
        %add3A_385 = arith.addi %mul3A_309, %add3A_384 : i32
        %get3A_386 = arith.constant 2 : i32
        %get3A_387 = arith.constant 0 : i32
        %get3A_388 = arith.index_cast %get3A_386 : i32 to index
        %get3A_389 = arith.index_cast %get3A_387 : i32 to index
        %get3A_390 = arith.index_cast %add3A_385 : i32 to index
        %get3A_391 = tpu.vector_load %arg6[%get3A_388, %get3A_389, %get3A_390] {strides = array<i32>} : memref<4x8x2048xf32, #tpu.memory_space<vmem>>, vector<1x1x16xf32>,
        %get3A_392 = vector.shape_cast %get3A_391 : vector<1x1x16xf32> to vector<16xf32>
        %mul3A_393 = arith.mulf %get3A_392, %get3A_323 : vector<16xf32>
        %swap3A_394 = arith.constant 2 : i32
        %swap3A_395 = arith.constant 0 : i32
        %swap3A_396 = arith.index_cast %swap3A_394 : i32 to index
        %swap3A_397 = arith.index_cast %swap3A_395 : i32 to index
        %swap3A_398 = arith.index_cast %add3A_385 : i32 to index
        %swap3A_399 = tpu.vector_load %arg6[%swap3A_396, %swap3A_397, %swap3A_398] {strides = array<i32>} : memref<4x8x2048xf32, #tpu.memory_space<vmem>>, vector<1x1x16xf32>,
        %swap3A_400 = vector.shape_cast %swap3A_399 : vector<1x1x16xf32> to vector<16xf32>
        %swap3A_401 = vector.shape_cast %mul3A_393 : vector<16xf32> to vector<1x1x16xf32>
        tpu.vector_store %arg6[%swap3A_396, %swap3A_397, %swap3A_398], %swap3A_401 {strides = array<i32>} : memref<4x8x2048xf32, #tpu.memory_space<vmem>>, vector<1x1x16xf32>,
        %add3A_402 = arith.constant 48 : i32
        %add3A_403 = arith.addi %mul3A_309, %add3A_402 : i32
        %get3A_404 = arith.constant 2 : i32
        %get3A_405 = arith.constant 0 : i32
        %get3A_406 = arith.index_cast %get3A_404 : i32 to index
        %get3A_407 = arith.index_cast %get3A_405 : i32 to index
        %get3A_408 = arith.index_cast %add3A_403 : i32 to index
        %get3A_409 = tpu.vector_load %arg6[%get3A_406, %get3A_407, %get3A_408] {strides = array<i32>} : memref<4x8x2048xf32, #tpu.memory_space<vmem>>, vector<1x1x16xf32>,
        %get3A_410 = vector.shape_cast %get3A_409 : vector<1x1x16xf32> to vector<16xf32>
        %mul3A_411 = arith.mulf %get3A_410, %get3A_328 : vector<16xf32>
        %swap3A_412 = arith.constant 2 : i32
        %swap3A_413 = arith.constant 0 : i32
        %swap3A_414 = arith.index_cast %swap3A_412 : i32 to index
        %swap3A_415 = arith.index_cast %swap3A_413 : i32 to index
        %swap3A_416 = arith.index_cast %add3A_403 : i32 to index
        %swap3A_417 = tpu.vector_load %arg6[%swap3A_414, %swap3A_415, %swap3A_416] {strides = array<i32>} : memref<4x8x2048xf32, #tpu.memory_space<vmem>>, vector<1x1x16xf32>,
        %swap3A_418 = vector.shape_cast %swap3A_417 : vector<1x1x16xf32> to vector<16xf32>
        %swap3A_419 = vector.shape_cast %mul3A_411 : vector<16xf32> to vector<1x1x16xf32>
        tpu.vector_store %arg6[%swap3A_414, %swap3A_415, %swap3A_416], %swap3A_419 {strides = array<i32>} : memref<4x8x2048xf32, #tpu.memory_space<vmem>>, vector<1x1x16xf32>,
        %add3A_420 = arith.constant 64 : i32
        %add3A_421 = arith.addi %mul3A_309, %add3A_420 : i32
        %get3A_422 = arith.constant 2 : i32
        %get3A_423 = arith.constant 0 : i32
        %get3A_424 = arith.index_cast %get3A_422 : i32 to index
        %get3A_425 = arith.index_cast %get3A_423 : i32 to index
        %get3A_426 = arith.index_cast %add3A_421 : i32 to index
        %get3A_427 = tpu.vector_load %arg6[%get3A_424, %get3A_425, %get3A_426] {strides = array<i32>} : memref<4x8x2048xf32, #tpu.memory_space<vmem>>, vector<1x1x16xf32>,
        %get3A_428 = vector.shape_cast %get3A_427 : vector<1x1x16xf32> to vector<16xf32>
        %mul3A_429 = arith.mulf %get3A_428, %get3A_333 : vector<16xf32>
        %swap3A_430 = arith.constant 2 : i32
        %swap3A_431 = arith.constant 0 : i32
        %swap3A_432 = arith.index_cast %swap3A_430 : i32 to index
        %swap3A_433 = arith.index_cast %swap3A_431 : i32 to index
        %swap3A_434 = arith.index_cast %add3A_421 : i32 to index
        %swap3A_435 = tpu.vector_load %arg6[%swap3A_432, %swap3A_433, %swap3A_434] {strides = array<i32>} : memref<4x8x2048xf32, #tpu.memory_space<vmem>>, vector<1x1x16xf32>,
        %swap3A_436 = vector.shape_cast %swap3A_435 : vector<1x1x16xf32> to vector<16xf32>
        %swap3A_437 = vector.shape_cast %mul3A_429 : vector<16xf32> to vector<1x1x16xf32>
        tpu.vector_store %arg6[%swap3A_432, %swap3A_433, %swap3A_434], %swap3A_437 {strides = array<i32>} : memref<4x8x2048xf32, #tpu.memory_space<vmem>>, vector<1x1x16xf32>,
        %add3A_438 = arith.constant 80 : i32
        %add3A_439 = arith.addi %mul3A_309, %add3A_438 : i32
        %get3A_440 = arith.constant 2 : i32
        %get3A_441 = arith.constant 0 : i32
        %get3A_442 = arith.index_cast %get3A_440 : i32 to index
        %get3A_443 = arith.index_cast %get3A_441 : i32 to index
        %get3A_444 = arith.index_cast %add3A_439 : i32 to index
        %get3A_445 = tpu.vector_load %arg6[%get3A_442, %get3A_443, %get3A_444] {strides = array<i32>} : memref<4x8x2048xf32, #tpu.memory_space<vmem>>, vector<1x1x16xf32>,
        %get3A_446 = vector.shape_cast %get3A_445 : vector<1x1x16xf32> to vector<16xf32>
        %mul3A_447 = arith.mulf %get3A_446, %get3A_338 : vector<16xf32>
        %swap3A_448 = arith.constant 2 : i32
        %swap3A_449 = arith.constant 0 : i32
        %swap3A_450 = arith.index_cast %swap3A_448 : i32 to index
        %swap3A_451 = arith.index_cast %swap3A_449 : i32 to index
        %swap3A_452 = arith.index_cast %add3A_439 : i32 to index
        %swap3A_453 = tpu.vector_load %arg6[%swap3A_450, %swap3A_451, %swap3A_452] {strides = array<i32>} : memref<4x8x2048xf32, #tpu.memory_space<vmem>>, vector<1x1x16xf32>,
        %swap3A_454 = vector.shape_cast %swap3A_453 : vector<1x1x16xf32> to vector<16xf32>
        %swap3A_455 = vector.shape_cast %mul3A_447 : vector<16xf32> to vector<1x1x16xf32>
        tpu.vector_store %arg6[%swap3A_450, %swap3A_451, %swap3A_452], %swap3A_455 {strides = array<i32>} : memref<4x8x2048xf32, #tpu.memory_space<vmem>>, vector<1x1x16xf32>,
        %add3A_456 = arith.constant 96 : i32
        %add3A_457 = arith.addi %mul3A_309, %add3A_456 : i32
        %get3A_458 = arith.constant 2 : i32
        %get3A_459 = arith.constant 0 : i32
        %get3A_460 = arith.index_cast %get3A_458 : i32 to index
        %get3A_461 = arith.index_cast %get3A_459 : i32 to index
        %get3A_462 = arith.index_cast %add3A_457 : i32 to index
        %get3A_463 = tpu.vector_load %arg6[%get3A_460, %get3A_461, %get3A_462] {strides = array<i32>} : memref<4x8x2048xf32, #tpu.memory_space<vmem>>, vector<1x1x16xf32>,
        %get3A_464 = vector.shape_cast %get3A_463 : vector<1x1x16xf32> to vector<16xf32>
        %mul3A_465 = arith.mulf %get3A_464, %get3A_343 : vector<16xf32>
        %swap3A_466 = arith.constant 2 : i32
        %swap3A_467 = arith.constant 0 : i32
        %swap3A_468 = arith.index_cast %swap3A_466 : i32 to index
        %swap3A_469 = arith.index_cast %swap3A_467 : i32 to index
        %swap3A_470 = arith.index_cast %add3A_457 : i32 to index
        %swap3A_471 = tpu.vector_load %arg6[%swap3A_468, %swap3A_469, %swap3A_470] {strides = array<i32>} : memref<4x8x2048xf32, #tpu.memory_space<vmem>>, vector<1x1x16xf32>,
        %swap3A_472 = vector.shape_cast %swap3A_471 : vector<1x1x16xf32> to vector<16xf32>
        %swap3A_473 = vector.shape_cast %mul3A_465 : vector<16xf32> to vector<1x1x16xf32>
        tpu.vector_store %arg6[%swap3A_468, %swap3A_469, %swap3A_470], %swap3A_473 {strides = array<i32>} : memref<4x8x2048xf32, #tpu.memory_space<vmem>>, vector<1x1x16xf32>,
        %add3A_474 = arith.constant 112 : i32
        %add3A_475 = arith.addi %mul3A_309, %add3A_474 : i32
        %get3A_476 = arith.constant 2 : i32
        %get3A_477 = arith.constant 0 : i32
        %get3A_478 = arith.index_cast %get3A_476 : i32 to index
        %get3A_479 = arith.index_cast %get3A_477 : i32 to index
        %get3A_480 = arith.index_cast %add3A_475 : i32 to index
        %get3A_481 = tpu.vector_load %arg6[%get3A_478, %get3A_479, %get3A_480] {strides = array<i32>} : memref<4x8x2048xf32, #tpu.memory_space<vmem>>, vector<1x1x16xf32>,
        %get3A_482 = vector.shape_cast %get3A_481 : vector<1x1x16xf32> to vector<16xf32>
        %mul3A_483 = arith.mulf %get3A_482, %get3A_348 : vector<16xf32>
        %swap3A_484 = arith.constant 2 : i32
        %swap3A_485 = arith.constant 0 : i32
        %swap3A_486 = arith.index_cast %swap3A_484 : i32 to index
        %swap3A_487 = arith.index_cast %swap3A_485 : i32 to index
        %swap3A_488 = arith.index_cast %add3A_475 : i32 to index
        %swap3A_489 = tpu.vector_load %arg6[%swap3A_486, %swap3A_487, %swap3A_488] {strides = array<i32>} : memref<4x8x2048xf32, #tpu.memory_space<vmem>>, vector<1x1x16xf32>,
        %swap3A_490 = vector.shape_cast %swap3A_489 : vector<1x1x16xf32> to vector<16xf32>
        %swap3A_491 = vector.shape_cast %mul3A_483 : vector<16xf32> to vector<1x1x16xf32>
        tpu.vector_store %arg6[%swap3A_486, %swap3A_487, %swap3A_488], %swap3A_491 {strides = array<i32>} : memref<4x8x2048xf32, #tpu.memory_space<vmem>>, vector<1x1x16xf32>,
        %add3A_492 = arith.constant 0 : i32
        %add3A_493 = arith.addi %mul3A_309, %add3A_492 : i32
        %get3A_494 = arith.constant 2 : i32
        %get3A_495 = arith.constant 1 : i32
        %get3A_496 = arith.index_cast %get3A_494 : i32 to index
        %get3A_497 = arith.index_cast %get3A_495 : i32 to index
        %get3A_498 = arith.index_cast %add3A_493 : i32 to index
        %get3A_499 = tpu.vector_load %arg6[%get3A_496, %get3A_497, %get3A_498] {strides = array<i32>} : memref<4x8x2048xf32, #tpu.memory_space<vmem>>, vector<1x1x16xf32>,
        %get3A_500 = vector.shape_cast %get3A_499 : vector<1x1x16xf32> to vector<16xf32>
        %mul3A_501 = arith.mulf %get3A_500, %get3A_313 : vector<16xf32>
        %swap3A_502 = arith.constant 2 : i32
        %swap3A_503 = arith.constant 1 : i32
        %swap3A_504 = arith.index_cast %swap3A_502 : i32 to index
        %swap3A_505 = arith.index_cast %swap3A_503 : i32 to index
        %swap3A_506 = arith.index_cast %add3A_493 : i32 to index
        %swap3A_507 = tpu.vector_load %arg6[%swap3A_504, %swap3A_505, %swap3A_506] {strides = array<i32>} : memref<4x8x2048xf32, #tpu.memory_space<vmem>>, vector<1x1x16xf32>,
        %swap3A_508 = vector.shape_cast %swap3A_507 : vector<1x1x16xf32> to vector<16xf32>
        %swap3A_509 = vector.shape_cast %mul3A_501 : vector<16xf32> to vector<1x1x16xf32>
        tpu.vector_store %arg6[%swap3A_504, %swap3A_505, %swap3A_506], %swap3A_509 {strides = array<i32>} : memref<4x8x2048xf32, #tpu.memory_space<vmem>>, vector<1x1x16xf32>,
        %add3A_510 = arith.constant 16 : i32
        %add3A_511 = arith.addi %mul3A_309, %add3A_510 : i32
        %get3A_512 = arith.constant 2 : i32
        %get3A_513 = arith.constant 1 : i32
        %get3A_514 = arith.index_cast %get3A_512 : i32 to index
        %get3A_515 = arith.index_cast %get3A_513 : i32 to index
        %get3A_516 = arith.index_cast %add3A_511 : i32 to index
        %get3A_517 = tpu.vector_load %arg6[%get3A_514, %get3A_515, %get3A_516] {strides = array<i32>} : memref<4x8x2048xf32, #tpu.memory_space<vmem>>, vector<1x1x16xf32>,
        %get3A_518 = vector.shape_cast %get3A_517 : vector<1x1x16xf32> to vector<16xf32>
        %mul3A_519 = arith.mulf %get3A_518, %get3A_318 : vector<16xf32>
        %swap3A_520 = arith.constant 2 : i32
        %swap3A_521 = arith.constant 1 : i32
        %swap3A_522 = arith.index_cast %swap3A_520 : i32 to index
        %swap3A_523 = arith.index_cast %swap3A_521 : i32 to index
        %swap3A_524 = arith.index_cast %add3A_511 : i32 to index
        %swap3A_525 = tpu.vector_load %arg6[%swap3A_522, %swap3A_523, %swap3A_524] {strides = array<i32>} : memref<4x8x2048xf32, #tpu.memory_space<vmem>>, vector<1x1x16xf32>,
        %swap3A_526 = vector.shape_cast %swap3A_525 : vector<1x1x16xf32> to vector<16xf32>
        %swap3A_527 = vector.shape_cast %mul3A_519 : vector<16xf32> to vector<1x1x16xf32>
        tpu.vector_store %arg6[%swap3A_522, %swap3A_523, %swap3A_524], %swap3A_527 {strides = array<i32>} : memref<4x8x2048xf32, #tpu.memory_space<vmem>>, vector<1x1x16xf32>,
        %add3A_528 = arith.constant 32 : i32
        %add3A_529 = arith.addi %mul3A_309, %add3A_528 : i32
        %get3A_530 = arith.constant 2 : i32
        %get3A_531 = arith.constant 1 : i32
        %get3A_532 = arith.index_cast %get3A_530 : i32 to index
        %get3A_533 = arith.index_cast %get3A_531 : i32 to index
        %get3A_534 = arith.index_cast %add3A_529 : i32 to index
        %get3A_535 = tpu.vector_load %arg6[%get3A_532, %get3A_533, %get3A_534] {strides = array<i32>} : memref<4x8x2048xf32, #tpu.memory_space<vmem>>, vector<1x1x16xf32>,
        %get3A_536 = vector.shape_cast %get3A_535 : vector<1x1x16xf32> to vector<16xf32>
        %mul3A_537 = arith.mulf %get3A_536, %get3A_323 : vector<16xf32>
        %swap3A_538 = arith.constant 2 : i32
        %swap3A_539 = arith.constant 1 : i32
        %swap3A_540 = arith.index_cast %swap3A_538 : i32 to index
        %swap3A_541 = arith.index_cast %swap3A_539 : i32 to index
        %swap3A_542 = arith.index_cast %add3A_529 : i32 to index
        %swap3A_543 = tpu.vector_load %arg6[%swap3A_540, %swap3A_541, %swap3A_542] {strides = array<i32>} : memref<4x8x2048xf32, #tpu.memory_space<vmem>>, vector<1x1x16xf32>,
        %swap3A_544 = vector.shape_cast %swap3A_543 : vector<1x1x16xf32> to vector<16xf32>
        %swap3A_545 = vector.shape_cast %mul3A_537 : vector<16xf32> to vector<1x1x16xf32>
        tpu.vector_store %arg6[%swap3A_540, %swap3A_541, %swap3A_542], %swap3A_545 {strides = array<i32>} : memref<4x8x2048xf32, #tpu.memory_space<vmem>>, vector<1x1x16xf32>,
        %add3A_546 = arith.constant 48 : i32
        %add3A_547 = arith.addi %mul3A_309, %add3A_546 : i32
        %get3A_548 = arith.constant 2 : i32
        %get3A_549 = arith.constant 1 : i32
        %get3A_550 = arith.index_cast %get3A_548 : i32 to index
        %get3A_551 = arith.index_cast %get3A_549 : i32 to index
        %get3A_552 = arith.index_cast %add3A_547 : i32 to index
        %get3A_553 = tpu.vector_load %arg6[%get3A_550, %get3A_551, %get3A_552] {strides = array<i32>} : memref<4x8x2048xf32, #tpu.memory_space<vmem>>, vector<1x1x16xf32>,
        %get3A_554 = vector.shape_cast %get3A_553 : vector<1x1x16xf32> to vector<16xf32>
        %mul3A_555 = arith.mulf %get3A_554, %get3A_328 : vector<16xf32>
        %swap3A_556 = arith.constant 2 : i32
        %swap3A_557 = arith.constant 1 : i32
        %swap3A_558 = arith.index_cast %swap3A_556 : i32 to index
        %swap3A_559 = arith.index_cast %swap3A_557 : i32 to index
        %swap3A_560 = arith.index_cast %add3A_547 : i32 to index
        %swap3A_561 = tpu.vector_load %arg6[%swap3A_558, %swap3A_559, %swap3A_560] {strides = array<i32>} : memref<4x8x2048xf32, #tpu.memory_space<vmem>>, vector<1x1x16xf32>,
        %swap3A_562 = vector.shape_cast %swap3A_561 : vector<1x1x16xf32> to vector<16xf32>
        %swap3A_563 = vector.shape_cast %mul3A_555 : vector<16xf32> to vector<1x1x16xf32>
        tpu.vector_store %arg6[%swap3A_558, %swap3A_559, %swap3A_560], %swap3A_563 {strides = array<i32>} : memref<4x8x2048xf32, #tpu.memory_space<vmem>>, vector<1x1x16xf32>,
        %add3A_564 = arith.constant 64 : i32
        %add3A_565 = arith.addi %mul3A_309, %add3A_564 : i32
        %get3A_566 = arith.constant 2 : i32
        %get3A_567 = arith.constant 1 : i32
        %get3A_568 = arith.index_cast %get3A_566 : i32 to index
        %get3A_569 = arith.index_cast %get3A_567 : i32 to index
        %get3A_570 = arith.index_cast %add3A_565 : i32 to index
        %get3A_571 = tpu.vector_load %arg6[%get3A_568, %get3A_569, %get3A_570] {strides = array<i32>} : memref<4x8x2048xf32, #tpu.memory_space<vmem>>, vector<1x1x16xf32>,
        %get3A_572 = vector.shape_cast %get3A_571 : vector<1x1x16xf32> to vector<16xf32>
        %mul3A_573 = arith.mulf %get3A_572, %get3A_333 : vector<16xf32>
        %swap3A_574 = arith.constant 2 : i32
        %swap3A_575 = arith.constant 1 : i32
        %swap3A_576 = arith.index_cast %swap3A_574 : i32 to index
        %swap3A_577 = arith.index_cast %swap3A_575 : i32 to index
        %swap3A_578 = arith.index_cast %add3A_565 : i32 to index
        %swap3A_579 = tpu.vector_load %arg6[%swap3A_576, %swap3A_577, %swap3A_578] {strides = array<i32>} : memref<4x8x2048xf32, #tpu.memory_space<vmem>>, vector<1x1x16xf32>,
        %swap3A_580 = vector.shape_cast %swap3A_579 : vector<1x1x16xf32> to vector<16xf32>
        %swap3A_581 = vector.shape_cast %mul3A_573 : vector<16xf32> to vector<1x1x16xf32>
        tpu.vector_store %arg6[%swap3A_576, %swap3A_577, %swap3A_578], %swap3A_581 {strides = array<i32>} : memref<4x8x2048xf32, #tpu.memory_space<vmem>>, vector<1x1x16xf32>,
        %add3A_582 = arith.constant 80 : i32
        %add3A_583 = arith.addi %mul3A_309, %add3A_582 : i32
        %get3A_584 = arith.constant 2 : i32
        %get3A_585 = arith.constant 1 : i32
        %get3A_586 = arith.index_cast %get3A_584 : i32 to index
        %get3A_587 = arith.index_cast %get3A_585 : i32 to index
        %get3A_588 = arith.index_cast %add3A_583 : i32 to index
        %get3A_589 = tpu.vector_load %arg6[%get3A_586, %get3A_587, %get3A_588] {strides = array<i32>} : memref<4x8x2048xf32, #tpu.memory_space<vmem>>, vector<1x1x16xf32>,
        %get3A_590 = vector.shape_cast %get3A_589 : vector<1x1x16xf32> to vector<16xf32>
        %mul3A_591 = arith.mulf %get3A_590, %get3A_338 : vector<16xf32>
        %swap3A_592 = arith.constant 2 : i32
        %swap3A_593 = arith.constant 1 : i32
        %swap3A_594 = arith.index_cast %swap3A_592 : i32 to index
        %swap3A_595 = arith.index_cast %swap3A_593 : i32 to index
        %swap3A_596 = arith.index_cast %add3A_583 : i32 to index
        %swap3A_597 = tpu.vector_load %arg6[%swap3A_594, %swap3A_595, %swap3A_596] {strides = array<i32>} : memref<4x8x2048xf32, #tpu.memory_space<vmem>>, vector<1x1x16xf32>,
        %swap3A_598 = vector.shape_cast %swap3A_597 : vector<1x1x16xf32> to vector<16xf32>
        %swap3A_599 = vector.shape_cast %mul3A_591 : vector<16xf32> to vector<1x1x16xf32>
        tpu.vector_store %arg6[%swap3A_594, %swap3A_595, %swap3A_596], %swap3A_599 {strides = array<i32>} : memref<4x8x2048xf32, #tpu.memory_space<vmem>>, vector<1x1x16xf32>,
        %add3A_600 = arith.constant 96 : i32
        %add3A_601 = arith.addi %mul3A_309, %add3A_600 : i32
        %get3A_602 = arith.constant 2 : i32
        %get3A_603 = arith.constant 1 : i32
        %get3A_604 = arith.index_cast %get3A_602 : i32 to index
        %get3A_605 = arith.index_cast %get3A_603 : i32 to index
        %get3A_606 = arith.index_cast %add3A_601 : i32 to index
        %get3A_607 = tpu.vector_load %arg6[%get3A_604, %get3A_605, %get3A_606] {strides = array<i32>} : memref<4x8x2048xf32, #tpu.memory_space<vmem>>, vector<1x1x16xf32>,
        %get3A_608 = vector.shape_cast %get3A_607 : vector<1x1x16xf32> to vector<16xf32>
        %mul3A_609 = arith.mulf %get3A_608, %get3A_343 : vector<16xf32>
        %swap3A_610 = arith.constant 2 : i32
        %swap3A_611 = arith.constant 1 : i32
        %swap3A_612 = arith.index_cast %swap3A_610 : i32 to index
        %swap3A_613 = arith.index_cast %swap3A_611 : i32 to index
        %swap3A_614 = arith.index_cast %add3A_601 : i32 to index
        %swap3A_615 = tpu.vector_load %arg6[%swap3A_612, %swap3A_613, %swap3A_614] {strides = array<i32>} : memref<4x8x2048xf32, #tpu.memory_space<vmem>>, vector<1x1x16xf32>,
        %swap3A_616 = vector.shape_cast %swap3A_615 : vector<1x1x16xf32> to vector<16xf32>
        %swap3A_617 = vector.shape_cast %mul3A_609 : vector<16xf32> to vector<1x1x16xf32>
        tpu.vector_store %arg6[%swap3A_612, %swap3A_613, %swap3A_614], %swap3A_617 {strides = array<i32>} : memref<4x8x2048xf32, #tpu.memory_space<vmem>>, vector<1x1x16xf32>,
        %add3A_618 = arith.constant 112 : i32
        %add3A_619 = arith.addi %mul3A_309, %add3A_618 : i32
        %get3A_620 = arith.constant 2 : i32
        %get3A_621 = arith.constant 1 : i32
        %get3A_622 = arith.index_cast %get3A_620 : i32 to index
        %get3A_623 = arith.index_cast %get3A_621 : i32 to index
        %get3A_624 = arith.index_cast %add3A_619 : i32 to index
        %get3A_625 = tpu.vector_load %arg6[%get3A_622, %get3A_623, %get3A_624] {strides = array<i32>} : memref<4x8x2048xf32, #tpu.memory_space<vmem>>, vector<1x1x16xf32>,
        %get3A_626 = vector.shape_cast %get3A_625 : vector<1x1x16xf32> to vector<16xf32>
        %mul3A_627 = arith.mulf %get3A_626, %get3A_348 : vector<16xf32>
        %swap3A_628 = arith.constant 2 : i32
        %swap3A_629 = arith.constant 1 : i32
        %swap3A_630 = arith.index_cast %swap3A_628 : i32 to index
        %swap3A_631 = arith.index_cast %swap3A_629 : i32 to index
        %swap3A_632 = arith.index_cast %add3A_619 : i32 to index
        %swap3A_633 = tpu.vector_load %arg6[%swap3A_630, %swap3A_631, %swap3A_632] {strides = array<i32>} : memref<4x8x2048xf32, #tpu.memory_space<vmem>>, vector<1x1x16xf32>,
        %swap3A_634 = vector.shape_cast %swap3A_633 : vector<1x1x16xf32> to vector<16xf32>
        %swap3A_635 = vector.shape_cast %mul3A_627 : vector<16xf32> to vector<1x1x16xf32>
        tpu.vector_store %arg6[%swap3A_630, %swap3A_631, %swap3A_632], %swap3A_635 {strides = array<i32>} : memref<4x8x2048xf32, #tpu.memory_space<vmem>>, vector<1x1x16xf32>,
        %add3A_636 = arith.constant 0 : i32
        %add3A_637 = arith.addi %mul3A_309, %add3A_636 : i32
        %get3A_638 = arith.constant 2 : i32
        %get3A_639 = arith.constant 2 : i32
        %get3A_640 = arith.index_cast %get3A_638 : i32 to index
        %get3A_641 = arith.index_cast %get3A_639 : i32 to index
        %get3A_642 = arith.index_cast %add3A_637 : i32 to index
        %get3A_643 = tpu.vector_load %arg6[%get3A_640, %get3A_641, %get3A_642] {strides = array<i32>} : memref<4x8x2048xf32, #tpu.memory_space<vmem>>, vector<1x1x16xf32>,
        %get3A_644 = vector.shape_cast %get3A_643 : vector<1x1x16xf32> to vector<16xf32>
        %mul3A_645 = arith.mulf %get3A_644, %get3A_313 : vector<16xf32>
        %swap3A_646 = arith.constant 2 : i32
        %swap3A_647 = arith.constant 2 : i32
        %swap3A_648 = arith.index_cast %swap3A_646 : i32 to index
        %swap3A_649 = arith.index_cast %swap3A_647 : i32 to index
        %swap3A_650 = arith.index_cast %add3A_637 : i32 to index
        %swap3A_651 = tpu.vector_load %arg6[%swap3A_648, %swap3A_649, %swap3A_650] {strides = array<i32>} : memref<4x8x2048xf32, #tpu.memory_space<vmem>>, vector<1x1x16xf32>,
        %swap3A_652 = vector.shape_cast %swap3A_651 : vector<1x1x16xf32> to vector<16xf32>
        %swap3A_653 = vector.shape_cast %mul3A_645 : vector<16xf32> to vector<1x1x16xf32>
        tpu.vector_store %arg6[%swap3A_648, %swap3A_649, %swap3A_650], %swap3A_653 {strides = array<i32>} : memref<4x8x2048xf32, #tpu.memory_space<vmem>>, vector<1x1x16xf32>,
        %add3A_654 = arith.constant 16 : i32
        %add3A_655 = arith.addi %mul3A_309, %add3A_654 : i32
        %get3A_656 = arith.constant 2 : i32
        %get3A_657 = arith.constant 2 : i32
        %get3A_658 = arith.index_cast %get3A_656 : i32 to index
        %get3A_659 = arith.index_cast %get3A_657 : i32 to index
        %get3A_660 = arith.index_cast %add3A_655 : i32 to index
        %get3A_661 = tpu.vector_load %arg6[%get3A_658, %get3A_659, %get3A_660] {strides = array<i32>} : memref<4x8x2048xf32, #tpu.memory_space<vmem>>, vector<1x1x16xf32>,
        %get3A_662 = vector.shape_cast %get3A_661 : vector<1x1x16xf32> to vector<16xf32>
        %mul3A_663 = arith.mulf %get3A_662, %get3A_318 : vector<16xf32>
        %swap3A_664 = arith.constant 2 : i32
        %swap3A_665 = arith.constant 2 : i32
        %swap3A_666 = arith.index_cast %swap3A_664 : i32 to index
        %swap3A_667 = arith.index_cast %swap3A_665 : i32 to index
        %swap3A_668 = arith.index_cast %add3A_655 : i32 to index
        %swap3A_669 = tpu.vector_load %arg6[%swap3A_666, %swap3A_667, %swap3A_668] {strides = array<i32>} : memref<4x8x2048xf32, #tpu.memory_space<vmem>>, vector<1x1x16xf32>,
        %swap3A_670 = vector.shape_cast %swap3A_669 : vector<1x1x16xf32> to vector<16xf32>
        %swap3A_671 = vector.shape_cast %mul3A_663 : vector<16xf32> to vector<1x1x16xf32>
        tpu.vector_store %arg6[%swap3A_666, %swap3A_667, %swap3A_668], %swap3A_671 {strides = array<i32>} : memref<4x8x2048xf32, #tpu.memory_space<vmem>>, vector<1x1x16xf32>,
        %add3A_672 = arith.constant 32 : i32
        %add3A_673 = arith.addi %mul3A_309, %add3A_672 : i32
        %get3A_674 = arith.constant 2 : i32
        %get3A_675 = arith.constant 2 : i32
        %get3A_676 = arith.index_cast %get3A_674 : i32 to index
        %get3A_677 = arith.index_cast %get3A_675 : i32 to index
        %get3A_678 = arith.index_cast %add3A_673 : i32 to index
        %get3A_679 = tpu.vector_load %arg6[%get3A_676, %get3A_677, %get3A_678] {strides = array<i32>} : memref<4x8x2048xf32, #tpu.memory_space<vmem>>, vector<1x1x16xf32>,
        %get3A_680 = vector.shape_cast %get3A_679 : vector<1x1x16xf32> to vector<16xf32>
        %mul3A_681 = arith.mulf %get3A_680, %get3A_323 : vector<16xf32>
        %swap3A_682 = arith.constant 2 : i32
        %swap3A_683 = arith.constant 2 : i32
        %swap3A_684 = arith.index_cast %swap3A_682 : i32 to index
        %swap3A_685 = arith.index_cast %swap3A_683 : i32 to index
        %swap3A_686 = arith.index_cast %add3A_673 : i32 to index
        %swap3A_687 = tpu.vector_load %arg6[%swap3A_684, %swap3A_685, %swap3A_686] {strides = array<i32>} : memref<4x8x2048xf32, #tpu.memory_space<vmem>>, vector<1x1x16xf32>,
        %swap3A_688 = vector.shape_cast %swap3A_687 : vector<1x1x16xf32> to vector<16xf32>
        %swap3A_689 = vector.shape_cast %mul3A_681 : vector<16xf32> to vector<1x1x16xf32>
        tpu.vector_store %arg6[%swap3A_684, %swap3A_685, %swap3A_686], %swap3A_689 {strides = array<i32>} : memref<4x8x2048xf32, #tpu.memory_space<vmem>>, vector<1x1x16xf32>,
        %add3A_690 = arith.constant 48 : i32
        %add3A_691 = arith.addi %mul3A_309, %add3A_690 : i32
        %get3A_692 = arith.constant 2 : i32
        %get3A_693 = arith.constant 2 : i32
        %get3A_694 = arith.index_cast %get3A_692 : i32 to index
        %get3A_695 = arith.index_cast %get3A_693 : i32 to index
        %get3A_696 = arith.index_cast %add3A_691 : i32 to index
        %get3A_697 = tpu.vector_load %arg6[%get3A_694, %get3A_695, %get3A_696] {strides = array<i32>} : memref<4x8x2048xf32, #tpu.memory_space<vmem>>, vector<1x1x16xf32>,
        %get3A_698 = vector.shape_cast %get3A_697 : vector<1x1x16xf32> to vector<16xf32>
        %mul3A_699 = arith.mulf %get3A_698, %get3A_328 : vector<16xf32>
        %swap3A_700 = arith.constant 2 : i32
        %swap3A_701 = arith.constant 2 : i32
        %swap3A_702 = arith.index_cast %swap3A_700 : i32 to index
        %swap3A_703 = arith.index_cast %swap3A_701 : i32 to index
        %swap3A_704 = arith.index_cast %add3A_691 : i32 to index
        %swap3A_705 = tpu.vector_load %arg6[%swap3A_702, %swap3A_703, %swap3A_704] {strides = array<i32>} : memref<4x8x2048xf32, #tpu.memory_space<vmem>>, vector<1x1x16xf32>,
        %swap3A_706 = vector.shape_cast %swap3A_705 : vector<1x1x16xf32> to vector<16xf32>
        %swap3A_707 = vector.shape_cast %mul3A_699 : vector<16xf32> to vector<1x1x16xf32>
        tpu.vector_store %arg6[%swap3A_702, %swap3A_703, %swap3A_704], %swap3A_707 {strides = array<i32>} : memref<4x8x2048xf32, #tpu.memory_space<vmem>>, vector<1x1x16xf32>,
        %add3A_708 = arith.constant 64 : i32
        %add3A_709 = arith.addi %mul3A_309, %add3A_708 : i32
        %get3A_710 = arith.constant 2 : i32
        %get3A_711 = arith.constant 2 : i32
        %get3A_712 = arith.index_cast %get3A_710 : i32 to index
        %get3A_713 = arith.index_cast %get3A_711 : i32 to index
        %get3A_714 = arith.index_cast %add3A_709 : i32 to index
        %get3A_715 = tpu.vector_load %arg6[%get3A_712, %get3A_713, %get3A_714] {strides = array<i32>} : memref<4x8x2048xf32, #tpu.memory_space<vmem>>, vector<1x1x16xf32>,
        %get3A_716 = vector.shape_cast %get3A_715 : vector<1x1x16xf32> to vector<16xf32>
        %mul3A_717 = arith.mulf %get3A_716, %get3A_333 : vector<16xf32>
        %swap3A_718 = arith.constant 2 : i32
        %swap3A_719 = arith.constant 2 : i32
        %swap3A_720 = arith.index_cast %swap3A_718 : i32 to index
        %swap3A_721 = arith.index_cast %swap3A_719 : i32 to index
        %swap3A_722 = arith.index_cast %add3A_709 : i32 to index
        %swap3A_723 = tpu.vector_load %arg6[%swap3A_720, %swap3A_721, %swap3A_722] {strides = array<i32>} : memref<4x8x2048xf32, #tpu.memory_space<vmem>>, vector<1x1x16xf32>,
        %swap3A_724 = vector.shape_cast %swap3A_723 : vector<1x1x16xf32> to vector<16xf32>
        %swap3A_725 = vector.shape_cast %mul3A_717 : vector<16xf32> to vector<1x1x16xf32>
        tpu.vector_store %arg6[%swap3A_720, %swap3A_721, %swap3A_722], %swap3A_725 {strides = array<i32>} : memref<4x8x2048xf32, #tpu.memory_space<vmem>>, vector<1x1x16xf32>,
        %add3A_726 = arith.constant 80 : i32
        %add3A_727 = arith.addi %mul3A_309, %add3A_726 : i32
        %get3A_728 = arith.constant 2 : i32
        %get3A_729 = arith.constant 2 : i32
        %get3A_730 = arith.index_cast %get3A_728 : i32 to index
        %get3A_731 = arith.index_cast %get3A_729 : i32 to index
        %get3A_732 = arith.index_cast %add3A_727 : i32 to index
        %get3A_733 = tpu.vector_load %arg6[%get3A_730, %get3A_731, %get3A_732] {strides = array<i32>} : memref<4x8x2048xf32, #tpu.memory_space<vmem>>, vector<1x1x16xf32>,
        %get3A_734 = vector.shape_cast %get3A_733 : vector<1x1x16xf32> to vector<16xf32>
        %mul3A_735 = arith.mulf %get3A_734, %get3A_338 : vector<16xf32>
        %swap3A_736 = arith.constant 2 : i32
        %swap3A_737 = arith.constant 2 : i32
        %swap3A_738 = arith.index_cast %swap3A_736 : i32 to index
        %swap3A_739 = arith.index_cast %swap3A_737 : i32 to index
        %swap3A_740 = arith.index_cast %add3A_727 : i32 to index
        %swap3A_741 = tpu.vector_load %arg6[%swap3A_738, %swap3A_739, %swap3A_740] {strides = array<i32>} : memref<4x8x2048xf32, #tpu.memory_space<vmem>>, vector<1x1x16xf32>,
        %swap3A_742 = vector.shape_cast %swap3A_741 : vector<1x1x16xf32> to vector<16xf32>
        %swap3A_743 = vector.shape_cast %mul3A_735 : vector<16xf32> to vector<1x1x16xf32>
        tpu.vector_store %arg6[%swap3A_738, %swap3A_739, %swap3A_740], %swap3A_743 {strides = array<i32>} : memref<4x8x2048xf32, #tpu.memory_space<vmem>>, vector<1x1x16xf32>,
        %add3A_744 = arith.constant 96 : i32
        %add3A_745 = arith.addi %mul3A_309, %add3A_744 : i32
        %get3A_746 = arith.constant 2 : i32
        %get3A_747 = arith.constant 2 : i32
        %get3A_748 = arith.index_cast %get3A_746 : i32 to index
        %get3A_749 = arith.index_cast %get3A_747 : i32 to index
        %get3A_750 = arith.index_cast %add3A_745 : i32 to index
        %get3A_751 = tpu.vector_load %arg6[%get3A_748, %get3A_749, %get3A_750] {strides = array<i32>} : memref<4x8x2048xf32, #tpu.memory_space<vmem>>, vector<1x1x16xf32>,
        %get3A_752 = vector.shape_cast %get3A_751 : vector<1x1x16xf32> to vector<16xf32>
        %mul3A_753 = arith.mulf %get3A_752, %get3A_343 : vector<16xf32>
        %swap3A_754 = arith.constant 2 : i32
        %swap3A_755 = arith.constant 2 : i32
        %swap3A_756 = arith.index_cast %swap3A_754 : i32 to index
        %swap3A_757 = arith.index_cast %swap3A_755 : i32 to index
        %swap3A_758 = arith.index_cast %add3A_745 : i32 to index
        %swap3A_759 = tpu.vector_load %arg6[%swap3A_756, %swap3A_757, %swap3A_758] {strides = array<i32>} : memref<4x8x2048xf32, #tpu.memory_space<vmem>>, vector<1x1x16xf32>,
        %swap3A_760 = vector.shape_cast %swap3A_759 : vector<1x1x16xf32> to vector<16xf32>
        %swap3A_761 = vector.shape_cast %mul3A_753 : vector<16xf32> to vector<1x1x16xf32>
        tpu.vector_store %arg6[%swap3A_756, %swap3A_757, %swap3A_758], %swap3A_761 {strides = array<i32>} : memref<4x8x2048xf32, #tpu.memory_space<vmem>>, vector<1x1x16xf32>,
        %add3A_762 = arith.constant 112 : i32
        %add3A_763 = arith.addi %mul3A_309, %add3A_762 : i32
        %get3A_764 = arith.constant 2 : i32
        %get3A_765 = arith.constant 2 : i32
        %get3A_766 = arith.index_cast %get3A_764 : i32 to index
        %get3A_767 = arith.index_cast %get3A_765 : i32 to index
        %get3A_768 = arith.index_cast %add3A_763 : i32 to index
        %get3A_769 = tpu.vector_load %arg6[%get3A_766, %get3A_767, %get3A_768] {strides = array<i32>} : memref<4x8x2048xf32, #tpu.memory_space<vmem>>, vector<1x1x16xf32>,
        %get3A_770 = vector.shape_cast %get3A_769 : vector<1x1x16xf32> to vector<16xf32>
        %mul3A_771 = arith.mulf %get3A_770, %get3A_348 : vector<16xf32>
        %swap3A_772 = arith.constant 2 : i32
        %swap3A_773 = arith.constant 2 : i32
        %swap3A_774 = arith.index_cast %swap3A_772 : i32 to index
        %swap3A_775 = arith.index_cast %swap3A_773 : i32 to index
        %swap3A_776 = arith.index_cast %add3A_763 : i32 to index
        %swap3A_777 = tpu.vector_load %arg6[%swap3A_774, %swap3A_775, %swap3A_776] {strides = array<i32>} : memref<4x8x2048xf32, #tpu.memory_space<vmem>>, vector<1x1x16xf32>,
        %swap3A_778 = vector.shape_cast %swap3A_777 : vector<1x1x16xf32> to vector<16xf32>
        %swap3A_779 = vector.shape_cast %mul3A_771 : vector<16xf32> to vector<1x1x16xf32>
        tpu.vector_store %arg6[%swap3A_774, %swap3A_775, %swap3A_776], %swap3A_779 {strides = array<i32>} : memref<4x8x2048xf32, #tpu.memory_space<vmem>>, vector<1x1x16xf32>,
        %add3A_780 = arith.constant 0 : i32
        %add3A_781 = arith.addi %mul3A_309, %add3A_780 : i32
        %get3A_782 = arith.constant 2 : i32
        %get3A_783 = arith.constant 3 : i32
        %get3A_784 = arith.index_cast %get3A_782 : i32 to index
        %get3A_785 = arith.index_cast %get3A_783 : i32 to index
        %get3A_786 = arith.index_cast %add3A_781 : i32 to index
        %get3A_787 = tpu.vector_load %arg6[%get3A_784, %get3A_785, %get3A_786] {strides = array<i32>} : memref<4x8x2048xf32, #tpu.memory_space<vmem>>, vector<1x1x16xf32>,
        %get3A_788 = vector.shape_cast %get3A_787 : vector<1x1x16xf32> to vector<16xf32>
        %mul3A_789 = arith.mulf %get3A_788, %get3A_313 : vector<16xf32>
        %swap3A_790 = arith.constant 2 : i32
        %swap3A_791 = arith.constant 3 : i32
        %swap3A_792 = arith.index_cast %swap3A_790 : i32 to index
        %swap3A_793 = arith.index_cast %swap3A_791 : i32 to index
        %swap3A_794 = arith.index_cast %add3A_781 : i32 to index
        %swap3A_795 = tpu.vector_load %arg6[%swap3A_792, %swap3A_793, %swap3A_794] {strides = array<i32>} : memref<4x8x2048xf32, #tpu.memory_space<vmem>>, vector<1x1x16xf32>,
        %swap3A_796 = vector.shape_cast %swap3A_795 : vector<1x1x16xf32> to vector<16xf32>
        %swap3A_797 = vector.shape_cast %mul3A_789 : vector<16xf32> to vector<1x1x16xf32>
        tpu.vector_store %arg6[%swap3A_792, %swap3A_793, %swap3A_794], %swap3A_797 {strides = array<i32>} : memref<4x8x2048xf32, #tpu.memory_space<vmem>>, vector<1x1x16xf32>,
        %add3A_798 = arith.constant 16 : i32
        %add3A_799 = arith.addi %mul3A_309, %add3A_798 : i32
        %get3A_800 = arith.constant 2 : i32
        %get3A_801 = arith.constant 3 : i32
        %get3A_802 = arith.index_cast %get3A_800 : i32 to index
        %get3A_803 = arith.index_cast %get3A_801 : i32 to index
        %get3A_804 = arith.index_cast %add3A_799 : i32 to index
        %get3A_805 = tpu.vector_load %arg6[%get3A_802, %get3A_803, %get3A_804] {strides = array<i32>} : memref<4x8x2048xf32, #tpu.memory_space<vmem>>, vector<1x1x16xf32>,
        %get3A_806 = vector.shape_cast %get3A_805 : vector<1x1x16xf32> to vector<16xf32>
        %mul3A_807 = arith.mulf %get3A_806, %get3A_318 : vector<16xf32>
        %swap3A_808 = arith.constant 2 : i32
        %swap3A_809 = arith.constant 3 : i32
        %swap3A_810 = arith.index_cast %swap3A_808 : i32 to index
        %swap3A_811 = arith.index_cast %swap3A_809 : i32 to index
        %swap3A_812 = arith.index_cast %add3A_799 : i32 to index
        %swap3A_813 = tpu.vector_load %arg6[%swap3A_810, %swap3A_811, %swap3A_812] {strides = array<i32>} : memref<4x8x2048xf32, #tpu.memory_space<vmem>>, vector<1x1x16xf32>,
        %swap3A_814 = vector.shape_cast %swap3A_813 : vector<1x1x16xf32> to vector<16xf32>
        %swap3A_815 = vector.shape_cast %mul3A_807 : vector<16xf32> to vector<1x1x16xf32>
        tpu.vector_store %arg6[%swap3A_810, %swap3A_811, %swap3A_812], %swap3A_815 {strides = array<i32>} : memref<4x8x2048xf32, #tpu.memory_space<vmem>>, vector<1x1x16xf32>,
        %add3A_816 = arith.constant 32 : i32
        %add3A_817 = arith.addi %mul3A_309, %add3A_816 : i32
        %get3A_818 = arith.constant 2 : i32
        %get3A_819 = arith.constant 3 : i32
        %get3A_820 = arith.index_cast %get3A_818 : i32 to index
        %get3A_821 = arith.index_cast %get3A_819 : i32 to index
        %get3A_822 = arith.index_cast %add3A_817 : i32 to index
        %get3A_823 = tpu.vector_load %arg6[%get3A_820, %get3A_821, %get3A_822] {strides = array<i32>} : memref<4x8x2048xf32, #tpu.memory_space<vmem>>, vector<1x1x16xf32>,
        %get3A_824 = vector.shape_cast %get3A_823 : vector<1x1x16xf32> to vector<16xf32>
        %mul3A_825 = arith.mulf %get3A_824, %get3A_323 : vector<16xf32>
        %swap3A_826 = arith.constant 2 : i32
        %swap3A_827 = arith.constant 3 : i32
        %swap3A_828 = arith.index_cast %swap3A_826 : i32 to index
        %swap3A_829 = arith.index_cast %swap3A_827 : i32 to index
        %swap3A_830 = arith.index_cast %add3A_817 : i32 to index
        %swap3A_831 = tpu.vector_load %arg6[%swap3A_828, %swap3A_829, %swap3A_830] {strides = array<i32>} : memref<4x8x2048xf32, #tpu.memory_space<vmem>>, vector<1x1x16xf32>,
        %swap3A_832 = vector.shape_cast %swap3A_831 : vector<1x1x16xf32> to vector<16xf32>
        %swap3A_833 = vector.shape_cast %mul3A_825 : vector<16xf32> to vector<1x1x16xf32>
        tpu.vector_store %arg6[%swap3A_828, %swap3A_829, %swap3A_830], %swap3A_833 {strides = array<i32>} : memref<4x8x2048xf32, #tpu.memory_space<vmem>>, vector<1x1x16xf32>,
        %add3A_834 = arith.constant 48 : i32
        %add3A_835 = arith.addi %mul3A_309, %add3A_834 : i32
        %get3A_836 = arith.constant 2 : i32
        %get3A_837 = arith.constant 3 : i32
        %get3A_838 = arith.index_cast %get3A_836 : i32 to index
        %get3A_839 = arith.index_cast %get3A_837 : i32 to index
        %get3A_840 = arith.index_cast %add3A_835 : i32 to index
        %get3A_841 = tpu.vector_load %arg6[%get3A_838, %get3A_839, %get3A_840] {strides = array<i32>} : memref<4x8x2048xf32, #tpu.memory_space<vmem>>, vector<1x1x16xf32>,
        %get3A_842 = vector.shape_cast %get3A_841 : vector<1x1x16xf32> to vector<16xf32>
        %mul3A_843 = arith.mulf %get3A_842, %get3A_328 : vector<16xf32>
        %swap3A_844 = arith.constant 2 : i32
        %swap3A_845 = arith.constant 3 : i32
        %swap3A_846 = arith.index_cast %swap3A_844 : i32 to index
        %swap3A_847 = arith.index_cast %swap3A_845 : i32 to index
        %swap3A_848 = arith.index_cast %add3A_835 : i32 to index
        %swap3A_849 = tpu.vector_load %arg6[%swap3A_846, %swap3A_847, %swap3A_848] {strides = array<i32>} : memref<4x8x2048xf32, #tpu.memory_space<vmem>>, vector<1x1x16xf32>,
        %swap3A_850 = vector.shape_cast %swap3A_849 : vector<1x1x16xf32> to vector<16xf32>
        %swap3A_851 = vector.shape_cast %mul3A_843 : vector<16xf32> to vector<1x1x16xf32>
        tpu.vector_store %arg6[%swap3A_846, %swap3A_847, %swap3A_848], %swap3A_851 {strides = array<i32>} : memref<4x8x2048xf32, #tpu.memory_space<vmem>>, vector<1x1x16xf32>,
        %add3A_852 = arith.constant 64 : i32
        %add3A_853 = arith.addi %mul3A_309, %add3A_852 : i32
        %get3A_854 = arith.constant 2 : i32
        %get3A_855 = arith.constant 3 : i32
        %get3A_856 = arith.index_cast %get3A_854 : i32 to index
        %get3A_857 = arith.index_cast %get3A_855 : i32 to index
        %get3A_858 = arith.index_cast %add3A_853 : i32 to index
        %get3A_859 = tpu.vector_load %arg6[%get3A_856, %get3A_857, %get3A_858] {strides = array<i32>} : memref<4x8x2048xf32, #tpu.memory_space<vmem>>, vector<1x1x16xf32>,
        %get3A_860 = vector.shape_cast %get3A_859 : vector<1x1x16xf32> to vector<16xf32>
        %mul3A_861 = arith.mulf %get3A_860, %get3A_333 : vector<16xf32>
        %swap3A_862 = arith.constant 2 : i32
        %swap3A_863 = arith.constant 3 : i32
        %swap3A_864 = arith.index_cast %swap3A_862 : i32 to index
        %swap3A_865 = arith.index_cast %swap3A_863 : i32 to index
        %swap3A_866 = arith.index_cast %add3A_853 : i32 to index
        %swap3A_867 = tpu.vector_load %arg6[%swap3A_864, %swap3A_865, %swap3A_866] {strides = array<i32>} : memref<4x8x2048xf32, #tpu.memory_space<vmem>>, vector<1x1x16xf32>,
        %swap3A_868 = vector.shape_cast %swap3A_867 : vector<1x1x16xf32> to vector<16xf32>
        %swap3A_869 = vector.shape_cast %mul3A_861 : vector<16xf32> to vector<1x1x16xf32>
        tpu.vector_store %arg6[%swap3A_864, %swap3A_865, %swap3A_866], %swap3A_869 {strides = array<i32>} : memref<4x8x2048xf32, #tpu.memory_space<vmem>>, vector<1x1x16xf32>,
        %add3A_870 = arith.constant 80 : i32
        %add3A_871 = arith.addi %mul3A_309, %add3A_870 : i32
        %get3A_872 = arith.constant 2 : i32
        %get3A_873 = arith.constant 3 : i32
        %get3A_874 = arith.index_cast %get3A_872 : i32 to index
        %get3A_875 = arith.index_cast %get3A_873 : i32 to index
        %get3A_876 = arith.index_cast %add3A_871 : i32 to index
        %get3A_877 = tpu.vector_load %arg6[%get3A_874, %get3A_875, %get3A_876] {strides = array<i32>} : memref<4x8x2048xf32, #tpu.memory_space<vmem>>, vector<1x1x16xf32>,
        %get3A_878 = vector.shape_cast %get3A_877 : vector<1x1x16xf32> to vector<16xf32>
        %mul3A_879 = arith.mulf %get3A_878, %get3A_338 : vector<16xf32>
        %swap3A_880 = arith.constant 2 : i32
        %swap3A_881 = arith.constant 3 : i32
        %swap3A_882 = arith.index_cast %swap3A_880 : i32 to index
        %swap3A_883 = arith.index_cast %swap3A_881 : i32 to index
        %swap3A_884 = arith.index_cast %add3A_871 : i32 to index
        %swap3A_885 = tpu.vector_load %arg6[%swap3A_882, %swap3A_883, %swap3A_884] {strides = array<i32>} : memref<4x8x2048xf32, #tpu.memory_space<vmem>>, vector<1x1x16xf32>,
        %swap3A_886 = vector.shape_cast %swap3A_885 : vector<1x1x16xf32> to vector<16xf32>
        %swap3A_887 = vector.shape_cast %mul3A_879 : vector<16xf32> to vector<1x1x16xf32>
        tpu.vector_store %arg6[%swap3A_882, %swap3A_883, %swap3A_884], %swap3A_887 {strides = array<i32>} : memref<4x8x2048xf32, #tpu.memory_space<vmem>>, vector<1x1x16xf32>,
        %add3A_888 = arith.constant 96 : i32
        %add3A_889 = arith.addi %mul3A_309, %add3A_888 : i32
        %get3A_890 = arith.constant 2 : i32
        %get3A_891 = arith.constant 3 : i32
        %get3A_892 = arith.index_cast %get3A_890 : i32 to index
        %get3A_893 = arith.index_cast %get3A_891 : i32 to index
        %get3A_894 = arith.index_cast %add3A_889 : i32 to index
        %get3A_895 = tpu.vector_load %arg6[%get3A_892, %get3A_893, %get3A_894] {strides = array<i32>} : memref<4x8x2048xf32, #tpu.memory_space<vmem>>, vector<1x1x16xf32>,
        %get3A_896 = vector.shape_cast %get3A_895 : vector<1x1x16xf32> to vector<16xf32>
        %mul3A_897 = arith.mulf %get3A_896, %get3A_343 : vector<16xf32>
        %swap3A_898 = arith.constant 2 : i32
        %swap3A_899 = arith.constant 3 : i32
        %swap3A_900 = arith.index_cast %swap3A_898 : i32 to index
        %swap3A_901 = arith.index_cast %swap3A_899 : i32 to index
        %swap3A_902 = arith.index_cast %add3A_889 : i32 to index
        %swap3A_903 = tpu.vector_load %arg6[%swap3A_900, %swap3A_901, %swap3A_902] {strides = array<i32>} : memref<4x8x2048xf32, #tpu.memory_space<vmem>>, vector<1x1x16xf32>,
        %swap3A_904 = vector.shape_cast %swap3A_903 : vector<1x1x16xf32> to vector<16xf32>
        %swap3A_905 = vector.shape_cast %mul3A_897 : vector<16xf32> to vector<1x1x16xf32>
        tpu.vector_store %arg6[%swap3A_900, %swap3A_901, %swap3A_902], %swap3A_905 {strides = array<i32>} : memref<4x8x2048xf32, #tpu.memory_space<vmem>>, vector<1x1x16xf32>,
        %add3A_906 = arith.constant 112 : i32
        %add3A_907 = arith.addi %mul3A_309, %add3A_906 : i32
        %get3A_908 = arith.constant 2 : i32
        %get3A_909 = arith.constant 3 : i32
        %get3A_910 = arith.index_cast %get3A_908 : i32 to index
        %get3A_911 = arith.index_cast %get3A_909 : i32 to index
        %get3A_912 = arith.index_cast %add3A_907 : i32 to index
        %get3A_913 = tpu.vector_load %arg6[%get3A_910, %get3A_911, %get3A_912] {strides = array<i32>} : memref<4x8x2048xf32, #tpu.memory_space<vmem>>, vector<1x1x16xf32>,
        %get3A_914 = vector.shape_cast %get3A_913 : vector<1x1x16xf32> to vector<16xf32>
        %mul3A_915 = arith.mulf %get3A_914, %get3A_348 : vector<16xf32>
        %swap3A_916 = arith.constant 2 : i32
        %swap3A_917 = arith.constant 3 : i32
        %swap3A_918 = arith.index_cast %swap3A_916 : i32 to index
        %swap3A_919 = arith.index_cast %swap3A_917 : i32 to index
        %swap3A_920 = arith.index_cast %add3A_907 : i32 to index
        %swap3A_921 = tpu.vector_load %arg6[%swap3A_918, %swap3A_919, %swap3A_920] {strides = array<i32>} : memref<4x8x2048xf32, #tpu.memory_space<vmem>>, vector<1x1x16xf32>,
        %swap3A_922 = vector.shape_cast %swap3A_921 : vector<1x1x16xf32> to vector<16xf32>
        %swap3A_923 = vector.shape_cast %mul3A_915 : vector<16xf32> to vector<1x1x16xf32>
        tpu.vector_store %arg6[%swap3A_918, %swap3A_919, %swap3A_920], %swap3A_923 {strides = array<i32>} : memref<4x8x2048xf32, #tpu.memory_space<vmem>>, vector<1x1x16xf32>,
        %add3A_924 = arith.constant 0 : i32
        %add3A_925 = arith.addi %mul3A_309, %add3A_924 : i32
        %get3A_926 = arith.constant 2 : i32
        %get3A_927 = arith.constant 4 : i32
        %get3A_928 = arith.index_cast %get3A_926 : i32 to index
        %get3A_929 = arith.index_cast %get3A_927 : i32 to index
        %get3A_930 = arith.index_cast %add3A_925 : i32 to index
        %get3A_931 = tpu.vector_load %arg6[%get3A_928, %get3A_929, %get3A_930] {strides = array<i32>} : memref<4x8x2048xf32, #tpu.memory_space<vmem>>, vector<1x1x16xf32>,
        %get3A_932 = vector.shape_cast %get3A_931 : vector<1x1x16xf32> to vector<16xf32>
        %mul3A_933 = arith.mulf %get3A_932, %get3A_313 : vector<16xf32>
        %swap3A_934 = arith.constant 2 : i32
        %swap3A_935 = arith.constant 4 : i32
        %swap3A_936 = arith.index_cast %swap3A_934 : i32 to index
        %swap3A_937 = arith.index_cast %swap3A_935 : i32 to index
        %swap3A_938 = arith.index_cast %add3A_925 : i32 to index
        %swap3A_939 = tpu.vector_load %arg6[%swap3A_936, %swap3A_937, %swap3A_938] {strides = array<i32>} : memref<4x8x2048xf32, #tpu.memory_space<vmem>>, vector<1x1x16xf32>,
        %swap3A_940 = vector.shape_cast %swap3A_939 : vector<1x1x16xf32> to vector<16xf32>
        %swap3A_941 = vector.shape_cast %mul3A_933 : vector<16xf32> to vector<1x1x16xf32>
        tpu.vector_store %arg6[%swap3A_936, %swap3A_937, %swap3A_938], %swap3A_941 {strides = array<i32>} : memref<4x8x2048xf32, #tpu.memory_space<vmem>>, vector<1x1x16xf32>,
        %add3A_942 = arith.constant 16 : i32
        %add3A_943 = arith.addi %mul3A_309, %add3A_942 : i32
        %get3A_944 = arith.constant 2 : i32
        %get3A_945 = arith.constant 4 : i32
        %get3A_946 = arith.index_cast %get3A_944 : i32 to index
        %get3A_947 = arith.index_cast %get3A_945 : i32 to index
        %get3A_948 = arith.index_cast %add3A_943 : i32 to index
        %get3A_949 = tpu.vector_load %arg6[%get3A_946, %get3A_947, %get3A_948] {strides = array<i32>} : memref<4x8x2048xf32, #tpu.memory_space<vmem>>, vector<1x1x16xf32>,
        %get3A_950 = vector.shape_cast %get3A_949 : vector<1x1x16xf32> to vector<16xf32>
        %mul3A_951 = arith.mulf %get3A_950, %get3A_318 : vector<16xf32>
        %swap3A_952 = arith.constant 2 : i32
        %swap3A_953 = arith.constant 4 : i32
        %swap3A_954 = arith.index_cast %swap3A_952 : i32 to index
        %swap3A_955 = arith.index_cast %swap3A_953 : i32 to index
        %swap3A_956 = arith.index_cast %add3A_943 : i32 to index
        %swap3A_957 = tpu.vector_load %arg6[%swap3A_954, %swap3A_955, %swap3A_956] {strides = array<i32>} : memref<4x8x2048xf32, #tpu.memory_space<vmem>>, vector<1x1x16xf32>,
        %swap3A_958 = vector.shape_cast %swap3A_957 : vector<1x1x16xf32> to vector<16xf32>
        %swap3A_959 = vector.shape_cast %mul3A_951 : vector<16xf32> to vector<1x1x16xf32>
        tpu.vector_store %arg6[%swap3A_954, %swap3A_955, %swap3A_956], %swap3A_959 {strides = array<i32>} : memref<4x8x2048xf32, #tpu.memory_space<vmem>>, vector<1x1x16xf32>,
        %add3A_960 = arith.constant 32 : i32
        %add3A_961 = arith.addi %mul3A_309, %add3A_960 : i32
        %get3A_962 = arith.constant 2 : i32
        %get3A_963 = arith.constant 4 : i32
        %get3A_964 = arith.index_cast %get3A_962 : i32 to index
        %get3A_965 = arith.index_cast %get3A_963 : i32 to index
        %get3A_966 = arith.index_cast %add3A_961 : i32 to index
        %get3A_967 = tpu.vector_load %arg6[%get3A_964, %get3A_965, %get3A_966] {strides = array<i32>} : memref<4x8x2048xf32, #tpu.memory_space<vmem>>, vector<1x1x16xf32>,
        %get3A_968 = vector.shape_cast %get3A_967 : vector<1x1x16xf32> to vector<16xf32>
        %mul3A_969 = arith.mulf %get3A_968, %get3A_323 : vector<16xf32>
        %swap3A_970 = arith.constant 2 : i32
        %swap3A_971 = arith.constant 4 : i32
        %swap3A_972 = arith.index_cast %swap3A_970 : i32 to index
        %swap3A_973 = arith.index_cast %swap3A_971 : i32 to index
        %swap3A_974 = arith.index_cast %add3A_961 : i32 to index
        %swap3A_975 = tpu.vector_load %arg6[%swap3A_972, %swap3A_973, %swap3A_974] {strides = array<i32>} : memref<4x8x2048xf32, #tpu.memory_space<vmem>>, vector<1x1x16xf32>,
        %swap3A_976 = vector.shape_cast %swap3A_975 : vector<1x1x16xf32> to vector<16xf32>
        %swap3A_977 = vector.shape_cast %mul3A_969 : vector<16xf32> to vector<1x1x16xf32>
        tpu.vector_store %arg6[%swap3A_972, %swap3A_973, %swap3A_974], %swap3A_977 {strides = array<i32>} : memref<4x8x2048xf32, #tpu.memory_space<vmem>>, vector<1x1x16xf32>,
        %add3A_978 = arith.constant 48 : i32
        %add3A_979 = arith.addi %mul3A_309, %add3A_978 : i32
        %get3A_980 = arith.constant 2 : i32
        %get3A_981 = arith.constant 4 : i32
        %get3A_982 = arith.index_cast %get3A_980 : i32 to index
        %get3A_983 = arith.index_cast %get3A_981 : i32 to index
        %get3A_984 = arith.index_cast %add3A_979 : i32 to index
        %get3A_985 = tpu.vector_load %arg6[%get3A_982, %get3A_983, %get3A_984] {strides = array<i32>} : memref<4x8x2048xf32, #tpu.memory_space<vmem>>, vector<1x1x16xf32>,
        %get3A_986 = vector.shape_cast %get3A_985 : vector<1x1x16xf32> to vector<16xf32>
        %mul3A_987 = arith.mulf %get3A_986, %get3A_328 : vector<16xf32>
        %swap3A_988 = arith.constant 2 : i32
        %swap3A_989 = arith.constant 4 : i32
        %swap3A_990 = arith.index_cast %swap3A_988 : i32 to index
        %swap3A_991 = arith.index_cast %swap3A_989 : i32 to index
        %swap3A_992 = arith.index_cast %add3A_979 : i32 to index
        %swap3A_993 = tpu.vector_load %arg6[%swap3A_990, %swap3A_991, %swap3A_992] {strides = array<i32>} : memref<4x8x2048xf32, #tpu.memory_space<vmem>>, vector<1x1x16xf32>,
        %swap3A_994 = vector.shape_cast %swap3A_993 : vector<1x1x16xf32> to vector<16xf32>
        %swap3A_995 = vector.shape_cast %mul3A_987 : vector<16xf32> to vector<1x1x16xf32>
        tpu.vector_store %arg6[%swap3A_990, %swap3A_991, %swap3A_992], %swap3A_995 {strides = array<i32>} : memref<4x8x2048xf32, #tpu.memory_space<vmem>>, vector<1x1x16xf32>,
        %add3A_996 = arith.constant 64 : i32
        %add3A_997 = arith.addi %mul3A_309, %add3A_996 : i32
        %get3A_998 = arith.constant 2 : i32
        %get3A_999 = arith.constant 4 : i32
        %get3A_1000 = arith.index_cast %get3A_998 : i32 to index
        %get3A_1001 = arith.index_cast %get3A_999 : i32 to index
        %get3A_1002 = arith.index_cast %add3A_997 : i32 to index
        %get3A_1003 = tpu.vector_load %arg6[%get3A_1000, %get3A_1001, %get3A_1002] {strides = array<i32>} : memref<4x8x2048xf32, #tpu.memory_space<vmem>>, vector<1x1x16xf32>,
        %get3A_1004 = vector.shape_cast %get3A_1003 : vector<1x1x16xf32> to vector<16xf32>
        %mul3A_1005 = arith.mulf %get3A_1004, %get3A_333 : vector<16xf32>
        %swap3A_1006 = arith.constant 2 : i32
        %swap3A_1007 = arith.constant 4 : i32
        %swap3A_1008 = arith.index_cast %swap3A_1006 : i32 to index
        %swap3A_1009 = arith.index_cast %swap3A_1007 : i32 to index
        %swap3A_1010 = arith.index_cast %add3A_997 : i32 to index
        %swap3A_1011 = tpu.vector_load %arg6[%swap3A_1008, %swap3A_1009, %swap3A_1010] {strides = array<i32>} : memref<4x8x2048xf32, #tpu.memory_space<vmem>>, vector<1x1x16xf32>,
        %swap3A_1012 = vector.shape_cast %swap3A_1011 : vector<1x1x16xf32> to vector<16xf32>
        %swap3A_1013 = vector.shape_cast %mul3A_1005 : vector<16xf32> to vector<1x1x16xf32>
        tpu.vector_store %arg6[%swap3A_1008, %swap3A_1009, %swap3A_1010], %swap3A_1013 {strides = array<i32>} : memref<4x8x2048xf32, #tpu.memory_space<vmem>>, vector<1x1x16xf32>,
        %add3A_1014 = arith.constant 80 : i32
        %add3A_1015 = arith.addi %mul3A_309, %add3A_1014 : i32
        %get3A_1016 = arith.constant 2 : i32
        %get3A_1017 = arith.constant 4 : i32
        %get3A_1018 = arith.index_cast %get3A_1016 : i32 to index
        %get3A_1019 = arith.index_cast %get3A_1017 : i32 to index
        %get3A_1020 = arith.index_cast %add3A_1015 : i32 to index
        %get3A_1021 = tpu.vector_load %arg6[%get3A_1018, %get3A_1019, %get3A_1020] {strides = array<i32>} : memref<4x8x2048xf32, #tpu.memory_space<vmem>>, vector<1x1x16xf32>,
        %get3A_1022 = vector.shape_cast %get3A_1021 : vector<1x1x16xf32> to vector<16xf32>
        %mul3A_1023 = arith.mulf %get3A_1022, %get3A_338 : vector<16xf32>
        %swap3A_1024 = arith.constant 2 : i32
        %swap3A_1025 = arith.constant 4 : i32
        %swap3A_1026 = arith.index_cast %swap3A_1024 : i32 to index
        %swap3A_1027 = arith.index_cast %swap3A_1025 : i32 to index
        %swap3A_1028 = arith.index_cast %add3A_1015 : i32 to index
        %swap3A_1029 = tpu.vector_load %arg6[%swap3A_1026, %swap3A_1027, %swap3A_1028] {strides = array<i32>} : memref<4x8x2048xf32, #tpu.memory_space<vmem>>, vector<1x1x16xf32>,
        %swap3A_1030 = vector.shape_cast %swap3A_1029 : vector<1x1x16xf32> to vector<16xf32>
        %swap3A_1031 = vector.shape_cast %mul3A_1023 : vector<16xf32> to vector<1x1x16xf32>
        tpu.vector_store %arg6[%swap3A_1026, %swap3A_1027, %swap3A_1028], %swap3A_1031 {strides = array<i32>} : memref<4x8x2048xf32, #tpu.memory_space<vmem>>, vector<1x1x16xf32>,
        %add3A_1032 = arith.constant 96 : i32
        %add3A_1033 = arith.addi %mul3A_309, %add3A_1032 : i32
        %get3A_1034 = arith.constant 2 : i32
        %get3A_1035 = arith.constant 4 : i32
        %get3A_1036 = arith.index_cast %get3A_1034 : i32 to index
        %get3A_1037 = arith.index_cast %get3A_1035 : i32 to index
        %get3A_1038 = arith.index_cast %add3A_1033 : i32 to index
        %get3A_1039 = tpu.vector_load %arg6[%get3A_1036, %get3A_1037, %get3A_1038] {strides = array<i32>} : memref<4x8x2048xf32, #tpu.memory_space<vmem>>, vector<1x1x16xf32>,
        %get3A_1040 = vector.shape_cast %get3A_1039 : vector<1x1x16xf32> to vector<16xf32>
        %mul3A_1041 = arith.mulf %get3A_1040, %get3A_343 : vector<16xf32>
        %swap3A_1042 = arith.constant 2 : i32
        %swap3A_1043 = arith.constant 4 : i32
        %swap3A_1044 = arith.index_cast %swap3A_1042 : i32 to index
        %swap3A_1045 = arith.index_cast %swap3A_1043 : i32 to index
        %swap3A_1046 = arith.index_cast %add3A_1033 : i32 to index
        %swap3A_1047 = tpu.vector_load %arg6[%swap3A_1044, %swap3A_1045, %swap3A_1046] {strides = array<i32>} : memref<4x8x2048xf32, #tpu.memory_space<vmem>>, vector<1x1x16xf32>,
        %swap3A_1048 = vector.shape_cast %swap3A_1047 : vector<1x1x16xf32> to vector<16xf32>
        %swap3A_1049 = vector.shape_cast %mul3A_1041 : vector<16xf32> to vector<1x1x16xf32>
        tpu.vector_store %arg6[%swap3A_1044, %swap3A_1045, %swap3A_1046], %swap3A_1049 {strides = array<i32>} : memref<4x8x2048xf32, #tpu.memory_space<vmem>>, vector<1x1x16xf32>,
        %add3A_1050 = arith.constant 112 : i32
        %add3A_1051 = arith.addi %mul3A_309, %add3A_1050 : i32
        %get3A_1052 = arith.constant 2 : i32
        %get3A_1053 = arith.constant 4 : i32
        %get3A_1054 = arith.index_cast %get3A_1052 : i32 to index
        %get3A_1055 = arith.index_cast %get3A_1053 : i32 to index
        %get3A_1056 = arith.index_cast %add3A_1051 : i32 to index
        %get3A_1057 = tpu.vector_load %arg6[%get3A_1054, %get3A_1055, %get3A_1056] {strides = array<i32>} : memref<4x8x2048xf32, #tpu.memory_space<vmem>>, vector<1x1x16xf32>,
        %get3A_1058 = vector.shape_cast %get3A_1057 : vector<1x1x16xf32> to vector<16xf32>
        %mul3A_1059 = arith.mulf %get3A_1058, %get3A_348 : vector<16xf32>
        %swap3A_1060 = arith.constant 2 : i32
        %swap3A_1061 = arith.constant 4 : i32
        %swap3A_1062 = arith.index_cast %swap3A_1060 : i32 to index
        %swap3A_1063 = arith.index_cast %swap3A_1061 : i32 to index
        %swap3A_1064 = arith.index_cast %add3A_1051 : i32 to index
        %swap3A_1065 = tpu.vector_load %arg6[%swap3A_1062, %swap3A_1063, %swap3A_1064] {strides = array<i32>} : memref<4x8x2048xf32, #tpu.memory_space<vmem>>, vector<1x1x16xf32>,
        %swap3A_1066 = vector.shape_cast %swap3A_1065 : vector<1x1x16xf32> to vector<16xf32>
        %swap3A_1067 = vector.shape_cast %mul3A_1059 : vector<16xf32> to vector<1x1x16xf32>
        tpu.vector_store %arg6[%swap3A_1062, %swap3A_1063, %swap3A_1064], %swap3A_1067 {strides = array<i32>} : memref<4x8x2048xf32, #tpu.memory_space<vmem>>, vector<1x1x16xf32>,
        %add3A_1068 = arith.constant 0 : i32
        %add3A_1069 = arith.addi %mul3A_309, %add3A_1068 : i32
        %get3A_1070 = arith.constant 2 : i32
        %get3A_1071 = arith.constant 5 : i32
        %get3A_1072 = arith.index_cast %get3A_1070 : i32 to index
        %get3A_1073 = arith.index_cast %get3A_1071 : i32 to index
        %get3A_1074 = arith.index_cast %add3A_1069 : i32 to index
        %get3A_1075 = tpu.vector_load %arg6[%get3A_1072, %get3A_1073, %get3A_1074] {strides = array<i32>} : memref<4x8x2048xf32, #tpu.memory_space<vmem>>, vector<1x1x16xf32>,
        %get3A_1076 = vector.shape_cast %get3A_1075 : vector<1x1x16xf32> to vector<16xf32>
        %mul3A_1077 = arith.mulf %get3A_1076, %get3A_313 : vector<16xf32>
        %swap3A_1078 = arith.constant 2 : i32
        %swap3A_1079 = arith.constant 5 : i32
        %swap3A_1080 = arith.index_cast %swap3A_1078 : i32 to index
        %swap3A_1081 = arith.index_cast %swap3A_1079 : i32 to index
        %swap3A_1082 = arith.index_cast %add3A_1069 : i32 to index
        %swap3A_1083 = tpu.vector_load %arg6[%swap3A_1080, %swap3A_1081, %swap3A_1082] {strides = array<i32>} : memref<4x8x2048xf32, #tpu.memory_space<vmem>>, vector<1x1x16xf32>,
        %swap3A_1084 = vector.shape_cast %swap3A_1083 : vector<1x1x16xf32> to vector<16xf32>
        %swap3A_1085 = vector.shape_cast %mul3A_1077 : vector<16xf32> to vector<1x1x16xf32>
        tpu.vector_store %arg6[%swap3A_1080, %swap3A_1081, %swap3A_1082], %swap3A_1085 {strides = array<i32>} : memref<4x8x2048xf32, #tpu.memory_space<vmem>>, vector<1x1x16xf32>,
        %add3A_1086 = arith.constant 16 : i32
        %add3A_1087 = arith.addi %mul3A_309, %add3A_1086 : i32
        %get3A_1088 = arith.constant 2 : i32
        %get3A_1089 = arith.constant 5 : i32
        %get3A_1090 = arith.index_cast %get3A_1088 : i32 to index
        %get3A_1091 = arith.index_cast %get3A_1089 : i32 to index
        %get3A_1092 = arith.index_cast %add3A_1087 : i32 to index
        %get3A_1093 = tpu.vector_load %arg6[%get3A_1090, %get3A_1091, %get3A_1092] {strides = array<i32>} : memref<4x8x2048xf32, #tpu.memory_space<vmem>>, vector<1x1x16xf32>,
        %get3A_1094 = vector.shape_cast %get3A_1093 : vector<1x1x16xf32> to vector<16xf32>
        %mul3A_1095 = arith.mulf %get3A_1094, %get3A_318 : vector<16xf32>
        %swap3A_1096 = arith.constant 2 : i32
        %swap3A_1097 = arith.constant 5 : i32
        %swap3A_1098 = arith.index_cast %swap3A_1096 : i32 to index
        %swap3A_1099 = arith.index_cast %swap3A_1097 : i32 to index
        %swap3A_1100 = arith.index_cast %add3A_1087 : i32 to index
        %swap3A_1101 = tpu.vector_load %arg6[%swap3A_1098, %swap3A_1099, %swap3A_1100] {strides = array<i32>} : memref<4x8x2048xf32, #tpu.memory_space<vmem>>, vector<1x1x16xf32>,
        %swap3A_1102 = vector.shape_cast %swap3A_1101 : vector<1x1x16xf32> to vector<16xf32>
        %swap3A_1103 = vector.shape_cast %mul3A_1095 : vector<16xf32> to vector<1x1x16xf32>
        tpu.vector_store %arg6[%swap3A_1098, %swap3A_1099, %swap3A_1100], %swap3A_1103 {strides = array<i32>} : memref<4x8x2048xf32, #tpu.memory_space<vmem>>, vector<1x1x16xf32>,
        %add3A_1104 = arith.constant 32 : i32
        %add3A_1105 = arith.addi %mul3A_309, %add3A_1104 : i32
        %get3A_1106 = arith.constant 2 : i32
        %get3A_1107 = arith.constant 5 : i32
        %get3A_1108 = arith.index_cast %get3A_1106 : i32 to index
        %get3A_1109 = arith.index_cast %get3A_1107 : i32 to index
        %get3A_1110 = arith.index_cast %add3A_1105 : i32 to index
        %get3A_1111 = tpu.vector_load %arg6[%get3A_1108, %get3A_1109, %get3A_1110] {strides = array<i32>} : memref<4x8x2048xf32, #tpu.memory_space<vmem>>, vector<1x1x16xf32>,
        %get3A_1112 = vector.shape_cast %get3A_1111 : vector<1x1x16xf32> to vector<16xf32>
        %mul3A_1113 = arith.mulf %get3A_1112, %get3A_323 : vector<16xf32>
        %swap3A_1114 = arith.constant 2 : i32
        %swap3A_1115 = arith.constant 5 : i32
        %swap3A_1116 = arith.index_cast %swap3A_1114 : i32 to index
        %swap3A_1117 = arith.index_cast %swap3A_1115 : i32 to index
        %swap3A_1118 = arith.index_cast %add3A_1105 : i32 to index
        %swap3A_1119 = tpu.vector_load %arg6[%swap3A_1116, %swap3A_1117, %swap3A_1118] {strides = array<i32>} : memref<4x8x2048xf32, #tpu.memory_space<vmem>>, vector<1x1x16xf32>,
        %swap3A_1120 = vector.shape_cast %swap3A_1119 : vector<1x1x16xf32> to vector<16xf32>
        %swap3A_1121 = vector.shape_cast %mul3A_1113 : vector<16xf32> to vector<1x1x16xf32>
        tpu.vector_store %arg6[%swap3A_1116, %swap3A_1117, %swap3A_1118], %swap3A_1121 {strides = array<i32>} : memref<4x8x2048xf32, #tpu.memory_space<vmem>>, vector<1x1x16xf32>,
        %add3A_1122 = arith.constant 48 : i32
        %add3A_1123 = arith.addi %mul3A_309, %add3A_1122 : i32
        %get3A_1124 = arith.constant 2 : i32
        %get3A_1125 = arith.constant 5 : i32
        %get3A_1126 = arith.index_cast %get3A_1124 : i32 to index
        %get3A_1127 = arith.index_cast %get3A_1125 : i32 to index
        %get3A_1128 = arith.index_cast %add3A_1123 : i32 to index
        %get3A_1129 = tpu.vector_load %arg6[%get3A_1126, %get3A_1127, %get3A_1128] {strides = array<i32>} : memref<4x8x2048xf32, #tpu.memory_space<vmem>>, vector<1x1x16xf32>,
        %get3A_1130 = vector.shape_cast %get3A_1129 : vector<1x1x16xf32> to vector<16xf32>
        %mul3A_1131 = arith.mulf %get3A_1130, %get3A_328 : vector<16xf32>
        %swap3A_1132 = arith.constant 2 : i32
        %swap3A_1133 = arith.constant 5 : i32
        %swap3A_1134 = arith.index_cast %swap3A_1132 : i32 to index
        %swap3A_1135 = arith.index_cast %swap3A_1133 : i32 to index
        %swap3A_1136 = arith.index_cast %add3A_1123 : i32 to index
        %swap3A_1137 = tpu.vector_load %arg6[%swap3A_1134, %swap3A_1135, %swap3A_1136] {strides = array<i32>} : memref<4x8x2048xf32, #tpu.memory_space<vmem>>, vector<1x1x16xf32>,
        %swap3A_1138 = vector.shape_cast %swap3A_1137 : vector<1x1x16xf32> to vector<16xf32>
        %swap3A_1139 = vector.shape_cast %mul3A_1131 : vector<16xf32> to vector<1x1x16xf32>
        tpu.vector_store %arg6[%swap3A_1134, %swap3A_1135, %swap3A_1136], %swap3A_1139 {strides = array<i32>} : memref<4x8x2048xf32, #tpu.memory_space<vmem>>, vector<1x1x16xf32>,
        %add3A_1140 = arith.constant 64 : i32
        %add3A_1141 = arith.addi %mul3A_309, %add3A_1140 : i32
        %get3A_1142 = arith.constant 2 : i32
        %get3A_1143 = arith.constant 5 : i32
        %get3A_1144 = arith.index_cast %get3A_1142 : i32 to index
        %get3A_1145 = arith.index_cast %get3A_1143 : i32 to index
        %get3A_1146 = arith.index_cast %add3A_1141 : i32 to index
        %get3A_1147 = tpu.vector_load %arg6[%get3A_1144, %get3A_1145, %get3A_1146] {strides = array<i32>} : memref<4x8x2048xf32, #tpu.memory_space<vmem>>, vector<1x1x16xf32>,
        %get3A_1148 = vector.shape_cast %get3A_1147 : vector<1x1x16xf32> to vector<16xf32>
        %mul3A_1149 = arith.mulf %get3A_1148, %get3A_333 : vector<16xf32>
        %swap3A_1150 = arith.constant 2 : i32
        %swap3A_1151 = arith.constant 5 : i32
        %swap3A_1152 = arith.index_cast %swap3A_1150 : i32 to index
        %swap3A_1153 = arith.index_cast %swap3A_1151 : i32 to index
        %swap3A_1154 = arith.index_cast %add3A_1141 : i32 to index
        %swap3A_1155 = tpu.vector_load %arg6[%swap3A_1152, %swap3A_1153, %swap3A_1154] {strides = array<i32>} : memref<4x8x2048xf32, #tpu.memory_space<vmem>>, vector<1x1x16xf32>,
        %swap3A_1156 = vector.shape_cast %swap3A_1155 : vector<1x1x16xf32> to vector<16xf32>
        %swap3A_1157 = vector.shape_cast %mul3A_1149 : vector<16xf32> to vector<1x1x16xf32>
        tpu.vector_store %arg6[%swap3A_1152, %swap3A_1153, %swap3A_1154], %swap3A_1157 {strides = array<i32>} : memref<4x8x2048xf32, #tpu.memory_space<vmem>>, vector<1x1x16xf32>,
        %add3A_1158 = arith.constant 80 : i32
        %add3A_1159 = arith.addi %mul3A_309, %add3A_1158 : i32
        %get3A_1160 = arith.constant 2 : i32
        %get3A_1161 = arith.constant 5 : i32
        %get3A_1162 = arith.index_cast %get3A_1160 : i32 to index
        %get3A_1163 = arith.index_cast %get3A_1161 : i32 to index
        %get3A_1164 = arith.index_cast %add3A_1159 : i32 to index
        %get3A_1165 = tpu.vector_load %arg6[%get3A_1162, %get3A_1163, %get3A_1164] {strides = array<i32>} : memref<4x8x2048xf32, #tpu.memory_space<vmem>>, vector<1x1x16xf32>,
        %get3A_1166 = vector.shape_cast %get3A_1165 : vector<1x1x16xf32> to vector<16xf32>
        %mul3A_1167 = arith.mulf %get3A_1166, %get3A_338 : vector<16xf32>
        %swap3A_1168 = arith.constant 2 : i32
        %swap3A_1169 = arith.constant 5 : i32
        %swap3A_1170 = arith.index_cast %swap3A_1168 : i32 to index
        %swap3A_1171 = arith.index_cast %swap3A_1169 : i32 to index
        %swap3A_1172 = arith.index_cast %add3A_1159 : i32 to index
        %swap3A_1173 = tpu.vector_load %arg6[%swap3A_1170, %swap3A_1171, %swap3A_1172] {strides = array<i32>} : memref<4x8x2048xf32, #tpu.memory_space<vmem>>, vector<1x1x16xf32>,
        %swap3A_1174 = vector.shape_cast %swap3A_1173 : vector<1x1x16xf32> to vector<16xf32>
        %swap3A_1175 = vector.shape_cast %mul3A_1167 : vector<16xf32> to vector<1x1x16xf32>
        tpu.vector_store %arg6[%swap3A_1170, %swap3A_1171, %swap3A_1172], %swap3A_1175 {strides = array<i32>} : memref<4x8x2048xf32, #tpu.memory_space<vmem>>, vector<1x1x16xf32>,
        %add3A_1176 = arith.constant 96 : i32
        %add3A_1177 = arith.addi %mul3A_309, %add3A_1176 : i32
        %get3A_1178 = arith.constant 2 : i32
        %get3A_1179 = arith.constant 5 : i32
        %get3A_1180 = arith.index_cast %get3A_1178 : i32 to index
        %get3A_1181 = arith.index_cast %get3A_1179 : i32 to index
        %get3A_1182 = arith.index_cast %add3A_1177 : i32 to index
        %get3A_1183 = tpu.vector_load %arg6[%get3A_1180, %get3A_1181, %get3A_1182] {strides = array<i32>} : memref<4x8x2048xf32, #tpu.memory_space<vmem>>, vector<1x1x16xf32>,
        %get3A_1184 = vector.shape_cast %get3A_1183 : vector<1x1x16xf32> to vector<16xf32>
        %mul3A_1185 = arith.mulf %get3A_1184, %get3A_343 : vector<16xf32>
        %swap3A_1186 = arith.constant 2 : i32
        %swap3A_1187 = arith.constant 5 : i32
        %swap3A_1188 = arith.index_cast %swap3A_1186 : i32 to index
        %swap3A_1189 = arith.index_cast %swap3A_1187 : i32 to index
        %swap3A_1190 = arith.index_cast %add3A_1177 : i32 to index
        %swap3A_1191 = tpu.vector_load %arg6[%swap3A_1188, %swap3A_1189, %swap3A_1190] {strides = array<i32>} : memref<4x8x2048xf32, #tpu.memory_space<vmem>>, vector<1x1x16xf32>,
        %swap3A_1192 = vector.shape_cast %swap3A_1191 : vector<1x1x16xf32> to vector<16xf32>
        %swap3A_1193 = vector.shape_cast %mul3A_1185 : vector<16xf32> to vector<1x1x16xf32>
        tpu.vector_store %arg6[%swap3A_1188, %swap3A_1189, %swap3A_1190], %swap3A_1193 {strides = array<i32>} : memref<4x8x2048xf32, #tpu.memory_space<vmem>>, vector<1x1x16xf32>,
        %add3A_1194 = arith.constant 112 : i32
        %add3A_1195 = arith.addi %mul3A_309, %add3A_1194 : i32
        %get3A_1196 = arith.constant 2 : i32
        %get3A_1197 = arith.constant 5 : i32
        %get3A_1198 = arith.index_cast %get3A_1196 : i32 to index
        %get3A_1199 = arith.index_cast %get3A_1197 : i32 to index
        %get3A_1200 = arith.index_cast %add3A_1195 : i32 to index
        %get3A_1201 = tpu.vector_load %arg6[%get3A_1198, %get3A_1199, %get3A_1200] {strides = array<i32>} : memref<4x8x2048xf32, #tpu.memory_space<vmem>>, vector<1x1x16xf32>,
        %get3A_1202 = vector.shape_cast %get3A_1201 : vector<1x1x16xf32> to vector<16xf32>
        %mul3A_1203 = arith.mulf %get3A_1202, %get3A_348 : vector<16xf32>
        %swap3A_1204 = arith.constant 2 : i32
        %swap3A_1205 = arith.constant 5 : i32
        %swap3A_1206 = arith.index_cast %swap3A_1204 : i32 to index
        %swap3A_1207 = arith.index_cast %swap3A_1205 : i32 to index
        %swap3A_1208 = arith.index_cast %add3A_1195 : i32 to index
        %swap3A_1209 = tpu.vector_load %arg6[%swap3A_1206, %swap3A_1207, %swap3A_1208] {strides = array<i32>} : memref<4x8x2048xf32, #tpu.memory_space<vmem>>, vector<1x1x16xf32>,
        %swap3A_1210 = vector.shape_cast %swap3A_1209 : vector<1x1x16xf32> to vector<16xf32>
        %swap3A_1211 = vector.shape_cast %mul3A_1203 : vector<16xf32> to vector<1x1x16xf32>
        tpu.vector_store %arg6[%swap3A_1206, %swap3A_1207, %swap3A_1208], %swap3A_1211 {strides = array<i32>} : memref<4x8x2048xf32, #tpu.memory_space<vmem>>, vector<1x1x16xf32>,
        %add3A_1212 = arith.constant 0 : i32
        %add3A_1213 = arith.addi %mul3A_309, %add3A_1212 : i32
        %get3A_1214 = arith.constant 2 : i32
        %get3A_1215 = arith.constant 6 : i32
        %get3A_1216 = arith.index_cast %get3A_1214 : i32 to index
        %get3A_1217 = arith.index_cast %get3A_1215 : i32 to index
        %get3A_1218 = arith.index_cast %add3A_1213 : i32 to index
        %get3A_1219 = tpu.vector_load %arg6[%get3A_1216, %get3A_1217, %get3A_1218] {strides = array<i32>} : memref<4x8x2048xf32, #tpu.memory_space<vmem>>, vector<1x1x16xf32>,
        %get3A_1220 = vector.shape_cast %get3A_1219 : vector<1x1x16xf32> to vector<16xf32>
        %mul3A_1221 = arith.mulf %get3A_1220, %get3A_313 : vector<16xf32>
        %swap3A_1222 = arith.constant 2 : i32
        %swap3A_1223 = arith.constant 6 : i32
        %swap3A_1224 = arith.index_cast %swap3A_1222 : i32 to index
        %swap3A_1225 = arith.index_cast %swap3A_1223 : i32 to index
        %swap3A_1226 = arith.index_cast %add3A_1213 : i32 to index
        %swap3A_1227 = tpu.vector_load %arg6[%swap3A_1224, %swap3A_1225, %swap3A_1226] {strides = array<i32>} : memref<4x8x2048xf32, #tpu.memory_space<vmem>>, vector<1x1x16xf32>,
        %swap3A_1228 = vector.shape_cast %swap3A_1227 : vector<1x1x16xf32> to vector<16xf32>
        %swap3A_1229 = vector.shape_cast %mul3A_1221 : vector<16xf32> to vector<1x1x16xf32>
        tpu.vector_store %arg6[%swap3A_1224, %swap3A_1225, %swap3A_1226], %swap3A_1229 {strides = array<i32>} : memref<4x8x2048xf32, #tpu.memory_space<vmem>>, vector<1x1x16xf32>,
        %add3A_1230 = arith.constant 16 : i32
        %add3A_1231 = arith.addi %mul3A_309, %add3A_1230 : i32
        %get3A_1232 = arith.constant 2 : i32
        %get3A_1233 = arith.constant 6 : i32
        %get3A_1234 = arith.index_cast %get3A_1232 : i32 to index
        %get3A_1235 = arith.index_cast %get3A_1233 : i32 to index
        %get3A_1236 = arith.index_cast %add3A_1231 : i32 to index
        %get3A_1237 = tpu.vector_load %arg6[%get3A_1234, %get3A_1235, %get3A_1236] {strides = array<i32>} : memref<4x8x2048xf32, #tpu.memory_space<vmem>>, vector<1x1x16xf32>,
        %get3A_1238 = vector.shape_cast %get3A_1237 : vector<1x1x16xf32> to vector<16xf32>
        %mul3A_1239 = arith.mulf %get3A_1238, %get3A_318 : vector<16xf32>
        %swap3A_1240 = arith.constant 2 : i32
        %swap3A_1241 = arith.constant 6 : i32
        %swap3A_1242 = arith.index_cast %swap3A_1240 : i32 to index
        %swap3A_1243 = arith.index_cast %swap3A_1241 : i32 to index
        %swap3A_1244 = arith.index_cast %add3A_1231 : i32 to index
        %swap3A_1245 = tpu.vector_load %arg6[%swap3A_1242, %swap3A_1243, %swap3A_1244] {strides = array<i32>} : memref<4x8x2048xf32, #tpu.memory_space<vmem>>, vector<1x1x16xf32>,
        %swap3A_1246 = vector.shape_cast %swap3A_1245 : vector<1x1x16xf32> to vector<16xf32>
        %swap3A_1247 = vector.shape_cast %mul3A_1239 : vector<16xf32> to vector<1x1x16xf32>
        tpu.vector_store %arg6[%swap3A_1242, %swap3A_1243, %swap3A_1244], %swap3A_1247 {strides = array<i32>} : memref<4x8x2048xf32, #tpu.memory_space<vmem>>, vector<1x1x16xf32>,
        %add3A_1248 = arith.constant 32 : i32
        %add3A_1249 = arith.addi %mul3A_309, %add3A_1248 : i32
        %get3A_1250 = arith.constant 2 : i32
        %get3A_1251 = arith.constant 6 : i32
        %get3A_1252 = arith.index_cast %get3A_1250 : i32 to index
        %get3A_1253 = arith.index_cast %get3A_1251 : i32 to index
        %get3A_1254 = arith.index_cast %add3A_1249 : i32 to index
        %get3A_1255 = tpu.vector_load %arg6[%get3A_1252, %get3A_1253, %get3A_1254] {strides = array<i32>} : memref<4x8x2048xf32, #tpu.memory_space<vmem>>, vector<1x1x16xf32>,
        %get3A_1256 = vector.shape_cast %get3A_1255 : vector<1x1x16xf32> to vector<16xf32>
        %mul3A_1257 = arith.mulf %get3A_1256, %get3A_323 : vector<16xf32>
        %swap3A_1258 = arith.constant 2 : i32
        %swap3A_1259 = arith.constant 6 : i32
        %swap3A_1260 = arith.index_cast %swap3A_1258 : i32 to index
        %swap3A_1261 = arith.index_cast %swap3A_1259 : i32 to index
        %swap3A_1262 = arith.index_cast %add3A_1249 : i32 to index
        %swap3A_1263 = tpu.vector_load %arg6[%swap3A_1260, %swap3A_1261, %swap3A_1262] {strides = array<i32>} : memref<4x8x2048xf32, #tpu.memory_space<vmem>>, vector<1x1x16xf32>,
        %swap3A_1264 = vector.shape_cast %swap3A_1263 : vector<1x1x16xf32> to vector<16xf32>
        %swap3A_1265 = vector.shape_cast %mul3A_1257 : vector<16xf32> to vector<1x1x16xf32>
        tpu.vector_store %arg6[%swap3A_1260, %swap3A_1261, %swap3A_1262], %swap3A_1265 {strides = array<i32>} : memref<4x8x2048xf32, #tpu.memory_space<vmem>>, vector<1x1x16xf32>,
        %add3A_1266 = arith.constant 48 : i32
        %add3A_1267 = arith.addi %mul3A_309, %add3A_1266 : i32
        %get3A_1268 = arith.constant 2 : i32
        %get3A_1269 = arith.constant 6 : i32
        %get3A_1270 = arith.index_cast %get3A_1268 : i32 to index
        %get3A_1271 = arith.index_cast %get3A_1269 : i32 to index
        %get3A_1272 = arith.index_cast %add3A_1267 : i32 to index
        %get3A_1273 = tpu.vector_load %arg6[%get3A_1270, %get3A_1271, %get3A_1272] {strides = array<i32>} : memref<4x8x2048xf32, #tpu.memory_space<vmem>>, vector<1x1x16xf32>,
        %get3A_1274 = vector.shape_cast %get3A_1273 : vector<1x1x16xf32> to vector<16xf32>
        %mul3A_1275 = arith.mulf %get3A_1274, %get3A_328 : vector<16xf32>
        %swap3A_1276 = arith.constant 2 : i32
        %swap3A_1277 = arith.constant 6 : i32
        %swap3A_1278 = arith.index_cast %swap3A_1276 : i32 to index
        %swap3A_1279 = arith.index_cast %swap3A_1277 : i32 to index
        %swap3A_1280 = arith.index_cast %add3A_1267 : i32 to index
        %swap3A_1281 = tpu.vector_load %arg6[%swap3A_1278, %swap3A_1279, %swap3A_1280] {strides = array<i32>} : memref<4x8x2048xf32, #tpu.memory_space<vmem>>, vector<1x1x16xf32>,
        %swap3A_1282 = vector.shape_cast %swap3A_1281 : vector<1x1x16xf32> to vector<16xf32>
        %swap3A_1283 = vector.shape_cast %mul3A_1275 : vector<16xf32> to vector<1x1x16xf32>
        tpu.vector_store %arg6[%swap3A_1278, %swap3A_1279, %swap3A_1280], %swap3A_1283 {strides = array<i32>} : memref<4x8x2048xf32, #tpu.memory_space<vmem>>, vector<1x1x16xf32>,
        %add3A_1284 = arith.constant 64 : i32
        %add3A_1285 = arith.addi %mul3A_309, %add3A_1284 : i32
        %get3A_1286 = arith.constant 2 : i32
        %get3A_1287 = arith.constant 6 : i32
        %get3A_1288 = arith.index_cast %get3A_1286 : i32 to index
        %get3A_1289 = arith.index_cast %get3A_1287 : i32 to index
        %get3A_1290 = arith.index_cast %add3A_1285 : i32 to index
        %get3A_1291 = tpu.vector_load %arg6[%get3A_1288, %get3A_1289, %get3A_1290] {strides = array<i32>} : memref<4x8x2048xf32, #tpu.memory_space<vmem>>, vector<1x1x16xf32>,
        %get3A_1292 = vector.shape_cast %get3A_1291 : vector<1x1x16xf32> to vector<16xf32>
        %mul3A_1293 = arith.mulf %get3A_1292, %get3A_333 : vector<16xf32>
        %swap3A_1294 = arith.constant 2 : i32
        %swap3A_1295 = arith.constant 6 : i32
        %swap3A_1296 = arith.index_cast %swap3A_1294 : i32 to index
        %swap3A_1297 = arith.index_cast %swap3A_1295 : i32 to index
        %swap3A_1298 = arith.index_cast %add3A_1285 : i32 to index
        %swap3A_1299 = tpu.vector_load %arg6[%swap3A_1296, %swap3A_1297, %swap3A_1298] {strides = array<i32>} : memref<4x8x2048xf32, #tpu.memory_space<vmem>>, vector<1x1x16xf32>,
        %swap3A_1300 = vector.shape_cast %swap3A_1299 : vector<1x1x16xf32> to vector<16xf32>
        %swap3A_1301 = vector.shape_cast %mul3A_1293 : vector<16xf32> to vector<1x1x16xf32>
        tpu.vector_store %arg6[%swap3A_1296, %swap3A_1297, %swap3A_1298], %swap3A_1301 {strides = array<i32>} : memref<4x8x2048xf32, #tpu.memory_space<vmem>>, vector<1x1x16xf32>,
        %add3A_1302 = arith.constant 80 : i32
        %add3A_1303 = arith.addi %mul3A_309, %add3A_1302 : i32
        %get3A_1304 = arith.constant 2 : i32
        %get3A_1305 = arith.constant 6 : i32
        %get3A_1306 = arith.index_cast %get3A_1304 : i32 to index
        %get3A_1307 = arith.index_cast %get3A_1305 : i32 to index
        %get3A_1308 = arith.index_cast %add3A_1303 : i32 to index
        %get3A_1309 = tpu.vector_load %arg6[%get3A_1306, %get3A_1307, %get3A_1308] {strides = array<i32>} : memref<4x8x2048xf32, #tpu.memory_space<vmem>>, vector<1x1x16xf32>,
        %get3A_1310 = vector.shape_cast %get3A_1309 : vector<1x1x16xf32> to vector<16xf32>
        %mul3A_1311 = arith.mulf %get3A_1310, %get3A_338 : vector<16xf32>
        %swap3A_1312 = arith.constant 2 : i32
        %swap3A_1313 = arith.constant 6 : i32
        %swap3A_1314 = arith.index_cast %swap3A_1312 : i32 to index
        %swap3A_1315 = arith.index_cast %swap3A_1313 : i32 to index
        %swap3A_1316 = arith.index_cast %add3A_1303 : i32 to index
        %swap3A_1317 = tpu.vector_load %arg6[%swap3A_1314, %swap3A_1315, %swap3A_1316] {strides = array<i32>} : memref<4x8x2048xf32, #tpu.memory_space<vmem>>, vector<1x1x16xf32>,
        %swap3A_1318 = vector.shape_cast %swap3A_1317 : vector<1x1x16xf32> to vector<16xf32>
        %swap3A_1319 = vector.shape_cast %mul3A_1311 : vector<16xf32> to vector<1x1x16xf32>
        tpu.vector_store %arg6[%swap3A_1314, %swap3A_1315, %swap3A_1316], %swap3A_1319 {strides = array<i32>} : memref<4x8x2048xf32, #tpu.memory_space<vmem>>, vector<1x1x16xf32>,
        %add3A_1320 = arith.constant 96 : i32
        %add3A_1321 = arith.addi %mul3A_309, %add3A_1320 : i32
        %get3A_1322 = arith.constant 2 : i32
        %get3A_1323 = arith.constant 6 : i32
        %get3A_1324 = arith.index_cast %get3A_1322 : i32 to index
        %get3A_1325 = arith.index_cast %get3A_1323 : i32 to index
        %get3A_1326 = arith.index_cast %add3A_1321 : i32 to index
        %get3A_1327 = tpu.vector_load %arg6[%get3A_1324, %get3A_1325, %get3A_1326] {strides = array<i32>} : memref<4x8x2048xf32, #tpu.memory_space<vmem>>, vector<1x1x16xf32>,
        %get3A_1328 = vector.shape_cast %get3A_1327 : vector<1x1x16xf32> to vector<16xf32>
        %mul3A_1329 = arith.mulf %get3A_1328, %get3A_343 : vector<16xf32>
        %swap3A_1330 = arith.constant 2 : i32
        %swap3A_1331 = arith.constant 6 : i32
        %swap3A_1332 = arith.index_cast %swap3A_1330 : i32 to index
        %swap3A_1333 = arith.index_cast %swap3A_1331 : i32 to index
        %swap3A_1334 = arith.index_cast %add3A_1321 : i32 to index
        %swap3A_1335 = tpu.vector_load %arg6[%swap3A_1332, %swap3A_1333, %swap3A_1334] {strides = array<i32>} : memref<4x8x2048xf32, #tpu.memory_space<vmem>>, vector<1x1x16xf32>,
        %swap3A_1336 = vector.shape_cast %swap3A_1335 : vector<1x1x16xf32> to vector<16xf32>
        %swap3A_1337 = vector.shape_cast %mul3A_1329 : vector<16xf32> to vector<1x1x16xf32>
        tpu.vector_store %arg6[%swap3A_1332, %swap3A_1333, %swap3A_1334], %swap3A_1337 {strides = array<i32>} : memref<4x8x2048xf32, #tpu.memory_space<vmem>>, vector<1x1x16xf32>,
        %add3A_1338 = arith.constant 112 : i32
        %add3A_1339 = arith.addi %mul3A_309, %add3A_1338 : i32
        %get3A_1340 = arith.constant 2 : i32
        %get3A_1341 = arith.constant 6 : i32
        %get3A_1342 = arith.index_cast %get3A_1340 : i32 to index
        %get3A_1343 = arith.index_cast %get3A_1341 : i32 to index
        %get3A_1344 = arith.index_cast %add3A_1339 : i32 to index
        %get3A_1345 = tpu.vector_load %arg6[%get3A_1342, %get3A_1343, %get3A_1344] {strides = array<i32>} : memref<4x8x2048xf32, #tpu.memory_space<vmem>>, vector<1x1x16xf32>,
        %get3A_1346 = vector.shape_cast %get3A_1345 : vector<1x1x16xf32> to vector<16xf32>
        %mul3A_1347 = arith.mulf %get3A_1346, %get3A_348 : vector<16xf32>
        %swap3A_1348 = arith.constant 2 : i32
        %swap3A_1349 = arith.constant 6 : i32
        %swap3A_1350 = arith.index_cast %swap3A_1348 : i32 to index
        %swap3A_1351 = arith.index_cast %swap3A_1349 : i32 to index
        %swap3A_1352 = arith.index_cast %add3A_1339 : i32 to index
        %swap3A_1353 = tpu.vector_load %arg6[%swap3A_1350, %swap3A_1351, %swap3A_1352] {strides = array<i32>} : memref<4x8x2048xf32, #tpu.memory_space<vmem>>, vector<1x1x16xf32>,
        %swap3A_1354 = vector.shape_cast %swap3A_1353 : vector<1x1x16xf32> to vector<16xf32>
        %swap3A_1355 = vector.shape_cast %mul3A_1347 : vector<16xf32> to vector<1x1x16xf32>
        tpu.vector_store %arg6[%swap3A_1350, %swap3A_1351, %swap3A_1352], %swap3A_1355 {strides = array<i32>} : memref<4x8x2048xf32, #tpu.memory_space<vmem>>, vector<1x1x16xf32>,
        %add3A_1356 = arith.constant 0 : i32
        %add3A_1357 = arith.addi %mul3A_309, %add3A_1356 : i32
        %get3A_1358 = arith.constant 2 : i32
        %get3A_1359 = arith.constant 7 : i32
        %get3A_1360 = arith.index_cast %get3A_1358 : i32 to index
        %get3A_1361 = arith.index_cast %get3A_1359 : i32 to index
        %get3A_1362 = arith.index_cast %add3A_1357 : i32 to index
        %get3A_1363 = tpu.vector_load %arg6[%get3A_1360, %get3A_1361, %get3A_1362] {strides = array<i32>} : memref<4x8x2048xf32, #tpu.memory_space<vmem>>, vector<1x1x16xf32>,
        %get3A_1364 = vector.shape_cast %get3A_1363 : vector<1x1x16xf32> to vector<16xf32>
        %mul3A_1365 = arith.mulf %get3A_1364, %get3A_313 : vector<16xf32>
        %swap3A_1366 = arith.constant 2 : i32
        %swap3A_1367 = arith.constant 7 : i32
        %swap3A_1368 = arith.index_cast %swap3A_1366 : i32 to index
        %swap3A_1369 = arith.index_cast %swap3A_1367 : i32 to index
        %swap3A_1370 = arith.index_cast %add3A_1357 : i32 to index
        %swap3A_1371 = tpu.vector_load %arg6[%swap3A_1368, %swap3A_1369, %swap3A_1370] {strides = array<i32>} : memref<4x8x2048xf32, #tpu.memory_space<vmem>>, vector<1x1x16xf32>,
        %swap3A_1372 = vector.shape_cast %swap3A_1371 : vector<1x1x16xf32> to vector<16xf32>
        %swap3A_1373 = vector.shape_cast %mul3A_1365 : vector<16xf32> to vector<1x1x16xf32>
        tpu.vector_store %arg6[%swap3A_1368, %swap3A_1369, %swap3A_1370], %swap3A_1373 {strides = array<i32>} : memref<4x8x2048xf32, #tpu.memory_space<vmem>>, vector<1x1x16xf32>,
        %add3A_1374 = arith.constant 16 : i32
        %add3A_1375 = arith.addi %mul3A_309, %add3A_1374 : i32
        %get3A_1376 = arith.constant 2 : i32
        %get3A_1377 = arith.constant 7 : i32
        %get3A_1378 = arith.index_cast %get3A_1376 : i32 to index
        %get3A_1379 = arith.index_cast %get3A_1377 : i32 to index
        %get3A_1380 = arith.index_cast %add3A_1375 : i32 to index
        %get3A_1381 = tpu.vector_load %arg6[%get3A_1378, %get3A_1379, %get3A_1380] {strides = array<i32>} : memref<4x8x2048xf32, #tpu.memory_space<vmem>>, vector<1x1x16xf32>,
        %get3A_1382 = vector.shape_cast %get3A_1381 : vector<1x1x16xf32> to vector<16xf32>
        %mul3A_1383 = arith.mulf %get3A_1382, %get3A_318 : vector<16xf32>
        %swap3A_1384 = arith.constant 2 : i32
        %swap3A_1385 = arith.constant 7 : i32
        %swap3A_1386 = arith.index_cast %swap3A_1384 : i32 to index
        %swap3A_1387 = arith.index_cast %swap3A_1385 : i32 to index
        %swap3A_1388 = arith.index_cast %add3A_1375 : i32 to index
        %swap3A_1389 = tpu.vector_load %arg6[%swap3A_1386, %swap3A_1387, %swap3A_1388] {strides = array<i32>} : memref<4x8x2048xf32, #tpu.memory_space<vmem>>, vector<1x1x16xf32>,
        %swap3A_1390 = vector.shape_cast %swap3A_1389 : vector<1x1x16xf32> to vector<16xf32>
        %swap3A_1391 = vector.shape_cast %mul3A_1383 : vector<16xf32> to vector<1x1x16xf32>
        tpu.vector_store %arg6[%swap3A_1386, %swap3A_1387, %swap3A_1388], %swap3A_1391 {strides = array<i32>} : memref<4x8x2048xf32, #tpu.memory_space<vmem>>, vector<1x1x16xf32>,
        %add3A_1392 = arith.constant 32 : i32
        %add3A_1393 = arith.addi %mul3A_309, %add3A_1392 : i32
        %get3A_1394 = arith.constant 2 : i32
        %get3A_1395 = arith.constant 7 : i32
        %get3A_1396 = arith.index_cast %get3A_1394 : i32 to index
        %get3A_1397 = arith.index_cast %get3A_1395 : i32 to index
        %get3A_1398 = arith.index_cast %add3A_1393 : i32 to index
        %get3A_1399 = tpu.vector_load %arg6[%get3A_1396, %get3A_1397, %get3A_1398] {strides = array<i32>} : memref<4x8x2048xf32, #tpu.memory_space<vmem>>, vector<1x1x16xf32>,
        %get3A_1400 = vector.shape_cast %get3A_1399 : vector<1x1x16xf32> to vector<16xf32>
        %mul3A_1401 = arith.mulf %get3A_1400, %get3A_323 : vector<16xf32>
        %swap3A_1402 = arith.constant 2 : i32
        %swap3A_1403 = arith.constant 7 : i32
        %swap3A_1404 = arith.index_cast %swap3A_1402 : i32 to index
        %swap3A_1405 = arith.index_cast %swap3A_1403 : i32 to index
        %swap3A_1406 = arith.index_cast %add3A_1393 : i32 to index
        %swap3A_1407 = tpu.vector_load %arg6[%swap3A_1404, %swap3A_1405, %swap3A_1406] {strides = array<i32>} : memref<4x8x2048xf32, #tpu.memory_space<vmem>>, vector<1x1x16xf32>,
        %swap3A_1408 = vector.shape_cast %swap3A_1407 : vector<1x1x16xf32> to vector<16xf32>
        %swap3A_1409 = vector.shape_cast %mul3A_1401 : vector<16xf32> to vector<1x1x16xf32>
        tpu.vector_store %arg6[%swap3A_1404, %swap3A_1405, %swap3A_1406], %swap3A_1409 {strides = array<i32>} : memref<4x8x2048xf32, #tpu.memory_space<vmem>>, vector<1x1x16xf32>,
        %add3A_1410 = arith.constant 48 : i32
        %add3A_1411 = arith.addi %mul3A_309, %add3A_1410 : i32
        %get3A_1412 = arith.constant 2 : i32
        %get3A_1413 = arith.constant 7 : i32
        %get3A_1414 = arith.index_cast %get3A_1412 : i32 to index
        %get3A_1415 = arith.index_cast %get3A_1413 : i32 to index
        %get3A_1416 = arith.index_cast %add3A_1411 : i32 to index
        %get3A_1417 = tpu.vector_load %arg6[%get3A_1414, %get3A_1415, %get3A_1416] {strides = array<i32>} : memref<4x8x2048xf32, #tpu.memory_space<vmem>>, vector<1x1x16xf32>,
        %get3A_1418 = vector.shape_cast %get3A_1417 : vector<1x1x16xf32> to vector<16xf32>
        %mul3A_1419 = arith.mulf %get3A_1418, %get3A_328 : vector<16xf32>
        %swap3A_1420 = arith.constant 2 : i32
        %swap3A_1421 = arith.constant 7 : i32
        %swap3A_1422 = arith.index_cast %swap3A_1420 : i32 to index
        %swap3A_1423 = arith.index_cast %swap3A_1421 : i32 to index
        %swap3A_1424 = arith.index_cast %add3A_1411 : i32 to index
        %swap3A_1425 = tpu.vector_load %arg6[%swap3A_1422, %swap3A_1423, %swap3A_1424] {strides = array<i32>} : memref<4x8x2048xf32, #tpu.memory_space<vmem>>, vector<1x1x16xf32>,
        %swap3A_1426 = vector.shape_cast %swap3A_1425 : vector<1x1x16xf32> to vector<16xf32>
        %swap3A_1427 = vector.shape_cast %mul3A_1419 : vector<16xf32> to vector<1x1x16xf32>
        tpu.vector_store %arg6[%swap3A_1422, %swap3A_1423, %swap3A_1424], %swap3A_1427 {strides = array<i32>} : memref<4x8x2048xf32, #tpu.memory_space<vmem>>, vector<1x1x16xf32>,
        %add3A_1428 = arith.constant 64 : i32
        %add3A_1429 = arith.addi %mul3A_309, %add3A_1428 : i32
        %get3A_1430 = arith.constant 2 : i32
        %get3A_1431 = arith.constant 7 : i32
        %get3A_1432 = arith.index_cast %get3A_1430 : i32 to index
        %get3A_1433 = arith.index_cast %get3A_1431 : i32 to index
        %get3A_1434 = arith.index_cast %add3A_1429 : i32 to index
        %get3A_1435 = tpu.vector_load %arg6[%get3A_1432, %get3A_1433, %get3A_1434] {strides = array<i32>} : memref<4x8x2048xf32, #tpu.memory_space<vmem>>, vector<1x1x16xf32>,
        %get3A_1436 = vector.shape_cast %get3A_1435 : vector<1x1x16xf32> to vector<16xf32>
        %mul3A_1437 = arith.mulf %get3A_1436, %get3A_333 : vector<16xf32>
        %swap3A_1438 = arith.constant 2 : i32
        %swap3A_1439 = arith.constant 7 : i32
        %swap3A_1440 = arith.index_cast %swap3A_1438 : i32 to index
        %swap3A_1441 = arith.index_cast %swap3A_1439 : i32 to index
        %swap3A_1442 = arith.index_cast %add3A_1429 : i32 to index
        %swap3A_1443 = tpu.vector_load %arg6[%swap3A_1440, %swap3A_1441, %swap3A_1442] {strides = array<i32>} : memref<4x8x2048xf32, #tpu.memory_space<vmem>>, vector<1x1x16xf32>,
        %swap3A_1444 = vector.shape_cast %swap3A_1443 : vector<1x1x16xf32> to vector<16xf32>
        %swap3A_1445 = vector.shape_cast %mul3A_1437 : vector<16xf32> to vector<1x1x16xf32>
        tpu.vector_store %arg6[%swap3A_1440, %swap3A_1441, %swap3A_1442], %swap3A_1445 {strides = array<i32>} : memref<4x8x2048xf32, #tpu.memory_space<vmem>>, vector<1x1x16xf32>,
        %add3A_1446 = arith.constant 80 : i32
        %add3A_1447 = arith.addi %mul3A_309, %add3A_1446 : i32
        %get3A_1448 = arith.constant 2 : i32
        %get3A_1449 = arith.constant 7 : i32
        %get3A_1450 = arith.index_cast %get3A_1448 : i32 to index
        %get3A_1451 = arith.index_cast %get3A_1449 : i32 to index
        %get3A_1452 = arith.index_cast %add3A_1447 : i32 to index
        %get3A_1453 = tpu.vector_load %arg6[%get3A_1450, %get3A_1451, %get3A_1452] {strides = array<i32>} : memref<4x8x2048xf32, #tpu.memory_space<vmem>>, vector<1x1x16xf32>,
        %get3A_1454 = vector.shape_cast %get3A_1453 : vector<1x1x16xf32> to vector<16xf32>
        %mul3A_1455 = arith.mulf %get3A_1454, %get3A_338 : vector<16xf32>
        %swap3A_1456 = arith.constant 2 : i32
        %swap3A_1457 = arith.constant 7 : i32
        %swap3A_1458 = arith.index_cast %swap3A_1456 : i32 to index
        %swap3A_1459 = arith.index_cast %swap3A_1457 : i32 to index
        %swap3A_1460 = arith.index_cast %add3A_1447 : i32 to index
        %swap3A_1461 = tpu.vector_load %arg6[%swap3A_1458, %swap3A_1459, %swap3A_1460] {strides = array<i32>} : memref<4x8x2048xf32, #tpu.memory_space<vmem>>, vector<1x1x16xf32>,
        %swap3A_1462 = vector.shape_cast %swap3A_1461 : vector<1x1x16xf32> to vector<16xf32>
        %swap3A_1463 = vector.shape_cast %mul3A_1455 : vector<16xf32> to vector<1x1x16xf32>
        tpu.vector_store %arg6[%swap3A_1458, %swap3A_1459, %swap3A_1460], %swap3A_1463 {strides = array<i32>} : memref<4x8x2048xf32, #tpu.memory_space<vmem>>, vector<1x1x16xf32>,
        %add3A_1464 = arith.constant 96 : i32
        %add3A_1465 = arith.addi %mul3A_309, %add3A_1464 : i32
        %get3A_1466 = arith.constant 2 : i32
        %get3A_1467 = arith.constant 7 : i32
        %get3A_1468 = arith.index_cast %get3A_1466 : i32 to index
        %get3A_1469 = arith.index_cast %get3A_1467 : i32 to index
        %get3A_1470 = arith.index_cast %add3A_1465 : i32 to index
        %get3A_1471 = tpu.vector_load %arg6[%get3A_1468, %get3A_1469, %get3A_1470] {strides = array<i32>} : memref<4x8x2048xf32, #tpu.memory_space<vmem>>, vector<1x1x16xf32>,
        %get3A_1472 = vector.shape_cast %get3A_1471 : vector<1x1x16xf32> to vector<16xf32>
        %mul3A_1473 = arith.mulf %get3A_1472, %get3A_343 : vector<16xf32>
        %swap3A_1474 = arith.constant 2 : i32
        %swap3A_1475 = arith.constant 7 : i32
        %swap3A_1476 = arith.index_cast %swap3A_1474 : i32 to index
        %swap3A_1477 = arith.index_cast %swap3A_1475 : i32 to index
        %swap3A_1478 = arith.index_cast %add3A_1465 : i32 to index
        %swap3A_1479 = tpu.vector_load %arg6[%swap3A_1476, %swap3A_1477, %swap3A_1478] {strides = array<i32>} : memref<4x8x2048xf32, #tpu.memory_space<vmem>>, vector<1x1x16xf32>,
        %swap3A_1480 = vector.shape_cast %swap3A_1479 : vector<1x1x16xf32> to vector<16xf32>
        %swap3A_1481 = vector.shape_cast %mul3A_1473 : vector<16xf32> to vector<1x1x16xf32>
        tpu.vector_store %arg6[%swap3A_1476, %swap3A_1477, %swap3A_1478], %swap3A_1481 {strides = array<i32>} : memref<4x8x2048xf32, #tpu.memory_space<vmem>>, vector<1x1x16xf32>,
        %add3A_1482 = arith.constant 112 : i32
        %add3A_1483 = arith.addi %mul3A_309, %add3A_1482 : i32
        %get3A_1484 = arith.constant 2 : i32
        %get3A_1485 = arith.constant 7 : i32
        %get3A_1486 = arith.index_cast %get3A_1484 : i32 to index
        %get3A_1487 = arith.index_cast %get3A_1485 : i32 to index
        %get3A_1488 = arith.index_cast %add3A_1483 : i32 to index
        %get3A_1489 = tpu.vector_load %arg6[%get3A_1486, %get3A_1487, %get3A_1488] {strides = array<i32>} : memref<4x8x2048xf32, #tpu.memory_space<vmem>>, vector<1x1x16xf32>,
        %get3A_1490 = vector.shape_cast %get3A_1489 : vector<1x1x16xf32> to vector<16xf32>
        %mul3A_1491 = arith.mulf %get3A_1490, %get3A_348 : vector<16xf32>
        %swap3A_1492 = arith.constant 2 : i32
        %swap3A_1493 = arith.constant 7 : i32
        %swap3A_1494 = arith.index_cast %swap3A_1492 : i32 to index
        %swap3A_1495 = arith.index_cast %swap3A_1493 : i32 to index
        %swap3A_1496 = arith.index_cast %add3A_1483 : i32 to index
        %swap3A_1497 = tpu.vector_load %arg6[%swap3A_1494, %swap3A_1495, %swap3A_1496] {strides = array<i32>} : memref<4x8x2048xf32, #tpu.memory_space<vmem>>, vector<1x1x16xf32>,
        %swap3A_1498 = vector.shape_cast %swap3A_1497 : vector<1x1x16xf32> to vector<16xf32>
        %swap3A_1499 = vector.shape_cast %mul3A_1491 : vector<16xf32> to vector<1x1x16xf32>
        tpu.vector_store %arg6[%swap3A_1494, %swap3A_1495, %swap3A_1496], %swap3A_1499 {strides = array<i32>} : memref<4x8x2048xf32, #tpu.memory_space<vmem>>, vector<1x1x16xf32>,
      }
      %scan3A_235 = arith.constant 16 : i32
      %dma_start3A_236 = arith.constant 2 : i32
      %dma_start3A_237 = arith.constant 0 : i32
      %dma_start3A_238 = arith.constant 0 : i32
      %dma_start3A_239 = tpu.memref_slice %arg6[%dma_start3A_236, %dma_start3A_237, %dma_start3A_238] : memref<4x8x2048xf32, #tpu.memory_space<vmem>> -> memref<1x8x2048xf32, #tpu.memory_space<vmem>>
      %dma_start3A_240 = tpu.memref_squeeze %dma_start3A_239 : memref<1x8x2048xf32, #tpu.memory_space<vmem>> -> memref<8x2048xf32, #tpu.memory_space<vmem>>
      %dma_start3A_241 = arith.constant 0 : i32
      %dma_start3A_242 = tpu.memref_slice %arg4[%add3A_197, %dma_start3A_241] : memref<32768x2048xf32, #tpu.memory_space<hbm>> -> memref<8x2048xf32, #tpu.memory_space<hbm>>
      %dma_start3A_243 = arith.constant 0 : i32
      %dma_start3A_244 = tpu.memref_slice %arg4[%add3A_197, %dma_start3A_243] : memref<32768x2048xf32, #tpu.memory_space<hbm>> -> memref<8x2048xf32, #tpu.memory_space<hbm>>
      %dma_start3A_245 = arith.constant 0 : i32
      %dma_start3A_246 = arith.constant 0 : i32
      %dma_start3A_247 = tpu.memref_slice %arg6[%dma_start3A_236, %dma_start3A_245, %dma_start3A_246] : memref<4x8x2048xf32, #tpu.memory_space<vmem>> -> memref<1x8x2048xf32, #tpu.memory_space<vmem>>
      %dma_start3A_248 = tpu.memref_squeeze %dma_start3A_247 : memref<1x8x2048xf32, #tpu.memory_space<vmem>> -> memref<8x2048xf32, #tpu.memory_space<vmem>>
      tpu.enqueue_dma source(%dma_start3A_248 : memref<8x2048xf32, #tpu.memory_space<vmem>>) target(%dma_start3A_244 : memref<8x2048xf32, #tpu.memory_space<hbm>>) target_semaphore(%arg13 : memref<!tpu.dma_semaphore, #tpu.memory_space<semaphore_mem>>)
      %mul3A_249 = arith.constant 4 : i32
      %mul3A_250 = arith.muli %scan3A_79, %mul3A_249 : i32
      %add3A_251 = arith.constant 3 : i32
      %add3A_252 = arith.addi %mul3A_250, %add3A_251 : i32
      %mul3A_253 = arith.constant 8 : i32
      %mul3A_254 = arith.muli %add3A_252, %mul3A_253 : i32
      %add3A_255 = arith.addi %mul3A_2, %mul3A_254 : i32
      %add3A_256 = arith.constant 1 : i32
      %add3A_257 = arith.addi %add3A_252, %add3A_256 : i32
      %ge3A_258 = arith.constant 4 : i32
      %ge3A_259 = arith.cmpi sge, %add3A_257, %ge3A_258 : i32
      %add3A_260 = arith.constant 1 : i32
      %add3A_261 = arith.addi %add3A_252, %add3A_260 : i32
      %lt3A_262 = arith.constant 128 : i32
      %lt3A_263 = arith.cmpi slt, %add3A_261, %lt3A_262 : i32
      %and3A_264 = arith.andi %ge3A_259, %lt3A_263 : i1
      %convert_element_type3A_265 = arith.extui %and3A_264 : i1 to i32
      %cond3A_266 = arith.constant 0 : i32
      %cond3A_267 = arith.cmpi ne, %convert_element_type3A_265, %cond3A_266 : i32
      scf.if %cond3A_267 {
        %add3A_307 = arith.constant -24 : i32
        %add3A_308 = arith.addi %add3A_255, %add3A_307 : i32
        %dma_wait3A_309 = arith.constant 0 : i32
        %dma_wait3A_310 = arith.constant 0 : i32
        %dma_wait3A_311 = arith.constant 0 : i32
        %dma_wait3A_312 = tpu.memref_slice %arg6[%dma_wait3A_309, %dma_wait3A_310, %dma_wait3A_311] : memref<4x8x2048xf32, #tpu.memory_space<vmem>> -> memref<1x8x2048xf32, #tpu.memory_space<vmem>>
        %dma_wait3A_313 = tpu.memref_squeeze %dma_wait3A_312 : memref<1x8x2048xf32, #tpu.memory_space<vmem>> -> memref<8x2048xf32, #tpu.memory_space<vmem>>
        %dma_wait3A_314 = arith.constant 0 : i32
        %dma_wait3A_315 = tpu.memref_slice %arg4[%add3A_308, %dma_wait3A_314] : memref<32768x2048xf32, #tpu.memory_space<hbm>> -> memref<8x2048xf32, #tpu.memory_space<hbm>>
        %dma_wait3A_316 = arith.constant 0 : i32
        %dma_wait3A_317 = tpu.memref_slice %arg4[%add3A_308, %dma_wait3A_316] : memref<32768x2048xf32, #tpu.memory_space<hbm>> -> memref<8x2048xf32, #tpu.memory_space<hbm>>
        %dma_wait3A_318 = arith.constant 0 : i32
        %dma_wait3A_319 = arith.constant 0 : i32
        %dma_wait3A_320 = tpu.memref_slice %arg6[%dma_wait3A_309, %dma_wait3A_318, %dma_wait3A_319] : memref<4x8x2048xf32, #tpu.memory_space<vmem>> -> memref<1x8x2048xf32, #tpu.memory_space<vmem>>
        %dma_wait3A_321 = tpu.memref_squeeze %dma_wait3A_320 : memref<1x8x2048xf32, #tpu.memory_space<vmem>> -> memref<8x2048xf32, #tpu.memory_space<vmem>>
        tpu.wait_dma2 semaphore(%arg11 : memref<!tpu.dma_semaphore, #tpu.memory_space<semaphore_mem>>) src(%dma_wait3A_321 : memref<8x2048xf32, #tpu.memory_space<vmem>>) dst(%dma_wait3A_317 : memref<8x2048xf32, #tpu.memory_space<hbm>>)
      } else {
      }
      %add3A_268 = arith.constant 1 : i32
      %add3A_269 = arith.addi %add3A_252, %add3A_268 : i32
      %lt3A_270 = arith.constant 128 : i32
      %lt3A_271 = arith.cmpi slt, %add3A_269, %lt3A_270 : i32
      %convert_element_type3A_272 = arith.extui %lt3A_271 : i1 to i32
      %cond3A_273 = arith.constant 0 : i32
      %cond3A_274 = arith.cmpi ne, %convert_element_type3A_272, %cond3A_273 : i32
      scf.if %cond3A_274 {
        %add3A_307 = arith.constant 8 : i32
        %add3A_308 = arith.addi %add3A_255, %add3A_307 : i32
        %dma_start3A_309 = arith.constant 0 : i32
        %dma_start3A_310 = arith.constant 0 : i32
        %dma_start3A_311 = arith.constant 0 : i32
        %dma_start3A_312 = tpu.memref_slice %arg6[%dma_start3A_309, %dma_start3A_310, %dma_start3A_311] : memref<4x8x2048xf32, #tpu.memory_space<vmem>> -> memref<1x8x2048xf32, #tpu.memory_space<vmem>>
        %dma_start3A_313 = tpu.memref_squeeze %dma_start3A_312 : memref<1x8x2048xf32, #tpu.memory_space<vmem>> -> memref<8x2048xf32, #tpu.memory_space<vmem>>
        %dma_start3A_314 = arith.constant 0 : i32
        %dma_start3A_315 = tpu.memref_slice %arg2[%add3A_308, %dma_start3A_314] : memref<32768x2048xf32, #tpu.memory_space<hbm>> -> memref<8x2048xf32, #tpu.memory_space<hbm>>
        %dma_start3A_316 = arith.constant 0 : i32
        %dma_start3A_317 = arith.constant 0 : i32
        %dma_start3A_318 = tpu.memref_slice %arg6[%dma_start3A_309, %dma_start3A_316, %dma_start3A_317] : memref<4x8x2048xf32, #tpu.memory_space<vmem>> -> memref<1x8x2048xf32, #tpu.memory_space<vmem>>
        %dma_start3A_319 = tpu.memref_squeeze %dma_start3A_318 : memref<1x8x2048xf32, #tpu.memory_space<vmem>> -> memref<8x2048xf32, #tpu.memory_space<vmem>>
        %dma_start3A_320 = arith.constant 0 : i32
        %dma_start3A_321 = tpu.memref_slice %arg2[%add3A_308, %dma_start3A_320] : memref<32768x2048xf32, #tpu.memory_space<hbm>> -> memref<8x2048xf32, #tpu.memory_space<hbm>>
        tpu.enqueue_dma source(%dma_start3A_321 : memref<8x2048xf32, #tpu.memory_space<hbm>>) target(%dma_start3A_319 : memref<8x2048xf32, #tpu.memory_space<vmem>>) target_semaphore(%arg7 : memref<!tpu.dma_semaphore, #tpu.memory_space<semaphore_mem>>)
      } else {
      }
      %dma_wait3A_275 = arith.constant 3 : i32
      %dma_wait3A_276 = arith.constant 0 : i32
      %dma_wait3A_277 = arith.constant 0 : i32
      %dma_wait3A_278 = tpu.memref_slice %arg6[%dma_wait3A_275, %dma_wait3A_276, %dma_wait3A_277] : memref<4x8x2048xf32, #tpu.memory_space<vmem>> -> memref<1x8x2048xf32, #tpu.memory_space<vmem>>
      %dma_wait3A_279 = tpu.memref_squeeze %dma_wait3A_278 : memref<1x8x2048xf32, #tpu.memory_space<vmem>> -> memref<8x2048xf32, #tpu.memory_space<vmem>>
      %dma_wait3A_280 = arith.constant 0 : i32
      %dma_wait3A_281 = tpu.memref_slice %arg2[%add3A_255, %dma_wait3A_280] : memref<32768x2048xf32, #tpu.memory_space<hbm>> -> memref<8x2048xf32, #tpu.memory_space<hbm>>
      %dma_wait3A_282 = arith.constant 0 : i32
      %dma_wait3A_283 = arith.constant 0 : i32
      %dma_wait3A_284 = tpu.memref_slice %arg6[%dma_wait3A_275, %dma_wait3A_282, %dma_wait3A_283] : memref<4x8x2048xf32, #tpu.memory_space<vmem>> -> memref<1x8x2048xf32, #tpu.memory_space<vmem>>
      %dma_wait3A_285 = tpu.memref_squeeze %dma_wait3A_284 : memref<1x8x2048xf32, #tpu.memory_space<vmem>> -> memref<8x2048xf32, #tpu.memory_space<vmem>>
      %dma_wait3A_286 = arith.constant 0 : i32
      %dma_wait3A_287 = tpu.memref_slice %arg2[%add3A_255, %dma_wait3A_286] : memref<32768x2048xf32, #tpu.memory_space<hbm>> -> memref<8x2048xf32, #tpu.memory_space<hbm>>
      tpu.wait_dma2 semaphore(%arg10 : memref<!tpu.dma_semaphore, #tpu.memory_space<semaphore_mem>>) src(%dma_wait3A_287 : memref<8x2048xf32, #tpu.memory_space<hbm>>) dst(%dma_wait3A_285 : memref<8x2048xf32, #tpu.memory_space<vmem>>)
      %scan3A_288 = arith.constant 0 : i32
      %scan3A_289 = arith.constant 0 : i32
      %scan3A_290 = arith.constant 16 : i32
      %scan3A_291 = arith.addi %scan3A_289, %scan3A_290 : i32
      %scan3A_292 = arith.constant 1 : i32
      scf.for %scan3A_307 = %scan3A_289 to %scan3A_291 step %scan3A_292  : i32 {
        %mul3A_308 = arith.constant 128 : i32
        %mul3A_309 = arith.muli %scan3A_307, %mul3A_308 : i32
        %add3A_310 = arith.constant 0 : i32
        %add3A_311 = arith.addi %mul3A_309, %add3A_310 : i32
        %get3A = arith.index_cast %add3A_311 : i32 to index
        %get3A_312 = tpu.vector_load %arg5[%get3A] {strides = array<i32>} : memref<2048xf32, #tpu.memory_space<vmem>>, vector<16xf32>,
        %get3A_313 = vector.shape_cast %get3A_312 : vector<16xf32> to vector<16xf32>
        %add3A_314 = arith.constant 16 : i32
        %add3A_315 = arith.addi %mul3A_309, %add3A_314 : i32
        %get3A_316 = arith.index_cast %add3A_315 : i32 to index
        %get3A_317 = tpu.vector_load %arg5[%get3A_316] {strides = array<i32>} : memref<2048xf32, #tpu.memory_space<vmem>>, vector<16xf32>,
        %get3A_318 = vector.shape_cast %get3A_317 : vector<16xf32> to vector<16xf32>
        %add3A_319 = arith.constant 32 : i32
        %add3A_320 = arith.addi %mul3A_309, %add3A_319 : i32
        %get3A_321 = arith.index_cast %add3A_320 : i32 to index
        %get3A_322 = tpu.vector_load %arg5[%get3A_321] {strides = array<i32>} : memref<2048xf32, #tpu.memory_space<vmem>>, vector<16xf32>,
        %get3A_323 = vector.shape_cast %get3A_322 : vector<16xf32> to vector<16xf32>
        %add3A_324 = arith.constant 48 : i32
        %add3A_325 = arith.addi %mul3A_309, %add3A_324 : i32
        %get3A_326 = arith.index_cast %add3A_325 : i32 to index
        %get3A_327 = tpu.vector_load %arg5[%get3A_326] {strides = array<i32>} : memref<2048xf32, #tpu.memory_space<vmem>>, vector<16xf32>,
        %get3A_328 = vector.shape_cast %get3A_327 : vector<16xf32> to vector<16xf32>
        %add3A_329 = arith.constant 64 : i32
        %add3A_330 = arith.addi %mul3A_309, %add3A_329 : i32
        %get3A_331 = arith.index_cast %add3A_330 : i32 to index
        %get3A_332 = tpu.vector_load %arg5[%get3A_331] {strides = array<i32>} : memref<2048xf32, #tpu.memory_space<vmem>>, vector<16xf32>,
        %get3A_333 = vector.shape_cast %get3A_332 : vector<16xf32> to vector<16xf32>
        %add3A_334 = arith.constant 80 : i32
        %add3A_335 = arith.addi %mul3A_309, %add3A_334 : i32
        %get3A_336 = arith.index_cast %add3A_335 : i32 to index
        %get3A_337 = tpu.vector_load %arg5[%get3A_336] {strides = array<i32>} : memref<2048xf32, #tpu.memory_space<vmem>>, vector<16xf32>,
        %get3A_338 = vector.shape_cast %get3A_337 : vector<16xf32> to vector<16xf32>
        %add3A_339 = arith.constant 96 : i32
        %add3A_340 = arith.addi %mul3A_309, %add3A_339 : i32
        %get3A_341 = arith.index_cast %add3A_340 : i32 to index
        %get3A_342 = tpu.vector_load %arg5[%get3A_341] {strides = array<i32>} : memref<2048xf32, #tpu.memory_space<vmem>>, vector<16xf32>,
        %get3A_343 = vector.shape_cast %get3A_342 : vector<16xf32> to vector<16xf32>
        %add3A_344 = arith.constant 112 : i32
        %add3A_345 = arith.addi %mul3A_309, %add3A_344 : i32
        %get3A_346 = arith.index_cast %add3A_345 : i32 to index
        %get3A_347 = tpu.vector_load %arg5[%get3A_346] {strides = array<i32>} : memref<2048xf32, #tpu.memory_space<vmem>>, vector<16xf32>,
        %get3A_348 = vector.shape_cast %get3A_347 : vector<16xf32> to vector<16xf32>
        %add3A_349 = arith.constant 0 : i32
        %add3A_350 = arith.addi %mul3A_309, %add3A_349 : i32
        %get3A_351 = arith.constant 3 : i32
        %get3A_352 = arith.constant 0 : i32
        %get3A_353 = arith.index_cast %get3A_351 : i32 to index
        %get3A_354 = arith.index_cast %get3A_352 : i32 to index
        %get3A_355 = arith.index_cast %add3A_350 : i32 to index
        %get3A_356 = tpu.vector_load %arg6[%get3A_353, %get3A_354, %get3A_355] {strides = array<i32>} : memref<4x8x2048xf32, #tpu.memory_space<vmem>>, vector<1x1x16xf32>,
        %get3A_357 = vector.shape_cast %get3A_356 : vector<1x1x16xf32> to vector<16xf32>
        %mul3A_358 = arith.mulf %get3A_357, %get3A_313 : vector<16xf32>
        %swap3A = arith.constant 3 : i32
        %swap3A_359 = arith.constant 0 : i32
        %swap3A_360 = arith.index_cast %swap3A : i32 to index
        %swap3A_361 = arith.index_cast %swap3A_359 : i32 to index
        %swap3A_362 = arith.index_cast %add3A_350 : i32 to index
        %swap3A_363 = tpu.vector_load %arg6[%swap3A_360, %swap3A_361, %swap3A_362] {strides = array<i32>} : memref<4x8x2048xf32, #tpu.memory_space<vmem>>, vector<1x1x16xf32>,
        %swap3A_364 = vector.shape_cast %swap3A_363 : vector<1x1x16xf32> to vector<16xf32>
        %swap3A_365 = vector.shape_cast %mul3A_358 : vector<16xf32> to vector<1x1x16xf32>
        tpu.vector_store %arg6[%swap3A_360, %swap3A_361, %swap3A_362], %swap3A_365 {strides = array<i32>} : memref<4x8x2048xf32, #tpu.memory_space<vmem>>, vector<1x1x16xf32>,
        %add3A_366 = arith.constant 16 : i32
        %add3A_367 = arith.addi %mul3A_309, %add3A_366 : i32
        %get3A_368 = arith.constant 3 : i32
        %get3A_369 = arith.constant 0 : i32
        %get3A_370 = arith.index_cast %get3A_368 : i32 to index
        %get3A_371 = arith.index_cast %get3A_369 : i32 to index
        %get3A_372 = arith.index_cast %add3A_367 : i32 to index
        %get3A_373 = tpu.vector_load %arg6[%get3A_370, %get3A_371, %get3A_372] {strides = array<i32>} : memref<4x8x2048xf32, #tpu.memory_space<vmem>>, vector<1x1x16xf32>,
        %get3A_374 = vector.shape_cast %get3A_373 : vector<1x1x16xf32> to vector<16xf32>
        %mul3A_375 = arith.mulf %get3A_374, %get3A_318 : vector<16xf32>
        %swap3A_376 = arith.constant 3 : i32
        %swap3A_377 = arith.constant 0 : i32
        %swap3A_378 = arith.index_cast %swap3A_376 : i32 to index
        %swap3A_379 = arith.index_cast %swap3A_377 : i32 to index
        %swap3A_380 = arith.index_cast %add3A_367 : i32 to index
        %swap3A_381 = tpu.vector_load %arg6[%swap3A_378, %swap3A_379, %swap3A_380] {strides = array<i32>} : memref<4x8x2048xf32, #tpu.memory_space<vmem>>, vector<1x1x16xf32>,
        %swap3A_382 = vector.shape_cast %swap3A_381 : vector<1x1x16xf32> to vector<16xf32>
        %swap3A_383 = vector.shape_cast %mul3A_375 : vector<16xf32> to vector<1x1x16xf32>
        tpu.vector_store %arg6[%swap3A_378, %swap3A_379, %swap3A_380], %swap3A_383 {strides = array<i32>} : memref<4x8x2048xf32, #tpu.memory_space<vmem>>, vector<1x1x16xf32>,
        %add3A_384 = arith.constant 32 : i32
        %add3A_385 = arith.addi %mul3A_309, %add3A_384 : i32
        %get3A_386 = arith.constant 3 : i32
        %get3A_387 = arith.constant 0 : i32
        %get3A_388 = arith.index_cast %get3A_386 : i32 to index
        %get3A_389 = arith.index_cast %get3A_387 : i32 to index
        %get3A_390 = arith.index_cast %add3A_385 : i32 to index
        %get3A_391 = tpu.vector_load %arg6[%get3A_388, %get3A_389, %get3A_390] {strides = array<i32>} : memref<4x8x2048xf32, #tpu.memory_space<vmem>>, vector<1x1x16xf32>,
        %get3A_392 = vector.shape_cast %get3A_391 : vector<1x1x16xf32> to vector<16xf32>
        %mul3A_393 = arith.mulf %get3A_392, %get3A_323 : vector<16xf32>
        %swap3A_394 = arith.constant 3 : i32
        %swap3A_395 = arith.constant 0 : i32
        %swap3A_396 = arith.index_cast %swap3A_394 : i32 to index
        %swap3A_397 = arith.index_cast %swap3A_395 : i32 to index
        %swap3A_398 = arith.index_cast %add3A_385 : i32 to index
        %swap3A_399 = tpu.vector_load %arg6[%swap3A_396, %swap3A_397, %swap3A_398] {strides = array<i32>} : memref<4x8x2048xf32, #tpu.memory_space<vmem>>, vector<1x1x16xf32>,
        %swap3A_400 = vector.shape_cast %swap3A_399 : vector<1x1x16xf32> to vector<16xf32>
        %swap3A_401 = vector.shape_cast %mul3A_393 : vector<16xf32> to vector<1x1x16xf32>
        tpu.vector_store %arg6[%swap3A_396, %swap3A_397, %swap3A_398], %swap3A_401 {strides = array<i32>} : memref<4x8x2048xf32, #tpu.memory_space<vmem>>, vector<1x1x16xf32>,
        %add3A_402 = arith.constant 48 : i32
        %add3A_403 = arith.addi %mul3A_309, %add3A_402 : i32
        %get3A_404 = arith.constant 3 : i32
        %get3A_405 = arith.constant 0 : i32
        %get3A_406 = arith.index_cast %get3A_404 : i32 to index
        %get3A_407 = arith.index_cast %get3A_405 : i32 to index
        %get3A_408 = arith.index_cast %add3A_403 : i32 to index
        %get3A_409 = tpu.vector_load %arg6[%get3A_406, %get3A_407, %get3A_408] {strides = array<i32>} : memref<4x8x2048xf32, #tpu.memory_space<vmem>>, vector<1x1x16xf32>,
        %get3A_410 = vector.shape_cast %get3A_409 : vector<1x1x16xf32> to vector<16xf32>
        %mul3A_411 = arith.mulf %get3A_410, %get3A_328 : vector<16xf32>
        %swap3A_412 = arith.constant 3 : i32
        %swap3A_413 = arith.constant 0 : i32
        %swap3A_414 = arith.index_cast %swap3A_412 : i32 to index
        %swap3A_415 = arith.index_cast %swap3A_413 : i32 to index
        %swap3A_416 = arith.index_cast %add3A_403 : i32 to index
        %swap3A_417 = tpu.vector_load %arg6[%swap3A_414, %swap3A_415, %swap3A_416] {strides = array<i32>} : memref<4x8x2048xf32, #tpu.memory_space<vmem>>, vector<1x1x16xf32>,
        %swap3A_418 = vector.shape_cast %swap3A_417 : vector<1x1x16xf32> to vector<16xf32>
        %swap3A_419 = vector.shape_cast %mul3A_411 : vector<16xf32> to vector<1x1x16xf32>
        tpu.vector_store %arg6[%swap3A_414, %swap3A_415, %swap3A_416], %swap3A_419 {strides = array<i32>} : memref<4x8x2048xf32, #tpu.memory_space<vmem>>, vector<1x1x16xf32>,
        %add3A_420 = arith.constant 64 : i32
        %add3A_421 = arith.addi %mul3A_309, %add3A_420 : i32
        %get3A_422 = arith.constant 3 : i32
        %get3A_423 = arith.constant 0 : i32
        %get3A_424 = arith.index_cast %get3A_422 : i32 to index
        %get3A_425 = arith.index_cast %get3A_423 : i32 to index
        %get3A_426 = arith.index_cast %add3A_421 : i32 to index
        %get3A_427 = tpu.vector_load %arg6[%get3A_424, %get3A_425, %get3A_426] {strides = array<i32>} : memref<4x8x2048xf32, #tpu.memory_space<vmem>>, vector<1x1x16xf32>,
        %get3A_428 = vector.shape_cast %get3A_427 : vector<1x1x16xf32> to vector<16xf32>
        %mul3A_429 = arith.mulf %get3A_428, %get3A_333 : vector<16xf32>
        %swap3A_430 = arith.constant 3 : i32
        %swap3A_431 = arith.constant 0 : i32
        %swap3A_432 = arith.index_cast %swap3A_430 : i32 to index
        %swap3A_433 = arith.index_cast %swap3A_431 : i32 to index
        %swap3A_434 = arith.index_cast %add3A_421 : i32 to index
        %swap3A_435 = tpu.vector_load %arg6[%swap3A_432, %swap3A_433, %swap3A_434] {strides = array<i32>} : memref<4x8x2048xf32, #tpu.memory_space<vmem>>, vector<1x1x16xf32>,
        %swap3A_436 = vector.shape_cast %swap3A_435 : vector<1x1x16xf32> to vector<16xf32>
        %swap3A_437 = vector.shape_cast %mul3A_429 : vector<16xf32> to vector<1x1x16xf32>
        tpu.vector_store %arg6[%swap3A_432, %swap3A_433, %swap3A_434], %swap3A_437 {strides = array<i32>} : memref<4x8x2048xf32, #tpu.memory_space<vmem>>, vector<1x1x16xf32>,
        %add3A_438 = arith.constant 80 : i32
        %add3A_439 = arith.addi %mul3A_309, %add3A_438 : i32
        %get3A_440 = arith.constant 3 : i32
        %get3A_441 = arith.constant 0 : i32
        %get3A_442 = arith.index_cast %get3A_440 : i32 to index
        %get3A_443 = arith.index_cast %get3A_441 : i32 to index
        %get3A_444 = arith.index_cast %add3A_439 : i32 to index
        %get3A_445 = tpu.vector_load %arg6[%get3A_442, %get3A_443, %get3A_444] {strides = array<i32>} : memref<4x8x2048xf32, #tpu.memory_space<vmem>>, vector<1x1x16xf32>,
        %get3A_446 = vector.shape_cast %get3A_445 : vector<1x1x16xf32> to vector<16xf32>
        %mul3A_447 = arith.mulf %get3A_446, %get3A_338 : vector<16xf32>
        %swap3A_448 = arith.constant 3 : i32
        %swap3A_449 = arith.constant 0 : i32
        %swap3A_450 = arith.index_cast %swap3A_448 : i32 to index
        %swap3A_451 = arith.index_cast %swap3A_449 : i32 to index
        %swap3A_452 = arith.index_cast %add3A_439 : i32 to index
        %swap3A_453 = tpu.vector_load %arg6[%swap3A_450, %swap3A_451, %swap3A_452] {strides = array<i32>} : memref<4x8x2048xf32, #tpu.memory_space<vmem>>, vector<1x1x16xf32>,
        %swap3A_454 = vector.shape_cast %swap3A_453 : vector<1x1x16xf32> to vector<16xf32>
        %swap3A_455 = vector.shape_cast %mul3A_447 : vector<16xf32> to vector<1x1x16xf32>
        tpu.vector_store %arg6[%swap3A_450, %swap3A_451, %swap3A_452], %swap3A_455 {strides = array<i32>} : memref<4x8x2048xf32, #tpu.memory_space<vmem>>, vector<1x1x16xf32>,
        %add3A_456 = arith.constant 96 : i32
        %add3A_457 = arith.addi %mul3A_309, %add3A_456 : i32
        %get3A_458 = arith.constant 3 : i32
        %get3A_459 = arith.constant 0 : i32
        %get3A_460 = arith.index_cast %get3A_458 : i32 to index
        %get3A_461 = arith.index_cast %get3A_459 : i32 to index
        %get3A_462 = arith.index_cast %add3A_457 : i32 to index
        %get3A_463 = tpu.vector_load %arg6[%get3A_460, %get3A_461, %get3A_462] {strides = array<i32>} : memref<4x8x2048xf32, #tpu.memory_space<vmem>>, vector<1x1x16xf32>,
        %get3A_464 = vector.shape_cast %get3A_463 : vector<1x1x16xf32> to vector<16xf32>
        %mul3A_465 = arith.mulf %get3A_464, %get3A_343 : vector<16xf32>
        %swap3A_466 = arith.constant 3 : i32
        %swap3A_467 = arith.constant 0 : i32
        %swap3A_468 = arith.index_cast %swap3A_466 : i32 to index
        %swap3A_469 = arith.index_cast %swap3A_467 : i32 to index
        %swap3A_470 = arith.index_cast %add3A_457 : i32 to index
        %swap3A_471 = tpu.vector_load %arg6[%swap3A_468, %swap3A_469, %swap3A_470] {strides = array<i32>} : memref<4x8x2048xf32, #tpu.memory_space<vmem>>, vector<1x1x16xf32>,
        %swap3A_472 = vector.shape_cast %swap3A_471 : vector<1x1x16xf32> to vector<16xf32>
        %swap3A_473 = vector.shape_cast %mul3A_465 : vector<16xf32> to vector<1x1x16xf32>
        tpu.vector_store %arg6[%swap3A_468, %swap3A_469, %swap3A_470], %swap3A_473 {strides = array<i32>} : memref<4x8x2048xf32, #tpu.memory_space<vmem>>, vector<1x1x16xf32>,
        %add3A_474 = arith.constant 112 : i32
        %add3A_475 = arith.addi %mul3A_309, %add3A_474 : i32
        %get3A_476 = arith.constant 3 : i32
        %get3A_477 = arith.constant 0 : i32
        %get3A_478 = arith.index_cast %get3A_476 : i32 to index
        %get3A_479 = arith.index_cast %get3A_477 : i32 to index
        %get3A_480 = arith.index_cast %add3A_475 : i32 to index
        %get3A_481 = tpu.vector_load %arg6[%get3A_478, %get3A_479, %get3A_480] {strides = array<i32>} : memref<4x8x2048xf32, #tpu.memory_space<vmem>>, vector<1x1x16xf32>,
        %get3A_482 = vector.shape_cast %get3A_481 : vector<1x1x16xf32> to vector<16xf32>
        %mul3A_483 = arith.mulf %get3A_482, %get3A_348 : vector<16xf32>
        %swap3A_484 = arith.constant 3 : i32
        %swap3A_485 = arith.constant 0 : i32
        %swap3A_486 = arith.index_cast %swap3A_484 : i32 to index
        %swap3A_487 = arith.index_cast %swap3A_485 : i32 to index
        %swap3A_488 = arith.index_cast %add3A_475 : i32 to index
        %swap3A_489 = tpu.vector_load %arg6[%swap3A_486, %swap3A_487, %swap3A_488] {strides = array<i32>} : memref<4x8x2048xf32, #tpu.memory_space<vmem>>, vector<1x1x16xf32>,
        %swap3A_490 = vector.shape_cast %swap3A_489 : vector<1x1x16xf32> to vector<16xf32>
        %swap3A_491 = vector.shape_cast %mul3A_483 : vector<16xf32> to vector<1x1x16xf32>
        tpu.vector_store %arg6[%swap3A_486, %swap3A_487, %swap3A_488], %swap3A_491 {strides = array<i32>} : memref<4x8x2048xf32, #tpu.memory_space<vmem>>, vector<1x1x16xf32>,
        %add3A_492 = arith.constant 0 : i32
        %add3A_493 = arith.addi %mul3A_309, %add3A_492 : i32
        %get3A_494 = arith.constant 3 : i32
        %get3A_495 = arith.constant 1 : i32
        %get3A_496 = arith.index_cast %get3A_494 : i32 to index
        %get3A_497 = arith.index_cast %get3A_495 : i32 to index
        %get3A_498 = arith.index_cast %add3A_493 : i32 to index
        %get3A_499 = tpu.vector_load %arg6[%get3A_496, %get3A_497, %get3A_498] {strides = array<i32>} : memref<4x8x2048xf32, #tpu.memory_space<vmem>>, vector<1x1x16xf32>,
        %get3A_500 = vector.shape_cast %get3A_499 : vector<1x1x16xf32> to vector<16xf32>
        %mul3A_501 = arith.mulf %get3A_500, %get3A_313 : vector<16xf32>
        %swap3A_502 = arith.constant 3 : i32
        %swap3A_503 = arith.constant 1 : i32
        %swap3A_504 = arith.index_cast %swap3A_502 : i32 to index
        %swap3A_505 = arith.index_cast %swap3A_503 : i32 to index
        %swap3A_506 = arith.index_cast %add3A_493 : i32 to index
        %swap3A_507 = tpu.vector_load %arg6[%swap3A_504, %swap3A_505, %swap3A_506] {strides = array<i32>} : memref<4x8x2048xf32, #tpu.memory_space<vmem>>, vector<1x1x16xf32>,
        %swap3A_508 = vector.shape_cast %swap3A_507 : vector<1x1x16xf32> to vector<16xf32>
        %swap3A_509 = vector.shape_cast %mul3A_501 : vector<16xf32> to vector<1x1x16xf32>
        tpu.vector_store %arg6[%swap3A_504, %swap3A_505, %swap3A_506], %swap3A_509 {strides = array<i32>} : memref<4x8x2048xf32, #tpu.memory_space<vmem>>, vector<1x1x16xf32>,
        %add3A_510 = arith.constant 16 : i32
        %add3A_511 = arith.addi %mul3A_309, %add3A_510 : i32
        %get3A_512 = arith.constant 3 : i32
        %get3A_513 = arith.constant 1 : i32
        %get3A_514 = arith.index_cast %get3A_512 : i32 to index
        %get3A_515 = arith.index_cast %get3A_513 : i32 to index
        %get3A_516 = arith.index_cast %add3A_511 : i32 to index
        %get3A_517 = tpu.vector_load %arg6[%get3A_514, %get3A_515, %get3A_516] {strides = array<i32>} : memref<4x8x2048xf32, #tpu.memory_space<vmem>>, vector<1x1x16xf32>,
        %get3A_518 = vector.shape_cast %get3A_517 : vector<1x1x16xf32> to vector<16xf32>
        %mul3A_519 = arith.mulf %get3A_518, %get3A_318 : vector<16xf32>
        %swap3A_520 = arith.constant 3 : i32
        %swap3A_521 = arith.constant 1 : i32
        %swap3A_522 = arith.index_cast %swap3A_520 : i32 to index
        %swap3A_523 = arith.index_cast %swap3A_521 : i32 to index
        %swap3A_524 = arith.index_cast %add3A_511 : i32 to index
        %swap3A_525 = tpu.vector_load %arg6[%swap3A_522, %swap3A_523, %swap3A_524] {strides = array<i32>} : memref<4x8x2048xf32, #tpu.memory_space<vmem>>, vector<1x1x16xf32>,
        %swap3A_526 = vector.shape_cast %swap3A_525 : vector<1x1x16xf32> to vector<16xf32>
        %swap3A_527 = vector.shape_cast %mul3A_519 : vector<16xf32> to vector<1x1x16xf32>
        tpu.vector_store %arg6[%swap3A_522, %swap3A_523, %swap3A_524], %swap3A_527 {strides = array<i32>} : memref<4x8x2048xf32, #tpu.memory_space<vmem>>, vector<1x1x16xf32>,
        %add3A_528 = arith.constant 32 : i32
        %add3A_529 = arith.addi %mul3A_309, %add3A_528 : i32
        %get3A_530 = arith.constant 3 : i32
        %get3A_531 = arith.constant 1 : i32
        %get3A_532 = arith.index_cast %get3A_530 : i32 to index
        %get3A_533 = arith.index_cast %get3A_531 : i32 to index
        %get3A_534 = arith.index_cast %add3A_529 : i32 to index
        %get3A_535 = tpu.vector_load %arg6[%get3A_532, %get3A_533, %get3A_534] {strides = array<i32>} : memref<4x8x2048xf32, #tpu.memory_space<vmem>>, vector<1x1x16xf32>,
        %get3A_536 = vector.shape_cast %get3A_535 : vector<1x1x16xf32> to vector<16xf32>
        %mul3A_537 = arith.mulf %get3A_536, %get3A_323 : vector<16xf32>
        %swap3A_538 = arith.constant 3 : i32
        %swap3A_539 = arith.constant 1 : i32
        %swap3A_540 = arith.index_cast %swap3A_538 : i32 to index
        %swap3A_541 = arith.index_cast %swap3A_539 : i32 to index
        %swap3A_542 = arith.index_cast %add3A_529 : i32 to index
        %swap3A_543 = tpu.vector_load %arg6[%swap3A_540, %swap3A_541, %swap3A_542] {strides = array<i32>} : memref<4x8x2048xf32, #tpu.memory_space<vmem>>, vector<1x1x16xf32>,
        %swap3A_544 = vector.shape_cast %swap3A_543 : vector<1x1x16xf32> to vector<16xf32>
        %swap3A_545 = vector.shape_cast %mul3A_537 : vector<16xf32> to vector<1x1x16xf32>
        tpu.vector_store %arg6[%swap3A_540, %swap3A_541, %swap3A_542], %swap3A_545 {strides = array<i32>} : memref<4x8x2048xf32, #tpu.memory_space<vmem>>, vector<1x1x16xf32>,
        %add3A_546 = arith.constant 48 : i32
        %add3A_547 = arith.addi %mul3A_309, %add3A_546 : i32
        %get3A_548 = arith.constant 3 : i32
        %get3A_549 = arith.constant 1 : i32
        %get3A_550 = arith.index_cast %get3A_548 : i32 to index
        %get3A_551 = arith.index_cast %get3A_549 : i32 to index
        %get3A_552 = arith.index_cast %add3A_547 : i32 to index
        %get3A_553 = tpu.vector_load %arg6[%get3A_550, %get3A_551, %get3A_552] {strides = array<i32>} : memref<4x8x2048xf32, #tpu.memory_space<vmem>>, vector<1x1x16xf32>,
        %get3A_554 = vector.shape_cast %get3A_553 : vector<1x1x16xf32> to vector<16xf32>
        %mul3A_555 = arith.mulf %get3A_554, %get3A_328 : vector<16xf32>
        %swap3A_556 = arith.constant 3 : i32
        %swap3A_557 = arith.constant 1 : i32
        %swap3A_558 = arith.index_cast %swap3A_556 : i32 to index
        %swap3A_559 = arith.index_cast %swap3A_557 : i32 to index
        %swap3A_560 = arith.index_cast %add3A_547 : i32 to index
        %swap3A_561 = tpu.vector_load %arg6[%swap3A_558, %swap3A_559, %swap3A_560] {strides = array<i32>} : memref<4x8x2048xf32, #tpu.memory_space<vmem>>, vector<1x1x16xf32>,
        %swap3A_562 = vector.shape_cast %swap3A_561 : vector<1x1x16xf32> to vector<16xf32>
        %swap3A_563 = vector.shape_cast %mul3A_555 : vector<16xf32> to vector<1x1x16xf32>
        tpu.vector_store %arg6[%swap3A_558, %swap3A_559, %swap3A_560], %swap3A_563 {strides = array<i32>} : memref<4x8x2048xf32, #tpu.memory_space<vmem>>, vector<1x1x16xf32>,
        %add3A_564 = arith.constant 64 : i32
        %add3A_565 = arith.addi %mul3A_309, %add3A_564 : i32
        %get3A_566 = arith.constant 3 : i32
        %get3A_567 = arith.constant 1 : i32
        %get3A_568 = arith.index_cast %get3A_566 : i32 to index
        %get3A_569 = arith.index_cast %get3A_567 : i32 to index
        %get3A_570 = arith.index_cast %add3A_565 : i32 to index
        %get3A_571 = tpu.vector_load %arg6[%get3A_568, %get3A_569, %get3A_570] {strides = array<i32>} : memref<4x8x2048xf32, #tpu.memory_space<vmem>>, vector<1x1x16xf32>,
        %get3A_572 = vector.shape_cast %get3A_571 : vector<1x1x16xf32> to vector<16xf32>
        %mul3A_573 = arith.mulf %get3A_572, %get3A_333 : vector<16xf32>
        %swap3A_574 = arith.constant 3 : i32
        %swap3A_575 = arith.constant 1 : i32
        %swap3A_576 = arith.index_cast %swap3A_574 : i32 to index
        %swap3A_577 = arith.index_cast %swap3A_575 : i32 to index
        %swap3A_578 = arith.index_cast %add3A_565 : i32 to index
        %swap3A_579 = tpu.vector_load %arg6[%swap3A_576, %swap3A_577, %swap3A_578] {strides = array<i32>} : memref<4x8x2048xf32, #tpu.memory_space<vmem>>, vector<1x1x16xf32>,
        %swap3A_580 = vector.shape_cast %swap3A_579 : vector<1x1x16xf32> to vector<16xf32>
        %swap3A_581 = vector.shape_cast %mul3A_573 : vector<16xf32> to vector<1x1x16xf32>
        tpu.vector_store %arg6[%swap3A_576, %swap3A_577, %swap3A_578], %swap3A_581 {strides = array<i32>} : memref<4x8x2048xf32, #tpu.memory_space<vmem>>, vector<1x1x16xf32>,
        %add3A_582 = arith.constant 80 : i32
        %add3A_583 = arith.addi %mul3A_309, %add3A_582 : i32
        %get3A_584 = arith.constant 3 : i32
        %get3A_585 = arith.constant 1 : i32
        %get3A_586 = arith.index_cast %get3A_584 : i32 to index
        %get3A_587 = arith.index_cast %get3A_585 : i32 to index
        %get3A_588 = arith.index_cast %add3A_583 : i32 to index
        %get3A_589 = tpu.vector_load %arg6[%get3A_586, %get3A_587, %get3A_588] {strides = array<i32>} : memref<4x8x2048xf32, #tpu.memory_space<vmem>>, vector<1x1x16xf32>,
        %get3A_590 = vector.shape_cast %get3A_589 : vector<1x1x16xf32> to vector<16xf32>
        %mul3A_591 = arith.mulf %get3A_590, %get3A_338 : vector<16xf32>
        %swap3A_592 = arith.constant 3 : i32
        %swap3A_593 = arith.constant 1 : i32
        %swap3A_594 = arith.index_cast %swap3A_592 : i32 to index
        %swap3A_595 = arith.index_cast %swap3A_593 : i32 to index
        %swap3A_596 = arith.index_cast %add3A_583 : i32 to index
        %swap3A_597 = tpu.vector_load %arg6[%swap3A_594, %swap3A_595, %swap3A_596] {strides = array<i32>} : memref<4x8x2048xf32, #tpu.memory_space<vmem>>, vector<1x1x16xf32>,
        %swap3A_598 = vector.shape_cast %swap3A_597 : vector<1x1x16xf32> to vector<16xf32>
        %swap3A_599 = vector.shape_cast %mul3A_591 : vector<16xf32> to vector<1x1x16xf32>
        tpu.vector_store %arg6[%swap3A_594, %swap3A_595, %swap3A_596], %swap3A_599 {strides = array<i32>} : memref<4x8x2048xf32, #tpu.memory_space<vmem>>, vector<1x1x16xf32>,
        %add3A_600 = arith.constant 96 : i32
        %add3A_601 = arith.addi %mul3A_309, %add3A_600 : i32
        %get3A_602 = arith.constant 3 : i32
        %get3A_603 = arith.constant 1 : i32
        %get3A_604 = arith.index_cast %get3A_602 : i32 to index
        %get3A_605 = arith.index_cast %get3A_603 : i32 to index
        %get3A_606 = arith.index_cast %add3A_601 : i32 to index
        %get3A_607 = tpu.vector_load %arg6[%get3A_604, %get3A_605, %get3A_606] {strides = array<i32>} : memref<4x8x2048xf32, #tpu.memory_space<vmem>>, vector<1x1x16xf32>,
        %get3A_608 = vector.shape_cast %get3A_607 : vector<1x1x16xf32> to vector<16xf32>
        %mul3A_609 = arith.mulf %get3A_608, %get3A_343 : vector<16xf32>
        %swap3A_610 = arith.constant 3 : i32
        %swap3A_611 = arith.constant 1 : i32
        %swap3A_612 = arith.index_cast %swap3A_610 : i32 to index
        %swap3A_613 = arith.index_cast %swap3A_611 : i32 to index
        %swap3A_614 = arith.index_cast %add3A_601 : i32 to index
        %swap3A_615 = tpu.vector_load %arg6[%swap3A_612, %swap3A_613, %swap3A_614] {strides = array<i32>} : memref<4x8x2048xf32, #tpu.memory_space<vmem>>, vector<1x1x16xf32>,
        %swap3A_616 = vector.shape_cast %swap3A_615 : vector<1x1x16xf32> to vector<16xf32>
        %swap3A_617 = vector.shape_cast %mul3A_609 : vector<16xf32> to vector<1x1x16xf32>
        tpu.vector_store %arg6[%swap3A_612, %swap3A_613, %swap3A_614], %swap3A_617 {strides = array<i32>} : memref<4x8x2048xf32, #tpu.memory_space<vmem>>, vector<1x1x16xf32>,
        %add3A_618 = arith.constant 112 : i32
        %add3A_619 = arith.addi %mul3A_309, %add3A_618 : i32
        %get3A_620 = arith.constant 3 : i32
        %get3A_621 = arith.constant 1 : i32
        %get3A_622 = arith.index_cast %get3A_620 : i32 to index
        %get3A_623 = arith.index_cast %get3A_621 : i32 to index
        %get3A_624 = arith.index_cast %add3A_619 : i32 to index
        %get3A_625 = tpu.vector_load %arg6[%get3A_622, %get3A_623, %get3A_624] {strides = array<i32>} : memref<4x8x2048xf32, #tpu.memory_space<vmem>>, vector<1x1x16xf32>,
        %get3A_626 = vector.shape_cast %get3A_625 : vector<1x1x16xf32> to vector<16xf32>
        %mul3A_627 = arith.mulf %get3A_626, %get3A_348 : vector<16xf32>
        %swap3A_628 = arith.constant 3 : i32
        %swap3A_629 = arith.constant 1 : i32
        %swap3A_630 = arith.index_cast %swap3A_628 : i32 to index
        %swap3A_631 = arith.index_cast %swap3A_629 : i32 to index
        %swap3A_632 = arith.index_cast %add3A_619 : i32 to index
        %swap3A_633 = tpu.vector_load %arg6[%swap3A_630, %swap3A_631, %swap3A_632] {strides = array<i32>} : memref<4x8x2048xf32, #tpu.memory_space<vmem>>, vector<1x1x16xf32>,
        %swap3A_634 = vector.shape_cast %swap3A_633 : vector<1x1x16xf32> to vector<16xf32>
        %swap3A_635 = vector.shape_cast %mul3A_627 : vector<16xf32> to vector<1x1x16xf32>
        tpu.vector_store %arg6[%swap3A_630, %swap3A_631, %swap3A_632], %swap3A_635 {strides = array<i32>} : memref<4x8x2048xf32, #tpu.memory_space<vmem>>, vector<1x1x16xf32>,
        %add3A_636 = arith.constant 0 : i32
        %add3A_637 = arith.addi %mul3A_309, %add3A_636 : i32
        %get3A_638 = arith.constant 3 : i32
        %get3A_639 = arith.constant 2 : i32
        %get3A_640 = arith.index_cast %get3A_638 : i32 to index
        %get3A_641 = arith.index_cast %get3A_639 : i32 to index
        %get3A_642 = arith.index_cast %add3A_637 : i32 to index
        %get3A_643 = tpu.vector_load %arg6[%get3A_640, %get3A_641, %get3A_642] {strides = array<i32>} : memref<4x8x2048xf32, #tpu.memory_space<vmem>>, vector<1x1x16xf32>,
        %get3A_644 = vector.shape_cast %get3A_643 : vector<1x1x16xf32> to vector<16xf32>
        %mul3A_645 = arith.mulf %get3A_644, %get3A_313 : vector<16xf32>
        %swap3A_646 = arith.constant 3 : i32
        %swap3A_647 = arith.constant 2 : i32
        %swap3A_648 = arith.index_cast %swap3A_646 : i32 to index
        %swap3A_649 = arith.index_cast %swap3A_647 : i32 to index
        %swap3A_650 = arith.index_cast %add3A_637 : i32 to index
        %swap3A_651 = tpu.vector_load %arg6[%swap3A_648, %swap3A_649, %swap3A_650] {strides = array<i32>} : memref<4x8x2048xf32, #tpu.memory_space<vmem>>, vector<1x1x16xf32>,
        %swap3A_652 = vector.shape_cast %swap3A_651 : vector<1x1x16xf32> to vector<16xf32>
        %swap3A_653 = vector.shape_cast %mul3A_645 : vector<16xf32> to vector<1x1x16xf32>
        tpu.vector_store %arg6[%swap3A_648, %swap3A_649, %swap3A_650], %swap3A_653 {strides = array<i32>} : memref<4x8x2048xf32, #tpu.memory_space<vmem>>, vector<1x1x16xf32>,
        %add3A_654 = arith.constant 16 : i32
        %add3A_655 = arith.addi %mul3A_309, %add3A_654 : i32
        %get3A_656 = arith.constant 3 : i32
        %get3A_657 = arith.constant 2 : i32
        %get3A_658 = arith.index_cast %get3A_656 : i32 to index
        %get3A_659 = arith.index_cast %get3A_657 : i32 to index
        %get3A_660 = arith.index_cast %add3A_655 : i32 to index
        %get3A_661 = tpu.vector_load %arg6[%get3A_658, %get3A_659, %get3A_660] {strides = array<i32>} : memref<4x8x2048xf32, #tpu.memory_space<vmem>>, vector<1x1x16xf32>,
        %get3A_662 = vector.shape_cast %get3A_661 : vector<1x1x16xf32> to vector<16xf32>
        %mul3A_663 = arith.mulf %get3A_662, %get3A_318 : vector<16xf32>
        %swap3A_664 = arith.constant 3 : i32
        %swap3A_665 = arith.constant 2 : i32
        %swap3A_666 = arith.index_cast %swap3A_664 : i32 to index
        %swap3A_667 = arith.index_cast %swap3A_665 : i32 to index
        %swap3A_668 = arith.index_cast %add3A_655 : i32 to index
        %swap3A_669 = tpu.vector_load %arg6[%swap3A_666, %swap3A_667, %swap3A_668] {strides = array<i32>} : memref<4x8x2048xf32, #tpu.memory_space<vmem>>, vector<1x1x16xf32>,
        %swap3A_670 = vector.shape_cast %swap3A_669 : vector<1x1x16xf32> to vector<16xf32>
        %swap3A_671 = vector.shape_cast %mul3A_663 : vector<16xf32> to vector<1x1x16xf32>
        tpu.vector_store %arg6[%swap3A_666, %swap3A_667, %swap3A_668], %swap3A_671 {strides = array<i32>} : memref<4x8x2048xf32, #tpu.memory_space<vmem>>, vector<1x1x16xf32>,
        %add3A_672 = arith.constant 32 : i32
        %add3A_673 = arith.addi %mul3A_309, %add3A_672 : i32
        %get3A_674 = arith.constant 3 : i32
        %get3A_675 = arith.constant 2 : i32
        %get3A_676 = arith.index_cast %get3A_674 : i32 to index
        %get3A_677 = arith.index_cast %get3A_675 : i32 to index
        %get3A_678 = arith.index_cast %add3A_673 : i32 to index
        %get3A_679 = tpu.vector_load %arg6[%get3A_676, %get3A_677, %get3A_678] {strides = array<i32>} : memref<4x8x2048xf32, #tpu.memory_space<vmem>>, vector<1x1x16xf32>,
        %get3A_680 = vector.shape_cast %get3A_679 : vector<1x1x16xf32> to vector<16xf32>
        %mul3A_681 = arith.mulf %get3A_680, %get3A_323 : vector<16xf32>
        %swap3A_682 = arith.constant 3 : i32
        %swap3A_683 = arith.constant 2 : i32
        %swap3A_684 = arith.index_cast %swap3A_682 : i32 to index
        %swap3A_685 = arith.index_cast %swap3A_683 : i32 to index
        %swap3A_686 = arith.index_cast %add3A_673 : i32 to index
        %swap3A_687 = tpu.vector_load %arg6[%swap3A_684, %swap3A_685, %swap3A_686] {strides = array<i32>} : memref<4x8x2048xf32, #tpu.memory_space<vmem>>, vector<1x1x16xf32>,
        %swap3A_688 = vector.shape_cast %swap3A_687 : vector<1x1x16xf32> to vector<16xf32>
        %swap3A_689 = vector.shape_cast %mul3A_681 : vector<16xf32> to vector<1x1x16xf32>
        tpu.vector_store %arg6[%swap3A_684, %swap3A_685, %swap3A_686], %swap3A_689 {strides = array<i32>} : memref<4x8x2048xf32, #tpu.memory_space<vmem>>, vector<1x1x16xf32>,
        %add3A_690 = arith.constant 48 : i32
        %add3A_691 = arith.addi %mul3A_309, %add3A_690 : i32
        %get3A_692 = arith.constant 3 : i32
        %get3A_693 = arith.constant 2 : i32
        %get3A_694 = arith.index_cast %get3A_692 : i32 to index
        %get3A_695 = arith.index_cast %get3A_693 : i32 to index
        %get3A_696 = arith.index_cast %add3A_691 : i32 to index
        %get3A_697 = tpu.vector_load %arg6[%get3A_694, %get3A_695, %get3A_696] {strides = array<i32>} : memref<4x8x2048xf32, #tpu.memory_space<vmem>>, vector<1x1x16xf32>,
        %get3A_698 = vector.shape_cast %get3A_697 : vector<1x1x16xf32> to vector<16xf32>
        %mul3A_699 = arith.mulf %get3A_698, %get3A_328 : vector<16xf32>
        %swap3A_700 = arith.constant 3 : i32
        %swap3A_701 = arith.constant 2 : i32
        %swap3A_702 = arith.index_cast %swap3A_700 : i32 to index
        %swap3A_703 = arith.index_cast %swap3A_701 : i32 to index
        %swap3A_704 = arith.index_cast %add3A_691 : i32 to index
        %swap3A_705 = tpu.vector_load %arg6[%swap3A_702, %swap3A_703, %swap3A_704] {strides = array<i32>} : memref<4x8x2048xf32, #tpu.memory_space<vmem>>, vector<1x1x16xf32>,
        %swap3A_706 = vector.shape_cast %swap3A_705 : vector<1x1x16xf32> to vector<16xf32>
        %swap3A_707 = vector.shape_cast %mul3A_699 : vector<16xf32> to vector<1x1x16xf32>
        tpu.vector_store %arg6[%swap3A_702, %swap3A_703, %swap3A_704], %swap3A_707 {strides = array<i32>} : memref<4x8x2048xf32, #tpu.memory_space<vmem>>, vector<1x1x16xf32>,
        %add3A_708 = arith.constant 64 : i32
        %add3A_709 = arith.addi %mul3A_309, %add3A_708 : i32
        %get3A_710 = arith.constant 3 : i32
        %get3A_711 = arith.constant 2 : i32
        %get3A_712 = arith.index_cast %get3A_710 : i32 to index
        %get3A_713 = arith.index_cast %get3A_711 : i32 to index
        %get3A_714 = arith.index_cast %add3A_709 : i32 to index
        %get3A_715 = tpu.vector_load %arg6[%get3A_712, %get3A_713, %get3A_714] {strides = array<i32>} : memref<4x8x2048xf32, #tpu.memory_space<vmem>>, vector<1x1x16xf32>,
        %get3A_716 = vector.shape_cast %get3A_715 : vector<1x1x16xf32> to vector<16xf32>
        %mul3A_717 = arith.mulf %get3A_716, %get3A_333 : vector<16xf32>
        %swap3A_718 = arith.constant 3 : i32
        %swap3A_719 = arith.constant 2 : i32
        %swap3A_720 = arith.index_cast %swap3A_718 : i32 to index
        %swap3A_721 = arith.index_cast %swap3A_719 : i32 to index
        %swap3A_722 = arith.index_cast %add3A_709 : i32 to index
        %swap3A_723 = tpu.vector_load %arg6[%swap3A_720, %swap3A_721, %swap3A_722] {strides = array<i32>} : memref<4x8x2048xf32, #tpu.memory_space<vmem>>, vector<1x1x16xf32>,
        %swap3A_724 = vector.shape_cast %swap3A_723 : vector<1x1x16xf32> to vector<16xf32>
        %swap3A_725 = vector.shape_cast %mul3A_717 : vector<16xf32> to vector<1x1x16xf32>
        tpu.vector_store %arg6[%swap3A_720, %swap3A_721, %swap3A_722], %swap3A_725 {strides = array<i32>} : memref<4x8x2048xf32, #tpu.memory_space<vmem>>, vector<1x1x16xf32>,
        %add3A_726 = arith.constant 80 : i32
        %add3A_727 = arith.addi %mul3A_309, %add3A_726 : i32
        %get3A_728 = arith.constant 3 : i32
        %get3A_729 = arith.constant 2 : i32
        %get3A_730 = arith.index_cast %get3A_728 : i32 to index
        %get3A_731 = arith.index_cast %get3A_729 : i32 to index
        %get3A_732 = arith.index_cast %add3A_727 : i32 to index
        %get3A_733 = tpu.vector_load %arg6[%get3A_730, %get3A_731, %get3A_732] {strides = array<i32>} : memref<4x8x2048xf32, #tpu.memory_space<vmem>>, vector<1x1x16xf32>,
        %get3A_734 = vector.shape_cast %get3A_733 : vector<1x1x16xf32> to vector<16xf32>
        %mul3A_735 = arith.mulf %get3A_734, %get3A_338 : vector<16xf32>
        %swap3A_736 = arith.constant 3 : i32
        %swap3A_737 = arith.constant 2 : i32
        %swap3A_738 = arith.index_cast %swap3A_736 : i32 to index
        %swap3A_739 = arith.index_cast %swap3A_737 : i32 to index
        %swap3A_740 = arith.index_cast %add3A_727 : i32 to index
        %swap3A_741 = tpu.vector_load %arg6[%swap3A_738, %swap3A_739, %swap3A_740] {strides = array<i32>} : memref<4x8x2048xf32, #tpu.memory_space<vmem>>, vector<1x1x16xf32>,
        %swap3A_742 = vector.shape_cast %swap3A_741 : vector<1x1x16xf32> to vector<16xf32>
        %swap3A_743 = vector.shape_cast %mul3A_735 : vector<16xf32> to vector<1x1x16xf32>
        tpu.vector_store %arg6[%swap3A_738, %swap3A_739, %swap3A_740], %swap3A_743 {strides = array<i32>} : memref<4x8x2048xf32, #tpu.memory_space<vmem>>, vector<1x1x16xf32>,
        %add3A_744 = arith.constant 96 : i32
        %add3A_745 = arith.addi %mul3A_309, %add3A_744 : i32
        %get3A_746 = arith.constant 3 : i32
        %get3A_747 = arith.constant 2 : i32
        %get3A_748 = arith.index_cast %get3A_746 : i32 to index
        %get3A_749 = arith.index_cast %get3A_747 : i32 to index
        %get3A_750 = arith.index_cast %add3A_745 : i32 to index
        %get3A_751 = tpu.vector_load %arg6[%get3A_748, %get3A_749, %get3A_750] {strides = array<i32>} : memref<4x8x2048xf32, #tpu.memory_space<vmem>>, vector<1x1x16xf32>,
        %get3A_752 = vector.shape_cast %get3A_751 : vector<1x1x16xf32> to vector<16xf32>
        %mul3A_753 = arith.mulf %get3A_752, %get3A_343 : vector<16xf32>
        %swap3A_754 = arith.constant 3 : i32
        %swap3A_755 = arith.constant 2 : i32
        %swap3A_756 = arith.index_cast %swap3A_754 : i32 to index
        %swap3A_757 = arith.index_cast %swap3A_755 : i32 to index
        %swap3A_758 = arith.index_cast %add3A_745 : i32 to index
        %swap3A_759 = tpu.vector_load %arg6[%swap3A_756, %swap3A_757, %swap3A_758] {strides = array<i32>} : memref<4x8x2048xf32, #tpu.memory_space<vmem>>, vector<1x1x16xf32>,
        %swap3A_760 = vector.shape_cast %swap3A_759 : vector<1x1x16xf32> to vector<16xf32>
        %swap3A_761 = vector.shape_cast %mul3A_753 : vector<16xf32> to vector<1x1x16xf32>
        tpu.vector_store %arg6[%swap3A_756, %swap3A_757, %swap3A_758], %swap3A_761 {strides = array<i32>} : memref<4x8x2048xf32, #tpu.memory_space<vmem>>, vector<1x1x16xf32>,
        %add3A_762 = arith.constant 112 : i32
        %add3A_763 = arith.addi %mul3A_309, %add3A_762 : i32
        %get3A_764 = arith.constant 3 : i32
        %get3A_765 = arith.constant 2 : i32
        %get3A_766 = arith.index_cast %get3A_764 : i32 to index
        %get3A_767 = arith.index_cast %get3A_765 : i32 to index
        %get3A_768 = arith.index_cast %add3A_763 : i32 to index
        %get3A_769 = tpu.vector_load %arg6[%get3A_766, %get3A_767, %get3A_768] {strides = array<i32>} : memref<4x8x2048xf32, #tpu.memory_space<vmem>>, vector<1x1x16xf32>,
        %get3A_770 = vector.shape_cast %get3A_769 : vector<1x1x16xf32> to vector<16xf32>
        %mul3A_771 = arith.mulf %get3A_770, %get3A_348 : vector<16xf32>
        %swap3A_772 = arith.constant 3 : i32
        %swap3A_773 = arith.constant 2 : i32
        %swap3A_774 = arith.index_cast %swap3A_772 : i32 to index
        %swap3A_775 = arith.index_cast %swap3A_773 : i32 to index
        %swap3A_776 = arith.index_cast %add3A_763 : i32 to index
        %swap3A_777 = tpu.vector_load %arg6[%swap3A_774, %swap3A_775, %swap3A_776] {strides = array<i32>} : memref<4x8x2048xf32, #tpu.memory_space<vmem>>, vector<1x1x16xf32>,
        %swap3A_778 = vector.shape_cast %swap3A_777 : vector<1x1x16xf32> to vector<16xf32>
        %swap3A_779 = vector.shape_cast %mul3A_771 : vector<16xf32> to vector<1x1x16xf32>
        tpu.vector_store %arg6[%swap3A_774, %swap3A_775, %swap3A_776], %swap3A_779 {strides = array<i32>} : memref<4x8x2048xf32, #tpu.memory_space<vmem>>, vector<1x1x16xf32>,
        %add3A_780 = arith.constant 0 : i32
        %add3A_781 = arith.addi %mul3A_309, %add3A_780 : i32
        %get3A_782 = arith.constant 3 : i32
        %get3A_783 = arith.constant 3 : i32
        %get3A_784 = arith.index_cast %get3A_782 : i32 to index
        %get3A_785 = arith.index_cast %get3A_783 : i32 to index
        %get3A_786 = arith.index_cast %add3A_781 : i32 to index
        %get3A_787 = tpu.vector_load %arg6[%get3A_784, %get3A_785, %get3A_786] {strides = array<i32>} : memref<4x8x2048xf32, #tpu.memory_space<vmem>>, vector<1x1x16xf32>,
        %get3A_788 = vector.shape_cast %get3A_787 : vector<1x1x16xf32> to vector<16xf32>
        %mul3A_789 = arith.mulf %get3A_788, %get3A_313 : vector<16xf32>
        %swap3A_790 = arith.constant 3 : i32
        %swap3A_791 = arith.constant 3 : i32
        %swap3A_792 = arith.index_cast %swap3A_790 : i32 to index
        %swap3A_793 = arith.index_cast %swap3A_791 : i32 to index
        %swap3A_794 = arith.index_cast %add3A_781 : i32 to index
        %swap3A_795 = tpu.vector_load %arg6[%swap3A_792, %swap3A_793, %swap3A_794] {strides = array<i32>} : memref<4x8x2048xf32, #tpu.memory_space<vmem>>, vector<1x1x16xf32>,
        %swap3A_796 = vector.shape_cast %swap3A_795 : vector<1x1x16xf32> to vector<16xf32>
        %swap3A_797 = vector.shape_cast %mul3A_789 : vector<16xf32> to vector<1x1x16xf32>
        tpu.vector_store %arg6[%swap3A_792, %swap3A_793, %swap3A_794], %swap3A_797 {strides = array<i32>} : memref<4x8x2048xf32, #tpu.memory_space<vmem>>, vector<1x1x16xf32>,
        %add3A_798 = arith.constant 16 : i32
        %add3A_799 = arith.addi %mul3A_309, %add3A_798 : i32
        %get3A_800 = arith.constant 3 : i32
        %get3A_801 = arith.constant 3 : i32
        %get3A_802 = arith.index_cast %get3A_800 : i32 to index
        %get3A_803 = arith.index_cast %get3A_801 : i32 to index
        %get3A_804 = arith.index_cast %add3A_799 : i32 to index
        %get3A_805 = tpu.vector_load %arg6[%get3A_802, %get3A_803, %get3A_804] {strides = array<i32>} : memref<4x8x2048xf32, #tpu.memory_space<vmem>>, vector<1x1x16xf32>,
        %get3A_806 = vector.shape_cast %get3A_805 : vector<1x1x16xf32> to vector<16xf32>
        %mul3A_807 = arith.mulf %get3A_806, %get3A_318 : vector<16xf32>
        %swap3A_808 = arith.constant 3 : i32
        %swap3A_809 = arith.constant 3 : i32
        %swap3A_810 = arith.index_cast %swap3A_808 : i32 to index
        %swap3A_811 = arith.index_cast %swap3A_809 : i32 to index
        %swap3A_812 = arith.index_cast %add3A_799 : i32 to index
        %swap3A_813 = tpu.vector_load %arg6[%swap3A_810, %swap3A_811, %swap3A_812] {strides = array<i32>} : memref<4x8x2048xf32, #tpu.memory_space<vmem>>, vector<1x1x16xf32>,
        %swap3A_814 = vector.shape_cast %swap3A_813 : vector<1x1x16xf32> to vector<16xf32>
        %swap3A_815 = vector.shape_cast %mul3A_807 : vector<16xf32> to vector<1x1x16xf32>
        tpu.vector_store %arg6[%swap3A_810, %swap3A_811, %swap3A_812], %swap3A_815 {strides = array<i32>} : memref<4x8x2048xf32, #tpu.memory_space<vmem>>, vector<1x1x16xf32>,
        %add3A_816 = arith.constant 32 : i32
        %add3A_817 = arith.addi %mul3A_309, %add3A_816 : i32
        %get3A_818 = arith.constant 3 : i32
        %get3A_819 = arith.constant 3 : i32
        %get3A_820 = arith.index_cast %get3A_818 : i32 to index
        %get3A_821 = arith.index_cast %get3A_819 : i32 to index
        %get3A_822 = arith.index_cast %add3A_817 : i32 to index
        %get3A_823 = tpu.vector_load %arg6[%get3A_820, %get3A_821, %get3A_822] {strides = array<i32>} : memref<4x8x2048xf32, #tpu.memory_space<vmem>>, vector<1x1x16xf32>,
        %get3A_824 = vector.shape_cast %get3A_823 : vector<1x1x16xf32> to vector<16xf32>
        %mul3A_825 = arith.mulf %get3A_824, %get3A_323 : vector<16xf32>
        %swap3A_826 = arith.constant 3 : i32
        %swap3A_827 = arith.constant 3 : i32
        %swap3A_828 = arith.index_cast %swap3A_826 : i32 to index
        %swap3A_829 = arith.index_cast %swap3A_827 : i32 to index
        %swap3A_830 = arith.index_cast %add3A_817 : i32 to index
        %swap3A_831 = tpu.vector_load %arg6[%swap3A_828, %swap3A_829, %swap3A_830] {strides = array<i32>} : memref<4x8x2048xf32, #tpu.memory_space<vmem>>, vector<1x1x16xf32>,
        %swap3A_832 = vector.shape_cast %swap3A_831 : vector<1x1x16xf32> to vector<16xf32>
        %swap3A_833 = vector.shape_cast %mul3A_825 : vector<16xf32> to vector<1x1x16xf32>
        tpu.vector_store %arg6[%swap3A_828, %swap3A_829, %swap3A_830], %swap3A_833 {strides = array<i32>} : memref<4x8x2048xf32, #tpu.memory_space<vmem>>, vector<1x1x16xf32>,
        %add3A_834 = arith.constant 48 : i32
        %add3A_835 = arith.addi %mul3A_309, %add3A_834 : i32
        %get3A_836 = arith.constant 3 : i32
        %get3A_837 = arith.constant 3 : i32
        %get3A_838 = arith.index_cast %get3A_836 : i32 to index
        %get3A_839 = arith.index_cast %get3A_837 : i32 to index
        %get3A_840 = arith.index_cast %add3A_835 : i32 to index
        %get3A_841 = tpu.vector_load %arg6[%get3A_838, %get3A_839, %get3A_840] {strides = array<i32>} : memref<4x8x2048xf32, #tpu.memory_space<vmem>>, vector<1x1x16xf32>,
        %get3A_842 = vector.shape_cast %get3A_841 : vector<1x1x16xf32> to vector<16xf32>
        %mul3A_843 = arith.mulf %get3A_842, %get3A_328 : vector<16xf32>
        %swap3A_844 = arith.constant 3 : i32
        %swap3A_845 = arith.constant 3 : i32
        %swap3A_846 = arith.index_cast %swap3A_844 : i32 to index
        %swap3A_847 = arith.index_cast %swap3A_845 : i32 to index
        %swap3A_848 = arith.index_cast %add3A_835 : i32 to index
        %swap3A_849 = tpu.vector_load %arg6[%swap3A_846, %swap3A_847, %swap3A_848] {strides = array<i32>} : memref<4x8x2048xf32, #tpu.memory_space<vmem>>, vector<1x1x16xf32>,
        %swap3A_850 = vector.shape_cast %swap3A_849 : vector<1x1x16xf32> to vector<16xf32>
        %swap3A_851 = vector.shape_cast %mul3A_843 : vector<16xf32> to vector<1x1x16xf32>
        tpu.vector_store %arg6[%swap3A_846, %swap3A_847, %swap3A_848], %swap3A_851 {strides = array<i32>} : memref<4x8x2048xf32, #tpu.memory_space<vmem>>, vector<1x1x16xf32>,
        %add3A_852 = arith.constant 64 : i32
        %add3A_853 = arith.addi %mul3A_309, %add3A_852 : i32
        %get3A_854 = arith.constant 3 : i32
        %get3A_855 = arith.constant 3 : i32
        %get3A_856 = arith.index_cast %get3A_854 : i32 to index
        %get3A_857 = arith.index_cast %get3A_855 : i32 to index
        %get3A_858 = arith.index_cast %add3A_853 : i32 to index
        %get3A_859 = tpu.vector_load %arg6[%get3A_856, %get3A_857, %get3A_858] {strides = array<i32>} : memref<4x8x2048xf32, #tpu.memory_space<vmem>>, vector<1x1x16xf32>,
        %get3A_860 = vector.shape_cast %get3A_859 : vector<1x1x16xf32> to vector<16xf32>
        %mul3A_861 = arith.mulf %get3A_860, %get3A_333 : vector<16xf32>
        %swap3A_862 = arith.constant 3 : i32
        %swap3A_863 = arith.constant 3 : i32
        %swap3A_864 = arith.index_cast %swap3A_862 : i32 to index
        %swap3A_865 = arith.index_cast %swap3A_863 : i32 to index
        %swap3A_866 = arith.index_cast %add3A_853 : i32 to index
        %swap3A_867 = tpu.vector_load %arg6[%swap3A_864, %swap3A_865, %swap3A_866] {strides = array<i32>} : memref<4x8x2048xf32, #tpu.memory_space<vmem>>, vector<1x1x16xf32>,
        %swap3A_868 = vector.shape_cast %swap3A_867 : vector<1x1x16xf32> to vector<16xf32>
        %swap3A_869 = vector.shape_cast %mul3A_861 : vector<16xf32> to vector<1x1x16xf32>
        tpu.vector_store %arg6[%swap3A_864, %swap3A_865, %swap3A_866], %swap3A_869 {strides = array<i32>} : memref<4x8x2048xf32, #tpu.memory_space<vmem>>, vector<1x1x16xf32>,
        %add3A_870 = arith.constant 80 : i32
        %add3A_871 = arith.addi %mul3A_309, %add3A_870 : i32
        %get3A_872 = arith.constant 3 : i32
        %get3A_873 = arith.constant 3 : i32
        %get3A_874 = arith.index_cast %get3A_872 : i32 to index
        %get3A_875 = arith.index_cast %get3A_873 : i32 to index
        %get3A_876 = arith.index_cast %add3A_871 : i32 to index
        %get3A_877 = tpu.vector_load %arg6[%get3A_874, %get3A_875, %get3A_876] {strides = array<i32>} : memref<4x8x2048xf32, #tpu.memory_space<vmem>>, vector<1x1x16xf32>,
        %get3A_878 = vector.shape_cast %get3A_877 : vector<1x1x16xf32> to vector<16xf32>
        %mul3A_879 = arith.mulf %get3A_878, %get3A_338 : vector<16xf32>
        %swap3A_880 = arith.constant 3 : i32
        %swap3A_881 = arith.constant 3 : i32
        %swap3A_882 = arith.index_cast %swap3A_880 : i32 to index
        %swap3A_883 = arith.index_cast %swap3A_881 : i32 to index
        %swap3A_884 = arith.index_cast %add3A_871 : i32 to index
        %swap3A_885 = tpu.vector_load %arg6[%swap3A_882, %swap3A_883, %swap3A_884] {strides = array<i32>} : memref<4x8x2048xf32, #tpu.memory_space<vmem>>, vector<1x1x16xf32>,
        %swap3A_886 = vector.shape_cast %swap3A_885 : vector<1x1x16xf32> to vector<16xf32>
        %swap3A_887 = vector.shape_cast %mul3A_879 : vector<16xf32> to vector<1x1x16xf32>
        tpu.vector_store %arg6[%swap3A_882, %swap3A_883, %swap3A_884], %swap3A_887 {strides = array<i32>} : memref<4x8x2048xf32, #tpu.memory_space<vmem>>, vector<1x1x16xf32>,
        %add3A_888 = arith.constant 96 : i32
        %add3A_889 = arith.addi %mul3A_309, %add3A_888 : i32
        %get3A_890 = arith.constant 3 : i32
        %get3A_891 = arith.constant 3 : i32
        %get3A_892 = arith.index_cast %get3A_890 : i32 to index
        %get3A_893 = arith.index_cast %get3A_891 : i32 to index
        %get3A_894 = arith.index_cast %add3A_889 : i32 to index
        %get3A_895 = tpu.vector_load %arg6[%get3A_892, %get3A_893, %get3A_894] {strides = array<i32>} : memref<4x8x2048xf32, #tpu.memory_space<vmem>>, vector<1x1x16xf32>,
        %get3A_896 = vector.shape_cast %get3A_895 : vector<1x1x16xf32> to vector<16xf32>
        %mul3A_897 = arith.mulf %get3A_896, %get3A_343 : vector<16xf32>
        %swap3A_898 = arith.constant 3 : i32
        %swap3A_899 = arith.constant 3 : i32
        %swap3A_900 = arith.index_cast %swap3A_898 : i32 to index
        %swap3A_901 = arith.index_cast %swap3A_899 : i32 to index
        %swap3A_902 = arith.index_cast %add3A_889 : i32 to index
        %swap3A_903 = tpu.vector_load %arg6[%swap3A_900, %swap3A_901, %swap3A_902] {strides = array<i32>} : memref<4x8x2048xf32, #tpu.memory_space<vmem>>, vector<1x1x16xf32>,
        %swap3A_904 = vector.shape_cast %swap3A_903 : vector<1x1x16xf32> to vector<16xf32>
        %swap3A_905 = vector.shape_cast %mul3A_897 : vector<16xf32> to vector<1x1x16xf32>
        tpu.vector_store %arg6[%swap3A_900, %swap3A_901, %swap3A_902], %swap3A_905 {strides = array<i32>} : memref<4x8x2048xf32, #tpu.memory_space<vmem>>, vector<1x1x16xf32>,
        %add3A_906 = arith.constant 112 : i32
        %add3A_907 = arith.addi %mul3A_309, %add3A_906 : i32
        %get3A_908 = arith.constant 3 : i32
        %get3A_909 = arith.constant 3 : i32
        %get3A_910 = arith.index_cast %get3A_908 : i32 to index
        %get3A_911 = arith.index_cast %get3A_909 : i32 to index
        %get3A_912 = arith.index_cast %add3A_907 : i32 to index
        %get3A_913 = tpu.vector_load %arg6[%get3A_910, %get3A_911, %get3A_912] {strides = array<i32>} : memref<4x8x2048xf32, #tpu.memory_space<vmem>>, vector<1x1x16xf32>,
        %get3A_914 = vector.shape_cast %get3A_913 : vector<1x1x16xf32> to vector<16xf32>
        %mul3A_915 = arith.mulf %get3A_914, %get3A_348 : vector<16xf32>
        %swap3A_916 = arith.constant 3 : i32
        %swap3A_917 = arith.constant 3 : i32
        %swap3A_918 = arith.index_cast %swap3A_916 : i32 to index
        %swap3A_919 = arith.index_cast %swap3A_917 : i32 to index
        %swap3A_920 = arith.index_cast %add3A_907 : i32 to index
        %swap3A_921 = tpu.vector_load %arg6[%swap3A_918, %swap3A_919, %swap3A_920] {strides = array<i32>} : memref<4x8x2048xf32, #tpu.memory_space<vmem>>, vector<1x1x16xf32>,
        %swap3A_922 = vector.shape_cast %swap3A_921 : vector<1x1x16xf32> to vector<16xf32>
        %swap3A_923 = vector.shape_cast %mul3A_915 : vector<16xf32> to vector<1x1x16xf32>
        tpu.vector_store %arg6[%swap3A_918, %swap3A_919, %swap3A_920], %swap3A_923 {strides = array<i32>} : memref<4x8x2048xf32, #tpu.memory_space<vmem>>, vector<1x1x16xf32>,
        %add3A_924 = arith.constant 0 : i32
        %add3A_925 = arith.addi %mul3A_309, %add3A_924 : i32
        %get3A_926 = arith.constant 3 : i32
        %get3A_927 = arith.constant 4 : i32
        %get3A_928 = arith.index_cast %get3A_926 : i32 to index
        %get3A_929 = arith.index_cast %get3A_927 : i32 to index
        %get3A_930 = arith.index_cast %add3A_925 : i32 to index
        %get3A_931 = tpu.vector_load %arg6[%get3A_928, %get3A_929, %get3A_930] {strides = array<i32>} : memref<4x8x2048xf32, #tpu.memory_space<vmem>>, vector<1x1x16xf32>,
        %get3A_932 = vector.shape_cast %get3A_931 : vector<1x1x16xf32> to vector<16xf32>
        %mul3A_933 = arith.mulf %get3A_932, %get3A_313 : vector<16xf32>
        %swap3A_934 = arith.constant 3 : i32
        %swap3A_935 = arith.constant 4 : i32
        %swap3A_936 = arith.index_cast %swap3A_934 : i32 to index
        %swap3A_937 = arith.index_cast %swap3A_935 : i32 to index
        %swap3A_938 = arith.index_cast %add3A_925 : i32 to index
        %swap3A_939 = tpu.vector_load %arg6[%swap3A_936, %swap3A_937, %swap3A_938] {strides = array<i32>} : memref<4x8x2048xf32, #tpu.memory_space<vmem>>, vector<1x1x16xf32>,
        %swap3A_940 = vector.shape_cast %swap3A_939 : vector<1x1x16xf32> to vector<16xf32>
        %swap3A_941 = vector.shape_cast %mul3A_933 : vector<16xf32> to vector<1x1x16xf32>
        tpu.vector_store %arg6[%swap3A_936, %swap3A_937, %swap3A_938], %swap3A_941 {strides = array<i32>} : memref<4x8x2048xf32, #tpu.memory_space<vmem>>, vector<1x1x16xf32>,
        %add3A_942 = arith.constant 16 : i32
        %add3A_943 = arith.addi %mul3A_309, %add3A_942 : i32
        %get3A_944 = arith.constant 3 : i32
        %get3A_945 = arith.constant 4 : i32
        %get3A_946 = arith.index_cast %get3A_944 : i32 to index
        %get3A_947 = arith.index_cast %get3A_945 : i32 to index
        %get3A_948 = arith.index_cast %add3A_943 : i32 to index
        %get3A_949 = tpu.vector_load %arg6[%get3A_946, %get3A_947, %get3A_948] {strides = array<i32>} : memref<4x8x2048xf32, #tpu.memory_space<vmem>>, vector<1x1x16xf32>,
        %get3A_950 = vector.shape_cast %get3A_949 : vector<1x1x16xf32> to vector<16xf32>
        %mul3A_951 = arith.mulf %get3A_950, %get3A_318 : vector<16xf32>
        %swap3A_952 = arith.constant 3 : i32
        %swap3A_953 = arith.constant 4 : i32
        %swap3A_954 = arith.index_cast %swap3A_952 : i32 to index
        %swap3A_955 = arith.index_cast %swap3A_953 : i32 to index
        %swap3A_956 = arith.index_cast %add3A_943 : i32 to index
        %swap3A_957 = tpu.vector_load %arg6[%swap3A_954, %swap3A_955, %swap3A_956] {strides = array<i32>} : memref<4x8x2048xf32, #tpu.memory_space<vmem>>, vector<1x1x16xf32>,
        %swap3A_958 = vector.shape_cast %swap3A_957 : vector<1x1x16xf32> to vector<16xf32>
        %swap3A_959 = vector.shape_cast %mul3A_951 : vector<16xf32> to vector<1x1x16xf32>
        tpu.vector_store %arg6[%swap3A_954, %swap3A_955, %swap3A_956], %swap3A_959 {strides = array<i32>} : memref<4x8x2048xf32, #tpu.memory_space<vmem>>, vector<1x1x16xf32>,
        %add3A_960 = arith.constant 32 : i32
        %add3A_961 = arith.addi %mul3A_309, %add3A_960 : i32
        %get3A_962 = arith.constant 3 : i32
        %get3A_963 = arith.constant 4 : i32
        %get3A_964 = arith.index_cast %get3A_962 : i32 to index
        %get3A_965 = arith.index_cast %get3A_963 : i32 to index
        %get3A_966 = arith.index_cast %add3A_961 : i32 to index
        %get3A_967 = tpu.vector_load %arg6[%get3A_964, %get3A_965, %get3A_966] {strides = array<i32>} : memref<4x8x2048xf32, #tpu.memory_space<vmem>>, vector<1x1x16xf32>,
        %get3A_968 = vector.shape_cast %get3A_967 : vector<1x1x16xf32> to vector<16xf32>
        %mul3A_969 = arith.mulf %get3A_968, %get3A_323 : vector<16xf32>
        %swap3A_970 = arith.constant 3 : i32
        %swap3A_971 = arith.constant 4 : i32
        %swap3A_972 = arith.index_cast %swap3A_970 : i32 to index
        %swap3A_973 = arith.index_cast %swap3A_971 : i32 to index
        %swap3A_974 = arith.index_cast %add3A_961 : i32 to index
        %swap3A_975 = tpu.vector_load %arg6[%swap3A_972, %swap3A_973, %swap3A_974] {strides = array<i32>} : memref<4x8x2048xf32, #tpu.memory_space<vmem>>, vector<1x1x16xf32>,
        %swap3A_976 = vector.shape_cast %swap3A_975 : vector<1x1x16xf32> to vector<16xf32>
        %swap3A_977 = vector.shape_cast %mul3A_969 : vector<16xf32> to vector<1x1x16xf32>
        tpu.vector_store %arg6[%swap3A_972, %swap3A_973, %swap3A_974], %swap3A_977 {strides = array<i32>} : memref<4x8x2048xf32, #tpu.memory_space<vmem>>, vector<1x1x16xf32>,
        %add3A_978 = arith.constant 48 : i32
        %add3A_979 = arith.addi %mul3A_309, %add3A_978 : i32
        %get3A_980 = arith.constant 3 : i32
        %get3A_981 = arith.constant 4 : i32
        %get3A_982 = arith.index_cast %get3A_980 : i32 to index
        %get3A_983 = arith.index_cast %get3A_981 : i32 to index
        %get3A_984 = arith.index_cast %add3A_979 : i32 to index
        %get3A_985 = tpu.vector_load %arg6[%get3A_982, %get3A_983, %get3A_984] {strides = array<i32>} : memref<4x8x2048xf32, #tpu.memory_space<vmem>>, vector<1x1x16xf32>,
        %get3A_986 = vector.shape_cast %get3A_985 : vector<1x1x16xf32> to vector<16xf32>
        %mul3A_987 = arith.mulf %get3A_986, %get3A_328 : vector<16xf32>
        %swap3A_988 = arith.constant 3 : i32
        %swap3A_989 = arith.constant 4 : i32
        %swap3A_990 = arith.index_cast %swap3A_988 : i32 to index
        %swap3A_991 = arith.index_cast %swap3A_989 : i32 to index
        %swap3A_992 = arith.index_cast %add3A_979 : i32 to index
        %swap3A_993 = tpu.vector_load %arg6[%swap3A_990, %swap3A_991, %swap3A_992] {strides = array<i32>} : memref<4x8x2048xf32, #tpu.memory_space<vmem>>, vector<1x1x16xf32>,
        %swap3A_994 = vector.shape_cast %swap3A_993 : vector<1x1x16xf32> to vector<16xf32>
        %swap3A_995 = vector.shape_cast %mul3A_987 : vector<16xf32> to vector<1x1x16xf32>
        tpu.vector_store %arg6[%swap3A_990, %swap3A_991, %swap3A_992], %swap3A_995 {strides = array<i32>} : memref<4x8x2048xf32, #tpu.memory_space<vmem>>, vector<1x1x16xf32>,
        %add3A_996 = arith.constant 64 : i32
        %add3A_997 = arith.addi %mul3A_309, %add3A_996 : i32
        %get3A_998 = arith.constant 3 : i32
        %get3A_999 = arith.constant 4 : i32
        %get3A_1000 = arith.index_cast %get3A_998 : i32 to index
        %get3A_1001 = arith.index_cast %get3A_999 : i32 to index
        %get3A_1002 = arith.index_cast %add3A_997 : i32 to index
        %get3A_1003 = tpu.vector_load %arg6[%get3A_1000, %get3A_1001, %get3A_1002] {strides = array<i32>} : memref<4x8x2048xf32, #tpu.memory_space<vmem>>, vector<1x1x16xf32>,
        %get3A_1004 = vector.shape_cast %get3A_1003 : vector<1x1x16xf32> to vector<16xf32>
        %mul3A_1005 = arith.mulf %get3A_1004, %get3A_333 : vector<16xf32>
        %swap3A_1006 = arith.constant 3 : i32
        %swap3A_1007 = arith.constant 4 : i32
        %swap3A_1008 = arith.index_cast %swap3A_1006 : i32 to index
        %swap3A_1009 = arith.index_cast %swap3A_1007 : i32 to index
        %swap3A_1010 = arith.index_cast %add3A_997 : i32 to index
        %swap3A_1011 = tpu.vector_load %arg6[%swap3A_1008, %swap3A_1009, %swap3A_1010] {strides = array<i32>} : memref<4x8x2048xf32, #tpu.memory_space<vmem>>, vector<1x1x16xf32>,
        %swap3A_1012 = vector.shape_cast %swap3A_1011 : vector<1x1x16xf32> to vector<16xf32>
        %swap3A_1013 = vector.shape_cast %mul3A_1005 : vector<16xf32> to vector<1x1x16xf32>
        tpu.vector_store %arg6[%swap3A_1008, %swap3A_1009, %swap3A_1010], %swap3A_1013 {strides = array<i32>} : memref<4x8x2048xf32, #tpu.memory_space<vmem>>, vector<1x1x16xf32>,
        %add3A_1014 = arith.constant 80 : i32
        %add3A_1015 = arith.addi %mul3A_309, %add3A_1014 : i32
        %get3A_1016 = arith.constant 3 : i32
        %get3A_1017 = arith.constant 4 : i32
        %get3A_1018 = arith.index_cast %get3A_1016 : i32 to index
        %get3A_1019 = arith.index_cast %get3A_1017 : i32 to index
        %get3A_1020 = arith.index_cast %add3A_1015 : i32 to index
        %get3A_1021 = tpu.vector_load %arg6[%get3A_1018, %get3A_1019, %get3A_1020] {strides = array<i32>} : memref<4x8x2048xf32, #tpu.memory_space<vmem>>, vector<1x1x16xf32>,
        %get3A_1022 = vector.shape_cast %get3A_1021 : vector<1x1x16xf32> to vector<16xf32>
        %mul3A_1023 = arith.mulf %get3A_1022, %get3A_338 : vector<16xf32>
        %swap3A_1024 = arith.constant 3 : i32
        %swap3A_1025 = arith.constant 4 : i32
        %swap3A_1026 = arith.index_cast %swap3A_1024 : i32 to index
        %swap3A_1027 = arith.index_cast %swap3A_1025 : i32 to index
        %swap3A_1028 = arith.index_cast %add3A_1015 : i32 to index
        %swap3A_1029 = tpu.vector_load %arg6[%swap3A_1026, %swap3A_1027, %swap3A_1028] {strides = array<i32>} : memref<4x8x2048xf32, #tpu.memory_space<vmem>>, vector<1x1x16xf32>,
        %swap3A_1030 = vector.shape_cast %swap3A_1029 : vector<1x1x16xf32> to vector<16xf32>
        %swap3A_1031 = vector.shape_cast %mul3A_1023 : vector<16xf32> to vector<1x1x16xf32>
        tpu.vector_store %arg6[%swap3A_1026, %swap3A_1027, %swap3A_1028], %swap3A_1031 {strides = array<i32>} : memref<4x8x2048xf32, #tpu.memory_space<vmem>>, vector<1x1x16xf32>,
        %add3A_1032 = arith.constant 96 : i32
        %add3A_1033 = arith.addi %mul3A_309, %add3A_1032 : i32
        %get3A_1034 = arith.constant 3 : i32
        %get3A_1035 = arith.constant 4 : i32
        %get3A_1036 = arith.index_cast %get3A_1034 : i32 to index
        %get3A_1037 = arith.index_cast %get3A_1035 : i32 to index
        %get3A_1038 = arith.index_cast %add3A_1033 : i32 to index
        %get3A_1039 = tpu.vector_load %arg6[%get3A_1036, %get3A_1037, %get3A_1038] {strides = array<i32>} : memref<4x8x2048xf32, #tpu.memory_space<vmem>>, vector<1x1x16xf32>,
        %get3A_1040 = vector.shape_cast %get3A_1039 : vector<1x1x16xf32> to vector<16xf32>
        %mul3A_1041 = arith.mulf %get3A_1040, %get3A_343 : vector<16xf32>
        %swap3A_1042 = arith.constant 3 : i32
        %swap3A_1043 = arith.constant 4 : i32
        %swap3A_1044 = arith.index_cast %swap3A_1042 : i32 to index
        %swap3A_1045 = arith.index_cast %swap3A_1043 : i32 to index
        %swap3A_1046 = arith.index_cast %add3A_1033 : i32 to index
        %swap3A_1047 = tpu.vector_load %arg6[%swap3A_1044, %swap3A_1045, %swap3A_1046] {strides = array<i32>} : memref<4x8x2048xf32, #tpu.memory_space<vmem>>, vector<1x1x16xf32>,
        %swap3A_1048 = vector.shape_cast %swap3A_1047 : vector<1x1x16xf32> to vector<16xf32>
        %swap3A_1049 = vector.shape_cast %mul3A_1041 : vector<16xf32> to vector<1x1x16xf32>
        tpu.vector_store %arg6[%swap3A_1044, %swap3A_1045, %swap3A_1046], %swap3A_1049 {strides = array<i32>} : memref<4x8x2048xf32, #tpu.memory_space<vmem>>, vector<1x1x16xf32>,
        %add3A_1050 = arith.constant 112 : i32
        %add3A_1051 = arith.addi %mul3A_309, %add3A_1050 : i32
        %get3A_1052 = arith.constant 3 : i32
        %get3A_1053 = arith.constant 4 : i32
        %get3A_1054 = arith.index_cast %get3A_1052 : i32 to index
        %get3A_1055 = arith.index_cast %get3A_1053 : i32 to index
        %get3A_1056 = arith.index_cast %add3A_1051 : i32 to index
        %get3A_1057 = tpu.vector_load %arg6[%get3A_1054, %get3A_1055, %get3A_1056] {strides = array<i32>} : memref<4x8x2048xf32, #tpu.memory_space<vmem>>, vector<1x1x16xf32>,
        %get3A_1058 = vector.shape_cast %get3A_1057 : vector<1x1x16xf32> to vector<16xf32>
        %mul3A_1059 = arith.mulf %get3A_1058, %get3A_348 : vector<16xf32>
        %swap3A_1060 = arith.constant 3 : i32
        %swap3A_1061 = arith.constant 4 : i32
        %swap3A_1062 = arith.index_cast %swap3A_1060 : i32 to index
        %swap3A_1063 = arith.index_cast %swap3A_1061 : i32 to index
        %swap3A_1064 = arith.index_cast %add3A_1051 : i32 to index
        %swap3A_1065 = tpu.vector_load %arg6[%swap3A_1062, %swap3A_1063, %swap3A_1064] {strides = array<i32>} : memref<4x8x2048xf32, #tpu.memory_space<vmem>>, vector<1x1x16xf32>,
        %swap3A_1066 = vector.shape_cast %swap3A_1065 : vector<1x1x16xf32> to vector<16xf32>
        %swap3A_1067 = vector.shape_cast %mul3A_1059 : vector<16xf32> to vector<1x1x16xf32>
        tpu.vector_store %arg6[%swap3A_1062, %swap3A_1063, %swap3A_1064], %swap3A_1067 {strides = array<i32>} : memref<4x8x2048xf32, #tpu.memory_space<vmem>>, vector<1x1x16xf32>,
        %add3A_1068 = arith.constant 0 : i32
        %add3A_1069 = arith.addi %mul3A_309, %add3A_1068 : i32
        %get3A_1070 = arith.constant 3 : i32
        %get3A_1071 = arith.constant 5 : i32
        %get3A_1072 = arith.index_cast %get3A_1070 : i32 to index
        %get3A_1073 = arith.index_cast %get3A_1071 : i32 to index
        %get3A_1074 = arith.index_cast %add3A_1069 : i32 to index
        %get3A_1075 = tpu.vector_load %arg6[%get3A_1072, %get3A_1073, %get3A_1074] {strides = array<i32>} : memref<4x8x2048xf32, #tpu.memory_space<vmem>>, vector<1x1x16xf32>,
        %get3A_1076 = vector.shape_cast %get3A_1075 : vector<1x1x16xf32> to vector<16xf32>
        %mul3A_1077 = arith.mulf %get3A_1076, %get3A_313 : vector<16xf32>
        %swap3A_1078 = arith.constant 3 : i32
        %swap3A_1079 = arith.constant 5 : i32
        %swap3A_1080 = arith.index_cast %swap3A_1078 : i32 to index
        %swap3A_1081 = arith.index_cast %swap3A_1079 : i32 to index
        %swap3A_1082 = arith.index_cast %add3A_1069 : i32 to index
        %swap3A_1083 = tpu.vector_load %arg6[%swap3A_1080, %swap3A_1081, %swap3A_1082] {strides = array<i32>} : memref<4x8x2048xf32, #tpu.memory_space<vmem>>, vector<1x1x16xf32>,
        %swap3A_1084 = vector.shape_cast %swap3A_1083 : vector<1x1x16xf32> to vector<16xf32>
        %swap3A_1085 = vector.shape_cast %mul3A_1077 : vector<16xf32> to vector<1x1x16xf32>
        tpu.vector_store %arg6[%swap3A_1080, %swap3A_1081, %swap3A_1082], %swap3A_1085 {strides = array<i32>} : memref<4x8x2048xf32, #tpu.memory_space<vmem>>, vector<1x1x16xf32>,
        %add3A_1086 = arith.constant 16 : i32
        %add3A_1087 = arith.addi %mul3A_309, %add3A_1086 : i32
        %get3A_1088 = arith.constant 3 : i32
        %get3A_1089 = arith.constant 5 : i32
        %get3A_1090 = arith.index_cast %get3A_1088 : i32 to index
        %get3A_1091 = arith.index_cast %get3A_1089 : i32 to index
        %get3A_1092 = arith.index_cast %add3A_1087 : i32 to index
        %get3A_1093 = tpu.vector_load %arg6[%get3A_1090, %get3A_1091, %get3A_1092] {strides = array<i32>} : memref<4x8x2048xf32, #tpu.memory_space<vmem>>, vector<1x1x16xf32>,
        %get3A_1094 = vector.shape_cast %get3A_1093 : vector<1x1x16xf32> to vector<16xf32>
        %mul3A_1095 = arith.mulf %get3A_1094, %get3A_318 : vector<16xf32>
        %swap3A_1096 = arith.constant 3 : i32
        %swap3A_1097 = arith.constant 5 : i32
        %swap3A_1098 = arith.index_cast %swap3A_1096 : i32 to index
        %swap3A_1099 = arith.index_cast %swap3A_1097 : i32 to index
        %swap3A_1100 = arith.index_cast %add3A_1087 : i32 to index
        %swap3A_1101 = tpu.vector_load %arg6[%swap3A_1098, %swap3A_1099, %swap3A_1100] {strides = array<i32>} : memref<4x8x2048xf32, #tpu.memory_space<vmem>>, vector<1x1x16xf32>,
        %swap3A_1102 = vector.shape_cast %swap3A_1101 : vector<1x1x16xf32> to vector<16xf32>
        %swap3A_1103 = vector.shape_cast %mul3A_1095 : vector<16xf32> to vector<1x1x16xf32>
        tpu.vector_store %arg6[%swap3A_1098, %swap3A_1099, %swap3A_1100], %swap3A_1103 {strides = array<i32>} : memref<4x8x2048xf32, #tpu.memory_space<vmem>>, vector<1x1x16xf32>,
        %add3A_1104 = arith.constant 32 : i32
        %add3A_1105 = arith.addi %mul3A_309, %add3A_1104 : i32
        %get3A_1106 = arith.constant 3 : i32
        %get3A_1107 = arith.constant 5 : i32
        %get3A_1108 = arith.index_cast %get3A_1106 : i32 to index
        %get3A_1109 = arith.index_cast %get3A_1107 : i32 to index
        %get3A_1110 = arith.index_cast %add3A_1105 : i32 to index
        %get3A_1111 = tpu.vector_load %arg6[%get3A_1108, %get3A_1109, %get3A_1110] {strides = array<i32>} : memref<4x8x2048xf32, #tpu.memory_space<vmem>>, vector<1x1x16xf32>,
        %get3A_1112 = vector.shape_cast %get3A_1111 : vector<1x1x16xf32> to vector<16xf32>
        %mul3A_1113 = arith.mulf %get3A_1112, %get3A_323 : vector<16xf32>
        %swap3A_1114 = arith.constant 3 : i32
        %swap3A_1115 = arith.constant 5 : i32
        %swap3A_1116 = arith.index_cast %swap3A_1114 : i32 to index
        %swap3A_1117 = arith.index_cast %swap3A_1115 : i32 to index
        %swap3A_1118 = arith.index_cast %add3A_1105 : i32 to index
        %swap3A_1119 = tpu.vector_load %arg6[%swap3A_1116, %swap3A_1117, %swap3A_1118] {strides = array<i32>} : memref<4x8x2048xf32, #tpu.memory_space<vmem>>, vector<1x1x16xf32>,
        %swap3A_1120 = vector.shape_cast %swap3A_1119 : vector<1x1x16xf32> to vector<16xf32>
        %swap3A_1121 = vector.shape_cast %mul3A_1113 : vector<16xf32> to vector<1x1x16xf32>
        tpu.vector_store %arg6[%swap3A_1116, %swap3A_1117, %swap3A_1118], %swap3A_1121 {strides = array<i32>} : memref<4x8x2048xf32, #tpu.memory_space<vmem>>, vector<1x1x16xf32>,
        %add3A_1122 = arith.constant 48 : i32
        %add3A_1123 = arith.addi %mul3A_309, %add3A_1122 : i32
        %get3A_1124 = arith.constant 3 : i32
        %get3A_1125 = arith.constant 5 : i32
        %get3A_1126 = arith.index_cast %get3A_1124 : i32 to index
        %get3A_1127 = arith.index_cast %get3A_1125 : i32 to index
        %get3A_1128 = arith.index_cast %add3A_1123 : i32 to index
        %get3A_1129 = tpu.vector_load %arg6[%get3A_1126, %get3A_1127, %get3A_1128] {strides = array<i32>} : memref<4x8x2048xf32, #tpu.memory_space<vmem>>, vector<1x1x16xf32>,
        %get3A_1130 = vector.shape_cast %get3A_1129 : vector<1x1x16xf32> to vector<16xf32>
        %mul3A_1131 = arith.mulf %get3A_1130, %get3A_328 : vector<16xf32>
        %swap3A_1132 = arith.constant 3 : i32
        %swap3A_1133 = arith.constant 5 : i32
        %swap3A_1134 = arith.index_cast %swap3A_1132 : i32 to index
        %swap3A_1135 = arith.index_cast %swap3A_1133 : i32 to index
        %swap3A_1136 = arith.index_cast %add3A_1123 : i32 to index
        %swap3A_1137 = tpu.vector_load %arg6[%swap3A_1134, %swap3A_1135, %swap3A_1136] {strides = array<i32>} : memref<4x8x2048xf32, #tpu.memory_space<vmem>>, vector<1x1x16xf32>,
        %swap3A_1138 = vector.shape_cast %swap3A_1137 : vector<1x1x16xf32> to vector<16xf32>
        %swap3A_1139 = vector.shape_cast %mul3A_1131 : vector<16xf32> to vector<1x1x16xf32>
        tpu.vector_store %arg6[%swap3A_1134, %swap3A_1135, %swap3A_1136], %swap3A_1139 {strides = array<i32>} : memref<4x8x2048xf32, #tpu.memory_space<vmem>>, vector<1x1x16xf32>,
        %add3A_1140 = arith.constant 64 : i32
        %add3A_1141 = arith.addi %mul3A_309, %add3A_1140 : i32
        %get3A_1142 = arith.constant 3 : i32
        %get3A_1143 = arith.constant 5 : i32
        %get3A_1144 = arith.index_cast %get3A_1142 : i32 to index
        %get3A_1145 = arith.index_cast %get3A_1143 : i32 to index
        %get3A_1146 = arith.index_cast %add3A_1141 : i32 to index
        %get3A_1147 = tpu.vector_load %arg6[%get3A_1144, %get3A_1145, %get3A_1146] {strides = array<i32>} : memref<4x8x2048xf32, #tpu.memory_space<vmem>>, vector<1x1x16xf32>,
        %get3A_1148 = vector.shape_cast %get3A_1147 : vector<1x1x16xf32> to vector<16xf32>
        %mul3A_1149 = arith.mulf %get3A_1148, %get3A_333 : vector<16xf32>
        %swap3A_1150 = arith.constant 3 : i32
        %swap3A_1151 = arith.constant 5 : i32
        %swap3A_1152 = arith.index_cast %swap3A_1150 : i32 to index
        %swap3A_1153 = arith.index_cast %swap3A_1151 : i32 to index
        %swap3A_1154 = arith.index_cast %add3A_1141 : i32 to index
        %swap3A_1155 = tpu.vector_load %arg6[%swap3A_1152, %swap3A_1153, %swap3A_1154] {strides = array<i32>} : memref<4x8x2048xf32, #tpu.memory_space<vmem>>, vector<1x1x16xf32>,
        %swap3A_1156 = vector.shape_cast %swap3A_1155 : vector<1x1x16xf32> to vector<16xf32>
        %swap3A_1157 = vector.shape_cast %mul3A_1149 : vector<16xf32> to vector<1x1x16xf32>
        tpu.vector_store %arg6[%swap3A_1152, %swap3A_1153, %swap3A_1154], %swap3A_1157 {strides = array<i32>} : memref<4x8x2048xf32, #tpu.memory_space<vmem>>, vector<1x1x16xf32>,
        %add3A_1158 = arith.constant 80 : i32
        %add3A_1159 = arith.addi %mul3A_309, %add3A_1158 : i32
        %get3A_1160 = arith.constant 3 : i32
        %get3A_1161 = arith.constant 5 : i32
        %get3A_1162 = arith.index_cast %get3A_1160 : i32 to index
        %get3A_1163 = arith.index_cast %get3A_1161 : i32 to index
        %get3A_1164 = arith.index_cast %add3A_1159 : i32 to index
        %get3A_1165 = tpu.vector_load %arg6[%get3A_1162, %get3A_1163, %get3A_1164] {strides = array<i32>} : memref<4x8x2048xf32, #tpu.memory_space<vmem>>, vector<1x1x16xf32>,
        %get3A_1166 = vector.shape_cast %get3A_1165 : vector<1x1x16xf32> to vector<16xf32>
        %mul3A_1167 = arith.mulf %get3A_1166, %get3A_338 : vector<16xf32>
        %swap3A_1168 = arith.constant 3 : i32
        %swap3A_1169 = arith.constant 5 : i32
        %swap3A_1170 = arith.index_cast %swap3A_1168 : i32 to index
        %swap3A_1171 = arith.index_cast %swap3A_1169 : i32 to index
        %swap3A_1172 = arith.index_cast %add3A_1159 : i32 to index
        %swap3A_1173 = tpu.vector_load %arg6[%swap3A_1170, %swap3A_1171, %swap3A_1172] {strides = array<i32>} : memref<4x8x2048xf32, #tpu.memory_space<vmem>>, vector<1x1x16xf32>,
        %swap3A_1174 = vector.shape_cast %swap3A_1173 : vector<1x1x16xf32> to vector<16xf32>
        %swap3A_1175 = vector.shape_cast %mul3A_1167 : vector<16xf32> to vector<1x1x16xf32>
        tpu.vector_store %arg6[%swap3A_1170, %swap3A_1171, %swap3A_1172], %swap3A_1175 {strides = array<i32>} : memref<4x8x2048xf32, #tpu.memory_space<vmem>>, vector<1x1x16xf32>,
        %add3A_1176 = arith.constant 96 : i32
        %add3A_1177 = arith.addi %mul3A_309, %add3A_1176 : i32
        %get3A_1178 = arith.constant 3 : i32
        %get3A_1179 = arith.constant 5 : i32
        %get3A_1180 = arith.index_cast %get3A_1178 : i32 to index
        %get3A_1181 = arith.index_cast %get3A_1179 : i32 to index
        %get3A_1182 = arith.index_cast %add3A_1177 : i32 to index
        %get3A_1183 = tpu.vector_load %arg6[%get3A_1180, %get3A_1181, %get3A_1182] {strides = array<i32>} : memref<4x8x2048xf32, #tpu.memory_space<vmem>>, vector<1x1x16xf32>,
        %get3A_1184 = vector.shape_cast %get3A_1183 : vector<1x1x16xf32> to vector<16xf32>
        %mul3A_1185 = arith.mulf %get3A_1184, %get3A_343 : vector<16xf32>
        %swap3A_1186 = arith.constant 3 : i32
        %swap3A_1187 = arith.constant 5 : i32
        %swap3A_1188 = arith.index_cast %swap3A_1186 : i32 to index
        %swap3A_1189 = arith.index_cast %swap3A_1187 : i32 to index
        %swap3A_1190 = arith.index_cast %add3A_1177 : i32 to index
        %swap3A_1191 = tpu.vector_load %arg6[%swap3A_1188, %swap3A_1189, %swap3A_1190] {strides = array<i32>} : memref<4x8x2048xf32, #tpu.memory_space<vmem>>, vector<1x1x16xf32>,
        %swap3A_1192 = vector.shape_cast %swap3A_1191 : vector<1x1x16xf32> to vector<16xf32>
        %swap3A_1193 = vector.shape_cast %mul3A_1185 : vector<16xf32> to vector<1x1x16xf32>
        tpu.vector_store %arg6[%swap3A_1188, %swap3A_1189, %swap3A_1190], %swap3A_1193 {strides = array<i32>} : memref<4x8x2048xf32, #tpu.memory_space<vmem>>, vector<1x1x16xf32>,
        %add3A_1194 = arith.constant 112 : i32
        %add3A_1195 = arith.addi %mul3A_309, %add3A_1194 : i32
        %get3A_1196 = arith.constant 3 : i32
        %get3A_1197 = arith.constant 5 : i32
        %get3A_1198 = arith.index_cast %get3A_1196 : i32 to index
        %get3A_1199 = arith.index_cast %get3A_1197 : i32 to index
        %get3A_1200 = arith.index_cast %add3A_1195 : i32 to index
        %get3A_1201 = tpu.vector_load %arg6[%get3A_1198, %get3A_1199, %get3A_1200] {strides = array<i32>} : memref<4x8x2048xf32, #tpu.memory_space<vmem>>, vector<1x1x16xf32>,
        %get3A_1202 = vector.shape_cast %get3A_1201 : vector<1x1x16xf32> to vector<16xf32>
        %mul3A_1203 = arith.mulf %get3A_1202, %get3A_348 : vector<16xf32>
        %swap3A_1204 = arith.constant 3 : i32
        %swap3A_1205 = arith.constant 5 : i32
        %swap3A_1206 = arith.index_cast %swap3A_1204 : i32 to index
        %swap3A_1207 = arith.index_cast %swap3A_1205 : i32 to index
        %swap3A_1208 = arith.index_cast %add3A_1195 : i32 to index
        %swap3A_1209 = tpu.vector_load %arg6[%swap3A_1206, %swap3A_1207, %swap3A_1208] {strides = array<i32>} : memref<4x8x2048xf32, #tpu.memory_space<vmem>>, vector<1x1x16xf32>,
        %swap3A_1210 = vector.shape_cast %swap3A_1209 : vector<1x1x16xf32> to vector<16xf32>
        %swap3A_1211 = vector.shape_cast %mul3A_1203 : vector<16xf32> to vector<1x1x16xf32>
        tpu.vector_store %arg6[%swap3A_1206, %swap3A_1207, %swap3A_1208], %swap3A_1211 {strides = array<i32>} : memref<4x8x2048xf32, #tpu.memory_space<vmem>>, vector<1x1x16xf32>,
        %add3A_1212 = arith.constant 0 : i32
        %add3A_1213 = arith.addi %mul3A_309, %add3A_1212 : i32
        %get3A_1214 = arith.constant 3 : i32
        %get3A_1215 = arith.constant 6 : i32
        %get3A_1216 = arith.index_cast %get3A_1214 : i32 to index
        %get3A_1217 = arith.index_cast %get3A_1215 : i32 to index
        %get3A_1218 = arith.index_cast %add3A_1213 : i32 to index
        %get3A_1219 = tpu.vector_load %arg6[%get3A_1216, %get3A_1217, %get3A_1218] {strides = array<i32>} : memref<4x8x2048xf32, #tpu.memory_space<vmem>>, vector<1x1x16xf32>,
        %get3A_1220 = vector.shape_cast %get3A_1219 : vector<1x1x16xf32> to vector<16xf32>
        %mul3A_1221 = arith.mulf %get3A_1220, %get3A_313 : vector<16xf32>
        %swap3A_1222 = arith.constant 3 : i32
        %swap3A_1223 = arith.constant 6 : i32
        %swap3A_1224 = arith.index_cast %swap3A_1222 : i32 to index
        %swap3A_1225 = arith.index_cast %swap3A_1223 : i32 to index
        %swap3A_1226 = arith.index_cast %add3A_1213 : i32 to index
        %swap3A_1227 = tpu.vector_load %arg6[%swap3A_1224, %swap3A_1225, %swap3A_1226] {strides = array<i32>} : memref<4x8x2048xf32, #tpu.memory_space<vmem>>, vector<1x1x16xf32>,
        %swap3A_1228 = vector.shape_cast %swap3A_1227 : vector<1x1x16xf32> to vector<16xf32>
        %swap3A_1229 = vector.shape_cast %mul3A_1221 : vector<16xf32> to vector<1x1x16xf32>
        tpu.vector_store %arg6[%swap3A_1224, %swap3A_1225, %swap3A_1226], %swap3A_1229 {strides = array<i32>} : memref<4x8x2048xf32, #tpu.memory_space<vmem>>, vector<1x1x16xf32>,
        %add3A_1230 = arith.constant 16 : i32
        %add3A_1231 = arith.addi %mul3A_309, %add3A_1230 : i32
        %get3A_1232 = arith.constant 3 : i32
        %get3A_1233 = arith.constant 6 : i32
        %get3A_1234 = arith.index_cast %get3A_1232 : i32 to index
        %get3A_1235 = arith.index_cast %get3A_1233 : i32 to index
        %get3A_1236 = arith.index_cast %add3A_1231 : i32 to index
        %get3A_1237 = tpu.vector_load %arg6[%get3A_1234, %get3A_1235, %get3A_1236] {strides = array<i32>} : memref<4x8x2048xf32, #tpu.memory_space<vmem>>, vector<1x1x16xf32>,
        %get3A_1238 = vector.shape_cast %get3A_1237 : vector<1x1x16xf32> to vector<16xf32>
        %mul3A_1239 = arith.mulf %get3A_1238, %get3A_318 : vector<16xf32>
        %swap3A_1240 = arith.constant 3 : i32
        %swap3A_1241 = arith.constant 6 : i32
        %swap3A_1242 = arith.index_cast %swap3A_1240 : i32 to index
        %swap3A_1243 = arith.index_cast %swap3A_1241 : i32 to index
        %swap3A_1244 = arith.index_cast %add3A_1231 : i32 to index
        %swap3A_1245 = tpu.vector_load %arg6[%swap3A_1242, %swap3A_1243, %swap3A_1244] {strides = array<i32>} : memref<4x8x2048xf32, #tpu.memory_space<vmem>>, vector<1x1x16xf32>,
        %swap3A_1246 = vector.shape_cast %swap3A_1245 : vector<1x1x16xf32> to vector<16xf32>
        %swap3A_1247 = vector.shape_cast %mul3A_1239 : vector<16xf32> to vector<1x1x16xf32>
        tpu.vector_store %arg6[%swap3A_1242, %swap3A_1243, %swap3A_1244], %swap3A_1247 {strides = array<i32>} : memref<4x8x2048xf32, #tpu.memory_space<vmem>>, vector<1x1x16xf32>,
        %add3A_1248 = arith.constant 32 : i32
        %add3A_1249 = arith.addi %mul3A_309, %add3A_1248 : i32
        %get3A_1250 = arith.constant 3 : i32
        %get3A_1251 = arith.constant 6 : i32
        %get3A_1252 = arith.index_cast %get3A_1250 : i32 to index
        %get3A_1253 = arith.index_cast %get3A_1251 : i32 to index
        %get3A_1254 = arith.index_cast %add3A_1249 : i32 to index
        %get3A_1255 = tpu.vector_load %arg6[%get3A_1252, %get3A_1253, %get3A_1254] {strides = array<i32>} : memref<4x8x2048xf32, #tpu.memory_space<vmem>>, vector<1x1x16xf32>,
        %get3A_1256 = vector.shape_cast %get3A_1255 : vector<1x1x16xf32> to vector<16xf32>
        %mul3A_1257 = arith.mulf %get3A_1256, %get3A_323 : vector<16xf32>
        %swap3A_1258 = arith.constant 3 : i32
        %swap3A_1259 = arith.constant 6 : i32
        %swap3A_1260 = arith.index_cast %swap3A_1258 : i32 to index
        %swap3A_1261 = arith.index_cast %swap3A_1259 : i32 to index
        %swap3A_1262 = arith.index_cast %add3A_1249 : i32 to index
        %swap3A_1263 = tpu.vector_load %arg6[%swap3A_1260, %swap3A_1261, %swap3A_1262] {strides = array<i32>} : memref<4x8x2048xf32, #tpu.memory_space<vmem>>, vector<1x1x16xf32>,
        %swap3A_1264 = vector.shape_cast %swap3A_1263 : vector<1x1x16xf32> to vector<16xf32>
        %swap3A_1265 = vector.shape_cast %mul3A_1257 : vector<16xf32> to vector<1x1x16xf32>
        tpu.vector_store %arg6[%swap3A_1260, %swap3A_1261, %swap3A_1262], %swap3A_1265 {strides = array<i32>} : memref<4x8x2048xf32, #tpu.memory_space<vmem>>, vector<1x1x16xf32>,
        %add3A_1266 = arith.constant 48 : i32
        %add3A_1267 = arith.addi %mul3A_309, %add3A_1266 : i32
        %get3A_1268 = arith.constant 3 : i32
        %get3A_1269 = arith.constant 6 : i32
        %get3A_1270 = arith.index_cast %get3A_1268 : i32 to index
        %get3A_1271 = arith.index_cast %get3A_1269 : i32 to index
        %get3A_1272 = arith.index_cast %add3A_1267 : i32 to index
        %get3A_1273 = tpu.vector_load %arg6[%get3A_1270, %get3A_1271, %get3A_1272] {strides = array<i32>} : memref<4x8x2048xf32, #tpu.memory_space<vmem>>, vector<1x1x16xf32>,
        %get3A_1274 = vector.shape_cast %get3A_1273 : vector<1x1x16xf32> to vector<16xf32>
        %mul3A_1275 = arith.mulf %get3A_1274, %get3A_328 : vector<16xf32>
        %swap3A_1276 = arith.constant 3 : i32
        %swap3A_1277 = arith.constant 6 : i32
        %swap3A_1278 = arith.index_cast %swap3A_1276 : i32 to index
        %swap3A_1279 = arith.index_cast %swap3A_1277 : i32 to index
        %swap3A_1280 = arith.index_cast %add3A_1267 : i32 to index
        %swap3A_1281 = tpu.vector_load %arg6[%swap3A_1278, %swap3A_1279, %swap3A_1280] {strides = array<i32>} : memref<4x8x2048xf32, #tpu.memory_space<vmem>>, vector<1x1x16xf32>,
        %swap3A_1282 = vector.shape_cast %swap3A_1281 : vector<1x1x16xf32> to vector<16xf32>
        %swap3A_1283 = vector.shape_cast %mul3A_1275 : vector<16xf32> to vector<1x1x16xf32>
        tpu.vector_store %arg6[%swap3A_1278, %swap3A_1279, %swap3A_1280], %swap3A_1283 {strides = array<i32>} : memref<4x8x2048xf32, #tpu.memory_space<vmem>>, vector<1x1x16xf32>,
        %add3A_1284 = arith.constant 64 : i32
        %add3A_1285 = arith.addi %mul3A_309, %add3A_1284 : i32
        %get3A_1286 = arith.constant 3 : i32
        %get3A_1287 = arith.constant 6 : i32
        %get3A_1288 = arith.index_cast %get3A_1286 : i32 to index
        %get3A_1289 = arith.index_cast %get3A_1287 : i32 to index
        %get3A_1290 = arith.index_cast %add3A_1285 : i32 to index
        %get3A_1291 = tpu.vector_load %arg6[%get3A_1288, %get3A_1289, %get3A_1290] {strides = array<i32>} : memref<4x8x2048xf32, #tpu.memory_space<vmem>>, vector<1x1x16xf32>,
        %get3A_1292 = vector.shape_cast %get3A_1291 : vector<1x1x16xf32> to vector<16xf32>
        %mul3A_1293 = arith.mulf %get3A_1292, %get3A_333 : vector<16xf32>
        %swap3A_1294 = arith.constant 3 : i32
        %swap3A_1295 = arith.constant 6 : i32
        %swap3A_1296 = arith.index_cast %swap3A_1294 : i32 to index
        %swap3A_1297 = arith.index_cast %swap3A_1295 : i32 to index
        %swap3A_1298 = arith.index_cast %add3A_1285 : i32 to index
        %swap3A_1299 = tpu.vector_load %arg6[%swap3A_1296, %swap3A_1297, %swap3A_1298] {strides = array<i32>} : memref<4x8x2048xf32, #tpu.memory_space<vmem>>, vector<1x1x16xf32>,
        %swap3A_1300 = vector.shape_cast %swap3A_1299 : vector<1x1x16xf32> to vector<16xf32>
        %swap3A_1301 = vector.shape_cast %mul3A_1293 : vector<16xf32> to vector<1x1x16xf32>
        tpu.vector_store %arg6[%swap3A_1296, %swap3A_1297, %swap3A_1298], %swap3A_1301 {strides = array<i32>} : memref<4x8x2048xf32, #tpu.memory_space<vmem>>, vector<1x1x16xf32>,
        %add3A_1302 = arith.constant 80 : i32
        %add3A_1303 = arith.addi %mul3A_309, %add3A_1302 : i32
        %get3A_1304 = arith.constant 3 : i32
        %get3A_1305 = arith.constant 6 : i32
        %get3A_1306 = arith.index_cast %get3A_1304 : i32 to index
        %get3A_1307 = arith.index_cast %get3A_1305 : i32 to index
        %get3A_1308 = arith.index_cast %add3A_1303 : i32 to index
        %get3A_1309 = tpu.vector_load %arg6[%get3A_1306, %get3A_1307, %get3A_1308] {strides = array<i32>} : memref<4x8x2048xf32, #tpu.memory_space<vmem>>, vector<1x1x16xf32>,
        %get3A_1310 = vector.shape_cast %get3A_1309 : vector<1x1x16xf32> to vector<16xf32>
        %mul3A_1311 = arith.mulf %get3A_1310, %get3A_338 : vector<16xf32>
        %swap3A_1312 = arith.constant 3 : i32
        %swap3A_1313 = arith.constant 6 : i32
        %swap3A_1314 = arith.index_cast %swap3A_1312 : i32 to index
        %swap3A_1315 = arith.index_cast %swap3A_1313 : i32 to index
        %swap3A_1316 = arith.index_cast %add3A_1303 : i32 to index
        %swap3A_1317 = tpu.vector_load %arg6[%swap3A_1314, %swap3A_1315, %swap3A_1316] {strides = array<i32>} : memref<4x8x2048xf32, #tpu.memory_space<vmem>>, vector<1x1x16xf32>,
        %swap3A_1318 = vector.shape_cast %swap3A_1317 : vector<1x1x16xf32> to vector<16xf32>
        %swap3A_1319 = vector.shape_cast %mul3A_1311 : vector<16xf32> to vector<1x1x16xf32>
        tpu.vector_store %arg6[%swap3A_1314, %swap3A_1315, %swap3A_1316], %swap3A_1319 {strides = array<i32>} : memref<4x8x2048xf32, #tpu.memory_space<vmem>>, vector<1x1x16xf32>,
        %add3A_1320 = arith.constant 96 : i32
        %add3A_1321 = arith.addi %mul3A_309, %add3A_1320 : i32
        %get3A_1322 = arith.constant 3 : i32
        %get3A_1323 = arith.constant 6 : i32
        %get3A_1324 = arith.index_cast %get3A_1322 : i32 to index
        %get3A_1325 = arith.index_cast %get3A_1323 : i32 to index
        %get3A_1326 = arith.index_cast %add3A_1321 : i32 to index
        %get3A_1327 = tpu.vector_load %arg6[%get3A_1324, %get3A_1325, %get3A_1326] {strides = array<i32>} : memref<4x8x2048xf32, #tpu.memory_space<vmem>>, vector<1x1x16xf32>,
        %get3A_1328 = vector.shape_cast %get3A_1327 : vector<1x1x16xf32> to vector<16xf32>
        %mul3A_1329 = arith.mulf %get3A_1328, %get3A_343 : vector<16xf32>
        %swap3A_1330 = arith.constant 3 : i32
        %swap3A_1331 = arith.constant 6 : i32
        %swap3A_1332 = arith.index_cast %swap3A_1330 : i32 to index
        %swap3A_1333 = arith.index_cast %swap3A_1331 : i32 to index
        %swap3A_1334 = arith.index_cast %add3A_1321 : i32 to index
        %swap3A_1335 = tpu.vector_load %arg6[%swap3A_1332, %swap3A_1333, %swap3A_1334] {strides = array<i32>} : memref<4x8x2048xf32, #tpu.memory_space<vmem>>, vector<1x1x16xf32>,
        %swap3A_1336 = vector.shape_cast %swap3A_1335 : vector<1x1x16xf32> to vector<16xf32>
        %swap3A_1337 = vector.shape_cast %mul3A_1329 : vector<16xf32> to vector<1x1x16xf32>
        tpu.vector_store %arg6[%swap3A_1332, %swap3A_1333, %swap3A_1334], %swap3A_1337 {strides = array<i32>} : memref<4x8x2048xf32, #tpu.memory_space<vmem>>, vector<1x1x16xf32>,
        %add3A_1338 = arith.constant 112 : i32
        %add3A_1339 = arith.addi %mul3A_309, %add3A_1338 : i32
        %get3A_1340 = arith.constant 3 : i32
        %get3A_1341 = arith.constant 6 : i32
        %get3A_1342 = arith.index_cast %get3A_1340 : i32 to index
        %get3A_1343 = arith.index_cast %get3A_1341 : i32 to index
        %get3A_1344 = arith.index_cast %add3A_1339 : i32 to index
        %get3A_1345 = tpu.vector_load %arg6[%get3A_1342, %get3A_1343, %get3A_1344] {strides = array<i32>} : memref<4x8x2048xf32, #tpu.memory_space<vmem>>, vector<1x1x16xf32>,
        %get3A_1346 = vector.shape_cast %get3A_1345 : vector<1x1x16xf32> to vector<16xf32>
        %mul3A_1347 = arith.mulf %get3A_1346, %get3A_348 : vector<16xf32>
        %swap3A_1348 = arith.constant 3 : i32
        %swap3A_1349 = arith.constant 6 : i32
        %swap3A_1350 = arith.index_cast %swap3A_1348 : i32 to index
        %swap3A_1351 = arith.index_cast %swap3A_1349 : i32 to index
        %swap3A_1352 = arith.index_cast %add3A_1339 : i32 to index
        %swap3A_1353 = tpu.vector_load %arg6[%swap3A_1350, %swap3A_1351, %swap3A_1352] {strides = array<i32>} : memref<4x8x2048xf32, #tpu.memory_space<vmem>>, vector<1x1x16xf32>,
        %swap3A_1354 = vector.shape_cast %swap3A_1353 : vector<1x1x16xf32> to vector<16xf32>
        %swap3A_1355 = vector.shape_cast %mul3A_1347 : vector<16xf32> to vector<1x1x16xf32>
        tpu.vector_store %arg6[%swap3A_1350, %swap3A_1351, %swap3A_1352], %swap3A_1355 {strides = array<i32>} : memref<4x8x2048xf32, #tpu.memory_space<vmem>>, vector<1x1x16xf32>,
        %add3A_1356 = arith.constant 0 : i32
        %add3A_1357 = arith.addi %mul3A_309, %add3A_1356 : i32
        %get3A_1358 = arith.constant 3 : i32
        %get3A_1359 = arith.constant 7 : i32
        %get3A_1360 = arith.index_cast %get3A_1358 : i32 to index
        %get3A_1361 = arith.index_cast %get3A_1359 : i32 to index
        %get3A_1362 = arith.index_cast %add3A_1357 : i32 to index
        %get3A_1363 = tpu.vector_load %arg6[%get3A_1360, %get3A_1361, %get3A_1362] {strides = array<i32>} : memref<4x8x2048xf32, #tpu.memory_space<vmem>>, vector<1x1x16xf32>,
        %get3A_1364 = vector.shape_cast %get3A_1363 : vector<1x1x16xf32> to vector<16xf32>
        %mul3A_1365 = arith.mulf %get3A_1364, %get3A_313 : vector<16xf32>
        %swap3A_1366 = arith.constant 3 : i32
        %swap3A_1367 = arith.constant 7 : i32
        %swap3A_1368 = arith.index_cast %swap3A_1366 : i32 to index
        %swap3A_1369 = arith.index_cast %swap3A_1367 : i32 to index
        %swap3A_1370 = arith.index_cast %add3A_1357 : i32 to index
        %swap3A_1371 = tpu.vector_load %arg6[%swap3A_1368, %swap3A_1369, %swap3A_1370] {strides = array<i32>} : memref<4x8x2048xf32, #tpu.memory_space<vmem>>, vector<1x1x16xf32>,
        %swap3A_1372 = vector.shape_cast %swap3A_1371 : vector<1x1x16xf32> to vector<16xf32>
        %swap3A_1373 = vector.shape_cast %mul3A_1365 : vector<16xf32> to vector<1x1x16xf32>
        tpu.vector_store %arg6[%swap3A_1368, %swap3A_1369, %swap3A_1370], %swap3A_1373 {strides = array<i32>} : memref<4x8x2048xf32, #tpu.memory_space<vmem>>, vector<1x1x16xf32>,
        %add3A_1374 = arith.constant 16 : i32
        %add3A_1375 = arith.addi %mul3A_309, %add3A_1374 : i32
        %get3A_1376 = arith.constant 3 : i32
        %get3A_1377 = arith.constant 7 : i32
        %get3A_1378 = arith.index_cast %get3A_1376 : i32 to index
        %get3A_1379 = arith.index_cast %get3A_1377 : i32 to index
        %get3A_1380 = arith.index_cast %add3A_1375 : i32 to index
        %get3A_1381 = tpu.vector_load %arg6[%get3A_1378, %get3A_1379, %get3A_1380] {strides = array<i32>} : memref<4x8x2048xf32, #tpu.memory_space<vmem>>, vector<1x1x16xf32>,
        %get3A_1382 = vector.shape_cast %get3A_1381 : vector<1x1x16xf32> to vector<16xf32>
        %mul3A_1383 = arith.mulf %get3A_1382, %get3A_318 : vector<16xf32>
        %swap3A_1384 = arith.constant 3 : i32
        %swap3A_1385 = arith.constant 7 : i32
        %swap3A_1386 = arith.index_cast %swap3A_1384 : i32 to index
        %swap3A_1387 = arith.index_cast %swap3A_1385 : i32 to index
        %swap3A_1388 = arith.index_cast %add3A_1375 : i32 to index
        %swap3A_1389 = tpu.vector_load %arg6[%swap3A_1386, %swap3A_1387, %swap3A_1388] {strides = array<i32>} : memref<4x8x2048xf32, #tpu.memory_space<vmem>>, vector<1x1x16xf32>,
        %swap3A_1390 = vector.shape_cast %swap3A_1389 : vector<1x1x16xf32> to vector<16xf32>
        %swap3A_1391 = vector.shape_cast %mul3A_1383 : vector<16xf32> to vector<1x1x16xf32>
        tpu.vector_store %arg6[%swap3A_1386, %swap3A_1387, %swap3A_1388], %swap3A_1391 {strides = array<i32>} : memref<4x8x2048xf32, #tpu.memory_space<vmem>>, vector<1x1x16xf32>,
        %add3A_1392 = arith.constant 32 : i32
        %add3A_1393 = arith.addi %mul3A_309, %add3A_1392 : i32
        %get3A_1394 = arith.constant 3 : i32
        %get3A_1395 = arith.constant 7 : i32
        %get3A_1396 = arith.index_cast %get3A_1394 : i32 to index
        %get3A_1397 = arith.index_cast %get3A_1395 : i32 to index
        %get3A_1398 = arith.index_cast %add3A_1393 : i32 to index
        %get3A_1399 = tpu.vector_load %arg6[%get3A_1396, %get3A_1397, %get3A_1398] {strides = array<i32>} : memref<4x8x2048xf32, #tpu.memory_space<vmem>>, vector<1x1x16xf32>,
        %get3A_1400 = vector.shape_cast %get3A_1399 : vector<1x1x16xf32> to vector<16xf32>
        %mul3A_1401 = arith.mulf %get3A_1400, %get3A_323 : vector<16xf32>
        %swap3A_1402 = arith.constant 3 : i32
        %swap3A_1403 = arith.constant 7 : i32
        %swap3A_1404 = arith.index_cast %swap3A_1402 : i32 to index
        %swap3A_1405 = arith.index_cast %swap3A_1403 : i32 to index
        %swap3A_1406 = arith.index_cast %add3A_1393 : i32 to index
        %swap3A_1407 = tpu.vector_load %arg6[%swap3A_1404, %swap3A_1405, %swap3A_1406] {strides = array<i32>} : memref<4x8x2048xf32, #tpu.memory_space<vmem>>, vector<1x1x16xf32>,
        %swap3A_1408 = vector.shape_cast %swap3A_1407 : vector<1x1x16xf32> to vector<16xf32>
        %swap3A_1409 = vector.shape_cast %mul3A_1401 : vector<16xf32> to vector<1x1x16xf32>
        tpu.vector_store %arg6[%swap3A_1404, %swap3A_1405, %swap3A_1406], %swap3A_1409 {strides = array<i32>} : memref<4x8x2048xf32, #tpu.memory_space<vmem>>, vector<1x1x16xf32>,
        %add3A_1410 = arith.constant 48 : i32
        %add3A_1411 = arith.addi %mul3A_309, %add3A_1410 : i32
        %get3A_1412 = arith.constant 3 : i32
        %get3A_1413 = arith.constant 7 : i32
        %get3A_1414 = arith.index_cast %get3A_1412 : i32 to index
        %get3A_1415 = arith.index_cast %get3A_1413 : i32 to index
        %get3A_1416 = arith.index_cast %add3A_1411 : i32 to index
        %get3A_1417 = tpu.vector_load %arg6[%get3A_1414, %get3A_1415, %get3A_1416] {strides = array<i32>} : memref<4x8x2048xf32, #tpu.memory_space<vmem>>, vector<1x1x16xf32>,
        %get3A_1418 = vector.shape_cast %get3A_1417 : vector<1x1x16xf32> to vector<16xf32>
        %mul3A_1419 = arith.mulf %get3A_1418, %get3A_328 : vector<16xf32>
        %swap3A_1420 = arith.constant 3 : i32
        %swap3A_1421 = arith.constant 7 : i32
        %swap3A_1422 = arith.index_cast %swap3A_1420 : i32 to index
        %swap3A_1423 = arith.index_cast %swap3A_1421 : i32 to index
        %swap3A_1424 = arith.index_cast %add3A_1411 : i32 to index
        %swap3A_1425 = tpu.vector_load %arg6[%swap3A_1422, %swap3A_1423, %swap3A_1424] {strides = array<i32>} : memref<4x8x2048xf32, #tpu.memory_space<vmem>>, vector<1x1x16xf32>,
        %swap3A_1426 = vector.shape_cast %swap3A_1425 : vector<1x1x16xf32> to vector<16xf32>
        %swap3A_1427 = vector.shape_cast %mul3A_1419 : vector<16xf32> to vector<1x1x16xf32>
        tpu.vector_store %arg6[%swap3A_1422, %swap3A_1423, %swap3A_1424], %swap3A_1427 {strides = array<i32>} : memref<4x8x2048xf32, #tpu.memory_space<vmem>>, vector<1x1x16xf32>,
        %add3A_1428 = arith.constant 64 : i32
        %add3A_1429 = arith.addi %mul3A_309, %add3A_1428 : i32
        %get3A_1430 = arith.constant 3 : i32
        %get3A_1431 = arith.constant 7 : i32
        %get3A_1432 = arith.index_cast %get3A_1430 : i32 to index
        %get3A_1433 = arith.index_cast %get3A_1431 : i32 to index
        %get3A_1434 = arith.index_cast %add3A_1429 : i32 to index
        %get3A_1435 = tpu.vector_load %arg6[%get3A_1432, %get3A_1433, %get3A_1434] {strides = array<i32>} : memref<4x8x2048xf32, #tpu.memory_space<vmem>>, vector<1x1x16xf32>,
        %get3A_1436 = vector.shape_cast %get3A_1435 : vector<1x1x16xf32> to vector<16xf32>
        %mul3A_1437 = arith.mulf %get3A_1436, %get3A_333 : vector<16xf32>
        %swap3A_1438 = arith.constant 3 : i32
        %swap3A_1439 = arith.constant 7 : i32
        %swap3A_1440 = arith.index_cast %swap3A_1438 : i32 to index
        %swap3A_1441 = arith.index_cast %swap3A_1439 : i32 to index
        %swap3A_1442 = arith.index_cast %add3A_1429 : i32 to index
        %swap3A_1443 = tpu.vector_load %arg6[%swap3A_1440, %swap3A_1441, %swap3A_1442] {strides = array<i32>} : memref<4x8x2048xf32, #tpu.memory_space<vmem>>, vector<1x1x16xf32>,
        %swap3A_1444 = vector.shape_cast %swap3A_1443 : vector<1x1x16xf32> to vector<16xf32>
        %swap3A_1445 = vector.shape_cast %mul3A_1437 : vector<16xf32> to vector<1x1x16xf32>
        tpu.vector_store %arg6[%swap3A_1440, %swap3A_1441, %swap3A_1442], %swap3A_1445 {strides = array<i32>} : memref<4x8x2048xf32, #tpu.memory_space<vmem>>, vector<1x1x16xf32>,
        %add3A_1446 = arith.constant 80 : i32
        %add3A_1447 = arith.addi %mul3A_309, %add3A_1446 : i32
        %get3A_1448 = arith.constant 3 : i32
        %get3A_1449 = arith.constant 7 : i32
        %get3A_1450 = arith.index_cast %get3A_1448 : i32 to index
        %get3A_1451 = arith.index_cast %get3A_1449 : i32 to index
        %get3A_1452 = arith.index_cast %add3A_1447 : i32 to index
        %get3A_1453 = tpu.vector_load %arg6[%get3A_1450, %get3A_1451, %get3A_1452] {strides = array<i32>} : memref<4x8x2048xf32, #tpu.memory_space<vmem>>, vector<1x1x16xf32>,
        %get3A_1454 = vector.shape_cast %get3A_1453 : vector<1x1x16xf32> to vector<16xf32>
        %mul3A_1455 = arith.mulf %get3A_1454, %get3A_338 : vector<16xf32>
        %swap3A_1456 = arith.constant 3 : i32
        %swap3A_1457 = arith.constant 7 : i32
        %swap3A_1458 = arith.index_cast %swap3A_1456 : i32 to index
        %swap3A_1459 = arith.index_cast %swap3A_1457 : i32 to index
        %swap3A_1460 = arith.index_cast %add3A_1447 : i32 to index
        %swap3A_1461 = tpu.vector_load %arg6[%swap3A_1458, %swap3A_1459, %swap3A_1460] {strides = array<i32>} : memref<4x8x2048xf32, #tpu.memory_space<vmem>>, vector<1x1x16xf32>,
        %swap3A_1462 = vector.shape_cast %swap3A_1461 : vector<1x1x16xf32> to vector<16xf32>
        %swap3A_1463 = vector.shape_cast %mul3A_1455 : vector<16xf32> to vector<1x1x16xf32>
        tpu.vector_store %arg6[%swap3A_1458, %swap3A_1459, %swap3A_1460], %swap3A_1463 {strides = array<i32>} : memref<4x8x2048xf32, #tpu.memory_space<vmem>>, vector<1x1x16xf32>,
        %add3A_1464 = arith.constant 96 : i32
        %add3A_1465 = arith.addi %mul3A_309, %add3A_1464 : i32
        %get3A_1466 = arith.constant 3 : i32
        %get3A_1467 = arith.constant 7 : i32
        %get3A_1468 = arith.index_cast %get3A_1466 : i32 to index
        %get3A_1469 = arith.index_cast %get3A_1467 : i32 to index
        %get3A_1470 = arith.index_cast %add3A_1465 : i32 to index
        %get3A_1471 = tpu.vector_load %arg6[%get3A_1468, %get3A_1469, %get3A_1470] {strides = array<i32>} : memref<4x8x2048xf32, #tpu.memory_space<vmem>>, vector<1x1x16xf32>,
        %get3A_1472 = vector.shape_cast %get3A_1471 : vector<1x1x16xf32> to vector<16xf32>
        %mul3A_1473 = arith.mulf %get3A_1472, %get3A_343 : vector<16xf32>
        %swap3A_1474 = arith.constant 3 : i32
        %swap3A_1475 = arith.constant 7 : i32
        %swap3A_1476 = arith.index_cast %swap3A_1474 : i32 to index
        %swap3A_1477 = arith.index_cast %swap3A_1475 : i32 to index
        %swap3A_1478 = arith.index_cast %add3A_1465 : i32 to index
        %swap3A_1479 = tpu.vector_load %arg6[%swap3A_1476, %swap3A_1477, %swap3A_1478] {strides = array<i32>} : memref<4x8x2048xf32, #tpu.memory_space<vmem>>, vector<1x1x16xf32>,
        %swap3A_1480 = vector.shape_cast %swap3A_1479 : vector<1x1x16xf32> to vector<16xf32>
        %swap3A_1481 = vector.shape_cast %mul3A_1473 : vector<16xf32> to vector<1x1x16xf32>
        tpu.vector_store %arg6[%swap3A_1476, %swap3A_1477, %swap3A_1478], %swap3A_1481 {strides = array<i32>} : memref<4x8x2048xf32, #tpu.memory_space<vmem>>, vector<1x1x16xf32>,
        %add3A_1482 = arith.constant 112 : i32
        %add3A_1483 = arith.addi %mul3A_309, %add3A_1482 : i32
        %get3A_1484 = arith.constant 3 : i32
        %get3A_1485 = arith.constant 7 : i32
        %get3A_1486 = arith.index_cast %get3A_1484 : i32 to index
        %get3A_1487 = arith.index_cast %get3A_1485 : i32 to index
        %get3A_1488 = arith.index_cast %add3A_1483 : i32 to index
        %get3A_1489 = tpu.vector_load %arg6[%get3A_1486, %get3A_1487, %get3A_1488] {strides = array<i32>} : memref<4x8x2048xf32, #tpu.memory_space<vmem>>, vector<1x1x16xf32>,
        %get3A_1490 = vector.shape_cast %get3A_1489 : vector<1x1x16xf32> to vector<16xf32>
        %mul3A_1491 = arith.mulf %get3A_1490, %get3A_348 : vector<16xf32>
        %swap3A_1492 = arith.constant 3 : i32
        %swap3A_1493 = arith.constant 7 : i32
        %swap3A_1494 = arith.index_cast %swap3A_1492 : i32 to index
        %swap3A_1495 = arith.index_cast %swap3A_1493 : i32 to index
        %swap3A_1496 = arith.index_cast %add3A_1483 : i32 to index
        %swap3A_1497 = tpu.vector_load %arg6[%swap3A_1494, %swap3A_1495, %swap3A_1496] {strides = array<i32>} : memref<4x8x2048xf32, #tpu.memory_space<vmem>>, vector<1x1x16xf32>,
        %swap3A_1498 = vector.shape_cast %swap3A_1497 : vector<1x1x16xf32> to vector<16xf32>
        %swap3A_1499 = vector.shape_cast %mul3A_1491 : vector<16xf32> to vector<1x1x16xf32>
        tpu.vector_store %arg6[%swap3A_1494, %swap3A_1495, %swap3A_1496], %swap3A_1499 {strides = array<i32>} : memref<4x8x2048xf32, #tpu.memory_space<vmem>>, vector<1x1x16xf32>,
      }
      %scan3A_293 = arith.constant 16 : i32
      %dma_start3A_294 = arith.constant 3 : i32
      %dma_start3A_295 = arith.constant 0 : i32
      %dma_start3A_296 = arith.constant 0 : i32
      %dma_start3A_297 = tpu.memref_slice %arg6[%dma_start3A_294, %dma_start3A_295, %dma_start3A_296] : memref<4x8x2048xf32, #tpu.memory_space<vmem>> -> memref<1x8x2048xf32, #tpu.memory_space<vmem>>
      %dma_start3A_298 = tpu.memref_squeeze %dma_start3A_297 : memref<1x8x2048xf32, #tpu.memory_space<vmem>> -> memref<8x2048xf32, #tpu.memory_space<vmem>>
      %dma_start3A_299 = arith.constant 0 : i32
      %dma_start3A_300 = tpu.memref_slice %arg4[%add3A_255, %dma_start3A_299] : memref<32768x2048xf32, #tpu.memory_space<hbm>> -> memref<8x2048xf32, #tpu.memory_space<hbm>>
      %dma_start3A_301 = arith.constant 0 : i32
      %dma_start3A_302 = tpu.memref_slice %arg4[%add3A_255, %dma_start3A_301] : memref<32768x2048xf32, #tpu.memory_space<hbm>> -> memref<8x2048xf32, #tpu.memory_space<hbm>>
      %dma_start3A_303 = arith.constant 0 : i32
      %dma_start3A_304 = arith.constant 0 : i32
      %dma_start3A_305 = tpu.memref_slice %arg6[%dma_start3A_294, %dma_start3A_303, %dma_start3A_304] : memref<4x8x2048xf32, #tpu.memory_space<vmem>> -> memref<1x8x2048xf32, #tpu.memory_space<vmem>>
      %dma_start3A_306 = tpu.memref_squeeze %dma_start3A_305 : memref<1x8x2048xf32, #tpu.memory_space<vmem>> -> memref<8x2048xf32, #tpu.memory_space<vmem>>
      tpu.enqueue_dma source(%dma_start3A_306 : memref<8x2048xf32, #tpu.memory_space<vmem>>) target(%dma_start3A_302 : memref<8x2048xf32, #tpu.memory_space<hbm>>) target_semaphore(%arg14 : memref<!tpu.dma_semaphore, #tpu.memory_space<semaphore_mem>>)
    }
    %scan3A_19 = arith.constant 32 : i32
    %add3A_20 = arith.constant 992 : i32
    %add3A_21 = arith.addi %mul3A_2, %add3A_20 : i32
    %dma_wait3A = arith.constant 0 : i32
    %dma_wait3A_22 = arith.constant 0 : i32
    %dma_wait3A_23 = arith.constant 0 : i32
    %dma_wait3A_24 = tpu.memref_slice %arg6[%dma_wait3A, %dma_wait3A_22, %dma_wait3A_23] : memref<4x8x2048xf32, #tpu.memory_space<vmem>> -> memref<1x8x2048xf32, #tpu.memory_space<vmem>>
    %dma_wait3A_25 = tpu.memref_squeeze %dma_wait3A_24 : memref<1x8x2048xf32, #tpu.memory_space<vmem>> -> memref<8x2048xf32, #tpu.memory_space<vmem>>
    %dma_wait3A_26 = arith.constant 0 : i32
    %dma_wait3A_27 = tpu.memref_slice %arg4[%add3A_21, %dma_wait3A_26] : memref<32768x2048xf32, #tpu.memory_space<hbm>> -> memref<8x2048xf32, #tpu.memory_space<hbm>>
    %dma_wait3A_28 = arith.constant 0 : i32
    %dma_wait3A_29 = tpu.memref_slice %arg4[%add3A_21, %dma_wait3A_28] : memref<32768x2048xf32, #tpu.memory_space<hbm>> -> memref<8x2048xf32, #tpu.memory_space<hbm>>
    %dma_wait3A_30 = arith.constant 0 : i32
    %dma_wait3A_31 = arith.constant 0 : i32
    %dma_wait3A_32 = tpu.memref_slice %arg6[%dma_wait3A, %dma_wait3A_30, %dma_wait3A_31] : memref<4x8x2048xf32, #tpu.memory_space<vmem>> -> memref<1x8x2048xf32, #tpu.memory_space<vmem>>
    %dma_wait3A_33 = tpu.memref_squeeze %dma_wait3A_32 : memref<1x8x2048xf32, #tpu.memory_space<vmem>> -> memref<8x2048xf32, #tpu.memory_space<vmem>>
    tpu.wait_dma2 semaphore(%arg11 : memref<!tpu.dma_semaphore, #tpu.memory_space<semaphore_mem>>) src(%dma_wait3A_33 : memref<8x2048xf32, #tpu.memory_space<vmem>>) dst(%dma_wait3A_29 : memref<8x2048xf32, #tpu.memory_space<hbm>>)
    %add3A_34 = arith.constant 1000 : i32
    %add3A_35 = arith.addi %mul3A_2, %add3A_34 : i32
    %dma_wait3A_36 = arith.constant 1 : i32
    %dma_wait3A_37 = arith.constant 0 : i32
    %dma_wait3A_38 = arith.constant 0 : i32
    %dma_wait3A_39 = tpu.memref_slice %arg6[%dma_wait3A_36, %dma_wait3A_37, %dma_wait3A_38] : memref<4x8x2048xf32, #tpu.memory_space<vmem>> -> memref<1x8x2048xf32, #tpu.memory_space<vmem>>
    %dma_wait3A_40 = tpu.memref_squeeze %dma_wait3A_39 : memref<1x8x2048xf32, #tpu.memory_space<vmem>> -> memref<8x2048xf32, #tpu.memory_space<vmem>>
    %dma_wait3A_41 = arith.constant 0 : i32
    %dma_wait3A_42 = tpu.memref_slice %arg4[%add3A_35, %dma_wait3A_41] : memref<32768x2048xf32, #tpu.memory_space<hbm>> -> memref<8x2048xf32, #tpu.memory_space<hbm>>
    %dma_wait3A_43 = arith.constant 0 : i32
    %dma_wait3A_44 = tpu.memref_slice %arg4[%add3A_35, %dma_wait3A_43] : memref<32768x2048xf32, #tpu.memory_space<hbm>> -> memref<8x2048xf32, #tpu.memory_space<hbm>>
    %dma_wait3A_45 = arith.constant 0 : i32
    %dma_wait3A_46 = arith.constant 0 : i32
    %dma_wait3A_47 = tpu.memref_slice %arg6[%dma_wait3A_36, %dma_wait3A_45, %dma_wait3A_46] : memref<4x8x2048xf32, #tpu.memory_space<vmem>> -> memref<1x8x2048xf32, #tpu.memory_space<vmem>>
    %dma_wait3A_48 = tpu.memref_squeeze %dma_wait3A_47 : memref<1x8x2048xf32, #tpu.memory_space<vmem>> -> memref<8x2048xf32, #tpu.memory_space<vmem>>
    tpu.wait_dma2 semaphore(%arg12 : memref<!tpu.dma_semaphore, #tpu.memory_space<semaphore_mem>>) src(%dma_wait3A_48 : memref<8x2048xf32, #tpu.memory_space<vmem>>) dst(%dma_wait3A_44 : memref<8x2048xf32, #tpu.memory_space<hbm>>)
    %add3A_49 = arith.constant 1008 : i32
    %add3A_50 = arith.addi %mul3A_2, %add3A_49 : i32
    %dma_wait3A_51 = arith.constant 2 : i32
    %dma_wait3A_52 = arith.constant 0 : i32
    %dma_wait3A_53 = arith.constant 0 : i32
    %dma_wait3A_54 = tpu.memref_slice %arg6[%dma_wait3A_51, %dma_wait3A_52, %dma_wait3A_53] : memref<4x8x2048xf32, #tpu.memory_space<vmem>> -> memref<1x8x2048xf32, #tpu.memory_space<vmem>>
    %dma_wait3A_55 = tpu.memref_squeeze %dma_wait3A_54 : memref<1x8x2048xf32, #tpu.memory_space<vmem>> -> memref<8x2048xf32, #tpu.memory_space<vmem>>
    %dma_wait3A_56 = arith.constant 0 : i32
    %dma_wait3A_57 = tpu.memref_slice %arg4[%add3A_50, %dma_wait3A_56] : memref<32768x2048xf32, #tpu.memory_space<hbm>> -> memref<8x2048xf32, #tpu.memory_space<hbm>>
    %dma_wait3A_58 = arith.constant 0 : i32
    %dma_wait3A_59 = tpu.memref_slice %arg4[%add3A_50, %dma_wait3A_58] : memref<32768x2048xf32, #tpu.memory_space<hbm>> -> memref<8x2048xf32, #tpu.memory_space<hbm>>
    %dma_wait3A_60 = arith.constant 0 : i32
    %dma_wait3A_61 = arith.constant 0 : i32
    %dma_wait3A_62 = tpu.memref_slice %arg6[%dma_wait3A_51, %dma_wait3A_60, %dma_wait3A_61] : memref<4x8x2048xf32, #tpu.memory_space<vmem>> -> memref<1x8x2048xf32, #tpu.memory_space<vmem>>
    %dma_wait3A_63 = tpu.memref_squeeze %dma_wait3A_62 : memref<1x8x2048xf32, #tpu.memory_space<vmem>> -> memref<8x2048xf32, #tpu.memory_space<vmem>>
    tpu.wait_dma2 semaphore(%arg13 : memref<!tpu.dma_semaphore, #tpu.memory_space<semaphore_mem>>) src(%dma_wait3A_63 : memref<8x2048xf32, #tpu.memory_space<vmem>>) dst(%dma_wait3A_59 : memref<8x2048xf32, #tpu.memory_space<hbm>>)
    %add3A_64 = arith.constant 1016 : i32
    %add3A_65 = arith.addi %mul3A_2, %add3A_64 : i32
    %dma_wait3A_66 = arith.constant 3 : i32
    %dma_wait3A_67 = arith.constant 0 : i32
    %dma_wait3A_68 = arith.constant 0 : i32
    %dma_wait3A_69 = tpu.memref_slice %arg6[%dma_wait3A_66, %dma_wait3A_67, %dma_wait3A_68] : memref<4x8x2048xf32, #tpu.memory_space<vmem>> -> memref<1x8x2048xf32, #tpu.memory_space<vmem>>
    %dma_wait3A_70 = tpu.memref_squeeze %dma_wait3A_69 : memref<1x8x2048xf32, #tpu.memory_space<vmem>> -> memref<8x2048xf32, #tpu.memory_space<vmem>>
    %dma_wait3A_71 = arith.constant 0 : i32
    %dma_wait3A_72 = tpu.memref_slice %arg4[%add3A_65, %dma_wait3A_71] : memref<32768x2048xf32, #tpu.memory_space<hbm>> -> memref<8x2048xf32, #tpu.memory_space<hbm>>
    %dma_wait3A_73 = arith.constant 0 : i32
    %dma_wait3A_74 = tpu.memref_slice %arg4[%add3A_65, %dma_wait3A_73] : memref<32768x2048xf32, #tpu.memory_space<hbm>> -> memref<8x2048xf32, #tpu.memory_space<hbm>>
    %dma_wait3A_75 = arith.constant 0 : i32
    %dma_wait3A_76 = arith.constant 0 : i32
    %dma_wait3A_77 = tpu.memref_slice %arg6[%dma_wait3A_66, %dma_wait3A_75, %dma_wait3A_76] : memref<4x8x2048xf32, #tpu.memory_space<vmem>> -> memref<1x8x2048xf32, #tpu.memory_space<vmem>>
    %dma_wait3A_78 = tpu.memref_squeeze %dma_wait3A_77 : memref<1x8x2048xf32, #tpu.memory_space<vmem>> -> memref<8x2048xf32, #tpu.memory_space<vmem>>
    tpu.wait_dma2 semaphore(%arg14 : memref<!tpu.dma_semaphore, #tpu.memory_space<semaphore_mem>>) src(%dma_wait3A_78 : memref<8x2048xf32, #tpu.memory_space<vmem>>) dst(%dma_wait3A_74 : memref<8x2048xf32, #tpu.memory_space<hbm>>)
    return
  }
}

</mosaic_0001>

<sc_bundles>
// kernel: kernel.3.cloned.1.call-start
scs
__scs_entry_jumppad:
0x0: {  	(pc) =	sbr.rel $0x88, $3  }
0x1: {  	(tag) =	ssettag $0x0;
	lr =	simm.s32 $0x1  }
0x2: {  	[smem:$0x3FA0] =	sst lr;
	_ =	strace $0xD0000000  }
0x3: {  	_ = 	snop  }
0x4: {  	_ = 	snop  }
0x5: {  	_ = 	snop  }
0x6: {  	_ = 	snop  }
0x7: {  	_ = 	snop  }
__scs_overlays_trampoline_lowered:
0x8: {  	[smem:$0x3FAF] =	sst s0  }
0x9: {  	[smem:$0x3FB0] =	sst s1  }
0xa: {  	[smem:$0x3FB1] =	sst s2  }
0xb: {  	[smem:$0x3FB2] =	sst s3  }
0xc: {  	[smem:$0x3FB3] =	sst s4  }
0xd: {  	[smem:$0x3FB4] =	sst s5  }
0xe: {  	[smem:$0x3FB5] =	sst s6  }
0xf: {  	[smem:$0x3FB6] =	sst s7  }
0x10: {  	[smem:$0x3FB7] =	sst s8  }
0x11: {  	[smem:$0x3FB8] =	sst s9;
	s0 =	simm.s32 @!p0 $0x0  }
0x12: {  	s1 =	sld [smem:$0x3F9E];
	s0 =	simm.s32 @p0 $0x1  }
0x13: {  	[smem:$0x3FB9] =	sst s0;
	s0 =	simm.s32 @!p1 $0x0  }
0x14: {  	s2 =	sld [smem:$0x3F9D];
	s0 =	simm.s32 @p1 $0x1  }
0x15: {  	[smem:$0x3FBA] =	sst s0;
	s0 =	simm.s32 @!p2 $0x0  }
0x16: {  	s3 =	sld [smem:$0x3FDB];
	s0 =	simm.s32 @p2 $0x1  }
0x17: {  	s4 =	simm.s32 $0x1BF5;
	[smem:$0x3FBC] =	sst s0  }
0x18: {  	s0 =	sld [smem:$0x3F9F];
	_ =	swait.ge [sflag:s4], $0x0  }
0x19: {  	s7 =	sld [smem:$0x3FA0]  }
0x1a: {  	s8 =	sadd.s32 $0xFFFFE003, lr  }
0x1b: {  	s9 =	sadd.s32 $0xFFFFFEF7, lr;
	s5 =	simm.s32 $0xFFFFFFFF;
	p2 =	slt.u32 s8, $0xFFFFF086  }
0x1c: {  	p1 =	slt.u32 s9, $0xF7A;
	s5 =	simm.s32 @!p2 $0x0  }
0x1d: {  	s5 =	simm.s32 @p1 $0x1;
	p0 =	seq.s32 s7, s2  }
0x1e: {  	s7 =	smul.u32 @!p0 $0xF7A, s2;
	p2 =	seq.s32 @!p0 s5, $0x0  }
0x1f: {  	s9 =	smul.u32 $0xF7A, s1;
	s8 =	simm.s32 @!p0 $0x1BF5;
	p2 =	por !p2, p0  }
0x20: {  	[sflag:s8] =	ssyncset.s32 @!p0 $0xFFFFF086;
	s6 =	sadd.s32 @!p0 s3, s7;
	s7 =	simm.s32 @!p0 $0x108  }
0x21: {  	s3 =	sadd.s32 s3, s9;
	s6 =	sadd.s32 @!p0 $0x88, s6;
	s7 =	simm.s32 @p2 $0x1082  }
0x22: {  	[simem:s7], [sflag:s8] =	dma.local @!p0 [hbm:s6], $0xF7A  }
0x23: {  	s9 =	sor.u32 $0xD0000000, s2;
	s6 =	simm.s32 $0x108;
	_ =	swait.ge @!p0 [sflag:s8], $0x0  }
0x24: {  	s3 =	sadd.s32 $0x88, s3;
	s6 =	simm.s32 @!p1 $0x1082;
	[sflag:s4] =	ssyncset.s32 $0xFFFFF086  }
0x25: {  	[simem:s6], [sflag:s4] =	dma.local [hbm:s3], $0xF7A  }
0x26: {  	[smem:$0x3FA0] =	sst s1;
	(tag) =	ssettag s2;
	_ =	strace s9  }
0x27: {  	s1 =	sld [smem:$0x3FB0]  }
0x28: {  	s2 =	sld [smem:$0x3FB1]  }
0x29: {  	s4 =	sld [smem:$0x3FB3]  }
0x2a: {  	p0 =	seq.s32 s5, $0x0;
	s5 =	sld [smem:$0x3FB4]  }
0x2b: {  	s6 =	sld [smem:$0x3FB5]  }
0x2c: {  	s7 =	sld [smem:$0x3FB6]  }
0x2d: {  	s3 =	simm.s32 $0x108;
	s8 =	sld [smem:$0x3FB7]  }
0x2e: {  	s3 =	simm.s32 @!p0 $0x1082;
	s9 =	sld [smem:$0x3FB8]  }
0x2f: {  	lr =	sadd.s32 s0, s3;
	s0 =	sld [smem:$0x3FAF]  }
0x30: {  	s3 =	sld [smem:$0x3FB2]  }
0x31: {  	[smem:$0x3FBB] =	sst s10  }
0x32: {  	s10 =	sld [smem:$0x3FB9];
	_ =	sdelay $0x3  }
0x33: {  	p0 =	seq.s32 s10, $0x1;
	s10 =	sld [smem:$0x3FBB];
	_ =	sdelay $0x3  }
0x34: {  	[smem:$0x3FBB] =	sst s10  }
0x35: {  	s10 =	sld [smem:$0x3FBA];
	_ =	sdelay $0x3  }
0x36: {  	p1 =	seq.s32 s10, $0x1;
	s10 =	sld [smem:$0x3FBB];
	_ =	sdelay $0x3  }
0x37: {  	[smem:$0x3FBB] =	sst s10  }
0x38: {  	s10 =	sld [smem:$0x3FBC]  }
0x39: {  	_ = 	snop;
	(pc) =	sbr.ind lr, $3  }
0x3a: {  	_ = 	snop  }
0x3b: {  	_ = 	snop  }
0x3c: {  	p2 =	seq.s32 s10, $0x1;
	s10 =	sld [smem:$0x3FBB]  }
0x3d: {  	_ =	shalt  }
0x3e: {  	_ =	shalt  }
0x3f: {  	_ =	shalt  }
0x40: {  	_ =	shalt  }
0x41: {  	_ =	shalt  }
0x42: {  	_ =	shalt  }
0x43: {  	_ =	shalt  }
0x44: {  	_ =	shalt  }
0x45: {  	_ =	shalt  }
0x46: {  	_ =	shalt  }
0x47: {  	_ =	shalt  }
0x48: {  	_ =	shalt  }
0x49: {  	_ =	shalt  }
0x4a: {  	_ =	shalt  }
0x4b: {  	_ =	shalt  }
0x4c: {  	_ =	shalt  }
0x4d: {  	_ =	shalt  }
0x4e: {  	_ =	shalt  }
0x4f: {  	_ =	shalt  }
0x50: {  	_ =	shalt  }
0x51: {  	_ =	shalt  }
0x52: {  	_ =	shalt  }
0x53: {  	_ =	shalt  }
0x54: {  	_ =	shalt  }
0x55: {  	_ =	shalt  }
0x56: {  	_ =	shalt  }
0x57: {  	_ =	shalt  }
0x58: {  	_ =	shalt  }
0x59: {  	_ =	shalt  }
0x5a: {  	_ =	shalt  }
0x5b: {  	_ =	shalt  }
0x5c: {  	_ =	shalt  }
0x5d: {  	_ =	shalt  }
0x5e: {  	_ =	shalt  }
0x5f: {  	_ =	shalt  }
0x60: {  	_ =	shalt  }
0x61: {  	_ =	shalt  }
0x62: {  	_ =	shalt  }
0x63: {  	_ =	shalt  }
0x64: {  	_ =	shalt  }
0x65: {  	_ =	shalt  }
0x66: {  	_ =	shalt  }
0x67: {  	_ =	shalt  }
0x68: {  	_ =	shalt  }
0x69: {  	_ =	shalt  }
0x6a: {  	_ =	shalt  }
0x6b: {  	_ =	shalt  }
0x6c: {  	_ =	shalt  }
0x6d: {  	_ =	shalt  }
0x6e: {  	_ =	shalt  }
0x6f: {  	_ =	shalt  }
0x70: {  	_ =	shalt  }
0x71: {  	_ =	shalt  }
0x72: {  	_ =	shalt  }
0x73: {  	_ =	shalt  }
0x74: {  	_ =	shalt  }
0x75: {  	_ =	shalt  }
0x76: {  	_ =	shalt  }
0x77: {  	_ =	shalt  }
0x78: {  	_ =	shalt  }
0x79: {  	_ =	shalt  }
0x7a: {  	_ =	shalt  }
0x7b: {  	_ =	shalt  }
0x7c: {  	_ =	shalt  }
0x7d: {  	_ =	shalt  }
0x7e: {  	_ =	shalt  }
0x7f: {  	_ =	shalt  }
0x80: {  	_ =	shalt  }
0x81: {  	_ =	shalt  }
0x82: {  	_ =	shalt  }
0x83: {  	_ =	shalt  }
0x84: {  	_ =	shalt  }
0x85: {  	_ =	shalt  }
0x86: {  	_ =	shalt  }
0x87: {  	_ =	shalt  }
.Lfunc_end0:
.L_simem_size_0:
called_computation_lowered:
.L_overlay_start_0:
0x88: {  	s2 =	sld [smem:$0x3FD9]  }
0x89: {  	s3 =	sld [smem:$0x3FFE];
	_ =	sdelay $0x1  }
0x8a: {  	s1 =	srdreg.scid  }
0x8b: {  	s0 =	sand.u32 $0x1, s1  }
0x8c: {  	s17 =	sshll.u32 s0, $0xA;
	s2 =	sadd.s32 s3, s2  }
0x8d: {  	s2 =	sadd.s32 s2, s17  }
0x8e: {  	[smem:$0x3FC7] =	sst s2  }
0x8f: {  	_ = 	snop  }
0x90: {  	s2 =	sld [smem:$0x3FC9]  }
0x91: {  	s18 =	sld [smem:$0x3FD0];
	(tm) =	ssettm $0x1  }
0x92: {  	s4 =	sld [smem:$0x3FFB];
	_ =	sdelay $0x3  }
0x93: {  	_ =	strace s4  }
0x94: {  	s4 =	sld [smem:$0x3FFC];
	_ =	sdelay $0x3  }
0x95: {  	_ =	strace s4  }
0x96: {  	s4 =	sld [smem:$0x3FFD];
	_ =	sdelay $0x3  }
0x97: {  	_ =	strace s4  }
0x98: {  	_ =	strace $0x8FFFFFFF  }
0x99: {  	s19 =	sld [smem:$0x3FDB];
	_ =	sdelay $0x1  }
0x9a: {  	s5 =	simm.s32 $_scs_section_size  }
0x9b: {  	s6 =	simm.s32 $_size__tile_overlayer_lowered;
	s7 =	simm.s32 $_tile_overlayer_lowered  }
0x9c: {  	s22 =	simm.s32 $0x1BFF;
	s21 =	sshll.u32 s7, $0x1;
	s4 =	sadd.s32 s5, s19  }
0x9d: {  	s8 =	simm.s32 $0x0;
	s20 =	sshll.u32 s6, $0x1;
	s6 =	sadd.s32 s21, s4  }
0x9e: {  	[timem:s8], [sflag:s22] =	dma.local [hbm:s6], s20  }
0x9f: {  	_ =	swait.ge [sflag:s22], s20  }
0xa0: {  	s5 =	ssub.s32 $0x0, s20;
	[sflag:s22] =	ssyncset.done $0x0  }
0xa1: {  	[sflag:s22] =	ssyncadd.s32 s5;
	_ =	sdelay $0x1  }
0xa2: {  	s23 =	simm.s32 $0x1B8B  }
0xa3: {  	_ =	swait.ge [sflag:s23], $0x1  }
0xa4: {  	[sflag:s23] =	ssyncset.done $0x0  }
0xa5: {  	s25 =	simm.s32 $0x1B8E;
	s24 =	sld [smem:$0x3FFE];
	[sflag:s23] =	ssyncadd.s32 $0xFFFFFFFF  }
0xa6: {  	s26 =	simm.s32 $execute0_lowered;
	[smem:$0x3FD2] =	sst s25  }
0xa7: {  	s6 =	sshll.u32 s26, $0x1;
	_ =	strace $0x80000046;
	[dreg:$0x1] =	wrdreg $0xFFFFFFFF  }
0xa8: {  	s28 =	simm.s32 $_size_execute0_lowered;
	s4 =	sadd.s32 s4, s6;
	[dreg:$0x0] =	wrdreg $0x0  }
0xa9: {  	s6 =	sshll.u32 s28, $0x1;
	[dreg:$0x2] =	wrdreg s4  }
0xaa: {  	[dreg:$0x3] =	wrdreg s6  }
0xab: {  	[dreg:$0x4] =	wrdreg $0xC0  }
0xac: {  	_ =	task [dreg:s8], $0x5FFFF  }
0xad: {  	[dreg:$0x1] =	wrdreg $0xFFFFFFFF  }
0xae: {  	[dreg:$0x0] =	wrdreg $0x60  }
0xaf: {  	[dreg:$0x2] =	wrdreg s2  }
0xb0: {  	[dreg:$0x3] =	wrdreg s24  }
0xb1: {  	[dreg:$0x4] =	wrdreg s18  }
0xb2: {  	[dreg:$0x5] =	wrdreg $0x9  }
0xb3: {  	_ =	task.clear_ibuf [dreg:s8], $0x6FFFF;
	_ =	strace $0x90000046  }
0xb4: {  	s29 =	simm.s32 $0x9;
	_ =	strace $0x80000048  }
0xb5: {  	_ =	swait.ge [sflag:s29], $0x1  }
0xb6: {  	[sflag:s29] =	ssyncadd.s32 $0xFFFFFFFF  }
0xb7: {  	_ =	strace $0x90000048  }
0xb8: {  	_ =	sfence  }
0xb9: {  	s30 =	sld [smem:$0x0];
	_ =	sdelay $0x2  }
0xba: {  	s31 =	sshll.u32 s1, $0xD;
	s1 =	sshrl.u32 s1, $0x2  }
0xbb: {  	s3 =	sand.u32 $0x4000, s31;
	s1 =	sadd.s32 s1, s30  }
0xbc: {  	s0 =	sor.u32 s3, s0;
	s1 =	sshll.u32 s1, $0x11  }
0xbd: {  	s0 =	sor.u32 s1, s0  }
0xbe: {  	s0 =	sadd.s32 $0x8F2B, s0  }
0xbf: {  	[sflag:s0] =	ssyncadd.remote.s32 $0x1  }
0xc0: {  	_ =	sfence.sel $0xFFFF  }
0xc1: {  	[dreg:$0x0] =	wrdreg $0xFFFFFFFF;
	(pc) =	sbr.abs _section_cstart, $3  }
0xc2: {  	[dreg:$0x1] =	wrdreg $0xFFFFFFFF  }
0xc3: {  	_ =	task.clear_ibuf [dreg:s8], $0x2FFFF;
	_ =	strace $0x9FFFFFFF  }
0xc4: {  	(tm) =	ssettm $0x7FFFFFFF  }
0xc5: {  	_ =	shalt  }
tec
execute0_lowered:
.L_overlay_start_1:
0x0: {  	(tag) =	ssettag $0x1  }
0x1: {  	s7 =	rddreg [dreg:$0x0]  }
0x2: {  	s5 =	rddreg [dreg:$0x1]  }
0x3: {  	s2 =	rddreg [dreg:$0x2]  }
0x4: {  	s0 =	rddreg [dreg:$0x3];
	s4 =	srdreg.scid  }
0x5: {  	s3 =	simm.s32 $0x0;
	s1 =	stileid.u32;
	s10 =	simm.s32 $0x800  }
0x6: {  	s11 =	simm.s32 $0x4800;
	s12 =	simm.s32 $0x1;
	s13 =	simm.s32 $0x8800  }
0x7: {  	s14 =	simm.s32 $0x2;
	s15 =	simm.s32 $0xC800;
	s16 =	simm.s32 $0x3  }
0x8: {  	s17 =	simm.s32 $0x4;
	s18 =	simm.s32 $0x5;
	s19 =	simm.s32 $0x6  }
0x9: {  	s20 =	simm.s32 $0x7;
	s21 =	simm.s32 $0x8;
	s4 =	sand.u32 $0x1, s4  }
0xa: {  	s22 =	simm.s32 $0x0;
	s6 =	sshll.u32 s1, $0xB;
	s8 =	sshll.u32 s4, $0xA  }
0xb: {  	[smem:$0x7FF] =	sst s3;
	s9 =	ssub.s32 $0x2, s4;
	s4 =	sor.u32 s8, s6  }
0xc: {  	s5 =	sadd.s32 $0x400, s5;
	s31 =	sshrl.u32 s9, $0x1;
	s8 =	sshll.u32 s4, $0x8  }
0xd: {  	_ =	strace $0x80000047;
	s9 =	ssub.s32 s9, s31;
	s6 =	sadd.s32 s7, s8  }
0xe: {  	s7 =	sadd.s32 $0x800, s7;
	s8 =	smax.u32 s9, $0x1;
	s9 =	simm.s32 $0x9  }
.LBB2_1:
0xf: {  	[tilespmem:s3], [sflag:$0x9] =	stream.linear.gather [hbm4b:s5+s3], $0x800, $0x38;
	[tilespmem:$0x10800] =	vst v63  }
0x10: {  	_ =	swait.ge [sflag:s9], $0x800  }
0x11: {  	[sflag:s9] =	ssyncset.done $0x0  }
0x12: {  	s23 =	simm.s32 $0x0;
	[sflag:s9] =	ssyncadd.s32 $0xFFFFF800  }
0x13: {  	[tilespmem:s10], [sflag:$0x1] =	stream.linear.gather [hbm4b:s6+s3], $0x4000, $0x38;
	[tilespmem:$0x10800] =	vst v63  }
.LBB2_2:
0x14: {  	p0 =	seq.s32 s23, $0x0  }
0x15: {  	s24 =	sshll.u32 s23, $0x5;
	s26 =	simm.s32 @!p0 $0x6  }
0x16: {  	s24 =	sor.u32 s4, s24;
	_ =	swait.ge @!p0 [sflag:s26], $0x4000  }
0x17: {  	s25 =	sshll.u32 s24, $0x8;
	[sflag:s26] =	ssyncset.done @!p0 $0x0  }
0x18: {  	s28 =	simm.s32 $0x0;
	s31 =	sadd.s32 s25, s7;
	[sflag:s26] =	ssyncadd.s32 @!p0 $0xFFFFC000  }
0x19: {  	[tilespmem:s11], [sflag:$0x2] =	stream.linear.gather [hbm4b:s31+s28], $0x4000, $0x38;
	[tilespmem:$0x10800] =	vst v63  }
0x1a: {  	_ =	swait.ge [sflag:s12], $0x4000  }
0x1b: {  	[sflag:s12] =	ssyncset.done $0x0  }
0x1c: {  	s26 =	simm.s32 $0xA00;
	[sflag:s12] =	ssyncadd.s32 $0xFFFFC000  }
0x1d: {  	s28 =	simm.s32 $0x0;
	v8 =	vld [tilespmem:s26+$0x1F0]  }
0x1e: {  	v0 =	vld [tilespmem:s28+$0x0]  }
0x1f: {  	v1 =	vld [tilespmem:s28+$0x10]  }
0x20: {  	v2 =	vld [tilespmem:s28+$0x20]  }
0x21: {  	v3 =	vld [tilespmem:s28+$0x30]  }
0x22: {  	v4 =	vld [tilespmem:s28+$0x40]  }
0x23: {  	v5 =	vld [tilespmem:s28+$0x50]  }
0x24: {  	v6 =	vld [tilespmem:s28+$0x60]  }
0x25: {  	v7 =	vld [tilespmem:s28+$0x70]  }
0x26: {  	v9 =	vld [tilespmem:s26+$0x1E0]  }
0x27: {  	v10 =	vld [tilespmem:s26+$0x1D0]  }
0x28: {  	v11 =	vld [tilespmem:s26+$0x1C0]  }
0x29: {  	v12 =	vld [tilespmem:s26+$0x1B0]  }
0x2a: {  	v13 =	vld [tilespmem:s26+$0x1A0];
	v8 =	vmul.f32 v8, v7  }
0x2b: {  	v14 =	vld [tilespmem:s26+$0x190];
	v9 =	vmul.f32 v9, v6  }
0x2c: {  	v15 =	vld [tilespmem:s26+$0x180];
	v10 =	vmul.f32 v10, v5;
	[tilespmem:s26+$0x1F0] =	vst v8  }
0x2d: {  	v54 =	vld [tilespmem:s26+$0x170];
	v11 =	vmul.f32 v11, v4;
	[tilespmem:s26+$0x1E0] =	vst v9  }
0x2e: {  	v55 =	vld [tilespmem:s26+$0x160];
	v12 =	vmul.f32 v12, v3;
	[tilespmem:s26+$0x1D0] =	vst v10  }
0x2f: {  	v56 =	vld [tilespmem:s26+$0x150];
	v13 =	vmul.f32 v13, v2;
	[tilespmem:s26+$0x1C0] =	vst v11  }
0x30: {  	v57 =	vld [tilespmem:s26+$0x140];
	v14 =	vmul.f32 v14, v1;
	[tilespmem:s26+$0x1B0] =	vst v12  }
0x31: {  	v58 =	vld [tilespmem:s26+$0x130];
	v15 =	vmul.f32 v15, v0;
	[tilespmem:s26+$0x1A0] =	vst v13  }
0x32: {  	v59 =	vld [tilespmem:s26+$0x120];
	v8 =	vmul.f32 v54, v7;
	[tilespmem:s26+$0x190] =	vst v14  }
0x33: {  	v60 =	vld [tilespmem:s26+$0x110];
	v9 =	vmul.f32 v55, v6;
	[tilespmem:s26+$0x180] =	vst v15  }
0x34: {  	v61 =	vld [tilespmem:s26+$0x100];
	v10 =	vmul.f32 v56, v5;
	[tilespmem:s26+$0x170] =	vst v8  }
0x35: {  	v62 =	vld [tilespmem:s26+$0xF0];
	v11 =	vmul.f32 v57, v4;
	[tilespmem:s26+$0x160] =	vst v9  }
0x36: {  	v63 =	vld [tilespmem:s26+$0xE0];
	v12 =	vmul.f32 v58, v3;
	[tilespmem:s26+$0x150] =	vst v10  }
0x37: {  	v18 =	vld [tilespmem:s26+$0xD0];
	v13 =	vmul.f32 v59, v2;
	[tilespmem:s26+$0x140] =	vst v11  }
0x38: {  	v19 =	vld [tilespmem:s26+$0xC0];
	v14 =	vmul.f32 v60, v1;
	[tilespmem:s26+$0x130] =	vst v12  }
0x39: {  	v20 =	vld [tilespmem:s26+$0xB0];
	v15 =	vmul.f32 v61, v0;
	[tilespmem:s26+$0x120] =	vst v13  }
0x3a: {  	v21 =	vld [tilespmem:s26+$0xA0];
	v8 =	vmul.f32 v62, v7;
	[tilespmem:s26+$0x110] =	vst v14  }
0x3b: {  	v22 =	vld [tilespmem:s26+$0x90];
	v9 =	vmul.f32 v63, v6;
	[tilespmem:s26+$0x100] =	vst v15  }
0x3c: {  	v23 =	vld [tilespmem:s26+$0x80];
	v10 =	vmul.f32 v18, v5;
	[tilespmem:s26+$0xF0] =	vst v8  }
0x3d: {  	v24 =	vld [tilespmem:s26+$0x70];
	v11 =	vmul.f32 v19, v4;
	[tilespmem:s26+$0xE0] =	vst v9  }
0x3e: {  	v25 =	vld [tilespmem:s26+$0x60];
	v12 =	vmul.f32 v20, v3;
	[tilespmem:s26+$0xD0] =	vst v10  }
0x3f: {  	v26 =	vld [tilespmem:s26+$0x50];
	v13 =	vmul.f32 v21, v2;
	[tilespmem:s26+$0xC0] =	vst v11  }
0x40: {  	v27 =	vld [tilespmem:s26+$0x40];
	v14 =	vmul.f32 v22, v1;
	[tilespmem:s26+$0xB0] =	vst v12  }
0x41: {  	v28 =	vld [tilespmem:s26+$0x30];
	v15 =	vmul.f32 v23, v0;
	[tilespmem:s26+$0xA0] =	vst v13  }
0x42: {  	v29 =	vld [tilespmem:s26+$0x20];
	v8 =	vmul.f32 v24, v7;
	[tilespmem:s26+$0x90] =	vst v14  }
0x43: {  	v30 =	vld [tilespmem:s26+$0x10];
	v9 =	vmul.f32 v25, v6;
	[tilespmem:s26+$0x80] =	vst v15  }
0x44: {  	v31 =	vld [tilespmem:s26+$0x0];
	v10 =	vmul.f32 v26, v5;
	[tilespmem:s26+$0x70] =	vst v8  }
0x45: {  	v32 =	vld [tilespmem:s26+$0xFFFFFFF0];
	v11 =	vmul.f32 v27, v4;
	[tilespmem:s26+$0x60] =	vst v9  }
0x46: {  	v33 =	vld [tilespmem:s26+$0xFFFFFFE0];
	v12 =	vmul.f32 v28, v3;
	[tilespmem:s26+$0x50] =	vst v10  }
0x47: {  	v34 =	vld [tilespmem:s26+$0xFFFFFFD0];
	v13 =	vmul.f32 v29, v2;
	[tilespmem:s26+$0x40] =	vst v11  }
0x48: {  	v35 =	vld [tilespmem:s26+$0xFFFFFFC0];
	v14 =	vmul.f32 v30, v1;
	[tilespmem:s26+$0x30] =	vst v12  }
0x49: {  	v36 =	vld [tilespmem:s26+$0xFFFFFFB0];
	v15 =	vmul.f32 v31, v0;
	[tilespmem:s26+$0x20] =	vst v13  }
0x4a: {  	v37 =	vld [tilespmem:s26+$0xFFFFFFA0];
	v8 =	vmul.f32 v32, v7;
	[tilespmem:s26+$0x10] =	vst v14  }
0x4b: {  	v38 =	vld [tilespmem:s26+$0xFFFFFF90];
	v9 =	vmul.f32 v33, v6;
	[tilespmem:s26+$0x0] =	vst v15  }
0x4c: {  	v39 =	vld [tilespmem:s26+$0xFFFFFF80];
	v10 =	vmul.f32 v34, v5;
	[tilespmem:s26+$0xFFFFFFF0] =	vst v8  }
0x4d: {  	v40 =	vld [tilespmem:s26+$0xFFFFFF70];
	v11 =	vmul.f32 v35, v4;
	[tilespmem:s26+$0xFFFFFFE0] =	vst v9  }
0x4e: {  	v41 =	vld [tilespmem:s26+$0xFFFFFF60];
	v12 =	vmul.f32 v36, v3;
	[tilespmem:s26+$0xFFFFFFD0] =	vst v10  }
0x4f: {  	v42 =	vld [tilespmem:s26+$0xFFFFFF50];
	v13 =	vmul.f32 v37, v2;
	[tilespmem:s26+$0xFFFFFFC0] =	vst v11  }
0x50: {  	v43 =	vld [tilespmem:s26+$0xFFFFFF40];
	v14 =	vmul.f32 v38, v1;
	[tilespmem:s26+$0xFFFFFFB0] =	vst v12  }
0x51: {  	v44 =	vld [tilespmem:s26+$0xFFFFFF30];
	v15 =	vmul.f32 v39, v0;
	[tilespmem:s26+$0xFFFFFFA0] =	vst v13  }
0x52: {  	v45 =	vld [tilespmem:s26+$0xFFFFFF20];
	v8 =	vmul.f32 v40, v7;
	[tilespmem:s26+$0xFFFFFF90] =	vst v14  }
0x53: {  	v46 =	vld [tilespmem:s26+$0xFFFFFF10];
	v9 =	vmul.f32 v41, v6;
	[tilespmem:s26+$0xFFFFFF80] =	vst v15  }
0x54: {  	v47 =	vld [tilespmem:s26+$0xFFFFFF00];
	v10 =	vmul.f32 v42, v5;
	[tilespmem:s26+$0xFFFFFF70] =	vst v8  }
0x55: {  	v48 =	vld [tilespmem:s26+$0xFFFFFEF0];
	v11 =	vmul.f32 v43, v4;
	[tilespmem:s26+$0xFFFFFF60] =	vst v9  }
0x56: {  	v49 =	vld [tilespmem:s26+$0xFFFFFEE0];
	v12 =	vmul.f32 v44, v3;
	[tilespmem:s26+$0xFFFFFF50] =	vst v10  }
0x57: {  	v50 =	vld [tilespmem:s26+$0xFFFFFED0];
	v13 =	vmul.f32 v45, v2;
	[tilespmem:s26+$0xFFFFFF40] =	vst v11  }
0x58: {  	v51 =	vld [tilespmem:s26+$0xFFFFFEC0];
	v14 =	vmul.f32 v46, v1;
	[tilespmem:s26+$0xFFFFFF30] =	vst v12  }
0x59: {  	v52 =	vld [tilespmem:s26+$0xFFFFFEB0];
	v15 =	vmul.f32 v47, v0;
	[tilespmem:s26+$0xFFFFFF20] =	vst v13  }
0x5a: {  	v53 =	vld [tilespmem:s26+$0xFFFFFEA0];
	v8 =	vmul.f32 v48, v7;
	[tilespmem:s26+$0xFFFFFF10] =	vst v14  }
0x5b: {  	v54 =	vld [tilespmem:s26+$0xFFFFFE90];
	v9 =	vmul.f32 v49, v6;
	[tilespmem:s26+$0xFFFFFF00] =	vst v15  }
0x5c: {  	v55 =	vld [tilespmem:s26+$0xFFFFFE80];
	v10 =	vmul.f32 v50, v5;
	[tilespmem:s26+$0xFFFFFEF0] =	vst v8  }
0x5d: {  	v56 =	vld [tilespmem:s26+$0xFFFFFE70];
	v11 =	vmul.f32 v51, v4;
	[tilespmem:s26+$0xFFFFFEE0] =	vst v9  }
0x5e: {  	v57 =	vld [tilespmem:s26+$0xFFFFFE60];
	v12 =	vmul.f32 v52, v3;
	[tilespmem:s26+$0xFFFFFED0] =	vst v10  }
0x5f: {  	v58 =	vld [tilespmem:s26+$0xFFFFFE50];
	v13 =	vmul.f32 v53, v2;
	[tilespmem:s26+$0xFFFFFEC0] =	vst v11  }
0x60: {  	v59 =	vld [tilespmem:s26+$0xFFFFFE40];
	v14 =	vmul.f32 v54, v1;
	[tilespmem:s26+$0xFFFFFEB0] =	vst v12  }
0x61: {  	v60 =	vld [tilespmem:s26+$0xFFFFFE30];
	v15 =	vmul.f32 v55, v0;
	[tilespmem:s26+$0xFFFFFEA0] =	vst v13  }
0x62: {  	v61 =	vld [tilespmem:s26+$0xFFFFFE20];
	v7 =	vmul.f32 v56, v7;
	[tilespmem:s26+$0xFFFFFE90] =	vst v14  }
0x63: {  	v62 =	vld [tilespmem:s26+$0xFFFFFE10];
	v6 =	vmul.f32 v57, v6;
	[tilespmem:s26+$0xFFFFFE80] =	vst v15  }
0x64: {  	v63 =	vld [tilespmem:s26+$0xFFFFFE00];
	v5 =	vmul.f32 v58, v5;
	[tilespmem:s26+$0xFFFFFE70] =	vst v7  }
0x65: {  	v4 =	vmul.f32 v59, v4;
	[tilespmem:s26+$0xFFFFFE60] =	vst v6  }
0x66: {  	v3 =	vmul.f32 v60, v3;
	[tilespmem:s26+$0xFFFFFE50] =	vst v5  }
0x67: {  	v2 =	vmul.f32 v61, v2;
	[tilespmem:s26+$0xFFFFFE40] =	vst v4  }
0x68: {  	v1 =	vmul.f32 v62, v1;
	[tilespmem:s26+$0xFFFFFE30] =	vst v3  }
0x69: {  	v0 =	vmul.f32 v63, v0;
	[tilespmem:s26+$0xFFFFFE20] =	vst v2  }
0x6a: {  	s29 =	simm.s32 $0x200;
	s30 =	simm.s32 $0xE00;
	s28 =	sshll.u32 s23, $0x2;
	[tilespmem:s26+$0xFFFFFE10] =	vst v1  }
.LBB2_3:
0x6b: {  	s31 =	sshra.s32 s29, $0x2;
	v8 =	vld [tilespmem:s30+$0x1F0];
	p1 =	sne.s32 s29, $0x1E00;
	s29 =	sadd.s32 $0x200, s29;
	[tilespmem:s26+$0xFFFFFE00] =	vst v0  }
0x6c: {  	s26 =	smov.u32 s30;
	v0 =	vld [tilespmem:s31+$0x0]  }
0x6d: {  	v1 =	vld [tilespmem:s31+$0x10]  }
0x6e: {  	v2 =	vld [tilespmem:s31+$0x20]  }
0x6f: {  	v3 =	vld [tilespmem:s31+$0x30]  }
0x70: {  	v4 =	vld [tilespmem:s31+$0x40]  }
0x71: {  	v5 =	vld [tilespmem:s31+$0x50]  }
0x72: {  	v6 =	vld [tilespmem:s31+$0x60]  }
0x73: {  	v7 =	vld [tilespmem:s31+$0x70]  }
0x74: {  	v9 =	vld [tilespmem:s30+$0x1E0]  }
0x75: {  	v10 =	vld [tilespmem:s30+$0x1D0]  }
0x76: {  	v11 =	vld [tilespmem:s30+$0x1C0]  }
0x77: {  	v12 =	vld [tilespmem:s30+$0x1B0]  }
0x78: {  	v13 =	vld [tilespmem:s30+$0x1A0];
	v8 =	vmul.f32 v8, v7  }
0x79: {  	v14 =	vld [tilespmem:s30+$0x190];
	v9 =	vmul.f32 v9, v6  }
0x7a: {  	v15 =	vld [tilespmem:s30+$0x180];
	v10 =	vmul.f32 v10, v5;
	[tilespmem:s30+$0x1F0] =	vst v8  }
0x7b: {  	v8 =	vld [tilespmem:s30+$0x170];
	v11 =	vmul.f32 v11, v4;
	[tilespmem:s30+$0x1E0] =	vst v9  }
0x7c: {  	v9 =	vld [tilespmem:s30+$0x160];
	v12 =	vmul.f32 v12, v3;
	[tilespmem:s30+$0x1D0] =	vst v10  }
0x7d: {  	v10 =	vld [tilespmem:s30+$0x150];
	v13 =	vmul.f32 v13, v2;
	[tilespmem:s30+$0x1C0] =	vst v11  }
0x7e: {  	v11 =	vld [tilespmem:s30+$0x140];
	v14 =	vmul.f32 v14, v1;
	[tilespmem:s30+$0x1B0] =	vst v12  }
0x7f: {  	v12 =	vld [tilespmem:s30+$0x130];
	v15 =	vmul.f32 v15, v0;
	[tilespmem:s30+$0x1A0] =	vst v13  }
0x80: {  	v13 =	vld [tilespmem:s30+$0x120];
	v8 =	vmul.f32 v8, v7;
	[tilespmem:s30+$0x190] =	vst v14  }
0x81: {  	v14 =	vld [tilespmem:s30+$0x110];
	v9 =	vmul.f32 v9, v6;
	[tilespmem:s30+$0x180] =	vst v15  }
0x82: {  	v15 =	vld [tilespmem:s30+$0x100];
	v10 =	vmul.f32 v10, v5;
	[tilespmem:s30+$0x170] =	vst v8  }
0x83: {  	v8 =	vld [tilespmem:s30+$0xF0];
	v11 =	vmul.f32 v11, v4;
	[tilespmem:s30+$0x160] =	vst v9  }
0x84: {  	v9 =	vld [tilespmem:s30+$0xE0];
	v12 =	vmul.f32 v12, v3;
	[tilespmem:s30+$0x150] =	vst v10  }
0x85: {  	v10 =	vld [tilespmem:s30+$0xD0];
	v13 =	vmul.f32 v13, v2;
	[tilespmem:s30+$0x140] =	vst v11  }
0x86: {  	v11 =	vld [tilespmem:s30+$0xC0];
	v14 =	vmul.f32 v14, v1;
	[tilespmem:s30+$0x130] =	vst v12  }
0x87: {  	v12 =	vld [tilespmem:s30+$0xB0];
	v15 =	vmul.f32 v15, v0;
	[tilespmem:s30+$0x120] =	vst v13  }
0x88: {  	v13 =	vld [tilespmem:s30+$0xA0];
	v8 =	vmul.f32 v8, v7;
	[tilespmem:s30+$0x110] =	vst v14  }
0x89: {  	v14 =	vld [tilespmem:s30+$0x90];
	v9 =	vmul.f32 v9, v6;
	[tilespmem:s30+$0x100] =	vst v15  }
0x8a: {  	v15 =	vld [tilespmem:s30+$0x80];
	v10 =	vmul.f32 v10, v5;
	[tilespmem:s30+$0xF0] =	vst v8  }
0x8b: {  	v8 =	vld [tilespmem:s30+$0x70];
	v11 =	vmul.f32 v11, v4;
	[tilespmem:s30+$0xE0] =	vst v9  }
0x8c: {  	v9 =	vld [tilespmem:s30+$0x60];
	v12 =	vmul.f32 v12, v3;
	[tilespmem:s30+$0xD0] =	vst v10  }
0x8d: {  	v10 =	vld [tilespmem:s30+$0x50];
	v13 =	vmul.f32 v13, v2;
	[tilespmem:s30+$0xC0] =	vst v11  }
0x8e: {  	v11 =	vld [tilespmem:s30+$0x40];
	v14 =	vmul.f32 v14, v1;
	[tilespmem:s30+$0xB0] =	vst v12  }
0x8f: {  	v12 =	vld [tilespmem:s30+$0x30];
	v15 =	vmul.f32 v15, v0;
	[tilespmem:s30+$0xA0] =	vst v13  }
0x90: {  	v13 =	vld [tilespmem:s30+$0x20];
	v8 =	vmul.f32 v8, v7;
	[tilespmem:s30+$0x90] =	vst v14  }
0x91: {  	v14 =	vld [tilespmem:s30+$0x10];
	v9 =	vmul.f32 v9, v6;
	[tilespmem:s30+$0x80] =	vst v15  }
0x92: {  	v15 =	vld [tilespmem:s30+$0x0];
	v10 =	vmul.f32 v10, v5;
	[tilespmem:s30+$0x70] =	vst v8  }
0x93: {  	v8 =	vld [tilespmem:s30+$0xFFFFFFF0];
	v11 =	vmul.f32 v11, v4;
	[tilespmem:s30+$0x60] =	vst v9  }
0x94: {  	v9 =	vld [tilespmem:s30+$0xFFFFFFE0];
	v12 =	vmul.f32 v12, v3;
	[tilespmem:s30+$0x50] =	vst v10  }
0x95: {  	v10 =	vld [tilespmem:s30+$0xFFFFFFD0];
	v13 =	vmul.f32 v13, v2;
	[tilespmem:s30+$0x40] =	vst v11  }
0x96: {  	v11 =	vld [tilespmem:s30+$0xFFFFFFC0];
	v14 =	vmul.f32 v14, v1;
	[tilespmem:s30+$0x30] =	vst v12  }
0x97: {  	v12 =	vld [tilespmem:s30+$0xFFFFFFB0];
	v15 =	vmul.f32 v15, v0;
	[tilespmem:s30+$0x20] =	vst v13  }
0x98: {  	v13 =	vld [tilespmem:s30+$0xFFFFFFA0];
	v8 =	vmul.f32 v8, v7;
	[tilespmem:s30+$0x10] =	vst v14  }
0x99: {  	v14 =	vld [tilespmem:s30+$0xFFFFFF90];
	v9 =	vmul.f32 v9, v6;
	[tilespmem:s30+$0x0] =	vst v15  }
0x9a: {  	v15 =	vld [tilespmem:s30+$0xFFFFFF80];
	v10 =	vmul.f32 v10, v5;
	[tilespmem:s30+$0xFFFFFFF0] =	vst v8  }
0x9b: {  	v8 =	vld [tilespmem:s30+$0xFFFFFF70];
	v11 =	vmul.f32 v11, v4;
	[tilespmem:s30+$0xFFFFFFE0] =	vst v9  }
0x9c: {  	v9 =	vld [tilespmem:s30+$0xFFFFFF60];
	v12 =	vmul.f32 v12, v3;
	[tilespmem:s30+$0xFFFFFFD0] =	vst v10  }
0x9d: {  	v10 =	vld [tilespmem:s30+$0xFFFFFF50];
	v13 =	vmul.f32 v13, v2;
	[tilespmem:s30+$0xFFFFFFC0] =	vst v11  }
0x9e: {  	v11 =	vld [tilespmem:s30+$0xFFFFFF40];
	v14 =	vmul.f32 v14, v1;
	[tilespmem:s30+$0xFFFFFFB0] =	vst v12  }
0x9f: {  	v12 =	vld [tilespmem:s30+$0xFFFFFF30];
	v15 =	vmul.f32 v15, v0;
	[tilespmem:s30+$0xFFFFFFA0] =	vst v13  }
0xa0: {  	v13 =	vld [tilespmem:s30+$0xFFFFFF20];
	v8 =	vmul.f32 v8, v7;
	[tilespmem:s30+$0xFFFFFF90] =	vst v14  }
0xa1: {  	v14 =	vld [tilespmem:s30+$0xFFFFFF10];
	v9 =	vmul.f32 v9, v6;
	[tilespmem:s30+$0xFFFFFF80] =	vst v15  }
0xa2: {  	v15 =	vld [tilespmem:s30+$0xFFFFFF00];
	v10 =	vmul.f32 v10, v5;
	[tilespmem:s30+$0xFFFFFF70] =	vst v8  }
0xa3: {  	v8 =	vld [tilespmem:s30+$0xFFFFFEF0];
	v11 =	vmul.f32 v11, v4;
	[tilespmem:s30+$0xFFFFFF60] =	vst v9  }
0xa4: {  	v9 =	vld [tilespmem:s30+$0xFFFFFEE0];
	v12 =	vmul.f32 v12, v3;
	[tilespmem:s30+$0xFFFFFF50] =	vst v10  }
0xa5: {  	v10 =	vld [tilespmem:s30+$0xFFFFFED0];
	v13 =	vmul.f32 v13, v2;
	[tilespmem:s30+$0xFFFFFF40] =	vst v11  }
0xa6: {  	v11 =	vld [tilespmem:s30+$0xFFFFFEC0];
	v14 =	vmul.f32 v14, v1;
	[tilespmem:s30+$0xFFFFFF30] =	vst v12  }
0xa7: {  	v12 =	vld [tilespmem:s30+$0xFFFFFEB0];
	v15 =	vmul.f32 v15, v0;
	[tilespmem:s30+$0xFFFFFF20] =	vst v13  }
0xa8: {  	v13 =	vld [tilespmem:s30+$0xFFFFFEA0];
	v8 =	vmul.f32 v8, v7;
	[tilespmem:s30+$0xFFFFFF10] =	vst v14  }
0xa9: {  	v14 =	vld [tilespmem:s30+$0xFFFFFE90];
	v9 =	vmul.f32 v9, v6;
	[tilespmem:s30+$0xFFFFFF00] =	vst v15  }
0xaa: {  	v15 =	vld [tilespmem:s30+$0xFFFFFE80];
	v10 =	vmul.f32 v10, v5;
	[tilespmem:s30+$0xFFFFFEF0] =	vst v8  }
0xab: {  	v8 =	vld [tilespmem:s30+$0xFFFFFE70];
	v11 =	vmul.f32 v11, v4;
	[tilespmem:s30+$0xFFFFFEE0] =	vst v9  }
0xac: {  	v9 =	vld [tilespmem:s30+$0xFFFFFE60];
	v12 =	vmul.f32 v12, v3;
	[tilespmem:s30+$0xFFFFFED0] =	vst v10  }
0xad: {  	v10 =	vld [tilespmem:s30+$0xFFFFFE50];
	v13 =	vmul.f32 v13, v2;
	[tilespmem:s30+$0xFFFFFEC0] =	vst v11  }
0xae: {  	v11 =	vld [tilespmem:s30+$0xFFFFFE40];
	v14 =	vmul.f32 v14, v1;
	[tilespmem:s30+$0xFFFFFEB0] =	vst v12  }
0xaf: {  	v12 =	vld [tilespmem:s30+$0xFFFFFE30];
	v15 =	vmul.f32 v15, v0;
	[tilespmem:s30+$0xFFFFFEA0] =	vst v13  }
0xb0: {  	v13 =	vld [tilespmem:s30+$0xFFFFFE20];
	v7 =	vmul.f32 v8, v7;
	[tilespmem:s30+$0xFFFFFE90] =	vst v14  }
0xb1: {  	v8 =	vld [tilespmem:s30+$0xFFFFFE10];
	v6 =	vmul.f32 v9, v6;
	[tilespmem:s30+$0xFFFFFE80] =	vst v15  }
0xb2: {  	v9 =	vld [tilespmem:s30+$0xFFFFFE00];
	v5 =	vmul.f32 v10, v5;
	[tilespmem:s30+$0xFFFFFE70] =	vst v7  }
0xb3: {  	v4 =	vmul.f32 v11, v4;
	[tilespmem:s30+$0xFFFFFE60] =	vst v6  }
.Ltmp0:
0xb4: {  	v3 =	vmul.f32 v12, v3;
	[tilespmem:s30+$0xFFFFFE50] =	vst v5;
	(pc) =	sbr.rel @p1 .LBB2_3-.Ltmp0, $4  }
0xb5: {  	v2 =	vmul.f32 v13, v2;
	[tilespmem:s30+$0xFFFFFE40] =	vst v4  }
0xb6: {  	v1 =	vmul.f32 v8, v1;
	[tilespmem:s30+$0xFFFFFE30] =	vst v3  }
0xb7: {  	v0 =	vmul.f32 v9, v0;
	[tilespmem:s30+$0xFFFFFE20] =	vst v2  }
0xb8: {  	s30 =	sadd.s32 $0x400, s30;
	[tilespmem:s26+$0xFFFFFE10] =	vst v1  }
0xb9: {  	[tilespmem:s26+$0xFFFFFE00] =	vst v0;
	s30 =	sadd.s32 s2, s25;
	s31 =	sadd.s32 $0xFFFFFFFC, s28  }
0xba: {  	[hbm4b:s30+s3] =	stream.linear.scatter [tilespmem:s10], [sflag:$0x5], $0x4000, $0x38;
	[tilespmem:$0x10800] =	vst v63  }
0xbb: {  	p1 =	sgt.u32 s31, $0x7B  }
0xbc: {  	s28 =	simm.s32 @!p1 $0x7  }
0xbd: {  	_ =	swait.ge @!p1 [sflag:s28], $0x4000  }
0xbe: {  	s26 =	sor.u32 $0x800, s25;
	[sflag:s28] =	ssyncset.done @!p1 $0x0  }
0xbf: {  	s29 =	sadd.s32 s26, s7;
	[sflag:s28] =	ssyncadd.s32 @!p1 $0xFFFFC000;
	s28 =	simm.s32 $0x0  }
0xc0: {  	[tilespmem:s13], [sflag:$0x3] =	stream.linear.gather [hbm4b:s29+s28], $0x4000, $0x38;
	[tilespmem:$0x10800] =	vst v63  }
0xc1: {  	_ =	swait.ge [sflag:s14], $0x4000  }
0xc2: {  	[sflag:s14] =	ssyncset.done $0x0  }
0xc3: {  	s29 =	simm.s32 $0x40;
	[sflag:s14] =	ssyncadd.s32 $0xFFFFC000  }
.LBB2_5:
0xc4: {  	v7 =	vld [tilespmem:s29+$0xFFFFFFC0]  }
0xc5: {  	v6 =	vld [tilespmem:s29+$0xFFFFFFD0]  }
0xc6: {  	v5 =	vld [tilespmem:s29+$0xFFFFFFE0]  }
0xc7: {  	v4 =	vld [tilespmem:s29+$0xFFFFFFF0]  }
0xc8: {  	v3 =	vld [tilespmem:s29+$0x0]  }
0xc9: {  	v2 =	vld [tilespmem:s29+$0x10]  }
0xca: {  	v1 =	vld [tilespmem:s29+$0x20]  }
0xcb: {  	v0 =	vld [tilespmem:s29+$0x30];
	s30 =	sshra.s32 s28, $0x2  }
0xcc: {  	v8 =	vld [tilespmem:s30+$0x4800]  }
0xcd: {  	v9 =	vld [tilespmem:s30+$0x4810]  }
0xce: {  	v10 =	vld [tilespmem:s30+$0x4820]  }
0xcf: {  	v11 =	vld [tilespmem:s30+$0x4830]  }
0xd0: {  	v12 =	vld [tilespmem:s30+$0x4840]  }
0xd1: {  	v13 =	vld [tilespmem:s30+$0x4850];
	v8 =	vmul.f32 v8, v7  }
0xd2: {  	v14 =	vld [tilespmem:s30+$0x4860];
	v9 =	vmul.f32 v9, v6  }
0xd3: {  	v50 =	vld [tilespmem:s30+$0x4870];
	v49 =	vmul.f32 v10, v5;
	[tilespmem:s30+$0x4800] =	vst v8  }
0xd4: {  	v52 =	vld [tilespmem:s30+$0x4880];
	v51 =	vmul.f32 v11, v4;
	[tilespmem:s30+$0x4810] =	vst v9  }
0xd5: {  	v54 =	vld [tilespmem:s30+$0x4890];
	v53 =	vmul.f32 v12, v3;
	[tilespmem:s30+$0x4820] =	vst v49  }
0xd6: {  	v56 =	vld [tilespmem:s30+$0x48A0];
	v55 =	vmul.f32 v13, v2;
	[tilespmem:s30+$0x4830] =	vst v51  }
0xd7: {  	v58 =	vld [tilespmem:s30+$0x48B0];
	v57 =	vmul.f32 v14, v1;
	[tilespmem:s30+$0x4840] =	vst v53  }
0xd8: {  	v60 =	vld [tilespmem:s30+$0x48C0];
	v59 =	vmul.f32 v50, v0;
	[tilespmem:s30+$0x4850] =	vst v55  }
0xd9: {  	v62 =	vld [tilespmem:s30+$0x48D0];
	v61 =	vmul.f32 v52, v7;
	[tilespmem:s30+$0x4860] =	vst v57  }
0xda: {  	v16 =	vld [tilespmem:s30+$0x48E0];
	v63 =	vmul.f32 v54, v6;
	[tilespmem:s30+$0x4870] =	vst v59  }
0xdb: {  	v18 =	vld [tilespmem:s30+$0x48F0];
	v17 =	vmul.f32 v56, v5;
	[tilespmem:s30+$0x4880] =	vst v61  }
0xdc: {  	v20 =	vld [tilespmem:s30+$0x4900];
	v19 =	vmul.f32 v58, v4;
	[tilespmem:s30+$0x4890] =	vst v63  }
0xdd: {  	v22 =	vld [tilespmem:s30+$0x4910];
	v21 =	vmul.f32 v60, v3;
	[tilespmem:s30+$0x48A0] =	vst v17  }
0xde: {  	v24 =	vld [tilespmem:s30+$0x4920];
	v23 =	vmul.f32 v62, v2;
	[tilespmem:s30+$0x48B0] =	vst v19  }
0xdf: {  	v26 =	vld [tilespmem:s30+$0x4930];
	v25 =	vmul.f32 v16, v1;
	[tilespmem:s30+$0x48C0] =	vst v21  }
0xe0: {  	v28 =	vld [tilespmem:s30+$0x4940];
	v27 =	vmul.f32 v18, v0;
	[tilespmem:s30+$0x48D0] =	vst v23  }
0xe1: {  	v30 =	vld [tilespmem:s30+$0x4950];
	v29 =	vmul.f32 v20, v7;
	[tilespmem:s30+$0x48E0] =	vst v25  }
0xe2: {  	v32 =	vld [tilespmem:s30+$0x4960];
	v31 =	vmul.f32 v22, v6;
	[tilespmem:s30+$0x48F0] =	vst v27  }
0xe3: {  	v34 =	vld [tilespmem:s30+$0x4970];
	v33 =	vmul.f32 v24, v5;
	[tilespmem:s30+$0x4900] =	vst v29  }
0xe4: {  	v36 =	vld [tilespmem:s30+$0x4980];
	v35 =	vmul.f32 v26, v4;
	[tilespmem:s30+$0x4910] =	vst v31  }
0xe5: {  	v38 =	vld [tilespmem:s30+$0x4990];
	v37 =	vmul.f32 v28, v3;
	[tilespmem:s30+$0x4920] =	vst v33  }
0xe6: {  	v40 =	vld [tilespmem:s30+$0x49A0];
	v39 =	vmul.f32 v30, v2;
	[tilespmem:s30+$0x4930] =	vst v35  }
0xe7: {  	v42 =	vld [tilespmem:s30+$0x49B0];
	v41 =	vmul.f32 v32, v1;
	[tilespmem:s30+$0x4940] =	vst v37  }
0xe8: {  	v44 =	vld [tilespmem:s30+$0x49C0];
	v43 =	vmul.f32 v34, v0;
	[tilespmem:s30+$0x4950] =	vst v39  }
0xe9: {  	v46 =	vld [tilespmem:s30+$0x49D0];
	v45 =	vmul.f32 v36, v7;
	[tilespmem:s30+$0x4960] =	vst v41  }
0xea: {  	v48 =	vld [tilespmem:s30+$0x49E0];
	v47 =	vmul.f32 v38, v6;
	[tilespmem:s30+$0x4970] =	vst v43  }
0xeb: {  	v50 =	vld [tilespmem:s30+$0x49F0];
	[tilespmem:s30+$0x4980] =	vst v45;
	v49 =	vmul.f32 v40, v5  }
0xec: {  	v52 =	vld [tilespmem:s30+$0x4A00];
	[tilespmem:s30+$0x4990] =	vst v47;
	v51 =	vmul.f32 v42, v4  }
0xed: {  	v54 =	vld [tilespmem:s30+$0x4A10];
	v53 =	vmul.f32 v44, v3;
	[tilespmem:s30+$0x49A0] =	vst v49  }
0xee: {  	v56 =	vld [tilespmem:s30+$0x4A20];
	v55 =	vmul.f32 v46, v2;
	[tilespmem:s30+$0x49B0] =	vst v51  }
0xef: {  	v58 =	vld [tilespmem:s30+$0x4A30];
	v57 =	vmul.f32 v48, v1;
	[tilespmem:s30+$0x49C0] =	vst v53  }
0xf0: {  	v60 =	vld [tilespmem:s30+$0x4A40];
	[tilespmem:s30+$0x49D0] =	vst v55;
	v59 =	vmul.f32 v50, v0  }
0xf1: {  	v62 =	vld [tilespmem:s30+$0x4A50];
	[tilespmem:s30+$0x49E0] =	vst v57;
	v61 =	vmul.f32 v52, v7  }
0xf2: {  	v16 =	vld [tilespmem:s30+$0x4A60];
	v63 =	vmul.f32 v54, v6;
	[tilespmem:s30+$0x49F0] =	vst v59  }
0xf3: {  	v18 =	vld [tilespmem:s30+$0x4A70];
	v17 =	vmul.f32 v56, v5;
	[tilespmem:s30+$0x4A00] =	vst v61  }
0xf4: {  	v20 =	vld [tilespmem:s30+$0x4A80];
	v19 =	vmul.f32 v58, v4;
	[tilespmem:s30+$0x4A10] =	vst v63  }
0xf5: {  	v22 =	vld [tilespmem:s30+$0x4A90];
	v21 =	vmul.f32 v60, v3;
	[tilespmem:s30+$0x4A20] =	vst v17  }
0xf6: {  	v24 =	vld [tilespmem:s30+$0x4AA0];
	v23 =	vmul.f32 v62, v2;
	[tilespmem:s30+$0x4A30] =	vst v19  }
0xf7: {  	v26 =	vld [tilespmem:s30+$0x4AB0];
	v25 =	vmul.f32 v16, v1;
	[tilespmem:s30+$0x4A40] =	vst v21  }
0xf8: {  	v28 =	vld [tilespmem:s30+$0x4AC0];
	v27 =	vmul.f32 v18, v0;
	[tilespmem:s30+$0x4A50] =	vst v23  }
0xf9: {  	v30 =	vld [tilespmem:s30+$0x4AD0];
	v29 =	vmul.f32 v20, v7;
	[tilespmem:s30+$0x4A60] =	vst v25  }
0xfa: {  	v32 =	vld [tilespmem:s30+$0x4AE0];
	v31 =	vmul.f32 v22, v6;
	[tilespmem:s30+$0x4A70] =	vst v27  }
0xfb: {  	v34 =	vld [tilespmem:s30+$0x4AF0];
	v33 =	vmul.f32 v24, v5;
	[tilespmem:s30+$0x4A80] =	vst v29  }
0xfc: {  	v36 =	vld [tilespmem:s30+$0x4B00];
	v35 =	vmul.f32 v26, v4;
	[tilespmem:s30+$0x4A90] =	vst v31  }
0xfd: {  	v38 =	vld [tilespmem:s30+$0x4B10];
	v37 =	vmul.f32 v28, v3;
	[tilespmem:s30+$0x4AA0] =	vst v33  }
0xfe: {  	v40 =	vld [tilespmem:s30+$0x4B20];
	v39 =	vmul.f32 v30, v2;
	[tilespmem:s30+$0x4AB0] =	vst v35  }
0xff: {  	v42 =	vld [tilespmem:s30+$0x4B30];
	v41 =	vmul.f32 v32, v1;
	[tilespmem:s30+$0x4AC0] =	vst v37  }
0x100: {  	v44 =	vld [tilespmem:s30+$0x4B40];
	v43 =	vmul.f32 v34, v0;
	[tilespmem:s30+$0x4AD0] =	vst v39  }
0x101: {  	v46 =	vld [tilespmem:s30+$0x4B50];
	v45 =	vmul.f32 v36, v7;
	[tilespmem:s30+$0x4AE0] =	vst v41  }
0x102: {  	v48 =	vld [tilespmem:s30+$0x4B60];
	v47 =	vmul.f32 v38, v6;
	[tilespmem:s30+$0x4AF0] =	vst v43  }
0x103: {  	v50 =	vld [tilespmem:s30+$0x4B70];
	[tilespmem:s30+$0x4B00] =	vst v45;
	v49 =	vmul.f32 v40, v5  }
0x104: {  	v52 =	vld [tilespmem:s30+$0x4B80];
	[tilespmem:s30+$0x4B10] =	vst v47;
	v51 =	vmul.f32 v42, v4  }
0x105: {  	v54 =	vld [tilespmem:s30+$0x4B90];
	v53 =	vmul.f32 v44, v3;
	[tilespmem:s30+$0x4B20] =	vst v49  }
0x106: {  	v56 =	vld [tilespmem:s30+$0x4BA0];
	v55 =	vmul.f32 v46, v2;
	[tilespmem:s30+$0x4B30] =	vst v51  }
0x107: {  	v58 =	vld [tilespmem:s30+$0x4BB0];
	v57 =	vmul.f32 v48, v1;
	[tilespmem:s30+$0x4B40] =	vst v53  }
0x108: {  	v60 =	vld [tilespmem:s30+$0x4BC0];
	[tilespmem:s30+$0x4B50] =	vst v55;
	v59 =	vmul.f32 v50, v0  }
0x109: {  	v62 =	vld [tilespmem:s30+$0x4BE0];
	[tilespmem:s30+$0x4B60] =	vst v57;
	v7 =	vmul.f32 v52, v7  }
0x10a: {  	v61 =	vld [tilespmem:s30+$0x4BD0];
	v6 =	vmul.f32 v54, v6;
	[tilespmem:s30+$0x4B70] =	vst v59  }
0x10b: {  	v63 =	vld [tilespmem:s30+$0x4BF0];
	v5 =	vmul.f32 v56, v5;
	[tilespmem:s30+$0x4B80] =	vst v7  }
0x10c: {  	v4 =	vmul.f32 v58, v4;
	[tilespmem:s30+$0x4B90] =	vst v6  }
0x10d: {  	p1 =	sne.s32 s28, $0xF000;
	v3 =	vmul.f32 v60, v3;
	[tilespmem:s30+$0x4BA0] =	vst v5  }
.Ltmp1:
0x10e: {  	v1 =	vmul.f32 v62, v1;
	[tilespmem:s30+$0x4BB0] =	vst v4;
	(pc) =	sbr.rel @p1 .LBB2_5-.Ltmp1, $4  }
0x10f: {  	v2 =	vmul.f32 v61, v2;
	[tilespmem:s30+$0x4BC0] =	vst v3  }
0x110: {  	v0 =	vmul.f32 v63, v0;
	[tilespmem:s30+$0x4BE0] =	vst v1  }
0x111: {  	[tilespmem:s30+$0x4BD0] =	vst v2  }
0x112: {  	s29 =	sadd.s32 $0x80, s29;
	s28 =	sadd.s32 $0x1000, s28;
	[tilespmem:s30+$0x4BF0] =	vst v0  }
0x113: {  	s26 =	sadd.s32 s2, s26  }
0x114: {  	[hbm4b:s26+s3] =	stream.linear.scatter [tilespmem:s11], [sflag:$0x6], $0x4000, $0x38;
	[tilespmem:$0x10800] =	vst v63  }
0x115: {  	s26 =	simm.s32 @!p0 $0x8  }
0x116: {  	_ =	swait.ge @!p0 [sflag:s26], $0x4000  }
0x117: {  	s25 =	sor.u32 $0x1000, s25;
	[sflag:s26] =	ssyncset.done @!p0 $0x0  }
0x118: {  	s28 =	sadd.s32 s25, s7;
	[sflag:s26] =	ssyncadd.s32 @!p0 $0xFFFFC000;
	s26 =	simm.s32 $0x0  }
0x119: {  	[tilespmem:s15], [sflag:$0x4] =	stream.linear.gather [hbm4b:s28+s26], $0x4000, $0x38;
	[tilespmem:$0x10800] =	vst v63  }
0x11a: {  	_ =	swait.ge [sflag:s16], $0x4000  }
0x11b: {  	[sflag:s16] =	ssyncset.done $0x0  }
0x11c: {  	s28 =	simm.s32 $0x40;
	[sflag:s16] =	ssyncadd.s32 $0xFFFFC000  }
.LBB2_7:
0x11d: {  	v7 =	vld [tilespmem:s28+$0xFFFFFFC0]  }
0x11e: {  	v6 =	vld [tilespmem:s28+$0xFFFFFFD0]  }
0x11f: {  	v5 =	vld [tilespmem:s28+$0xFFFFFFE0]  }
0x120: {  	v4 =	vld [tilespmem:s28+$0xFFFFFFF0]  }
0x121: {  	v3 =	vld [tilespmem:s28+$0x0]  }
0x122: {  	v2 =	vld [tilespmem:s28+$0x10]  }
0x123: {  	v1 =	vld [tilespmem:s28+$0x20]  }
0x124: {  	v0 =	vld [tilespmem:s28+$0x30];
	s29 =	sshra.s32 s26, $0x2  }
0x125: {  	v8 =	vld [tilespmem:s29+$0x8800]  }
0x126: {  	v9 =	vld [tilespmem:s29+$0x8810]  }
0x127: {  	v10 =	vld [tilespmem:s29+$0x8820]  }
0x128: {  	v11 =	vld [tilespmem:s29+$0x8830]  }
0x129: {  	v12 =	vld [tilespmem:s29+$0x8840]  }
0x12a: {  	v13 =	vld [tilespmem:s29+$0x8850];
	v8 =	vmul.f32 v8, v7  }
0x12b: {  	v14 =	vld [tilespmem:s29+$0x8860];
	v9 =	vmul.f32 v9, v6  }
0x12c: {  	v50 =	vld [tilespmem:s29+$0x8870];
	v49 =	vmul.f32 v10, v5;
	[tilespmem:s29+$0x8800] =	vst v8  }
0x12d: {  	v52 =	vld [tilespmem:s29+$0x8880];
	v51 =	vmul.f32 v11, v4;
	[tilespmem:s29+$0x8810] =	vst v9  }
0x12e: {  	v54 =	vld [tilespmem:s29+$0x8890];
	v53 =	vmul.f32 v12, v3;
	[tilespmem:s29+$0x8820] =	vst v49  }
0x12f: {  	v56 =	vld [tilespmem:s29+$0x88A0];
	v55 =	vmul.f32 v13, v2;
	[tilespmem:s29+$0x8830] =	vst v51  }
0x130: {  	v58 =	vld [tilespmem:s29+$0x88B0];
	v57 =	vmul.f32 v14, v1;
	[tilespmem:s29+$0x8840] =	vst v53  }
0x131: {  	v60 =	vld [tilespmem:s29+$0x88C0];
	v59 =	vmul.f32 v50, v0;
	[tilespmem:s29+$0x8850] =	vst v55  }
0x132: {  	v62 =	vld [tilespmem:s29+$0x88D0];
	v61 =	vmul.f32 v52, v7;
	[tilespmem:s29+$0x8860] =	vst v57  }
0x133: {  	v16 =	vld [tilespmem:s29+$0x88E0];
	v63 =	vmul.f32 v54, v6;
	[tilespmem:s29+$0x8870] =	vst v59  }
0x134: {  	v18 =	vld [tilespmem:s29+$0x88F0];
	v17 =	vmul.f32 v56, v5;
	[tilespmem:s29+$0x8880] =	vst v61  }
0x135: {  	v20 =	vld [tilespmem:s29+$0x8900];
	v19 =	vmul.f32 v58, v4;
	[tilespmem:s29+$0x8890] =	vst v63  }
0x136: {  	v22 =	vld [tilespmem:s29+$0x8910];
	v21 =	vmul.f32 v60, v3;
	[tilespmem:s29+$0x88A0] =	vst v17  }
0x137: {  	v24 =	vld [tilespmem:s29+$0x8920];
	v23 =	vmul.f32 v62, v2;
	[tilespmem:s29+$0x88B0] =	vst v19  }
0x138: {  	v26 =	vld [tilespmem:s29+$0x8930];
	v25 =	vmul.f32 v16, v1;
	[tilespmem:s29+$0x88C0] =	vst v21  }
0x139: {  	v28 =	vld [tilespmem:s29+$0x8940];
	v27 =	vmul.f32 v18, v0;
	[tilespmem:s29+$0x88D0] =	vst v23  }
0x13a: {  	v30 =	vld [tilespmem:s29+$0x8950];
	v29 =	vmul.f32 v20, v7;
	[tilespmem:s29+$0x88E0] =	vst v25  }
0x13b: {  	v32 =	vld [tilespmem:s29+$0x8960];
	v31 =	vmul.f32 v22, v6;
	[tilespmem:s29+$0x88F0] =	vst v27  }
0x13c: {  	v34 =	vld [tilespmem:s29+$0x8970];
	v33 =	vmul.f32 v24, v5;
	[tilespmem:s29+$0x8900] =	vst v29  }
0x13d: {  	v36 =	vld [tilespmem:s29+$0x8980];
	v35 =	vmul.f32 v26, v4;
	[tilespmem:s29+$0x8910] =	vst v31  }
0x13e: {  	v38 =	vld [tilespmem:s29+$0x8990];
	v37 =	vmul.f32 v28, v3;
	[tilespmem:s29+$0x8920] =	vst v33  }
0x13f: {  	v40 =	vld [tilespmem:s29+$0x89A0];
	v39 =	vmul.f32 v30, v2;
	[tilespmem:s29+$0x8930] =	vst v35  }
0x140: {  	v42 =	vld [tilespmem:s29+$0x89B0];
	v41 =	vmul.f32 v32, v1;
	[tilespmem:s29+$0x8940] =	vst v37  }
0x141: {  	v44 =	vld [tilespmem:s29+$0x89C0];
	v43 =	vmul.f32 v34, v0;
	[tilespmem:s29+$0x8950] =	vst v39  }
0x142: {  	v46 =	vld [tilespmem:s29+$0x89D0];
	v45 =	vmul.f32 v36, v7;
	[tilespmem:s29+$0x8960] =	vst v41  }
0x143: {  	v48 =	vld [tilespmem:s29+$0x89E0];
	v47 =	vmul.f32 v38, v6;
	[tilespmem:s29+$0x8970] =	vst v43  }
0x144: {  	v50 =	vld [tilespmem:s29+$0x89F0];
	[tilespmem:s29+$0x8980] =	vst v45;
	v49 =	vmul.f32 v40, v5  }
0x145: {  	v52 =	vld [tilespmem:s29+$0x8A00];
	[tilespmem:s29+$0x8990] =	vst v47;
	v51 =	vmul.f32 v42, v4  }
0x146: {  	v54 =	vld [tilespmem:s29+$0x8A10];
	v53 =	vmul.f32 v44, v3;
	[tilespmem:s29+$0x89A0] =	vst v49  }
0x147: {  	v56 =	vld [tilespmem:s29+$0x8A20];
	v55 =	vmul.f32 v46, v2;
	[tilespmem:s29+$0x89B0] =	vst v51  }
0x148: {  	v58 =	vld [tilespmem:s29+$0x8A30];
	v57 =	vmul.f32 v48, v1;
	[tilespmem:s29+$0x89C0] =	vst v53  }
0x149: {  	v60 =	vld [tilespmem:s29+$0x8A40];
	[tilespmem:s29+$0x89D0] =	vst v55;
	v59 =	vmul.f32 v50, v0  }
0x14a: {  	v62 =	vld [tilespmem:s29+$0x8A50];
	[tilespmem:s29+$0x89E0] =	vst v57;
	v61 =	vmul.f32 v52, v7  }
0x14b: {  	v16 =	vld [tilespmem:s29+$0x8A60];
	v63 =	vmul.f32 v54, v6;
	[tilespmem:s29+$0x89F0] =	vst v59  }
0x14c: {  	v18 =	vld [tilespmem:s29+$0x8A70];
	v17 =	vmul.f32 v56, v5;
	[tilespmem:s29+$0x8A00] =	vst v61  }
0x14d: {  	v20 =	vld [tilespmem:s29+$0x8A80];
	v19 =	vmul.f32 v58, v4;
	[tilespmem:s29+$0x8A10] =	vst v63  }
0x14e: {  	v22 =	vld [tilespmem:s29+$0x8A90];
	v21 =	vmul.f32 v60, v3;
	[tilespmem:s29+$0x8A20] =	vst v17  }
0x14f: {  	v24 =	vld [tilespmem:s29+$0x8AA0];
	v23 =	vmul.f32 v62, v2;
	[tilespmem:s29+$0x8A30] =	vst v19  }
0x150: {  	v26 =	vld [tilespmem:s29+$0x8AB0];
	v25 =	vmul.f32 v16, v1;
	[tilespmem:s29+$0x8A40] =	vst v21  }
0x151: {  	v28 =	vld [tilespmem:s29+$0x8AC0];
	v27 =	vmul.f32 v18, v0;
	[tilespmem:s29+$0x8A50] =	vst v23  }
0x152: {  	v30 =	vld [tilespmem:s29+$0x8AD0];
	v29 =	vmul.f32 v20, v7;
	[tilespmem:s29+$0x8A60] =	vst v25  }
0x153: {  	v32 =	vld [tilespmem:s29+$0x8AE0];
	v31 =	vmul.f32 v22, v6;
	[tilespmem:s29+$0x8A70] =	vst v27  }
0x154: {  	v34 =	vld [tilespmem:s29+$0x8AF0];
	v33 =	vmul.f32 v24, v5;
	[tilespmem:s29+$0x8A80] =	vst v29  }
0x155: {  	v36 =	vld [tilespmem:s29+$0x8B00];
	v35 =	vmul.f32 v26, v4;
	[tilespmem:s29+$0x8A90] =	vst v31  }
0x156: {  	v38 =	vld [tilespmem:s29+$0x8B10];
	v37 =	vmul.f32 v28, v3;
	[tilespmem:s29+$0x8AA0] =	vst v33  }
0x157: {  	v40 =	vld [tilespmem:s29+$0x8B20];
	v39 =	vmul.f32 v30, v2;
	[tilespmem:s29+$0x8AB0] =	vst v35  }
0x158: {  	v42 =	vld [tilespmem:s29+$0x8B30];
	v41 =	vmul.f32 v32, v1;
	[tilespmem:s29+$0x8AC0] =	vst v37  }
0x159: {  	v44 =	vld [tilespmem:s29+$0x8B40];
	v43 =	vmul.f32 v34, v0;
	[tilespmem:s29+$0x8AD0] =	vst v39  }
0x15a: {  	v46 =	vld [tilespmem:s29+$0x8B50];
	v45 =	vmul.f32 v36, v7;
	[tilespmem:s29+$0x8AE0] =	vst v41  }
0x15b: {  	v48 =	vld [tilespmem:s29+$0x8B60];
	v47 =	vmul.f32 v38, v6;
	[tilespmem:s29+$0x8AF0] =	vst v43  }
0x15c: {  	v50 =	vld [tilespmem:s29+$0x8B70];
	[tilespmem:s29+$0x8B00] =	vst v45;
	v49 =	vmul.f32 v40, v5  }
0x15d: {  	v52 =	vld [tilespmem:s29+$0x8B80];
	[tilespmem:s29+$0x8B10] =	vst v47;
	v51 =	vmul.f32 v42, v4  }
0x15e: {  	v54 =	vld [tilespmem:s29+$0x8B90];
	v53 =	vmul.f32 v44, v3;
	[tilespmem:s29+$0x8B20] =	vst v49  }
0x15f: {  	v56 =	vld [tilespmem:s29+$0x8BA0];
	v55 =	vmul.f32 v46, v2;
	[tilespmem:s29+$0x8B30] =	vst v51  }
0x160: {  	v58 =	vld [tilespmem:s29+$0x8BB0];
	v57 =	vmul.f32 v48, v1;
	[tilespmem:s29+$0x8B40] =	vst v53  }
0x161: {  	v60 =	vld [tilespmem:s29+$0x8BC0];
	[tilespmem:s29+$0x8B50] =	vst v55;
	v59 =	vmul.f32 v50, v0  }
0x162: {  	v62 =	vld [tilespmem:s29+$0x8BE0];
	[tilespmem:s29+$0x8B60] =	vst v57;
	v7 =	vmul.f32 v52, v7  }
0x163: {  	v61 =	vld [tilespmem:s29+$0x8BD0];
	v6 =	vmul.f32 v54, v6;
	[tilespmem:s29+$0x8B70] =	vst v59  }
0x164: {  	v63 =	vld [tilespmem:s29+$0x8BF0];
	v5 =	vmul.f32 v56, v5;
	[tilespmem:s29+$0x8B80] =	vst v7  }
0x165: {  	v4 =	vmul.f32 v58, v4;
	[tilespmem:s29+$0x8B90] =	vst v6  }
0x166: {  	p0 =	sne.s32 s26, $0xF000;
	v3 =	vmul.f32 v60, v3;
	[tilespmem:s29+$0x8BA0] =	vst v5  }
.Ltmp2:
0x167: {  	v1 =	vmul.f32 v62, v1;
	[tilespmem:s29+$0x8BB0] =	vst v4;
	(pc) =	sbr.rel @p0 .LBB2_7-.Ltmp2, $4  }
0x168: {  	v2 =	vmul.f32 v61, v2;
	[tilespmem:s29+$0x8BC0] =	vst v3  }
0x169: {  	v0 =	vmul.f32 v63, v0;
	[tilespmem:s29+$0x8BE0] =	vst v1  }
0x16a: {  	[tilespmem:s29+$0x8BD0] =	vst v2  }
0x16b: {  	s28 =	sadd.s32 $0x80, s28;
	s26 =	sadd.s32 $0x1000, s26;
	[tilespmem:s29+$0x8BF0] =	vst v0  }
0x16c: {  	s25 =	sadd.s32 s2, s25;
	p0 =	seq.s32 s23, $0x1F  }
0x16d: {  	[hbm4b:s25+s3] =	stream.linear.scatter [tilespmem:s13], [sflag:$0x7], $0x4000, $0x38;
	[tilespmem:$0x10800] =	vst v63  }
0x16e: {  	s25 =	simm.s32 @!p0 $0x5  }
0x16f: {  	_ =	swait.ge @!p0 [sflag:s25], $0x4000  }
0x170: {  	s24 =	sor.u32 $0x18, s24;
	[sflag:s25] =	ssyncset.done @!p0 $0x0  }
0x171: {  	[sflag:s25] =	ssyncadd.s32 @!p0 $0xFFFFC000;
	s25 =	sshll.u32 @!p0 s24, $0x8  }
0x172: {  	s26 =	simm.s32 @!p0 $0x0;
	s28 =	simm.s32 @!p0 $0x800;
	s25 =	sadd.s32 @!p0 s25, s7  }
0x173: {  	[tilespmem:s28], [sflag:$0x1] =	stream.linear.gather @!p0 [hbm4b:s25+s26], $0x4000, $0x38;
	[tilespmem:$0x10800] =	vst v63  }
0x174: {  	_ =	swait.ge [sflag:s17], $0x4000  }
0x175: {  	[sflag:s17] =	ssyncset.done $0x0  }
0x176: {  	s25 =	simm.s32 $0x0;
	s26 =	simm.s32 $0x40;
	[sflag:s17] =	ssyncadd.s32 $0xFFFFC000  }
.LBB2_9:
0x177: {  	v7 =	vld [tilespmem:s26+$0xFFFFFFC0]  }
0x178: {  	v6 =	vld [tilespmem:s26+$0xFFFFFFD0]  }
0x179: {  	v5 =	vld [tilespmem:s26+$0xFFFFFFE0]  }
0x17a: {  	v4 =	vld [tilespmem:s26+$0xFFFFFFF0]  }
0x17b: {  	v3 =	vld [tilespmem:s26+$0x0]  }
0x17c: {  	v2 =	vld [tilespmem:s26+$0x10]  }
0x17d: {  	v1 =	vld [tilespmem:s26+$0x20]  }
0x17e: {  	v0 =	vld [tilespmem:s26+$0x30];
	s28 =	sshra.s32 s25, $0x2  }
0x17f: {  	v8 =	vld [tilespmem:s28+$0xC800]  }
0x180: {  	v9 =	vld [tilespmem:s28+$0xC810]  }
0x181: {  	v10 =	vld [tilespmem:s28+$0xC820]  }
0x182: {  	v11 =	vld [tilespmem:s28+$0xC830]  }
0x183: {  	v12 =	vld [tilespmem:s28+$0xC840]  }
0x184: {  	v13 =	vld [tilespmem:s28+$0xC850];
	v8 =	vmul.f32 v8, v7  }
0x185: {  	v14 =	vld [tilespmem:s28+$0xC860];
	v9 =	vmul.f32 v9, v6  }
0x186: {  	v50 =	vld [tilespmem:s28+$0xC870];
	v49 =	vmul.f32 v10, v5;
	[tilespmem:s28+$0xC800] =	vst v8  }
0x187: {  	v52 =	vld [tilespmem:s28+$0xC880];
	v51 =	vmul.f32 v11, v4;
	[tilespmem:s28+$0xC810] =	vst v9  }
0x188: {  	v54 =	vld [tilespmem:s28+$0xC890];
	v53 =	vmul.f32 v12, v3;
	[tilespmem:s28+$0xC820] =	vst v49  }
0x189: {  	v56 =	vld [tilespmem:s28+$0xC8A0];
	v55 =	vmul.f32 v13, v2;
	[tilespmem:s28+$0xC830] =	vst v51  }
0x18a: {  	v58 =	vld [tilespmem:s28+$0xC8B0];
	v57 =	vmul.f32 v14, v1;
	[tilespmem:s28+$0xC840] =	vst v53  }
0x18b: {  	v60 =	vld [tilespmem:s28+$0xC8C0];
	v59 =	vmul.f32 v50, v0;
	[tilespmem:s28+$0xC850] =	vst v55  }
0x18c: {  	v62 =	vld [tilespmem:s28+$0xC8D0];
	v61 =	vmul.f32 v52, v7;
	[tilespmem:s28+$0xC860] =	vst v57  }
0x18d: {  	v16 =	vld [tilespmem:s28+$0xC8E0];
	v63 =	vmul.f32 v54, v6;
	[tilespmem:s28+$0xC870] =	vst v59  }
0x18e: {  	v18 =	vld [tilespmem:s28+$0xC8F0];
	v17 =	vmul.f32 v56, v5;
	[tilespmem:s28+$0xC880] =	vst v61  }
0x18f: {  	v20 =	vld [tilespmem:s28+$0xC900];
	v19 =	vmul.f32 v58, v4;
	[tilespmem:s28+$0xC890] =	vst v63  }
0x190: {  	v22 =	vld [tilespmem:s28+$0xC910];
	v21 =	vmul.f32 v60, v3;
	[tilespmem:s28+$0xC8A0] =	vst v17  }
0x191: {  	v24 =	vld [tilespmem:s28+$0xC920];
	v23 =	vmul.f32 v62, v2;
	[tilespmem:s28+$0xC8B0] =	vst v19  }
0x192: {  	v26 =	vld [tilespmem:s28+$0xC930];
	v25 =	vmul.f32 v16, v1;
	[tilespmem:s28+$0xC8C0] =	vst v21  }
0x193: {  	v28 =	vld [tilespmem:s28+$0xC940];
	v27 =	vmul.f32 v18, v0;
	[tilespmem:s28+$0xC8D0] =	vst v23  }
0x194: {  	v30 =	vld [tilespmem:s28+$0xC950];
	v29 =	vmul.f32 v20, v7;
	[tilespmem:s28+$0xC8E0] =	vst v25  }
0x195: {  	v32 =	vld [tilespmem:s28+$0xC960];
	v31 =	vmul.f32 v22, v6;
	[tilespmem:s28+$0xC8F0] =	vst v27  }
0x196: {  	v34 =	vld [tilespmem:s28+$0xC970];
	v33 =	vmul.f32 v24, v5;
	[tilespmem:s28+$0xC900] =	vst v29  }
0x197: {  	v36 =	vld [tilespmem:s28+$0xC980];
	v35 =	vmul.f32 v26, v4;
	[tilespmem:s28+$0xC910] =	vst v31  }
0x198: {  	v38 =	vld [tilespmem:s28+$0xC990];
	v37 =	vmul.f32 v28, v3;
	[tilespmem:s28+$0xC920] =	vst v33  }
0x199: {  	v40 =	vld [tilespmem:s28+$0xC9A0];
	v39 =	vmul.f32 v30, v2;
	[tilespmem:s28+$0xC930] =	vst v35  }
0x19a: {  	v42 =	vld [tilespmem:s28+$0xC9B0];
	v41 =	vmul.f32 v32, v1;
	[tilespmem:s28+$0xC940] =	vst v37  }
0x19b: {  	v44 =	vld [tilespmem:s28+$0xC9C0];
	v43 =	vmul.f32 v34, v0;
	[tilespmem:s28+$0xC950] =	vst v39  }
0x19c: {  	v46 =	vld [tilespmem:s28+$0xC9D0];
	v45 =	vmul.f32 v36, v7;
	[tilespmem:s28+$0xC960] =	vst v41  }
0x19d: {  	v48 =	vld [tilespmem:s28+$0xC9E0];
	v47 =	vmul.f32 v38, v6;
	[tilespmem:s28+$0xC970] =	vst v43  }
0x19e: {  	v50 =	vld [tilespmem:s28+$0xC9F0];
	[tilespmem:s28+$0xC980] =	vst v45;
	v49 =	vmul.f32 v40, v5  }
0x19f: {  	v52 =	vld [tilespmem:s28+$0xCA00];
	[tilespmem:s28+$0xC990] =	vst v47;
	v51 =	vmul.f32 v42, v4  }
0x1a0: {  	v54 =	vld [tilespmem:s28+$0xCA10];
	v53 =	vmul.f32 v44, v3;
	[tilespmem:s28+$0xC9A0] =	vst v49  }
0x1a1: {  	v56 =	vld [tilespmem:s28+$0xCA20];
	v55 =	vmul.f32 v46, v2;
	[tilespmem:s28+$0xC9B0] =	vst v51  }
0x1a2: {  	v58 =	vld [tilespmem:s28+$0xCA30];
	v57 =	vmul.f32 v48, v1;
	[tilespmem:s28+$0xC9C0] =	vst v53  }
0x1a3: {  	v60 =	vld [tilespmem:s28+$0xCA40];
	[tilespmem:s28+$0xC9D0] =	vst v55;
	v59 =	vmul.f32 v50, v0  }
0x1a4: {  	v62 =	vld [tilespmem:s28+$0xCA50];
	[tilespmem:s28+$0xC9E0] =	vst v57;
	v61 =	vmul.f32 v52, v7  }
0x1a5: {  	v16 =	vld [tilespmem:s28+$0xCA60];
	v63 =	vmul.f32 v54, v6;
	[tilespmem:s28+$0xC9F0] =	vst v59  }
0x1a6: {  	v18 =	vld [tilespmem:s28+$0xCA70];
	v17 =	vmul.f32 v56, v5;
	[tilespmem:s28+$0xCA00] =	vst v61  }
0x1a7: {  	v20 =	vld [tilespmem:s28+$0xCA80];
	v19 =	vmul.f32 v58, v4;
	[tilespmem:s28+$0xCA10] =	vst v63  }
0x1a8: {  	v22 =	vld [tilespmem:s28+$0xCA90];
	v21 =	vmul.f32 v60, v3;
	[tilespmem:s28+$0xCA20] =	vst v17  }
0x1a9: {  	v24 =	vld [tilespmem:s28+$0xCAA0];
	v23 =	vmul.f32 v62, v2;
	[tilespmem:s28+$0xCA30] =	vst v19  }
0x1aa: {  	v26 =	vld [tilespmem:s28+$0xCAB0];
	v25 =	vmul.f32 v16, v1;
	[tilespmem:s28+$0xCA40] =	vst v21  }
0x1ab: {  	v28 =	vld [tilespmem:s28+$0xCAC0];
	v27 =	vmul.f32 v18, v0;
	[tilespmem:s28+$0xCA50] =	vst v23  }
0x1ac: {  	v30 =	vld [tilespmem:s28+$0xCAD0];
	v29 =	vmul.f32 v20, v7;
	[tilespmem:s28+$0xCA60] =	vst v25  }
0x1ad: {  	v32 =	vld [tilespmem:s28+$0xCAE0];
	v31 =	vmul.f32 v22, v6;
	[tilespmem:s28+$0xCA70] =	vst v27  }
0x1ae: {  	v34 =	vld [tilespmem:s28+$0xCAF0];
	v33 =	vmul.f32 v24, v5;
	[tilespmem:s28+$0xCA80] =	vst v29  }
0x1af: {  	v36 =	vld [tilespmem:s28+$0xCB00];
	v35 =	vmul.f32 v26, v4;
	[tilespmem:s28+$0xCA90] =	vst v31  }
0x1b0: {  	v38 =	vld [tilespmem:s28+$0xCB10];
	v37 =	vmul.f32 v28, v3;
	[tilespmem:s28+$0xCAA0] =	vst v33  }
0x1b1: {  	v40 =	vld [tilespmem:s28+$0xCB20];
	v39 =	vmul.f32 v30, v2;
	[tilespmem:s28+$0xCAB0] =	vst v35  }
0x1b2: {  	v42 =	vld [tilespmem:s28+$0xCB30];
	v41 =	vmul.f32 v32, v1;
	[tilespmem:s28+$0xCAC0] =	vst v37  }
0x1b3: {  	v44 =	vld [tilespmem:s28+$0xCB40];
	v43 =	vmul.f32 v34, v0;
	[tilespmem:s28+$0xCAD0] =	vst v39  }
0x1b4: {  	v46 =	vld [tilespmem:s28+$0xCB50];
	v45 =	vmul.f32 v36, v7;
	[tilespmem:s28+$0xCAE0] =	vst v41  }
0x1b5: {  	v48 =	vld [tilespmem:s28+$0xCB60];
	v47 =	vmul.f32 v38, v6;
	[tilespmem:s28+$0xCAF0] =	vst v43  }
0x1b6: {  	v50 =	vld [tilespmem:s28+$0xCB70];
	[tilespmem:s28+$0xCB00] =	vst v45;
	v49 =	vmul.f32 v40, v5  }
0x1b7: {  	v52 =	vld [tilespmem:s28+$0xCB80];
	[tilespmem:s28+$0xCB10] =	vst v47;
	v51 =	vmul.f32 v42, v4  }
0x1b8: {  	v54 =	vld [tilespmem:s28+$0xCB90];
	v53 =	vmul.f32 v44, v3;
	[tilespmem:s28+$0xCB20] =	vst v49  }
0x1b9: {  	v56 =	vld [tilespmem:s28+$0xCBA0];
	v55 =	vmul.f32 v46, v2;
	[tilespmem:s28+$0xCB30] =	vst v51  }
0x1ba: {  	v58 =	vld [tilespmem:s28+$0xCBB0];
	v57 =	vmul.f32 v48, v1;
	[tilespmem:s28+$0xCB40] =	vst v53  }
0x1bb: {  	v60 =	vld [tilespmem:s28+$0xCBC0];
	[tilespmem:s28+$0xCB50] =	vst v55;
	v59 =	vmul.f32 v50, v0  }
0x1bc: {  	v62 =	vld [tilespmem:s28+$0xCBE0];
	[tilespmem:s28+$0xCB60] =	vst v57;
	v7 =	vmul.f32 v52, v7  }
0x1bd: {  	v61 =	vld [tilespmem:s28+$0xCBD0];
	v6 =	vmul.f32 v54, v6;
	[tilespmem:s28+$0xCB70] =	vst v59  }
0x1be: {  	v63 =	vld [tilespmem:s28+$0xCBF0];
	v5 =	vmul.f32 v56, v5;
	[tilespmem:s28+$0xCB80] =	vst v7  }
0x1bf: {  	v4 =	vmul.f32 v58, v4;
	[tilespmem:s28+$0xCB90] =	vst v6  }
0x1c0: {  	p0 =	sne.s32 s25, $0xF000;
	v3 =	vmul.f32 v60, v3;
	[tilespmem:s28+$0xCBA0] =	vst v5  }
.Ltmp3:
0x1c1: {  	v1 =	vmul.f32 v62, v1;
	[tilespmem:s28+$0xCBB0] =	vst v4;
	(pc) =	sbr.rel @p0 .LBB2_9-.Ltmp3, $4  }
0x1c2: {  	v2 =	vmul.f32 v61, v2;
	[tilespmem:s28+$0xCBC0] =	vst v3  }
0x1c3: {  	v0 =	vmul.f32 v63, v0;
	[tilespmem:s28+$0xCBE0] =	vst v1  }
0x1c4: {  	[tilespmem:s28+$0xCBD0] =	vst v2  }
0x1c5: {  	s26 =	sadd.s32 $0x80, s26;
	s25 =	sadd.s32 $0x1000, s25;
	[tilespmem:s28+$0xCBF0] =	vst v0  }
0x1c6: {  	s23 =	sadd.s32 $0x1, s23  }
0x1c7: {  	p0 =	sne.s32 s23, $0x20  }
.Ltmp4:
0x1c8: {  	_ = 	snop;
	(pc) =	sbr.rel @p0 .LBB2_2-.Ltmp4, $4  }
0x1c9: {  	_ = 	snop  }
0x1ca: {  	s24 =	sshll.u32 s24, $0x8  }
0x1cb: {  	s24 =	sadd.s32 s2, s24  }
0x1cc: {  	[hbm4b:s24+s3] =	stream.linear.scatter [tilespmem:s15], [sflag:$0x8], $0x4000, $0x38;
	[tilespmem:$0x10800] =	vst v63  }
0x1cd: {  	_ =	swait.ge [sflag:s18], $0x4000  }
0x1ce: {  	[sflag:s18] =	ssyncset.done $0x0  }
0x1cf: {  	[sflag:s18] =	ssyncadd.s32 $0xFFFFC000  }
0x1d0: {  	_ =	swait.ge [sflag:s19], $0x4000  }
0x1d1: {  	[sflag:s19] =	ssyncset.done $0x0  }
0x1d2: {  	s22 =	sadd.s32 $0x1, s22;
	[sflag:s19] =	ssyncadd.s32 $0xFFFFC000  }
0x1d3: {  	p0 =	sne.s32 s22, s8;
	_ =	swait.ge [sflag:s20], $0x4000  }
.Ltmp5:
0x1d4: {  	[sflag:s20] =	ssyncset.done $0x0;
	(pc) =	sbr.rel @p0 .LBB2_1-.Ltmp5, $4  }
0x1d5: {  	[sflag:s20] =	ssyncadd.s32 $0xFFFFC000  }
0x1d6: {  	_ =	swait.ge [sflag:s21], $0x4000  }
0x1d7: {  	[sflag:s21] =	ssyncset.done $0x0  }
0x1d8: {  	[sflag:s21] =	ssyncadd.s32 $0xFFFFC000  }
0x1d9: {  	_ =	sfence.sel $0x180000  }
0x1da: {  	[bflag:$0x0] =	sbarrier.arrive $0xFFFF  }
0x1db: {  	p0 =	sne.s32 s1, $0x0;
	_ =	strace $0x90000047  }
0x1dc: {  	s0 =	sadd.s32 @!p0 $0x100000, s0;
	[bflag:$0x2] =	sbarrier.arrive $0xFFFF  }
0x1dd: {  	[sflag:s0] =	ssyncadd.tile.s32 @!p0 $0x1;
	_ =	shalt  }
.Lfunc_end2:
_tile_overlayer_lowered:
.L_overlay_start_2:
0x1de: {  	(tag) =	ssettag $0x2  }
0x1df: {  	s0 =	rddreg [dreg:$0x0];
	s2 =	stileid.u32  }
0x1e0: {  	s1 =	rddreg [dreg:$0x1];
	p0 =	sne.s32 s2, $0x0  }
0x1e1: {  	s3 =	rddreg [dreg:$0x2];
	[bflag:$0x3] =	sbarrier.arrive $0xFFFF;
	s2 =	simm.s32 @!p0 $0x1C09  }
0x1e2: {  	[timem:s3], [sflag:s2] =	dma.local @!p0 [hbm:s0], s1  }
0x1e3: {  	s0 =	simm.s32 @!p0 $0x9  }
0x1e4: {  	_ =	swait.ge @!p0 [sflag:s0], s1  }
0x1e5: {  	s1 =	ssub.s32 @!p0 $0x0, s1;
	[sflag:s0] =	ssyncset.done @!p0 $0x0  }
0x1e6: {  	[sflag:s0] =	ssyncadd.s32 @!p0 s1  }
0x1e7: {  	[bflag:$0x3] =	sbarrier.arrive $0xFFFF  }
0x1e8: {  	_ =	shalt  }

</sc_bundles>
